<compile_context>
chip_gen: v7x
topology: tpu7x:2x2x1
jax: 0.10.2.dev20260603
libtpu: 0.0.44.dev20260713+nightly
codegen_flags: <defaults>
</compile_context>

<pallas_src>
import functools

import jax
import jax.numpy as jnp
import numpy as np
from jax.experimental import pallas as pl
from jax.experimental.pallas import tpu as pltpu

_EPS_BN = 1e-5
_BN_S = 1.0 / np.sqrt(1.0 + _EPS_BN)
_B, _P, _S1, _S2 = 8, 2048, 410, 103



def _fps_kernel(px_ref, py_ref, pz_ref, px1_ref, py1_ref, pz1_ref,
                px2_ref, py2_ref, pz2_ref):
    px, py, pz = px_ref[...], py_ref[...], pz_ref[...]
    lane_p = jax.lax.broadcasted_iota(jnp.int32, (_B, _P), 1)
    lane_s1 = jax.lax.broadcasted_iota(jnp.int32, (_B, _S1), 1)

    def run_fps(ax_src, ay_src, az_src, n_pts, n_samp, lane_src, lane_dst):
        lx = ax_src[:, 0:1]
        ly = ay_src[:, 0:1]
        lz = az_src[:, 0:1]
        ox = jnp.where(lane_dst == 0, lx, 0.0)
        oy = jnp.where(lane_dst == 0, ly, 0.0)
        oz = jnp.where(lane_dst == 0, lz, 0.0)
        dists = jnp.full((_B, n_pts), 1e30, dtype=jnp.float32)

        def body(i, c):
            lx, ly, lz, dists, ox, oy, oz = c
            d = (ax_src - lx) ** 2 + (ay_src - ly) ** 2 + (az_src - lz) ** 2
            dists = jnp.minimum(dists, d)
            m = jnp.max(dists, axis=1, keepdims=True)
            sel = jnp.min(jnp.where(dists == m, lane_src, n_pts),
                          axis=1, keepdims=True)
            eq = lane_src == sel
            nlx = jnp.sum(jnp.where(eq, ax_src, 0.0), axis=1, keepdims=True)
            nly = jnp.sum(jnp.where(eq, ay_src, 0.0), axis=1, keepdims=True)
            nlz = jnp.sum(jnp.where(eq, az_src, 0.0), axis=1, keepdims=True)
            ox = jnp.where(lane_dst == i, nlx, ox)
            oy = jnp.where(lane_dst == i, nly, oy)
            oz = jnp.where(lane_dst == i, nlz, oz)
            return (nlx, nly, nlz, dists, ox, oy, oz)

        c = (lx, ly, lz, dists, ox, oy, oz)
        c = jax.lax.fori_loop(1, n_samp, body, c)
        return c[4], c[5], c[6]

    px1, py1, pz1 = run_fps(px, py, pz, _P, _S1, lane_p, lane_s1)
    px1_ref[...], py1_ref[...], pz1_ref[...] = px1, py1, pz1
    lane_s2 = jax.lax.broadcasted_iota(jnp.int32, (_B, _S2), 1)
    px2, py2, pz2 = run_fps(px1, py1, pz1, _S1, _S2, lane_s1, lane_s2)
    px2_ref[...], py2_ref[...], pz2_ref[...] = px2, py2, pz2


def _lane_cumsum(x, n):
    s = 1
    while s < n:
        shifted = jnp.concatenate(
            [jnp.zeros((x.shape[0], s), x.dtype), x[:, : n - s]], axis=1)
        x = x + shifted
        s *= 2
    return x


def _make_radius_conv_kernel(N, Q, QP, F, rr, dims, QB, K=64):
    n_layers = len(dims) - 1
    rr_bits = int(np.frombuffer(np.float32(rr).tobytes(), dtype=np.int32)[0])
    SENT = np.int32(2**31 - 1)

    def kern(*refs):
        px_r, py_r, pz_r, x_ref, qx_c, qy_c, qz_c = refs[:7]
        wrefs = refs[7:-1]
        out_ref = refs[-1]
        px = px_r[...].reshape(1, N)
        py = py_r[...].reshape(1, N)
        pz = pz_r[...].reshape(1, N)
        qx = qx_c[...].reshape(QP, 1)
        qy = qy_c[...].reshape(QP, 1)
        qz = qz_c[...].reshape(QP, 1)
        xs = x_ref[...].reshape(N, F)
        W1 = wrefs[0][...]
        b1 = wrefs[1][...]
        d2 = (qx - px) ** 2 + (qy - py) ** 2 + (qz - pz) ** 2
        key = jax.lax.bitcast_convert_type(d2, jnp.int32)
        within = key < rr_bits
        key = jnp.where(within, key, SENT)
        lo = jnp.zeros((QP, 1), jnp.int32)
        hi = jnp.full((QP, 1), rr_bits, jnp.int32)

        def bs_body(_, c):
            lo, hi = c
            mid = lo + (hi - lo) // 2
            cnt = jnp.sum((key <= mid).astype(jnp.int32), axis=1,
                          keepdims=True)
            ge = cnt >= K
            hi = jnp.where(ge, mid, hi)
            lo = jnp.where(ge, lo, mid + 1)
            return lo, hi

        lo, hi = jax.lax.fori_loop(0, 30, bs_body, (lo, hi))
        v64 = hi
        less = within & (key < v64)
        cnt_less = jnp.sum(less.astype(jnp.int32), axis=1, keepdims=True)
        tie = within & (key == v64)
        packed = (tie.astype(jnp.int32) << 16) | less.astype(jnp.int32)
        cs = _lane_cumsum(packed, N)
        excl_tie = (cs >> 16) - tie.astype(jnp.int32)
        excl_less = (cs & 0xFFFF) - less.astype(jnp.int32)
        need = K - cnt_less
        sel = less | (tie & (excl_tie < need))
        count = jnp.sum(sel.astype(jnp.int32), axis=1, keepdims=True)
        slot = excl_less + jnp.minimum(excl_tie, need)
        slot = jnp.where(sel, slot, -1)
        a = jnp.dot(xs, W1[:F, :], preferred_element_type=jnp.float32)
        a = a + px.reshape(N, 1) * W1[F, :].reshape(1, -1)
        a = a + py.reshape(N, 1) * W1[F + 1, :].reshape(1, -1)
        a = a + pz.reshape(N, 1) * W1[F + 2, :].reshape(1, -1)
        cq = b1 - (qx * W1[F, :].reshape(1, -1)
                   + qy * W1[F + 1, :].reshape(1, -1)
                   + qz * W1[F + 2, :].reshape(1, -1))
        s_iota = jax.lax.broadcasted_iota(jnp.int32, (1, K, 1), 1)
        gam = wrefs[2][...]
        bet = wrefs[3][...]
        for qb in range(QP // QB):
            sl = slot[qb * QB:(qb + 1) * QB, :]
            m3 = (sl[:, None, :] == s_iota).astype(jnp.float32)
            g = jax.lax.dot_general(
                m3, a, (((2,), (0,)), ((), ())),
                preferred_element_type=jnp.float32)
            h = g + cq[qb * QB:(qb + 1) * QB, None, :]
            h = jnp.maximum(h, 0.0) * (_BN_S * gam) + bet
            for li in range(1, n_layers):
                W = wrefs[4 * li][...]
                b = wrefs[4 * li + 1][...]
                gm = wrefs[4 * li + 2][...]
                bt = wrefs[4 * li + 3][...]
                h = jax.lax.dot_general(
                    h, W, (((2,), (0,)), ((), ())),
                    preferred_element_type=jnp.float32) + b
                h = jnp.maximum(h, 0.0) * (_BN_S * gm) + bt
            cb = count[qb * QB:(qb + 1) * QB, :]
            vmask = s_iota < cb[:, None, :]
            h = jnp.where(vmask, h, -1e30)
            h = jnp.max(h, axis=1)
            h = jnp.where(cb > 0, h, 0.0)
            out_ref[0, qb * QB:(qb + 1) * QB, :] = h

    return kern



def _make_sel_kernel(N, QP, F, rr, D1, K=64):
    rr_bits = int(np.frombuffer(np.float32(rr).tobytes(), dtype=np.int32)[0])

    def kern(px_r, py_r, pz_r, x_ref, qx_c, qy_c, qz_c, w1_ref, b1_ref,
             nbr_ref, cnt_ref, a_ref, cq_ref):
        pid = pl.program_id(0)
        px = px_r[...].reshape(1, N)
        py = py_r[...].reshape(1, N)
        pz = pz_r[...].reshape(1, N)
        qx = qx_c[...].reshape(QP, 1)
        qy = qy_c[...].reshape(QP, 1)
        qz = qz_c[...].reshape(QP, 1)
        xs = x_ref[...].reshape(N, F)
        W1 = w1_ref[...]
        b1 = b1_ref[...]
        d2 = (qx - px) ** 2 + (qy - py) ** 2 + (qz - pz) ** 2
        key = jax.lax.bitcast_convert_type(d2, jnp.int32)
        within = key < rr_bits
        key = jnp.where(within, key, np.int32(2**31 - 1))
        lo = jnp.zeros((QP, 1), jnp.int32)
        hi = jnp.full((QP, 1), rr_bits, jnp.int32)

        def bs_body(_, c):
            lo, hi = c
            mid = lo + (hi - lo) // 2
            cnt = jnp.sum((key <= mid).astype(jnp.int32), axis=1,
                          keepdims=True)
            ge = cnt >= K
            return jnp.where(ge, lo, mid + 1), jnp.where(ge, mid, hi)

        lo, hi = jax.lax.fori_loop(0, 30, bs_body, (lo, hi))
        v64 = hi
        less = within & (key < v64)
        cnt_less = jnp.sum(less.astype(jnp.int32), axis=1, keepdims=True)
        tie = within & (key == v64)
        packed = (tie.astype(jnp.int32) << 16) | less.astype(jnp.int32)
        cs = _lane_cumsum(packed, N)
        excl_tie = (cs >> 16) - tie.astype(jnp.int32)
        excl_less = (cs & 0xFFFF) - less.astype(jnp.int32)
        need = K - cnt_less
        sel = less | (tie & (excl_tie < need))
        count = jnp.sum(sel.astype(jnp.int32), axis=1, keepdims=True)
        slot = jnp.where(sel, excl_less + jnp.minimum(excl_tie, need), -1)
        s_iota = jax.lax.broadcasted_iota(jnp.int32, (1, K, 1), 1)
        lane3 = jax.lax.broadcasted_iota(jnp.int32, (1, 1, N), 2)
        QB = 16
        for qb in range(QP // QB):
            sl = slot[qb * QB:(qb + 1) * QB, :]
            m3 = sl[:, None, :] == s_iota
            nb = jnp.sum(jnp.where(m3, lane3, 0), axis=2) + pid * N
            nbr_ref[0, qb * QB:(qb + 1) * QB, :] = nb
        cnt_ref[...] = count.reshape(1, QP, 1)
        a = jnp.dot(xs, W1[:F, :], preferred_element_type=jnp.float32)
        a = a + px.reshape(N, 1) * W1[F, :].reshape(1, -1)
        a = a + py.reshape(N, 1) * W1[F + 1, :].reshape(1, -1)
        a = a + pz.reshape(N, 1) * W1[F + 2, :].reshape(1, -1)
        a_ref[...] = jnp.pad(a, ((0, 0), (0, 128 - D1))).reshape(1, N, 128)
        cq = b1 - (qx * W1[F, :].reshape(1, -1)
                   + qy * W1[F + 1, :].reshape(1, -1)
                   + qz * W1[F + 2, :].reshape(1, -1))
        cq_ref[...] = cq.reshape(1, QP, D1)

    return kern


def _sc_gather_rows(table, idx, D):
    from jax.experimental.pallas import tpu_sc as plsc
    Btot = idx.shape[0]
    NW = 32
    b_per_w = Btot // NW
    CH = 208
    NBUF = 4
    n_grp = b_per_w // (CH * NBUF)
    mesh = plsc.VectorSubcoreMesh(core_axis_name="c", subcore_axis_name="s")

    @functools.partial(
        pl.kernel, mesh=mesh,
        out_type=jax.ShapeDtypeStruct((Btot, D), jnp.float32),
        scratch_types=[
            pltpu.VMEM((b_per_w,), jnp.int32),
        ] + [pltpu.VMEM((CH, D), jnp.float32)] * NBUF
          + [pltpu.SemaphoreType.DMA] * NBUF,
    )
    def k(table_hbm, idx_hbm, out_hbm, idx_v, *bufsem):
        bufs = bufsem[:NBUF]
        sems = bufsem[NBUF:]
        wid = jax.lax.axis_index("s") * 2 + jax.lax.axis_index("c")
        base = wid * b_per_w
        pltpu.sync_copy(idx_hbm.at[pl.ds(base, b_per_w)], idx_v)
        for g in range(n_grp):
            waits = []
            for b in range(NBUF):
                c = g * NBUF + b
                waits.append(pltpu.async_copy(
                    table_hbm.at[idx_v.at[pl.ds(c * CH, CH)]],
                    bufs[b], sems[b]))
            for b in range(NBUF):
                c = g * NBUF + b
                waits[b].wait()
                pltpu.sync_copy(bufs[b], out_hbm.at[pl.ds(base + c * CH, CH)])

    return k(table, idx)


def _make_conv_mlp_kernel(QP, D1, dims, K=64):
    n_layers = len(dims) - 1

    def kern(*refs):
        g_ref, cq_ref, cnt_ref = refs[:3]
        wrefs = refs[3:-1]
        out_ref = refs[-1]
        g = g_ref[...].reshape(QP, K, 128)[:, :, :D1]
        cq = cq_ref[...].reshape(QP, D1)
        count = cnt_ref[...].reshape(QP, 1)
        h = g + cq[:, None, :]
        h = jnp.maximum(h, 0.0) * (_BN_S * wrefs[0][...]) + wrefs[1][...]
        for li in range(1, n_layers):
            W = wrefs[4 * li - 2][...]
            b = wrefs[4 * li - 1][...]
            gm = wrefs[4 * li][...]
            bt = wrefs[4 * li + 1][...]
            h = jax.lax.dot_general(
                h, W, (((2,), (0,)), ((), ())),
                preferred_element_type=jnp.float32) + b
            h = jnp.maximum(h, 0.0) * (_BN_S * gm) + bt
        s_iota = jax.lax.broadcasted_iota(jnp.int32, (1, K, 1), 1)
        vmask = s_iota < count[:, :, None]
        h = jnp.where(vmask, h, -1e30)
        h = jnp.max(h, axis=1)
        h = jnp.where(count > 0, h, 0.0)
        out_ref[...] = h.reshape(1, QP, dims[-1])

    return kern


def _radius_conv_sc(pb_feat, pb_pos, q_pos, layers, N, Q, rr):
    B = pb_feat.shape[0]
    F = pb_feat.shape[2]
    dims = [F + 3] + [l["W"].shape[1] for l in layers]
    D1 = dims[1]
    K = 64
    QP = -(-Q // 16) * 16
    qp = jnp.pad(q_pos, ((0, 0), (0, QP - Q), (0, 0)), constant_values=1e6)
    W1 = layers[0]["W"]
    b1 = layers[0]["b"].reshape(1, -1)
    sel_kern = _make_sel_kernel(N, QP, F, rr, D1)
    nbr, cnt, a_all, cq_all = pl.pallas_call(
        sel_kern,
        grid=(B,),
        in_specs=[
            pl.BlockSpec((1, 1, N), lambda i: (i, 0, 0)),
            pl.BlockSpec((1, 1, N), lambda i: (i, 0, 0)),
            pl.BlockSpec((1, 1, N), lambda i: (i, 0, 0)),
            pl.BlockSpec((1, N, F), lambda i: (i, 0, 0)),
            pl.BlockSpec((1, QP, 1), lambda i: (i, 0, 0)),
            pl.BlockSpec((1, QP, 1), lambda i: (i, 0, 0)),
            pl.BlockSpec((1, QP, 1), lambda i: (i, 0, 0)),
            pl.BlockSpec(W1.shape, lambda i: (0, 0)),
            pl.BlockSpec(b1.shape, lambda i: (0, 0)),
        ],
        out_specs=[
            pl.BlockSpec((1, QP, K), lambda i: (i, 0, 0)),
            pl.BlockSpec((1, QP, 1), lambda i: (i, 0, 0)),
            pl.BlockSpec((1, N, 128), lambda i: (i, 0, 0)),
            pl.BlockSpec((1, QP, D1), lambda i: (i, 0, 0)),
        ],
        out_shape=[
            jax.ShapeDtypeStruct((B, QP, K), jnp.int32),
            jax.ShapeDtypeStruct((B, QP, 1), jnp.int32),
            jax.ShapeDtypeStruct((B, N, 128), jnp.float32),
            jax.ShapeDtypeStruct((B, QP, D1), jnp.float32),
        ],
    )(pb_pos[:, None, :, 0], pb_pos[:, None, :, 1], pb_pos[:, None, :, 2],
      pb_feat, qp[..., 0:1], qp[..., 1:2], qp[..., 2:3], W1, b1)
    gathered = _sc_gather_rows(a_all.reshape(B * N, 128),
                               nbr.reshape(B * QP * K), 128)
    gathered = gathered.reshape(B, QP, K, 128)
    wlist = []
    for li, l in enumerate(layers):
        if li == 0:
            wlist += [l["gamma"].reshape(1, 1, -1), l["beta"].reshape(1, 1, -1)]
        else:
            wlist += [l["W"], l["b"].reshape(1, 1, -1),
                      l["gamma"].reshape(1, 1, -1), l["beta"].reshape(1, 1, -1)]
    conv_kern = _make_conv_mlp_kernel(QP, D1, dims)
    out = pl.pallas_call(
        conv_kern,
        grid=(B,),
        in_specs=[
            pl.BlockSpec((1, QP, K, 128), lambda i: (i, 0, 0, 0)),
            pl.BlockSpec((1, QP, D1), lambda i: (i, 0, 0)),
            pl.BlockSpec((1, QP, 1), lambda i: (i, 0, 0)),
        ] + [pl.BlockSpec(w.shape, lambda i, n=w.ndim: (0,) * n)
             for w in wlist],
        out_specs=pl.BlockSpec((1, QP, dims[-1]), lambda i: (i, 0, 0)),
        out_shape=jax.ShapeDtypeStruct((B, QP, dims[-1]), jnp.float32),
    )(gathered, cq_all, cnt, *wlist)
    return out[:, :Q, :]


def _radius_conv(pb_feat, pb_pos, q_pos, layers, N, Q, rr, QB=16):
    B = pb_feat.shape[0]
    F = pb_feat.shape[2]
    dims = [F + 3] + [l["W"].shape[1] for l in layers]
    QP = -(-Q // QB) * QB
    pad_q = QP - Q
    qp = jnp.pad(q_pos, ((0, 0), (0, pad_q), (0, 0)), constant_values=1e6)
    ins = [pb_pos[:, None, :, 0], pb_pos[:, None, :, 1], pb_pos[:, None, :, 2],
           pb_feat,
           qp[..., 0:1], qp[..., 1:2], qp[..., 2:3]]
    wlist = []
    for l in layers:
        wlist += [l["W"], l["b"].reshape(1, -1), l["gamma"].reshape(1, -1),
                  l["beta"].reshape(1, -1)]
    in_specs = [
        pl.BlockSpec((1, 1, N), lambda i: (i, 0, 0)),
        pl.BlockSpec((1, 1, N), lambda i: (i, 0, 0)),
        pl.BlockSpec((1, 1, N), lambda i: (i, 0, 0)),
        pl.BlockSpec((1, N, F), lambda i: (i, 0, 0)),
        pl.BlockSpec((1, QP, 1), lambda i: (i, 0, 0)),
        pl.BlockSpec((1, QP, 1), lambda i: (i, 0, 0)),
        pl.BlockSpec((1, QP, 1), lambda i: (i, 0, 0)),
    ] + [pl.BlockSpec(w.shape, lambda i: (0, 0)) for w in wlist]

    kern = _make_radius_conv_kernel(N, Q, QP, F, rr, dims, QB)

    out = pl.pallas_call(
        kern,
        grid=(B,),
        in_specs=in_specs,
        out_specs=pl.BlockSpec((1, QP, dims[-1]), lambda i: (i, 0, 0)),
        out_shape=jax.ShapeDtypeStruct((B, QP, dims[-1]), jnp.float32),
    )(*ins, *wlist)
    return out[:, :Q, :]



def _make_knn_mlp_kernel(N, Q, QP, D, S, n_bn, n_lin):
    def kern(*refs):
        sx_r, sy_r, sz_r, f_ref, qx_c, qy_c, qz_c, skip_ref = refs[:8]
        wrefs = refs[8:-1]
        out_ref = refs[-1]
        sx = sx_r[...].reshape(1, N)
        sy = sy_r[...].reshape(1, N)
        sz = sz_r[...].reshape(1, N)
        qx = qx_c[...].reshape(QP, 1)
        qy = qy_c[...].reshape(QP, 1)
        qz = qz_c[...].reshape(QP, 1)
        feat = f_ref[...].reshape(N, D)
        skip = skip_ref[...].reshape(QP, S)
        lane = jax.lax.broadcasted_iota(jnp.int32, (QP, N), 1)
        d2 = (qx - sx) ** 2 + (qy - sy) ** 2 + (qz - sz) ** 2
        xs, ws = [], []
        for _ in range(3):
            m = jnp.min(d2, axis=1, keepdims=True)
            idx = jnp.min(jnp.where(d2 == m, lane, N), axis=1, keepdims=True)
            eq = (lane == idx).astype(jnp.float32)
            xs.append(jnp.dot(eq, feat, preferred_element_type=jnp.float32))
            ws.append(1.0 / jnp.maximum(m, 1e-16))
            d2 = jnp.where(lane == idx, 3e38, d2)
        wsum = (ws[0] + ws[1]) + ws[2]
        h = (xs[0] * (ws[0] / wsum) + xs[1] * (ws[1] / wsum)) \
            + xs[2] * (ws[2] / wsum)
        i = 0
        for li in range(n_bn):
            W, b, g, be = (wrefs[i][...], wrefs[i + 1][...],
                           wrefs[i + 2][...], wrefs[i + 3][...])
            i += 4
            if li == 0:
                z = jnp.dot(h, W[:D, :], preferred_element_type=jnp.float32) \
                    + jnp.dot(skip, W[D:, :],
                              preferred_element_type=jnp.float32) + b
            else:
                z = jnp.dot(h, W, preferred_element_type=jnp.float32) + b
            h = jnp.maximum(z, 0.0) * (_BN_S * g) + be
        for li in range(n_lin):
            W, b = wrefs[i][...], wrefs[i + 1][...]
            i += 2
            h = jnp.dot(h, W, preferred_element_type=jnp.float32) + b
            if li == 0:
                h = jnp.maximum(h, 0.0)
        out_ref[...] = h.reshape(1, QP, h.shape[1])

    return kern


def _knn_mlp(src_pos, dst_pos, feat, skip, bn_layers, lin_layers, N, Q):
    B, D = feat.shape[0], feat.shape[2]
    S = skip.shape[2]
    QP = -(-Q // 8) * 8
    pad_q = QP - Q
    qp = jnp.pad(dst_pos, ((0, 0), (0, pad_q), (0, 0)), constant_values=1e6)
    skp = jnp.pad(skip, ((0, 0), (0, pad_q), (0, 0)))
    ins = [src_pos[:, None, :, 0], src_pos[:, None, :, 1],
           src_pos[:, None, :, 2], feat,
           qp[..., 0:1], qp[..., 1:2], qp[..., 2:3], skp]
    wlist = []
    for l in bn_layers:
        wlist += [l["W"], l["b"].reshape(1, -1), l["gamma"].reshape(1, -1),
                  l["beta"].reshape(1, -1)]
    for l in lin_layers:
        wlist += [l["W"], l["b"].reshape(1, -1)]
    dout = (lin_layers[-1]["W"].shape[1] if lin_layers
            else bn_layers[-1]["W"].shape[1])
    in_specs = [
        pl.BlockSpec((1, 1, N), lambda i: (i, 0, 0)),
        pl.BlockSpec((1, 1, N), lambda i: (i, 0, 0)),
        pl.BlockSpec((1, 1, N), lambda i: (i, 0, 0)),
        pl.BlockSpec((1, N, D), lambda i: (i, 0, 0)),
        pl.BlockSpec((1, QP, 1), lambda i: (i, 0, 0)),
        pl.BlockSpec((1, QP, 1), lambda i: (i, 0, 0)),
        pl.BlockSpec((1, QP, 1), lambda i: (i, 0, 0)),
        pl.BlockSpec((1, QP, S), lambda i: (i, 0, 0)),
    ] + [pl.BlockSpec(w.shape, lambda i: (0, 0)) for w in wlist]
    kern = _make_knn_mlp_kernel(N, Q, QP, D, S, len(bn_layers),
                                len(lin_layers))
    out = pl.pallas_call(
        kern,
        grid=(B,),
        in_specs=in_specs,
        out_specs=pl.BlockSpec((1, QP, dout), lambda i: (i, 0, 0)),
        out_shape=jax.ShapeDtypeStruct((B, QP, dout), jnp.float32),
    )(*ins, *wlist)
    return out[:, :Q, :]


def _fps_pallas(pb):
    px = pb[..., 0]
    py = pb[..., 1]
    pz = pb[..., 2]
    outs = pl.pallas_call(
        _fps_kernel,
        out_shape=[jax.ShapeDtypeStruct((_B, _S1), jnp.float32)] * 3
        + [jax.ShapeDtypeStruct((_B, _S2), jnp.float32)] * 3,
    )(px, py, pz)
    pos1 = jnp.stack(outs[0:3], axis=-1)
    pos2 = jnp.stack(outs[3:6], axis=-1)
    return pos1, pos2


def _mlp(layers, x):
    for l in layers:
        x = x @ l["W"] + l["b"]
        x = jax.nn.relu(x)
        x = x * (_BN_S * l["gamma"]) + l["beta"]
    return x


def _fps(pos, n_sample):
    P = pos.shape[0]
    idxs0 = jnp.zeros((n_sample,), dtype=jnp.int32)
    d0 = jnp.full((P,), 1e30, dtype=jnp.float32)

    def body(i, st):
        idxs, dists = st
        last = idxs[i - 1]
        d = jnp.sum((pos - pos[last]) ** 2, axis=1)
        dists = jnp.minimum(dists, d)
        idxs = idxs.at[i].set(jnp.argmax(dists).astype(jnp.int32))
        return (idxs, dists)

    idxs, _ = jax.lax.fori_loop(1, n_sample, body, (idxs0, d0))
    return idxs


def _radius(pos, qpos, r, max_n=64):
    d2 = jnp.sum((qpos[:, None, :] - pos[None, :, :]) ** 2, axis=-1)
    within = d2 < r * r
    score = jnp.where(within, -d2, -1e30)
    vals, nbr = jax.lax.top_k(score, max_n)
    valid = vals > -1e29
    return nbr, valid


def _point_conv(layers, x, pos, qpos, nbr, valid):
    xj = x[nbr]
    rel = pos[nbr] - qpos[:, None, :]
    msg = _mlp(layers, jnp.concatenate([xj, rel], axis=-1))
    msg = jnp.where(valid[..., None], msg, -1e30)
    out = jnp.max(msg, axis=1)
    return jnp.where(jnp.any(valid, axis=1)[:, None], out, 0.0)


def _knn_interp(x, pos, pos_skip, k):
    d2 = jnp.sum((pos_skip[:, None, :] - pos[None, :, :]) ** 2, axis=-1)
    neg, idx = jax.lax.top_k(-d2, k)
    w = 1.0 / jnp.maximum(-neg, 1e-16)
    w = w / jnp.sum(w, axis=-1, keepdims=True)
    return jnp.sum(x[idx] * w[..., None], axis=1)



def _head_kernel(xin_ref, *refs):
    out_ref = refs[-1]
    ws = refs[:-1]
    h = xin_ref[...]
    i = 0
    for _ in range(3):
        W, b, g, be = ws[i], ws[i + 1], ws[i + 2], ws[i + 3]
        i += 4
        h = jnp.dot(h, W[...], preferred_element_type=jnp.float32) + b[...]
        h = jnp.maximum(h, 0.0)
        h = h * (_BN_S * g[...]) + be[...]
    W1, b1, W2, b2, W3, b3 = ws[i], ws[i + 1], ws[i + 2], ws[i + 3], ws[i + 4], ws[i + 5]
    h = jnp.maximum(jnp.dot(h, W1[...], preferred_element_type=jnp.float32) + b1[...], 0.0)
    h = jnp.dot(h, W2[...], preferred_element_type=jnp.float32) + b2[...]
    h = jnp.dot(h, W3[...], preferred_element_type=jnp.float32) + b3[...]
    out_ref[...] = h


def _head(xin, params):
    N = xin.shape[0]
    BLK = 2048
    ws = []
    for l in params["fp1"]:
        ws += [l["W"], l["b"].reshape(1, -1), l["gamma"].reshape(1, -1), l["beta"].reshape(1, -1)]
    for n in ("lin1", "lin2", "lin3"):
        ws += [params[n]["W"], params[n]["b"].reshape(1, -1)]
    grid = (N // BLK,)
    in_specs = [pl.BlockSpec((BLK, xin.shape[1]), lambda i: (i, 0))]
    for w in ws:
        in_specs.append(pl.BlockSpec(w.shape, lambda i: (0, 0)))
    out = pl.pallas_call(
        _head_kernel,
        grid=grid,
        in_specs=in_specs,
        out_specs=pl.BlockSpec((BLK, 13), lambda i: (i, 0)),
        out_shape=jax.ShapeDtypeStruct((N, 13), jnp.float32),
    )(xin, *ws)
    return out


def _mid_stage(params, x2, pos2):
    h = _mlp(params["sa3"], jnp.concatenate([x2, pos2], axis=1))
    x3 = jnp.max(h, axis=0, keepdims=True)
    xf = jnp.broadcast_to(x3, (_S2, x3.shape[1]))
    return _mlp(params["fp3"], jnp.concatenate([xf, x2], axis=1))


def kernel(x, pos, batch, params):
    B = 8
    P = x.shape[0] // B
    xb = x.reshape(B, P, -1)
    pb = pos.reshape(B, P, 3)
    pos1, pos2 = _fps_pallas(pb)
    x1 = _radius_conv_sc(xb, pb, pos1, params["sa1"], _P, _S1, 0.2 * 0.2)
    x2 = _radius_conv(x1, pos1, pos2, params["sa2"], _S1, _S2, 0.4 * 0.4)
    xf3 = jax.vmap(lambda x2c, p2c: _mid_stage(params, x2c, p2c))(x2, pos2)
    xf2 = _knn_mlp(pos2, pos1, xf3, x1, params["fp2"], [], _S2, _S1)
    out = _knn_mlp(pos1, pb, xf2, xb, params["fp1"],
                   [params["lin1"], params["lin2"], params["lin3"]], _S1, _P)
    out = out.reshape(B * P, -1)
    zero = (batch[-1].astype(jnp.int32) + 1 - B).astype(out.dtype)
    return out + zero

# --- scband reference (transcript-rebuilt; emitter-appended) ---
"""Pipeline reference for scband-seg-net-56959856279684 (READ-ONLY COPY).

The authoritative reference and input builder live on the scoring server;
editing this copy changes nothing except your own understanding.
"""

import jax, jax.numpy as jnp
import numpy as np

EPS_BN = 1e-5

def _mlp_init(key, dims):
    layers = []
    for i in range(1, len(dims)):
        key, k1 = jax.random.split(key)
        W = jax.random.uniform(k1, (dims[i - 1], dims[i]), minval=-1.0, maxval=1.0) / np.sqrt(dims[i - 1])
        layers.append({"W": W.astype(jnp.float32), "b": jnp.zeros((dims[i],), jnp.float32), "gamma": jnp.ones((dims[i],), jnp.float32), "beta": jnp.zeros((dims[i],), jnp.float32)})
    return layers, key

def _lin_init(key, din, dout):
    key, k1 = jax.random.split(key)
    W = jax.random.uniform(k1, (din, dout), minval=-1.0, maxval=1.0) / np.sqrt(din)
    return {"W": W.astype(jnp.float32), "b": jnp.zeros((dout,), jnp.float32)}, key

def mlp_apply(layers, x):
    # Seq(Lin, ReLU, BN) per layer; BN in eval mode with running stats (0,1)
    for l in layers:
        x = x @ l["W"] + l["b"]
        x = jax.nn.relu(x)
        x = x / jnp.sqrt(1.0 + EPS_BN) * l["gamma"] + l["beta"]
    return x

def fps(pos, n_sample):
    # farthest point sampling, deterministic start at index 0
    pos = jax.lax.stop_gradient(pos)
    P = pos.shape[0]
    idxs0 = jnp.zeros((n_sample,), dtype=jnp.int32)
    d0 = jnp.full((P,), 1e30, dtype=jnp.float32)
    def body(i, st):
        idxs, dists = st
        last = idxs[i - 1]
        d = jnp.sum((pos - pos[last]) ** 2, axis=1)
        dists = jnp.minimum(dists, d)
        idxs = idxs.at[i].set(jnp.argmax(dists).astype(jnp.int32))
        return (idxs, dists)
    idxs, _ = jax.lax.fori_loop(1, n_sample, body, (idxs0, d0))
    return idxs

def radius_neighbors(pos, qpos, r, max_n=64):
    d2 = jnp.sum((qpos[:, None, :] - pos[None, :, :]) ** 2, axis=-1)
    within = d2 < r * r
    score = jnp.where(within, -d2, -1e30)
    vals, nbr = jax.lax.top_k(score, max_n)
    valid = vals > -1e29
    return nbr, valid

def point_conv(layers, x, pos, qpos, nbr, valid):
    # PointNetConv: msg = nn([x_j, pos_j - pos_i]); max aggregation
    xj = x[nbr]
    rel = pos[nbr] - qpos[:, None, :]
    msg = mlp_apply(layers, jnp.concatenate([xj, rel], axis=-1))
    msg = jnp.where(valid[..., None], msg, -1e30)
    out = jnp.max(msg, axis=1)
    return jnp.where(jnp.any(valid, axis=1)[:, None], out, 0.0)

def knn_interpolate(x, pos, pos_skip, k):
    d2 = jnp.sum((pos_skip[:, None, :] - pos[None, :, :]) ** 2, axis=-1)
    neg, idx = jax.lax.top_k(-d2, k)
    w = 1.0 / jnp.maximum(-neg, 1e-16)
    w = w / jnp.sum(w, axis=-1, keepdims=True)
    return jnp.sum(x[idx] * w[..., None], axis=1)

def forward_cloud(params, x, pos):
    P = pos.shape[0]
    s1 = int(np.ceil(0.2 * P))
    idx1 = fps(pos, s1)
    pos1 = pos[idx1]
    nbr1, val1 = radius_neighbors(pos, pos1, 0.2)
    x1 = point_conv(params["sa1"], x, pos, pos1, nbr1, val1)
    s2 = int(np.ceil(0.25 * s1))
    idx2 = fps(pos1, s2)
    pos2 = pos1[idx2]
    nbr2, val2 = radius_neighbors(pos1, pos2, 0.4)
    x2 = point_conv(params["sa2"], x1, pos1, pos2, nbr2, val2)
    h = mlp_apply(params["sa3"], jnp.concatenate([x2, pos2], axis=1))
    x3 = jnp.max(h, axis=0, keepdims=True)
    pos3 = jnp.zeros((1, 3), jnp.float32)
    xf = knn_interpolate(x3, pos3, pos2, 1)
    xf = mlp_apply(params["fp3"], jnp.concatenate([xf, x2], axis=1))
    xf = knn_interpolate(xf, pos2, pos1, 3)
    xf = mlp_apply(params["fp2"], jnp.concatenate([xf, x1], axis=1))
    xf = knn_interpolate(xf, pos1, pos, 3)
    xf = mlp_apply(params["fp1"], jnp.concatenate([xf, x], axis=1))
    h = jax.nn.relu(xf @ params["lin1"]["W"] + params["lin1"]["b"])
    h = h @ params["lin2"]["W"] + params["lin2"]["b"]
    h = h @ params["lin3"]["W"] + params["lin3"]["b"]
    return h

def setup_inputs(seed: int = 0):
    key = jax.random.key(seed)
    B, P = 8, 2048
    k1, k2, kp = jax.random.split(key, 3)
    x = jax.random.normal(k1, (B * P, 1), dtype=jnp.float32)
    pos = jax.random.uniform(k2, (B * P, 3), dtype=jnp.float32)
    batch = jnp.repeat(jnp.arange(B, dtype=jnp.int32), P)
    params = {}
    params["sa1"], kp = _mlp_init(kp, [4, 64, 64, 128])
    params["sa2"], kp = _mlp_init(kp, [131, 128, 128, 256])
    params["sa3"], kp = _mlp_init(kp, [259, 256, 512, 1024])
    params["fp3"], kp = _mlp_init(kp, [1280, 256, 256])
    params["fp2"], kp = _mlp_init(kp, [384, 256, 128])
    params["fp1"], kp = _mlp_init(kp, [129, 128, 128, 128])
    params["lin1"], kp = _lin_init(kp, 128, 128)
    params["lin2"], kp = _lin_init(kp, 128, 128)
    params["lin3"], kp = _lin_init(kp, 128, 13)
    return {"x": x, "pos": pos, "batch": batch, "params": params}

def reference(x, pos, batch, params):
    B = 8
    P = x.shape[0] // B
    xb = x.reshape(B, P, -1)
    pb = pos.reshape(B, P, 3)
    out = jax.vmap(lambda xc, pc: forward_cloud(params, xc, pc))(xb, pb)
    out = out.reshape(B * P, -1)
    zero = (batch[-1].astype(jnp.int32) + 1 - B).astype(out.dtype)
    return out + zero

if __name__ == "__main__":
    import jax
    _d = setup_inputs()
    print(jax.jit(kernel)(*tuple(_d.values())))

</pallas_src>

<mosaic_0001>
#map = affine_map<(d0, d1) -> (0, 0)>
#map1 = affine_map<(d0, d1) -> (0)>
module attributes {stable_mosaic.version = 14 : i64} {
  func.func @k(%arg0: i32, %arg1: i32, %arg2: memref<16384x128xf32, #tpu.memory_space<hbm>>, %arg3: memref<212992xi32, #tpu.memory_space<hbm>>, %arg4: memref<212992x128xf32, #tpu.memory_space<hbm>>, %arg5: memref<6656xi32, #tpu.memory_space<vmem>>, %arg6: memref<208x128xf32, #tpu.memory_space<vmem>>, %arg7: memref<208x128xf32, #tpu.memory_space<vmem>>, %arg8: memref<208x128xf32, #tpu.memory_space<vmem>>, %arg9: memref<208x128xf32, #tpu.memory_space<vmem>>, %arg10: memref<!tpu.dma_semaphore, #tpu.memory_space<semaphore_mem>>, %arg11: memref<!tpu.dma_semaphore, #tpu.memory_space<semaphore_mem>>, %arg12: memref<!tpu.dma_semaphore, #tpu.memory_space<semaphore_mem>>, %arg13: memref<!tpu.dma_semaphore, #tpu.memory_space<semaphore_mem>>) attributes {dimension_semantics = [#tpu.dimension_semantics<core_parallel>, #tpu.dimension_semantics<subcore_parallel>], iteration_bounds = array<i64: 2, 16>, scalar_prefetch = 0 : i64, scratch_operands = 9 : i64, tpu.core_type = #tpu.core_type<sc_vector_subcore>, window_params = [{transform_indices = #map}, {transform_indices = #map1}, {transform_indices = #map}]} {
    %mul3A = arith.constant 2 : i32
    %mul3A_0 = arith.muli %arg1, %mul3A : i32
    %add3A = arith.addi %mul3A_0, %arg0 : i32
    %mul3A_1 = arith.constant 6656 : i32
    %mul3A_2 = arith.muli %add3A, %mul3A_1 : i32
    "tpu.region"() ({
      %run_scoped3A = tpu.sem_alloc : memref<!tpu.dma_semaphore, #tpu.memory_space<semaphore_mem>>
      %dma_start3A_385 = tpu.memref_slice %arg3[%mul3A_2] : memref<212992xi32, #tpu.memory_space<hbm>> -> memref<6656xi32, #tpu.memory_space<hbm>>
      %dma_start3A_386 = tpu.memref_slice %arg3[%mul3A_2] : memref<212992xi32, #tpu.memory_space<hbm>> -> memref<6656xi32, #tpu.memory_space<hbm>>
      tpu.enqueue_dma source(%dma_start3A_386 : memref<6656xi32, #tpu.memory_space<hbm>>) target(%arg5 : memref<6656xi32, #tpu.memory_space<vmem>>) target_semaphore(%run_scoped3A : memref<!tpu.dma_semaphore, #tpu.memory_space<semaphore_mem>>)
      %dma_wait3A_387 = tpu.memref_slice %arg3[%mul3A_2] : memref<212992xi32, #tpu.memory_space<hbm>> -> memref<6656xi32, #tpu.memory_space<hbm>>
      %dma_wait3A_388 = tpu.memref_slice %arg3[%mul3A_2] : memref<212992xi32, #tpu.memory_space<hbm>> -> memref<6656xi32, #tpu.memory_space<hbm>>
      tpu.wait_dma2 semaphore(%run_scoped3A : memref<!tpu.dma_semaphore, #tpu.memory_space<semaphore_mem>>) src(%dma_wait3A_388 : memref<6656xi32, #tpu.memory_space<hbm>>) dst(%arg5 : memref<6656xi32, #tpu.memory_space<vmem>>)
      tpu.yield
    }) : () -> ()
    %dma_start3A = arith.constant 0 : i32
    %dma_start3A_3 = tpu.memref_slice %arg5[%dma_start3A] : memref<6656xi32, #tpu.memory_space<vmem>> -> memref<208xi32, #tpu.memory_space<vmem>>
    %dma_start3A_4 = arith.constant 0 : i32
    %dma_start3A_5 = arith.constant 0 : i32
    %dma_start3A_6 = tpu.memref_slice %arg2[%dma_start3A_4, %dma_start3A_5] : memref<16384x128xf32, #tpu.memory_space<hbm>> -> memref<16384x128xf32, #tpu.memory_space<hbm>>
    tpu.enqueue_indirect_dma source(%dma_start3A_6 : memref<16384x128xf32, #tpu.memory_space<hbm>>) target(%arg6 : memref<208x128xf32, #tpu.memory_space<vmem>>) offsets(%dma_start3A_3 : memref<208xi32, #tpu.memory_space<vmem>>) semaphore(%arg10 : memref<!tpu.dma_semaphore, #tpu.memory_space<semaphore_mem>>)
    %dma_start3A_7 = arith.constant 208 : i32
    %dma_start3A_8 = tpu.memref_slice %arg5[%dma_start3A_7] : memref<6656xi32, #tpu.memory_space<vmem>> -> memref<208xi32, #tpu.memory_space<vmem>>
    %dma_start3A_9 = arith.constant 0 : i32
    %dma_start3A_10 = arith.constant 0 : i32
    %dma_start3A_11 = tpu.memref_slice %arg2[%dma_start3A_9, %dma_start3A_10] : memref<16384x128xf32, #tpu.memory_space<hbm>> -> memref<16384x128xf32, #tpu.memory_space<hbm>>
    tpu.enqueue_indirect_dma source(%dma_start3A_11 : memref<16384x128xf32, #tpu.memory_space<hbm>>) target(%arg7 : memref<208x128xf32, #tpu.memory_space<vmem>>) offsets(%dma_start3A_8 : memref<208xi32, #tpu.memory_space<vmem>>) semaphore(%arg11 : memref<!tpu.dma_semaphore, #tpu.memory_space<semaphore_mem>>)
    %dma_start3A_12 = arith.constant 416 : i32
    %dma_start3A_13 = tpu.memref_slice %arg5[%dma_start3A_12] : memref<6656xi32, #tpu.memory_space<vmem>> -> memref<208xi32, #tpu.memory_space<vmem>>
    %dma_start3A_14 = arith.constant 0 : i32
    %dma_start3A_15 = arith.constant 0 : i32
    %dma_start3A_16 = tpu.memref_slice %arg2[%dma_start3A_14, %dma_start3A_15] : memref<16384x128xf32, #tpu.memory_space<hbm>> -> memref<16384x128xf32, #tpu.memory_space<hbm>>
    tpu.enqueue_indirect_dma source(%dma_start3A_16 : memref<16384x128xf32, #tpu.memory_space<hbm>>) target(%arg8 : memref<208x128xf32, #tpu.memory_space<vmem>>) offsets(%dma_start3A_13 : memref<208xi32, #tpu.memory_space<vmem>>) semaphore(%arg12 : memref<!tpu.dma_semaphore, #tpu.memory_space<semaphore_mem>>)
    %dma_start3A_17 = arith.constant 624 : i32
    %dma_start3A_18 = tpu.memref_slice %arg5[%dma_start3A_17] : memref<6656xi32, #tpu.memory_space<vmem>> -> memref<208xi32, #tpu.memory_space<vmem>>
    %dma_start3A_19 = arith.constant 0 : i32
    %dma_start3A_20 = arith.constant 0 : i32
    %dma_start3A_21 = tpu.memref_slice %arg2[%dma_start3A_19, %dma_start3A_20] : memref<16384x128xf32, #tpu.memory_space<hbm>> -> memref<16384x128xf32, #tpu.memory_space<hbm>>
    tpu.enqueue_indirect_dma source(%dma_start3A_21 : memref<16384x128xf32, #tpu.memory_space<hbm>>) target(%arg9 : memref<208x128xf32, #tpu.memory_space<vmem>>) offsets(%dma_start3A_18 : memref<208xi32, #tpu.memory_space<vmem>>) semaphore(%arg13 : memref<!tpu.dma_semaphore, #tpu.memory_space<semaphore_mem>>)
    %dma_wait3A = arith.constant 0 : i32
    %dma_wait3A_22 = tpu.memref_slice %arg5[%dma_wait3A] : memref<6656xi32, #tpu.memory_space<vmem>> -> memref<208xi32, #tpu.memory_space<vmem>>
    %dma_wait3A_23 = arith.constant 0 : i32
    %dma_wait3A_24 = arith.constant 0 : i32
    %dma_wait3A_25 = tpu.memref_slice %arg2[%dma_wait3A_23, %dma_wait3A_24] : memref<16384x128xf32, #tpu.memory_space<hbm>> -> memref<16384x128xf32, #tpu.memory_space<hbm>>
    tpu.wait_indirect_dma semaphore(%arg10 : memref<!tpu.dma_semaphore, #tpu.memory_space<semaphore_mem>>) src(%dma_wait3A_25 : memref<16384x128xf32, #tpu.memory_space<hbm>>) dst(%arg6 : memref<208x128xf32, #tpu.memory_space<vmem>>)
    %add3A_26 = arith.constant 0 : i32
    %add3A_27 = arith.addi %mul3A_2, %add3A_26 : i32
    "tpu.region"() ({
      %run_scoped3A = tpu.sem_alloc : memref<!tpu.dma_semaphore, #tpu.memory_space<semaphore_mem>>
      %dma_start3A_385 = arith.constant 0 : i32
      %dma_start3A_386 = tpu.memref_slice %arg4[%add3A_27, %dma_start3A_385] : memref<212992x128xf32, #tpu.memory_space<hbm>> -> memref<208x128xf32, #tpu.memory_space<hbm>>
      %dma_start3A_387 = arith.constant 0 : i32
      %dma_start3A_388 = tpu.memref_slice %arg4[%add3A_27, %dma_start3A_387] : memref<212992x128xf32, #tpu.memory_space<hbm>> -> memref<208x128xf32, #tpu.memory_space<hbm>>
      tpu.enqueue_dma source(%arg6 : memref<208x128xf32, #tpu.memory_space<vmem>>) target(%dma_start3A_388 : memref<208x128xf32, #tpu.memory_space<hbm>>) target_semaphore(%run_scoped3A : memref<!tpu.dma_semaphore, #tpu.memory_space<semaphore_mem>>)
      %dma_wait3A_389 = arith.constant 0 : i32
      %dma_wait3A_390 = tpu.memref_slice %arg4[%add3A_27, %dma_wait3A_389] : memref<212992x128xf32, #tpu.memory_space<hbm>> -> memref<208x128xf32, #tpu.memory_space<hbm>>
      %dma_wait3A_391 = arith.constant 0 : i32
      %dma_wait3A_392 = tpu.memref_slice %arg4[%add3A_27, %dma_wait3A_391] : memref<212992x128xf32, #tpu.memory_space<hbm>> -> memref<208x128xf32, #tpu.memory_space<hbm>>
      tpu.wait_dma2 semaphore(%run_scoped3A : memref<!tpu.dma_semaphore, #tpu.memory_space<semaphore_mem>>) src(%arg6 : memref<208x128xf32, #tpu.memory_space<vmem>>) dst(%dma_wait3A_392 : memref<208x128xf32, #tpu.memory_space<hbm>>)
      tpu.yield
    }) : () -> ()
    %dma_wait3A_28 = arith.constant 208 : i32
    %dma_wait3A_29 = tpu.memref_slice %arg5[%dma_wait3A_28] : memref<6656xi32, #tpu.memory_space<vmem>> -> memref<208xi32, #tpu.memory_space<vmem>>
    %dma_wait3A_30 = arith.constant 0 : i32
    %dma_wait3A_31 = arith.constant 0 : i32
    %dma_wait3A_32 = tpu.memref_slice %arg2[%dma_wait3A_30, %dma_wait3A_31] : memref<16384x128xf32, #tpu.memory_space<hbm>> -> memref<16384x128xf32, #tpu.memory_space<hbm>>
    tpu.wait_indirect_dma semaphore(%arg11 : memref<!tpu.dma_semaphore, #tpu.memory_space<semaphore_mem>>) src(%dma_wait3A_32 : memref<16384x128xf32, #tpu.memory_space<hbm>>) dst(%arg7 : memref<208x128xf32, #tpu.memory_space<vmem>>)
    %add3A_33 = arith.constant 208 : i32
    %add3A_34 = arith.addi %mul3A_2, %add3A_33 : i32
    "tpu.region"() ({
      %run_scoped3A = tpu.sem_alloc : memref<!tpu.dma_semaphore, #tpu.memory_space<semaphore_mem>>
      %dma_start3A_385 = arith.constant 0 : i32
      %dma_start3A_386 = tpu.memref_slice %arg4[%add3A_34, %dma_start3A_385] : memref<212992x128xf32, #tpu.memory_space<hbm>> -> memref<208x128xf32, #tpu.memory_space<hbm>>
      %dma_start3A_387 = arith.constant 0 : i32
      %dma_start3A_388 = tpu.memref_slice %arg4[%add3A_34, %dma_start3A_387] : memref<212992x128xf32, #tpu.memory_space<hbm>> -> memref<208x128xf32, #tpu.memory_space<hbm>>
      tpu.enqueue_dma source(%arg7 : memref<208x128xf32, #tpu.memory_space<vmem>>) target(%dma_start3A_388 : memref<208x128xf32, #tpu.memory_space<hbm>>) target_semaphore(%run_scoped3A : memref<!tpu.dma_semaphore, #tpu.memory_space<semaphore_mem>>)
      %dma_wait3A_389 = arith.constant 0 : i32
      %dma_wait3A_390 = tpu.memref_slice %arg4[%add3A_34, %dma_wait3A_389] : memref<212992x128xf32, #tpu.memory_space<hbm>> -> memref<208x128xf32, #tpu.memory_space<hbm>>
      %dma_wait3A_391 = arith.constant 0 : i32
      %dma_wait3A_392 = tpu.memref_slice %arg4[%add3A_34, %dma_wait3A_391] : memref<212992x128xf32, #tpu.memory_space<hbm>> -> memref<208x128xf32, #tpu.memory_space<hbm>>
      tpu.wait_dma2 semaphore(%run_scoped3A : memref<!tpu.dma_semaphore, #tpu.memory_space<semaphore_mem>>) src(%arg7 : memref<208x128xf32, #tpu.memory_space<vmem>>) dst(%dma_wait3A_392 : memref<208x128xf32, #tpu.memory_space<hbm>>)
      tpu.yield
    }) : () -> ()
    %dma_wait3A_35 = arith.constant 416 : i32
    %dma_wait3A_36 = tpu.memref_slice %arg5[%dma_wait3A_35] : memref<6656xi32, #tpu.memory_space<vmem>> -> memref<208xi32, #tpu.memory_space<vmem>>
    %dma_wait3A_37 = arith.constant 0 : i32
    %dma_wait3A_38 = arith.constant 0 : i32
    %dma_wait3A_39 = tpu.memref_slice %arg2[%dma_wait3A_37, %dma_wait3A_38] : memref<16384x128xf32, #tpu.memory_space<hbm>> -> memref<16384x128xf32, #tpu.memory_space<hbm>>
    tpu.wait_indirect_dma semaphore(%arg12 : memref<!tpu.dma_semaphore, #tpu.memory_space<semaphore_mem>>) src(%dma_wait3A_39 : memref<16384x128xf32, #tpu.memory_space<hbm>>) dst(%arg8 : memref<208x128xf32, #tpu.memory_space<vmem>>)
    %add3A_40 = arith.constant 416 : i32
    %add3A_41 = arith.addi %mul3A_2, %add3A_40 : i32
    "tpu.region"() ({
      %run_scoped3A = tpu.sem_alloc : memref<!tpu.dma_semaphore, #tpu.memory_space<semaphore_mem>>
      %dma_start3A_385 = arith.constant 0 : i32
      %dma_start3A_386 = tpu.memref_slice %arg4[%add3A_41, %dma_start3A_385] : memref<212992x128xf32, #tpu.memory_space<hbm>> -> memref<208x128xf32, #tpu.memory_space<hbm>>
      %dma_start3A_387 = arith.constant 0 : i32
      %dma_start3A_388 = tpu.memref_slice %arg4[%add3A_41, %dma_start3A_387] : memref<212992x128xf32, #tpu.memory_space<hbm>> -> memref<208x128xf32, #tpu.memory_space<hbm>>
      tpu.enqueue_dma source(%arg8 : memref<208x128xf32, #tpu.memory_space<vmem>>) target(%dma_start3A_388 : memref<208x128xf32, #tpu.memory_space<hbm>>) target_semaphore(%run_scoped3A : memref<!tpu.dma_semaphore, #tpu.memory_space<semaphore_mem>>)
      %dma_wait3A_389 = arith.constant 0 : i32
      %dma_wait3A_390 = tpu.memref_slice %arg4[%add3A_41, %dma_wait3A_389] : memref<212992x128xf32, #tpu.memory_space<hbm>> -> memref<208x128xf32, #tpu.memory_space<hbm>>
      %dma_wait3A_391 = arith.constant 0 : i32
      %dma_wait3A_392 = tpu.memref_slice %arg4[%add3A_41, %dma_wait3A_391] : memref<212992x128xf32, #tpu.memory_space<hbm>> -> memref<208x128xf32, #tpu.memory_space<hbm>>
      tpu.wait_dma2 semaphore(%run_scoped3A : memref<!tpu.dma_semaphore, #tpu.memory_space<semaphore_mem>>) src(%arg8 : memref<208x128xf32, #tpu.memory_space<vmem>>) dst(%dma_wait3A_392 : memref<208x128xf32, #tpu.memory_space<hbm>>)
      tpu.yield
    }) : () -> ()
    %dma_wait3A_42 = arith.constant 624 : i32
    %dma_wait3A_43 = tpu.memref_slice %arg5[%dma_wait3A_42] : memref<6656xi32, #tpu.memory_space<vmem>> -> memref<208xi32, #tpu.memory_space<vmem>>
    %dma_wait3A_44 = arith.constant 0 : i32
    %dma_wait3A_45 = arith.constant 0 : i32
    %dma_wait3A_46 = tpu.memref_slice %arg2[%dma_wait3A_44, %dma_wait3A_45] : memref<16384x128xf32, #tpu.memory_space<hbm>> -> memref<16384x128xf32, #tpu.memory_space<hbm>>
    tpu.wait_indirect_dma semaphore(%arg13 : memref<!tpu.dma_semaphore, #tpu.memory_space<semaphore_mem>>) src(%dma_wait3A_46 : memref<16384x128xf32, #tpu.memory_space<hbm>>) dst(%arg9 : memref<208x128xf32, #tpu.memory_space<vmem>>)
    %add3A_47 = arith.constant 624 : i32
    %add3A_48 = arith.addi %mul3A_2, %add3A_47 : i32
    "tpu.region"() ({
      %run_scoped3A = tpu.sem_alloc : memref<!tpu.dma_semaphore, #tpu.memory_space<semaphore_mem>>
      %dma_start3A_385 = arith.constant 0 : i32
      %dma_start3A_386 = tpu.memref_slice %arg4[%add3A_48, %dma_start3A_385] : memref<212992x128xf32, #tpu.memory_space<hbm>> -> memref<208x128xf32, #tpu.memory_space<hbm>>
      %dma_start3A_387 = arith.constant 0 : i32
      %dma_start3A_388 = tpu.memref_slice %arg4[%add3A_48, %dma_start3A_387] : memref<212992x128xf32, #tpu.memory_space<hbm>> -> memref<208x128xf32, #tpu.memory_space<hbm>>
      tpu.enqueue_dma source(%arg9 : memref<208x128xf32, #tpu.memory_space<vmem>>) target(%dma_start3A_388 : memref<208x128xf32, #tpu.memory_space<hbm>>) target_semaphore(%run_scoped3A : memref<!tpu.dma_semaphore, #tpu.memory_space<semaphore_mem>>)
      %dma_wait3A_389 = arith.constant 0 : i32
      %dma_wait3A_390 = tpu.memref_slice %arg4[%add3A_48, %dma_wait3A_389] : memref<212992x128xf32, #tpu.memory_space<hbm>> -> memref<208x128xf32, #tpu.memory_space<hbm>>
      %dma_wait3A_391 = arith.constant 0 : i32
      %dma_wait3A_392 = tpu.memref_slice %arg4[%add3A_48, %dma_wait3A_391] : memref<212992x128xf32, #tpu.memory_space<hbm>> -> memref<208x128xf32, #tpu.memory_space<hbm>>
      tpu.wait_dma2 semaphore(%run_scoped3A : memref<!tpu.dma_semaphore, #tpu.memory_space<semaphore_mem>>) src(%arg9 : memref<208x128xf32, #tpu.memory_space<vmem>>) dst(%dma_wait3A_392 : memref<208x128xf32, #tpu.memory_space<hbm>>)
      tpu.yield
    }) : () -> ()
    %dma_start3A_49 = arith.constant 832 : i32
    %dma_start3A_50 = tpu.memref_slice %arg5[%dma_start3A_49] : memref<6656xi32, #tpu.memory_space<vmem>> -> memref<208xi32, #tpu.memory_space<vmem>>
    %dma_start3A_51 = arith.constant 0 : i32
    %dma_start3A_52 = arith.constant 0 : i32
    %dma_start3A_53 = tpu.memref_slice %arg2[%dma_start3A_51, %dma_start3A_52] : memref<16384x128xf32, #tpu.memory_space<hbm>> -> memref<16384x128xf32, #tpu.memory_space<hbm>>
    tpu.enqueue_indirect_dma source(%dma_start3A_53 : memref<16384x128xf32, #tpu.memory_space<hbm>>) target(%arg6 : memref<208x128xf32, #tpu.memory_space<vmem>>) offsets(%dma_start3A_50 : memref<208xi32, #tpu.memory_space<vmem>>) semaphore(%arg10 : memref<!tpu.dma_semaphore, #tpu.memory_space<semaphore_mem>>)
    %dma_start3A_54 = arith.constant 1040 : i32
    %dma_start3A_55 = tpu.memref_slice %arg5[%dma_start3A_54] : memref<6656xi32, #tpu.memory_space<vmem>> -> memref<208xi32, #tpu.memory_space<vmem>>
    %dma_start3A_56 = arith.constant 0 : i32
    %dma_start3A_57 = arith.constant 0 : i32
    %dma_start3A_58 = tpu.memref_slice %arg2[%dma_start3A_56, %dma_start3A_57] : memref<16384x128xf32, #tpu.memory_space<hbm>> -> memref<16384x128xf32, #tpu.memory_space<hbm>>
    tpu.enqueue_indirect_dma source(%dma_start3A_58 : memref<16384x128xf32, #tpu.memory_space<hbm>>) target(%arg7 : memref<208x128xf32, #tpu.memory_space<vmem>>) offsets(%dma_start3A_55 : memref<208xi32, #tpu.memory_space<vmem>>) semaphore(%arg11 : memref<!tpu.dma_semaphore, #tpu.memory_space<semaphore_mem>>)
    %dma_start3A_59 = arith.constant 1248 : i32
    %dma_start3A_60 = tpu.memref_slice %arg5[%dma_start3A_59] : memref<6656xi32, #tpu.memory_space<vmem>> -> memref<208xi32, #tpu.memory_space<vmem>>
    %dma_start3A_61 = arith.constant 0 : i32
    %dma_start3A_62 = arith.constant 0 : i32
    %dma_start3A_63 = tpu.memref_slice %arg2[%dma_start3A_61, %dma_start3A_62] : memref<16384x128xf32, #tpu.memory_space<hbm>> -> memref<16384x128xf32, #tpu.memory_space<hbm>>
    tpu.enqueue_indirect_dma source(%dma_start3A_63 : memref<16384x128xf32, #tpu.memory_space<hbm>>) target(%arg8 : memref<208x128xf32, #tpu.memory_space<vmem>>) offsets(%dma_start3A_60 : memref<208xi32, #tpu.memory_space<vmem>>) semaphore(%arg12 : memref<!tpu.dma_semaphore, #tpu.memory_space<semaphore_mem>>)
    %dma_start3A_64 = arith.constant 1456 : i32
    %dma_start3A_65 = tpu.memref_slice %arg5[%dma_start3A_64] : memref<6656xi32, #tpu.memory_space<vmem>> -> memref<208xi32, #tpu.memory_space<vmem>>
    %dma_start3A_66 = arith.constant 0 : i32
    %dma_start3A_67 = arith.constant 0 : i32
    %dma_start3A_68 = tpu.memref_slice %arg2[%dma_start3A_66, %dma_start3A_67] : memref<16384x128xf32, #tpu.memory_space<hbm>> -> memref<16384x128xf32, #tpu.memory_space<hbm>>
    tpu.enqueue_indirect_dma source(%dma_start3A_68 : memref<16384x128xf32, #tpu.memory_space<hbm>>) target(%arg9 : memref<208x128xf32, #tpu.memory_space<vmem>>) offsets(%dma_start3A_65 : memref<208xi32, #tpu.memory_space<vmem>>) semaphore(%arg13 : memref<!tpu.dma_semaphore, #tpu.memory_space<semaphore_mem>>)
    %dma_wait3A_69 = arith.constant 832 : i32
    %dma_wait3A_70 = tpu.memref_slice %arg5[%dma_wait3A_69] : memref<6656xi32, #tpu.memory_space<vmem>> -> memref<208xi32, #tpu.memory_space<vmem>>
    %dma_wait3A_71 = arith.constant 0 : i32
    %dma_wait3A_72 = arith.constant 0 : i32
    %dma_wait3A_73 = tpu.memref_slice %arg2[%dma_wait3A_71, %dma_wait3A_72] : memref<16384x128xf32, #tpu.memory_space<hbm>> -> memref<16384x128xf32, #tpu.memory_space<hbm>>
    tpu.wait_indirect_dma semaphore(%arg10 : memref<!tpu.dma_semaphore, #tpu.memory_space<semaphore_mem>>) src(%dma_wait3A_73 : memref<16384x128xf32, #tpu.memory_space<hbm>>) dst(%arg6 : memref<208x128xf32, #tpu.memory_space<vmem>>)
    %add3A_74 = arith.constant 832 : i32
    %add3A_75 = arith.addi %mul3A_2, %add3A_74 : i32
    "tpu.region"() ({
      %run_scoped3A = tpu.sem_alloc : memref<!tpu.dma_semaphore, #tpu.memory_space<semaphore_mem>>
      %dma_start3A_385 = arith.constant 0 : i32
      %dma_start3A_386 = tpu.memref_slice %arg4[%add3A_75, %dma_start3A_385] : memref<212992x128xf32, #tpu.memory_space<hbm>> -> memref<208x128xf32, #tpu.memory_space<hbm>>
      %dma_start3A_387 = arith.constant 0 : i32
      %dma_start3A_388 = tpu.memref_slice %arg4[%add3A_75, %dma_start3A_387] : memref<212992x128xf32, #tpu.memory_space<hbm>> -> memref<208x128xf32, #tpu.memory_space<hbm>>
      tpu.enqueue_dma source(%arg6 : memref<208x128xf32, #tpu.memory_space<vmem>>) target(%dma_start3A_388 : memref<208x128xf32, #tpu.memory_space<hbm>>) target_semaphore(%run_scoped3A : memref<!tpu.dma_semaphore, #tpu.memory_space<semaphore_mem>>)
      %dma_wait3A_389 = arith.constant 0 : i32
      %dma_wait3A_390 = tpu.memref_slice %arg4[%add3A_75, %dma_wait3A_389] : memref<212992x128xf32, #tpu.memory_space<hbm>> -> memref<208x128xf32, #tpu.memory_space<hbm>>
      %dma_wait3A_391 = arith.constant 0 : i32
      %dma_wait3A_392 = tpu.memref_slice %arg4[%add3A_75, %dma_wait3A_391] : memref<212992x128xf32, #tpu.memory_space<hbm>> -> memref<208x128xf32, #tpu.memory_space<hbm>>
      tpu.wait_dma2 semaphore(%run_scoped3A : memref<!tpu.dma_semaphore, #tpu.memory_space<semaphore_mem>>) src(%arg6 : memref<208x128xf32, #tpu.memory_space<vmem>>) dst(%dma_wait3A_392 : memref<208x128xf32, #tpu.memory_space<hbm>>)
      tpu.yield
    }) : () -> ()
    %dma_wait3A_76 = arith.constant 1040 : i32
    %dma_wait3A_77 = tpu.memref_slice %arg5[%dma_wait3A_76] : memref<6656xi32, #tpu.memory_space<vmem>> -> memref<208xi32, #tpu.memory_space<vmem>>
    %dma_wait3A_78 = arith.constant 0 : i32
    %dma_wait3A_79 = arith.constant 0 : i32
    %dma_wait3A_80 = tpu.memref_slice %arg2[%dma_wait3A_78, %dma_wait3A_79] : memref<16384x128xf32, #tpu.memory_space<hbm>> -> memref<16384x128xf32, #tpu.memory_space<hbm>>
    tpu.wait_indirect_dma semaphore(%arg11 : memref<!tpu.dma_semaphore, #tpu.memory_space<semaphore_mem>>) src(%dma_wait3A_80 : memref<16384x128xf32, #tpu.memory_space<hbm>>) dst(%arg7 : memref<208x128xf32, #tpu.memory_space<vmem>>)
    %add3A_81 = arith.constant 1040 : i32
    %add3A_82 = arith.addi %mul3A_2, %add3A_81 : i32
    "tpu.region"() ({
      %run_scoped3A = tpu.sem_alloc : memref<!tpu.dma_semaphore, #tpu.memory_space<semaphore_mem>>
      %dma_start3A_385 = arith.constant 0 : i32
      %dma_start3A_386 = tpu.memref_slice %arg4[%add3A_82, %dma_start3A_385] : memref<212992x128xf32, #tpu.memory_space<hbm>> -> memref<208x128xf32, #tpu.memory_space<hbm>>
      %dma_start3A_387 = arith.constant 0 : i32
      %dma_start3A_388 = tpu.memref_slice %arg4[%add3A_82, %dma_start3A_387] : memref<212992x128xf32, #tpu.memory_space<hbm>> -> memref<208x128xf32, #tpu.memory_space<hbm>>
      tpu.enqueue_dma source(%arg7 : memref<208x128xf32, #tpu.memory_space<vmem>>) target(%dma_start3A_388 : memref<208x128xf32, #tpu.memory_space<hbm>>) target_semaphore(%run_scoped3A : memref<!tpu.dma_semaphore, #tpu.memory_space<semaphore_mem>>)
      %dma_wait3A_389 = arith.constant 0 : i32
      %dma_wait3A_390 = tpu.memref_slice %arg4[%add3A_82, %dma_wait3A_389] : memref<212992x128xf32, #tpu.memory_space<hbm>> -> memref<208x128xf32, #tpu.memory_space<hbm>>
      %dma_wait3A_391 = arith.constant 0 : i32
      %dma_wait3A_392 = tpu.memref_slice %arg4[%add3A_82, %dma_wait3A_391] : memref<212992x128xf32, #tpu.memory_space<hbm>> -> memref<208x128xf32, #tpu.memory_space<hbm>>
      tpu.wait_dma2 semaphore(%run_scoped3A : memref<!tpu.dma_semaphore, #tpu.memory_space<semaphore_mem>>) src(%arg7 : memref<208x128xf32, #tpu.memory_space<vmem>>) dst(%dma_wait3A_392 : memref<208x128xf32, #tpu.memory_space<hbm>>)
      tpu.yield
    }) : () -> ()
    %dma_wait3A_83 = arith.constant 1248 : i32
    %dma_wait3A_84 = tpu.memref_slice %arg5[%dma_wait3A_83] : memref<6656xi32, #tpu.memory_space<vmem>> -> memref<208xi32, #tpu.memory_space<vmem>>
    %dma_wait3A_85 = arith.constant 0 : i32
    %dma_wait3A_86 = arith.constant 0 : i32
    %dma_wait3A_87 = tpu.memref_slice %arg2[%dma_wait3A_85, %dma_wait3A_86] : memref<16384x128xf32, #tpu.memory_space<hbm>> -> memref<16384x128xf32, #tpu.memory_space<hbm>>
    tpu.wait_indirect_dma semaphore(%arg12 : memref<!tpu.dma_semaphore, #tpu.memory_space<semaphore_mem>>) src(%dma_wait3A_87 : memref<16384x128xf32, #tpu.memory_space<hbm>>) dst(%arg8 : memref<208x128xf32, #tpu.memory_space<vmem>>)
    %add3A_88 = arith.constant 1248 : i32
    %add3A_89 = arith.addi %mul3A_2, %add3A_88 : i32
    "tpu.region"() ({
      %run_scoped3A = tpu.sem_alloc : memref<!tpu.dma_semaphore, #tpu.memory_space<semaphore_mem>>
      %dma_start3A_385 = arith.constant 0 : i32
      %dma_start3A_386 = tpu.memref_slice %arg4[%add3A_89, %dma_start3A_385] : memref<212992x128xf32, #tpu.memory_space<hbm>> -> memref<208x128xf32, #tpu.memory_space<hbm>>
      %dma_start3A_387 = arith.constant 0 : i32
      %dma_start3A_388 = tpu.memref_slice %arg4[%add3A_89, %dma_start3A_387] : memref<212992x128xf32, #tpu.memory_space<hbm>> -> memref<208x128xf32, #tpu.memory_space<hbm>>
      tpu.enqueue_dma source(%arg8 : memref<208x128xf32, #tpu.memory_space<vmem>>) target(%dma_start3A_388 : memref<208x128xf32, #tpu.memory_space<hbm>>) target_semaphore(%run_scoped3A : memref<!tpu.dma_semaphore, #tpu.memory_space<semaphore_mem>>)
      %dma_wait3A_389 = arith.constant 0 : i32
      %dma_wait3A_390 = tpu.memref_slice %arg4[%add3A_89, %dma_wait3A_389] : memref<212992x128xf32, #tpu.memory_space<hbm>> -> memref<208x128xf32, #tpu.memory_space<hbm>>
      %dma_wait3A_391 = arith.constant 0 : i32
      %dma_wait3A_392 = tpu.memref_slice %arg4[%add3A_89, %dma_wait3A_391] : memref<212992x128xf32, #tpu.memory_space<hbm>> -> memref<208x128xf32, #tpu.memory_space<hbm>>
      tpu.wait_dma2 semaphore(%run_scoped3A : memref<!tpu.dma_semaphore, #tpu.memory_space<semaphore_mem>>) src(%arg8 : memref<208x128xf32, #tpu.memory_space<vmem>>) dst(%dma_wait3A_392 : memref<208x128xf32, #tpu.memory_space<hbm>>)
      tpu.yield
    }) : () -> ()
    %dma_wait3A_90 = arith.constant 1456 : i32
    %dma_wait3A_91 = tpu.memref_slice %arg5[%dma_wait3A_90] : memref<6656xi32, #tpu.memory_space<vmem>> -> memref<208xi32, #tpu.memory_space<vmem>>
    %dma_wait3A_92 = arith.constant 0 : i32
    %dma_wait3A_93 = arith.constant 0 : i32
    %dma_wait3A_94 = tpu.memref_slice %arg2[%dma_wait3A_92, %dma_wait3A_93] : memref<16384x128xf32, #tpu.memory_space<hbm>> -> memref<16384x128xf32, #tpu.memory_space<hbm>>
    tpu.wait_indirect_dma semaphore(%arg13 : memref<!tpu.dma_semaphore, #tpu.memory_space<semaphore_mem>>) src(%dma_wait3A_94 : memref<16384x128xf32, #tpu.memory_space<hbm>>) dst(%arg9 : memref<208x128xf32, #tpu.memory_space<vmem>>)
    %add3A_95 = arith.constant 1456 : i32
    %add3A_96 = arith.addi %mul3A_2, %add3A_95 : i32
    "tpu.region"() ({
      %run_scoped3A = tpu.sem_alloc : memref<!tpu.dma_semaphore, #tpu.memory_space<semaphore_mem>>
      %dma_start3A_385 = arith.constant 0 : i32
      %dma_start3A_386 = tpu.memref_slice %arg4[%add3A_96, %dma_start3A_385] : memref<212992x128xf32, #tpu.memory_space<hbm>> -> memref<208x128xf32, #tpu.memory_space<hbm>>
      %dma_start3A_387 = arith.constant 0 : i32
      %dma_start3A_388 = tpu.memref_slice %arg4[%add3A_96, %dma_start3A_387] : memref<212992x128xf32, #tpu.memory_space<hbm>> -> memref<208x128xf32, #tpu.memory_space<hbm>>
      tpu.enqueue_dma source(%arg9 : memref<208x128xf32, #tpu.memory_space<vmem>>) target(%dma_start3A_388 : memref<208x128xf32, #tpu.memory_space<hbm>>) target_semaphore(%run_scoped3A : memref<!tpu.dma_semaphore, #tpu.memory_space<semaphore_mem>>)
      %dma_wait3A_389 = arith.constant 0 : i32
      %dma_wait3A_390 = tpu.memref_slice %arg4[%add3A_96, %dma_wait3A_389] : memref<212992x128xf32, #tpu.memory_space<hbm>> -> memref<208x128xf32, #tpu.memory_space<hbm>>
      %dma_wait3A_391 = arith.constant 0 : i32
      %dma_wait3A_392 = tpu.memref_slice %arg4[%add3A_96, %dma_wait3A_391] : memref<212992x128xf32, #tpu.memory_space<hbm>> -> memref<208x128xf32, #tpu.memory_space<hbm>>
      tpu.wait_dma2 semaphore(%run_scoped3A : memref<!tpu.dma_semaphore, #tpu.memory_space<semaphore_mem>>) src(%arg9 : memref<208x128xf32, #tpu.memory_space<vmem>>) dst(%dma_wait3A_392 : memref<208x128xf32, #tpu.memory_space<hbm>>)
      tpu.yield
    }) : () -> ()
    %dma_start3A_97 = arith.constant 1664 : i32
    %dma_start3A_98 = tpu.memref_slice %arg5[%dma_start3A_97] : memref<6656xi32, #tpu.memory_space<vmem>> -> memref<208xi32, #tpu.memory_space<vmem>>
    %dma_start3A_99 = arith.constant 0 : i32
    %dma_start3A_100 = arith.constant 0 : i32
    %dma_start3A_101 = tpu.memref_slice %arg2[%dma_start3A_99, %dma_start3A_100] : memref<16384x128xf32, #tpu.memory_space<hbm>> -> memref<16384x128xf32, #tpu.memory_space<hbm>>
    tpu.enqueue_indirect_dma source(%dma_start3A_101 : memref<16384x128xf32, #tpu.memory_space<hbm>>) target(%arg6 : memref<208x128xf32, #tpu.memory_space<vmem>>) offsets(%dma_start3A_98 : memref<208xi32, #tpu.memory_space<vmem>>) semaphore(%arg10 : memref<!tpu.dma_semaphore, #tpu.memory_space<semaphore_mem>>)
    %dma_start3A_102 = arith.constant 1872 : i32
    %dma_start3A_103 = tpu.memref_slice %arg5[%dma_start3A_102] : memref<6656xi32, #tpu.memory_space<vmem>> -> memref<208xi32, #tpu.memory_space<vmem>>
    %dma_start3A_104 = arith.constant 0 : i32
    %dma_start3A_105 = arith.constant 0 : i32
    %dma_start3A_106 = tpu.memref_slice %arg2[%dma_start3A_104, %dma_start3A_105] : memref<16384x128xf32, #tpu.memory_space<hbm>> -> memref<16384x128xf32, #tpu.memory_space<hbm>>
    tpu.enqueue_indirect_dma source(%dma_start3A_106 : memref<16384x128xf32, #tpu.memory_space<hbm>>) target(%arg7 : memref<208x128xf32, #tpu.memory_space<vmem>>) offsets(%dma_start3A_103 : memref<208xi32, #tpu.memory_space<vmem>>) semaphore(%arg11 : memref<!tpu.dma_semaphore, #tpu.memory_space<semaphore_mem>>)
    %dma_start3A_107 = arith.constant 2080 : i32
    %dma_start3A_108 = tpu.memref_slice %arg5[%dma_start3A_107] : memref<6656xi32, #tpu.memory_space<vmem>> -> memref<208xi32, #tpu.memory_space<vmem>>
    %dma_start3A_109 = arith.constant 0 : i32
    %dma_start3A_110 = arith.constant 0 : i32
    %dma_start3A_111 = tpu.memref_slice %arg2[%dma_start3A_109, %dma_start3A_110] : memref<16384x128xf32, #tpu.memory_space<hbm>> -> memref<16384x128xf32, #tpu.memory_space<hbm>>
    tpu.enqueue_indirect_dma source(%dma_start3A_111 : memref<16384x128xf32, #tpu.memory_space<hbm>>) target(%arg8 : memref<208x128xf32, #tpu.memory_space<vmem>>) offsets(%dma_start3A_108 : memref<208xi32, #tpu.memory_space<vmem>>) semaphore(%arg12 : memref<!tpu.dma_semaphore, #tpu.memory_space<semaphore_mem>>)
    %dma_start3A_112 = arith.constant 2288 : i32
    %dma_start3A_113 = tpu.memref_slice %arg5[%dma_start3A_112] : memref<6656xi32, #tpu.memory_space<vmem>> -> memref<208xi32, #tpu.memory_space<vmem>>
    %dma_start3A_114 = arith.constant 0 : i32
    %dma_start3A_115 = arith.constant 0 : i32
    %dma_start3A_116 = tpu.memref_slice %arg2[%dma_start3A_114, %dma_start3A_115] : memref<16384x128xf32, #tpu.memory_space<hbm>> -> memref<16384x128xf32, #tpu.memory_space<hbm>>
    tpu.enqueue_indirect_dma source(%dma_start3A_116 : memref<16384x128xf32, #tpu.memory_space<hbm>>) target(%arg9 : memref<208x128xf32, #tpu.memory_space<vmem>>) offsets(%dma_start3A_113 : memref<208xi32, #tpu.memory_space<vmem>>) semaphore(%arg13 : memref<!tpu.dma_semaphore, #tpu.memory_space<semaphore_mem>>)
    %dma_wait3A_117 = arith.constant 1664 : i32
    %dma_wait3A_118 = tpu.memref_slice %arg5[%dma_wait3A_117] : memref<6656xi32, #tpu.memory_space<vmem>> -> memref<208xi32, #tpu.memory_space<vmem>>
    %dma_wait3A_119 = arith.constant 0 : i32
    %dma_wait3A_120 = arith.constant 0 : i32
    %dma_wait3A_121 = tpu.memref_slice %arg2[%dma_wait3A_119, %dma_wait3A_120] : memref<16384x128xf32, #tpu.memory_space<hbm>> -> memref<16384x128xf32, #tpu.memory_space<hbm>>
    tpu.wait_indirect_dma semaphore(%arg10 : memref<!tpu.dma_semaphore, #tpu.memory_space<semaphore_mem>>) src(%dma_wait3A_121 : memref<16384x128xf32, #tpu.memory_space<hbm>>) dst(%arg6 : memref<208x128xf32, #tpu.memory_space<vmem>>)
    %add3A_122 = arith.constant 1664 : i32
    %add3A_123 = arith.addi %mul3A_2, %add3A_122 : i32
    "tpu.region"() ({
      %run_scoped3A = tpu.sem_alloc : memref<!tpu.dma_semaphore, #tpu.memory_space<semaphore_mem>>
      %dma_start3A_385 = arith.constant 0 : i32
      %dma_start3A_386 = tpu.memref_slice %arg4[%add3A_123, %dma_start3A_385] : memref<212992x128xf32, #tpu.memory_space<hbm>> -> memref<208x128xf32, #tpu.memory_space<hbm>>
      %dma_start3A_387 = arith.constant 0 : i32
      %dma_start3A_388 = tpu.memref_slice %arg4[%add3A_123, %dma_start3A_387] : memref<212992x128xf32, #tpu.memory_space<hbm>> -> memref<208x128xf32, #tpu.memory_space<hbm>>
      tpu.enqueue_dma source(%arg6 : memref<208x128xf32, #tpu.memory_space<vmem>>) target(%dma_start3A_388 : memref<208x128xf32, #tpu.memory_space<hbm>>) target_semaphore(%run_scoped3A : memref<!tpu.dma_semaphore, #tpu.memory_space<semaphore_mem>>)
      %dma_wait3A_389 = arith.constant 0 : i32
      %dma_wait3A_390 = tpu.memref_slice %arg4[%add3A_123, %dma_wait3A_389] : memref<212992x128xf32, #tpu.memory_space<hbm>> -> memref<208x128xf32, #tpu.memory_space<hbm>>
      %dma_wait3A_391 = arith.constant 0 : i32
      %dma_wait3A_392 = tpu.memref_slice %arg4[%add3A_123, %dma_wait3A_391] : memref<212992x128xf32, #tpu.memory_space<hbm>> -> memref<208x128xf32, #tpu.memory_space<hbm>>
      tpu.wait_dma2 semaphore(%run_scoped3A : memref<!tpu.dma_semaphore, #tpu.memory_space<semaphore_mem>>) src(%arg6 : memref<208x128xf32, #tpu.memory_space<vmem>>) dst(%dma_wait3A_392 : memref<208x128xf32, #tpu.memory_space<hbm>>)
      tpu.yield
    }) : () -> ()
    %dma_wait3A_124 = arith.constant 1872 : i32
    %dma_wait3A_125 = tpu.memref_slice %arg5[%dma_wait3A_124] : memref<6656xi32, #tpu.memory_space<vmem>> -> memref<208xi32, #tpu.memory_space<vmem>>
    %dma_wait3A_126 = arith.constant 0 : i32
    %dma_wait3A_127 = arith.constant 0 : i32
    %dma_wait3A_128 = tpu.memref_slice %arg2[%dma_wait3A_126, %dma_wait3A_127] : memref<16384x128xf32, #tpu.memory_space<hbm>> -> memref<16384x128xf32, #tpu.memory_space<hbm>>
    tpu.wait_indirect_dma semaphore(%arg11 : memref<!tpu.dma_semaphore, #tpu.memory_space<semaphore_mem>>) src(%dma_wait3A_128 : memref<16384x128xf32, #tpu.memory_space<hbm>>) dst(%arg7 : memref<208x128xf32, #tpu.memory_space<vmem>>)
    %add3A_129 = arith.constant 1872 : i32
    %add3A_130 = arith.addi %mul3A_2, %add3A_129 : i32
    "tpu.region"() ({
      %run_scoped3A = tpu.sem_alloc : memref<!tpu.dma_semaphore, #tpu.memory_space<semaphore_mem>>
      %dma_start3A_385 = arith.constant 0 : i32
      %dma_start3A_386 = tpu.memref_slice %arg4[%add3A_130, %dma_start3A_385] : memref<212992x128xf32, #tpu.memory_space<hbm>> -> memref<208x128xf32, #tpu.memory_space<hbm>>
      %dma_start3A_387 = arith.constant 0 : i32
      %dma_start3A_388 = tpu.memref_slice %arg4[%add3A_130, %dma_start3A_387] : memref<212992x128xf32, #tpu.memory_space<hbm>> -> memref<208x128xf32, #tpu.memory_space<hbm>>
      tpu.enqueue_dma source(%arg7 : memref<208x128xf32, #tpu.memory_space<vmem>>) target(%dma_start3A_388 : memref<208x128xf32, #tpu.memory_space<hbm>>) target_semaphore(%run_scoped3A : memref<!tpu.dma_semaphore, #tpu.memory_space<semaphore_mem>>)
      %dma_wait3A_389 = arith.constant 0 : i32
      %dma_wait3A_390 = tpu.memref_slice %arg4[%add3A_130, %dma_wait3A_389] : memref<212992x128xf32, #tpu.memory_space<hbm>> -> memref<208x128xf32, #tpu.memory_space<hbm>>
      %dma_wait3A_391 = arith.constant 0 : i32
      %dma_wait3A_392 = tpu.memref_slice %arg4[%add3A_130, %dma_wait3A_391] : memref<212992x128xf32, #tpu.memory_space<hbm>> -> memref<208x128xf32, #tpu.memory_space<hbm>>
      tpu.wait_dma2 semaphore(%run_scoped3A : memref<!tpu.dma_semaphore, #tpu.memory_space<semaphore_mem>>) src(%arg7 : memref<208x128xf32, #tpu.memory_space<vmem>>) dst(%dma_wait3A_392 : memref<208x128xf32, #tpu.memory_space<hbm>>)
      tpu.yield
    }) : () -> ()
    %dma_wait3A_131 = arith.constant 2080 : i32
    %dma_wait3A_132 = tpu.memref_slice %arg5[%dma_wait3A_131] : memref<6656xi32, #tpu.memory_space<vmem>> -> memref<208xi32, #tpu.memory_space<vmem>>
    %dma_wait3A_133 = arith.constant 0 : i32
    %dma_wait3A_134 = arith.constant 0 : i32
    %dma_wait3A_135 = tpu.memref_slice %arg2[%dma_wait3A_133, %dma_wait3A_134] : memref<16384x128xf32, #tpu.memory_space<hbm>> -> memref<16384x128xf32, #tpu.memory_space<hbm>>
    tpu.wait_indirect_dma semaphore(%arg12 : memref<!tpu.dma_semaphore, #tpu.memory_space<semaphore_mem>>) src(%dma_wait3A_135 : memref<16384x128xf32, #tpu.memory_space<hbm>>) dst(%arg8 : memref<208x128xf32, #tpu.memory_space<vmem>>)
    %add3A_136 = arith.constant 2080 : i32
    %add3A_137 = arith.addi %mul3A_2, %add3A_136 : i32
    "tpu.region"() ({
      %run_scoped3A = tpu.sem_alloc : memref<!tpu.dma_semaphore, #tpu.memory_space<semaphore_mem>>
      %dma_start3A_385 = arith.constant 0 : i32
      %dma_start3A_386 = tpu.memref_slice %arg4[%add3A_137, %dma_start3A_385] : memref<212992x128xf32, #tpu.memory_space<hbm>> -> memref<208x128xf32, #tpu.memory_space<hbm>>
      %dma_start3A_387 = arith.constant 0 : i32
      %dma_start3A_388 = tpu.memref_slice %arg4[%add3A_137, %dma_start3A_387] : memref<212992x128xf32, #tpu.memory_space<hbm>> -> memref<208x128xf32, #tpu.memory_space<hbm>>
      tpu.enqueue_dma source(%arg8 : memref<208x128xf32, #tpu.memory_space<vmem>>) target(%dma_start3A_388 : memref<208x128xf32, #tpu.memory_space<hbm>>) target_semaphore(%run_scoped3A : memref<!tpu.dma_semaphore, #tpu.memory_space<semaphore_mem>>)
      %dma_wait3A_389 = arith.constant 0 : i32
      %dma_wait3A_390 = tpu.memref_slice %arg4[%add3A_137, %dma_wait3A_389] : memref<212992x128xf32, #tpu.memory_space<hbm>> -> memref<208x128xf32, #tpu.memory_space<hbm>>
      %dma_wait3A_391 = arith.constant 0 : i32
      %dma_wait3A_392 = tpu.memref_slice %arg4[%add3A_137, %dma_wait3A_391] : memref<212992x128xf32, #tpu.memory_space<hbm>> -> memref<208x128xf32, #tpu.memory_space<hbm>>
      tpu.wait_dma2 semaphore(%run_scoped3A : memref<!tpu.dma_semaphore, #tpu.memory_space<semaphore_mem>>) src(%arg8 : memref<208x128xf32, #tpu.memory_space<vmem>>) dst(%dma_wait3A_392 : memref<208x128xf32, #tpu.memory_space<hbm>>)
      tpu.yield
    }) : () -> ()
    %dma_wait3A_138 = arith.constant 2288 : i32
    %dma_wait3A_139 = tpu.memref_slice %arg5[%dma_wait3A_138] : memref<6656xi32, #tpu.memory_space<vmem>> -> memref<208xi32, #tpu.memory_space<vmem>>
    %dma_wait3A_140 = arith.constant 0 : i32
    %dma_wait3A_141 = arith.constant 0 : i32
    %dma_wait3A_142 = tpu.memref_slice %arg2[%dma_wait3A_140, %dma_wait3A_141] : memref<16384x128xf32, #tpu.memory_space<hbm>> -> memref<16384x128xf32, #tpu.memory_space<hbm>>
    tpu.wait_indirect_dma semaphore(%arg13 : memref<!tpu.dma_semaphore, #tpu.memory_space<semaphore_mem>>) src(%dma_wait3A_142 : memref<16384x128xf32, #tpu.memory_space<hbm>>) dst(%arg9 : memref<208x128xf32, #tpu.memory_space<vmem>>)
    %add3A_143 = arith.constant 2288 : i32
    %add3A_144 = arith.addi %mul3A_2, %add3A_143 : i32
    "tpu.region"() ({
      %run_scoped3A = tpu.sem_alloc : memref<!tpu.dma_semaphore, #tpu.memory_space<semaphore_mem>>
      %dma_start3A_385 = arith.constant 0 : i32
      %dma_start3A_386 = tpu.memref_slice %arg4[%add3A_144, %dma_start3A_385] : memref<212992x128xf32, #tpu.memory_space<hbm>> -> memref<208x128xf32, #tpu.memory_space<hbm>>
      %dma_start3A_387 = arith.constant 0 : i32
      %dma_start3A_388 = tpu.memref_slice %arg4[%add3A_144, %dma_start3A_387] : memref<212992x128xf32, #tpu.memory_space<hbm>> -> memref<208x128xf32, #tpu.memory_space<hbm>>
      tpu.enqueue_dma source(%arg9 : memref<208x128xf32, #tpu.memory_space<vmem>>) target(%dma_start3A_388 : memref<208x128xf32, #tpu.memory_space<hbm>>) target_semaphore(%run_scoped3A : memref<!tpu.dma_semaphore, #tpu.memory_space<semaphore_mem>>)
      %dma_wait3A_389 = arith.constant 0 : i32
      %dma_wait3A_390 = tpu.memref_slice %arg4[%add3A_144, %dma_wait3A_389] : memref<212992x128xf32, #tpu.memory_space<hbm>> -> memref<208x128xf32, #tpu.memory_space<hbm>>
      %dma_wait3A_391 = arith.constant 0 : i32
      %dma_wait3A_392 = tpu.memref_slice %arg4[%add3A_144, %dma_wait3A_391] : memref<212992x128xf32, #tpu.memory_space<hbm>> -> memref<208x128xf32, #tpu.memory_space<hbm>>
      tpu.wait_dma2 semaphore(%run_scoped3A : memref<!tpu.dma_semaphore, #tpu.memory_space<semaphore_mem>>) src(%arg9 : memref<208x128xf32, #tpu.memory_space<vmem>>) dst(%dma_wait3A_392 : memref<208x128xf32, #tpu.memory_space<hbm>>)
      tpu.yield
    }) : () -> ()
    %dma_start3A_145 = arith.constant 2496 : i32
    %dma_start3A_146 = tpu.memref_slice %arg5[%dma_start3A_145] : memref<6656xi32, #tpu.memory_space<vmem>> -> memref<208xi32, #tpu.memory_space<vmem>>
    %dma_start3A_147 = arith.constant 0 : i32
    %dma_start3A_148 = arith.constant 0 : i32
    %dma_start3A_149 = tpu.memref_slice %arg2[%dma_start3A_147, %dma_start3A_148] : memref<16384x128xf32, #tpu.memory_space<hbm>> -> memref<16384x128xf32, #tpu.memory_space<hbm>>
    tpu.enqueue_indirect_dma source(%dma_start3A_149 : memref<16384x128xf32, #tpu.memory_space<hbm>>) target(%arg6 : memref<208x128xf32, #tpu.memory_space<vmem>>) offsets(%dma_start3A_146 : memref<208xi32, #tpu.memory_space<vmem>>) semaphore(%arg10 : memref<!tpu.dma_semaphore, #tpu.memory_space<semaphore_mem>>)
    %dma_start3A_150 = arith.constant 2704 : i32
    %dma_start3A_151 = tpu.memref_slice %arg5[%dma_start3A_150] : memref<6656xi32, #tpu.memory_space<vmem>> -> memref<208xi32, #tpu.memory_space<vmem>>
    %dma_start3A_152 = arith.constant 0 : i32
    %dma_start3A_153 = arith.constant 0 : i32
    %dma_start3A_154 = tpu.memref_slice %arg2[%dma_start3A_152, %dma_start3A_153] : memref<16384x128xf32, #tpu.memory_space<hbm>> -> memref<16384x128xf32, #tpu.memory_space<hbm>>
    tpu.enqueue_indirect_dma source(%dma_start3A_154 : memref<16384x128xf32, #tpu.memory_space<hbm>>) target(%arg7 : memref<208x128xf32, #tpu.memory_space<vmem>>) offsets(%dma_start3A_151 : memref<208xi32, #tpu.memory_space<vmem>>) semaphore(%arg11 : memref<!tpu.dma_semaphore, #tpu.memory_space<semaphore_mem>>)
    %dma_start3A_155 = arith.constant 2912 : i32
    %dma_start3A_156 = tpu.memref_slice %arg5[%dma_start3A_155] : memref<6656xi32, #tpu.memory_space<vmem>> -> memref<208xi32, #tpu.memory_space<vmem>>
    %dma_start3A_157 = arith.constant 0 : i32
    %dma_start3A_158 = arith.constant 0 : i32
    %dma_start3A_159 = tpu.memref_slice %arg2[%dma_start3A_157, %dma_start3A_158] : memref<16384x128xf32, #tpu.memory_space<hbm>> -> memref<16384x128xf32, #tpu.memory_space<hbm>>
    tpu.enqueue_indirect_dma source(%dma_start3A_159 : memref<16384x128xf32, #tpu.memory_space<hbm>>) target(%arg8 : memref<208x128xf32, #tpu.memory_space<vmem>>) offsets(%dma_start3A_156 : memref<208xi32, #tpu.memory_space<vmem>>) semaphore(%arg12 : memref<!tpu.dma_semaphore, #tpu.memory_space<semaphore_mem>>)
    %dma_start3A_160 = arith.constant 3120 : i32
    %dma_start3A_161 = tpu.memref_slice %arg5[%dma_start3A_160] : memref<6656xi32, #tpu.memory_space<vmem>> -> memref<208xi32, #tpu.memory_space<vmem>>
    %dma_start3A_162 = arith.constant 0 : i32
    %dma_start3A_163 = arith.constant 0 : i32
    %dma_start3A_164 = tpu.memref_slice %arg2[%dma_start3A_162, %dma_start3A_163] : memref<16384x128xf32, #tpu.memory_space<hbm>> -> memref<16384x128xf32, #tpu.memory_space<hbm>>
    tpu.enqueue_indirect_dma source(%dma_start3A_164 : memref<16384x128xf32, #tpu.memory_space<hbm>>) target(%arg9 : memref<208x128xf32, #tpu.memory_space<vmem>>) offsets(%dma_start3A_161 : memref<208xi32, #tpu.memory_space<vmem>>) semaphore(%arg13 : memref<!tpu.dma_semaphore, #tpu.memory_space<semaphore_mem>>)
    %dma_wait3A_165 = arith.constant 2496 : i32
    %dma_wait3A_166 = tpu.memref_slice %arg5[%dma_wait3A_165] : memref<6656xi32, #tpu.memory_space<vmem>> -> memref<208xi32, #tpu.memory_space<vmem>>
    %dma_wait3A_167 = arith.constant 0 : i32
    %dma_wait3A_168 = arith.constant 0 : i32
    %dma_wait3A_169 = tpu.memref_slice %arg2[%dma_wait3A_167, %dma_wait3A_168] : memref<16384x128xf32, #tpu.memory_space<hbm>> -> memref<16384x128xf32, #tpu.memory_space<hbm>>
    tpu.wait_indirect_dma semaphore(%arg10 : memref<!tpu.dma_semaphore, #tpu.memory_space<semaphore_mem>>) src(%dma_wait3A_169 : memref<16384x128xf32, #tpu.memory_space<hbm>>) dst(%arg6 : memref<208x128xf32, #tpu.memory_space<vmem>>)
    %add3A_170 = arith.constant 2496 : i32
    %add3A_171 = arith.addi %mul3A_2, %add3A_170 : i32
    "tpu.region"() ({
      %run_scoped3A = tpu.sem_alloc : memref<!tpu.dma_semaphore, #tpu.memory_space<semaphore_mem>>
      %dma_start3A_385 = arith.constant 0 : i32
      %dma_start3A_386 = tpu.memref_slice %arg4[%add3A_171, %dma_start3A_385] : memref<212992x128xf32, #tpu.memory_space<hbm>> -> memref<208x128xf32, #tpu.memory_space<hbm>>
      %dma_start3A_387 = arith.constant 0 : i32
      %dma_start3A_388 = tpu.memref_slice %arg4[%add3A_171, %dma_start3A_387] : memref<212992x128xf32, #tpu.memory_space<hbm>> -> memref<208x128xf32, #tpu.memory_space<hbm>>
      tpu.enqueue_dma source(%arg6 : memref<208x128xf32, #tpu.memory_space<vmem>>) target(%dma_start3A_388 : memref<208x128xf32, #tpu.memory_space<hbm>>) target_semaphore(%run_scoped3A : memref<!tpu.dma_semaphore, #tpu.memory_space<semaphore_mem>>)
      %dma_wait3A_389 = arith.constant 0 : i32
      %dma_wait3A_390 = tpu.memref_slice %arg4[%add3A_171, %dma_wait3A_389] : memref<212992x128xf32, #tpu.memory_space<hbm>> -> memref<208x128xf32, #tpu.memory_space<hbm>>
      %dma_wait3A_391 = arith.constant 0 : i32
      %dma_wait3A_392 = tpu.memref_slice %arg4[%add3A_171, %dma_wait3A_391] : memref<212992x128xf32, #tpu.memory_space<hbm>> -> memref<208x128xf32, #tpu.memory_space<hbm>>
      tpu.wait_dma2 semaphore(%run_scoped3A : memref<!tpu.dma_semaphore, #tpu.memory_space<semaphore_mem>>) src(%arg6 : memref<208x128xf32, #tpu.memory_space<vmem>>) dst(%dma_wait3A_392 : memref<208x128xf32, #tpu.memory_space<hbm>>)
      tpu.yield
    }) : () -> ()
    %dma_wait3A_172 = arith.constant 2704 : i32
    %dma_wait3A_173 = tpu.memref_slice %arg5[%dma_wait3A_172] : memref<6656xi32, #tpu.memory_space<vmem>> -> memref<208xi32, #tpu.memory_space<vmem>>
    %dma_wait3A_174 = arith.constant 0 : i32
    %dma_wait3A_175 = arith.constant 0 : i32
    %dma_wait3A_176 = tpu.memref_slice %arg2[%dma_wait3A_174, %dma_wait3A_175] : memref<16384x128xf32, #tpu.memory_space<hbm>> -> memref<16384x128xf32, #tpu.memory_space<hbm>>
    tpu.wait_indirect_dma semaphore(%arg11 : memref<!tpu.dma_semaphore, #tpu.memory_space<semaphore_mem>>) src(%dma_wait3A_176 : memref<16384x128xf32, #tpu.memory_space<hbm>>) dst(%arg7 : memref<208x128xf32, #tpu.memory_space<vmem>>)
    %add3A_177 = arith.constant 2704 : i32
    %add3A_178 = arith.addi %mul3A_2, %add3A_177 : i32
    "tpu.region"() ({
      %run_scoped3A = tpu.sem_alloc : memref<!tpu.dma_semaphore, #tpu.memory_space<semaphore_mem>>
      %dma_start3A_385 = arith.constant 0 : i32
      %dma_start3A_386 = tpu.memref_slice %arg4[%add3A_178, %dma_start3A_385] : memref<212992x128xf32, #tpu.memory_space<hbm>> -> memref<208x128xf32, #tpu.memory_space<hbm>>
      %dma_start3A_387 = arith.constant 0 : i32
      %dma_start3A_388 = tpu.memref_slice %arg4[%add3A_178, %dma_start3A_387] : memref<212992x128xf32, #tpu.memory_space<hbm>> -> memref<208x128xf32, #tpu.memory_space<hbm>>
      tpu.enqueue_dma source(%arg7 : memref<208x128xf32, #tpu.memory_space<vmem>>) target(%dma_start3A_388 : memref<208x128xf32, #tpu.memory_space<hbm>>) target_semaphore(%run_scoped3A : memref<!tpu.dma_semaphore, #tpu.memory_space<semaphore_mem>>)
      %dma_wait3A_389 = arith.constant 0 : i32
      %dma_wait3A_390 = tpu.memref_slice %arg4[%add3A_178, %dma_wait3A_389] : memref<212992x128xf32, #tpu.memory_space<hbm>> -> memref<208x128xf32, #tpu.memory_space<hbm>>
      %dma_wait3A_391 = arith.constant 0 : i32
      %dma_wait3A_392 = tpu.memref_slice %arg4[%add3A_178, %dma_wait3A_391] : memref<212992x128xf32, #tpu.memory_space<hbm>> -> memref<208x128xf32, #tpu.memory_space<hbm>>
      tpu.wait_dma2 semaphore(%run_scoped3A : memref<!tpu.dma_semaphore, #tpu.memory_space<semaphore_mem>>) src(%arg7 : memref<208x128xf32, #tpu.memory_space<vmem>>) dst(%dma_wait3A_392 : memref<208x128xf32, #tpu.memory_space<hbm>>)
      tpu.yield
    }) : () -> ()
    %dma_wait3A_179 = arith.constant 2912 : i32
    %dma_wait3A_180 = tpu.memref_slice %arg5[%dma_wait3A_179] : memref<6656xi32, #tpu.memory_space<vmem>> -> memref<208xi32, #tpu.memory_space<vmem>>
    %dma_wait3A_181 = arith.constant 0 : i32
    %dma_wait3A_182 = arith.constant 0 : i32
    %dma_wait3A_183 = tpu.memref_slice %arg2[%dma_wait3A_181, %dma_wait3A_182] : memref<16384x128xf32, #tpu.memory_space<hbm>> -> memref<16384x128xf32, #tpu.memory_space<hbm>>
    tpu.wait_indirect_dma semaphore(%arg12 : memref<!tpu.dma_semaphore, #tpu.memory_space<semaphore_mem>>) src(%dma_wait3A_183 : memref<16384x128xf32, #tpu.memory_space<hbm>>) dst(%arg8 : memref<208x128xf32, #tpu.memory_space<vmem>>)
    %add3A_184 = arith.constant 2912 : i32
    %add3A_185 = arith.addi %mul3A_2, %add3A_184 : i32
    "tpu.region"() ({
      %run_scoped3A = tpu.sem_alloc : memref<!tpu.dma_semaphore, #tpu.memory_space<semaphore_mem>>
      %dma_start3A_385 = arith.constant 0 : i32
      %dma_start3A_386 = tpu.memref_slice %arg4[%add3A_185, %dma_start3A_385] : memref<212992x128xf32, #tpu.memory_space<hbm>> -> memref<208x128xf32, #tpu.memory_space<hbm>>
      %dma_start3A_387 = arith.constant 0 : i32
      %dma_start3A_388 = tpu.memref_slice %arg4[%add3A_185, %dma_start3A_387] : memref<212992x128xf32, #tpu.memory_space<hbm>> -> memref<208x128xf32, #tpu.memory_space<hbm>>
      tpu.enqueue_dma source(%arg8 : memref<208x128xf32, #tpu.memory_space<vmem>>) target(%dma_start3A_388 : memref<208x128xf32, #tpu.memory_space<hbm>>) target_semaphore(%run_scoped3A : memref<!tpu.dma_semaphore, #tpu.memory_space<semaphore_mem>>)
      %dma_wait3A_389 = arith.constant 0 : i32
      %dma_wait3A_390 = tpu.memref_slice %arg4[%add3A_185, %dma_wait3A_389] : memref<212992x128xf32, #tpu.memory_space<hbm>> -> memref<208x128xf32, #tpu.memory_space<hbm>>
      %dma_wait3A_391 = arith.constant 0 : i32
      %dma_wait3A_392 = tpu.memref_slice %arg4[%add3A_185, %dma_wait3A_391] : memref<212992x128xf32, #tpu.memory_space<hbm>> -> memref<208x128xf32, #tpu.memory_space<hbm>>
      tpu.wait_dma2 semaphore(%run_scoped3A : memref<!tpu.dma_semaphore, #tpu.memory_space<semaphore_mem>>) src(%arg8 : memref<208x128xf32, #tpu.memory_space<vmem>>) dst(%dma_wait3A_392 : memref<208x128xf32, #tpu.memory_space<hbm>>)
      tpu.yield
    }) : () -> ()
    %dma_wait3A_186 = arith.constant 3120 : i32
    %dma_wait3A_187 = tpu.memref_slice %arg5[%dma_wait3A_186] : memref<6656xi32, #tpu.memory_space<vmem>> -> memref<208xi32, #tpu.memory_space<vmem>>
    %dma_wait3A_188 = arith.constant 0 : i32
    %dma_wait3A_189 = arith.constant 0 : i32
    %dma_wait3A_190 = tpu.memref_slice %arg2[%dma_wait3A_188, %dma_wait3A_189] : memref<16384x128xf32, #tpu.memory_space<hbm>> -> memref<16384x128xf32, #tpu.memory_space<hbm>>
    tpu.wait_indirect_dma semaphore(%arg13 : memref<!tpu.dma_semaphore, #tpu.memory_space<semaphore_mem>>) src(%dma_wait3A_190 : memref<16384x128xf32, #tpu.memory_space<hbm>>) dst(%arg9 : memref<208x128xf32, #tpu.memory_space<vmem>>)
    %add3A_191 = arith.constant 3120 : i32
    %add3A_192 = arith.addi %mul3A_2, %add3A_191 : i32
    "tpu.region"() ({
      %run_scoped3A = tpu.sem_alloc : memref<!tpu.dma_semaphore, #tpu.memory_space<semaphore_mem>>
      %dma_start3A_385 = arith.constant 0 : i32
      %dma_start3A_386 = tpu.memref_slice %arg4[%add3A_192, %dma_start3A_385] : memref<212992x128xf32, #tpu.memory_space<hbm>> -> memref<208x128xf32, #tpu.memory_space<hbm>>
      %dma_start3A_387 = arith.constant 0 : i32
      %dma_start3A_388 = tpu.memref_slice %arg4[%add3A_192, %dma_start3A_387] : memref<212992x128xf32, #tpu.memory_space<hbm>> -> memref<208x128xf32, #tpu.memory_space<hbm>>
      tpu.enqueue_dma source(%arg9 : memref<208x128xf32, #tpu.memory_space<vmem>>) target(%dma_start3A_388 : memref<208x128xf32, #tpu.memory_space<hbm>>) target_semaphore(%run_scoped3A : memref<!tpu.dma_semaphore, #tpu.memory_space<semaphore_mem>>)
      %dma_wait3A_389 = arith.constant 0 : i32
      %dma_wait3A_390 = tpu.memref_slice %arg4[%add3A_192, %dma_wait3A_389] : memref<212992x128xf32, #tpu.memory_space<hbm>> -> memref<208x128xf32, #tpu.memory_space<hbm>>
      %dma_wait3A_391 = arith.constant 0 : i32
      %dma_wait3A_392 = tpu.memref_slice %arg4[%add3A_192, %dma_wait3A_391] : memref<212992x128xf32, #tpu.memory_space<hbm>> -> memref<208x128xf32, #tpu.memory_space<hbm>>
      tpu.wait_dma2 semaphore(%run_scoped3A : memref<!tpu.dma_semaphore, #tpu.memory_space<semaphore_mem>>) src(%arg9 : memref<208x128xf32, #tpu.memory_space<vmem>>) dst(%dma_wait3A_392 : memref<208x128xf32, #tpu.memory_space<hbm>>)
      tpu.yield
    }) : () -> ()
    %dma_start3A_193 = arith.constant 3328 : i32
    %dma_start3A_194 = tpu.memref_slice %arg5[%dma_start3A_193] : memref<6656xi32, #tpu.memory_space<vmem>> -> memref<208xi32, #tpu.memory_space<vmem>>
    %dma_start3A_195 = arith.constant 0 : i32
    %dma_start3A_196 = arith.constant 0 : i32
    %dma_start3A_197 = tpu.memref_slice %arg2[%dma_start3A_195, %dma_start3A_196] : memref<16384x128xf32, #tpu.memory_space<hbm>> -> memref<16384x128xf32, #tpu.memory_space<hbm>>
    tpu.enqueue_indirect_dma source(%dma_start3A_197 : memref<16384x128xf32, #tpu.memory_space<hbm>>) target(%arg6 : memref<208x128xf32, #tpu.memory_space<vmem>>) offsets(%dma_start3A_194 : memref<208xi32, #tpu.memory_space<vmem>>) semaphore(%arg10 : memref<!tpu.dma_semaphore, #tpu.memory_space<semaphore_mem>>)
    %dma_start3A_198 = arith.constant 3536 : i32
    %dma_start3A_199 = tpu.memref_slice %arg5[%dma_start3A_198] : memref<6656xi32, #tpu.memory_space<vmem>> -> memref<208xi32, #tpu.memory_space<vmem>>
    %dma_start3A_200 = arith.constant 0 : i32
    %dma_start3A_201 = arith.constant 0 : i32
    %dma_start3A_202 = tpu.memref_slice %arg2[%dma_start3A_200, %dma_start3A_201] : memref<16384x128xf32, #tpu.memory_space<hbm>> -> memref<16384x128xf32, #tpu.memory_space<hbm>>
    tpu.enqueue_indirect_dma source(%dma_start3A_202 : memref<16384x128xf32, #tpu.memory_space<hbm>>) target(%arg7 : memref<208x128xf32, #tpu.memory_space<vmem>>) offsets(%dma_start3A_199 : memref<208xi32, #tpu.memory_space<vmem>>) semaphore(%arg11 : memref<!tpu.dma_semaphore, #tpu.memory_space<semaphore_mem>>)
    %dma_start3A_203 = arith.constant 3744 : i32
    %dma_start3A_204 = tpu.memref_slice %arg5[%dma_start3A_203] : memref<6656xi32, #tpu.memory_space<vmem>> -> memref<208xi32, #tpu.memory_space<vmem>>
    %dma_start3A_205 = arith.constant 0 : i32
    %dma_start3A_206 = arith.constant 0 : i32
    %dma_start3A_207 = tpu.memref_slice %arg2[%dma_start3A_205, %dma_start3A_206] : memref<16384x128xf32, #tpu.memory_space<hbm>> -> memref<16384x128xf32, #tpu.memory_space<hbm>>
    tpu.enqueue_indirect_dma source(%dma_start3A_207 : memref<16384x128xf32, #tpu.memory_space<hbm>>) target(%arg8 : memref<208x128xf32, #tpu.memory_space<vmem>>) offsets(%dma_start3A_204 : memref<208xi32, #tpu.memory_space<vmem>>) semaphore(%arg12 : memref<!tpu.dma_semaphore, #tpu.memory_space<semaphore_mem>>)
    %dma_start3A_208 = arith.constant 3952 : i32
    %dma_start3A_209 = tpu.memref_slice %arg5[%dma_start3A_208] : memref<6656xi32, #tpu.memory_space<vmem>> -> memref<208xi32, #tpu.memory_space<vmem>>
    %dma_start3A_210 = arith.constant 0 : i32
    %dma_start3A_211 = arith.constant 0 : i32
    %dma_start3A_212 = tpu.memref_slice %arg2[%dma_start3A_210, %dma_start3A_211] : memref<16384x128xf32, #tpu.memory_space<hbm>> -> memref<16384x128xf32, #tpu.memory_space<hbm>>
    tpu.enqueue_indirect_dma source(%dma_start3A_212 : memref<16384x128xf32, #tpu.memory_space<hbm>>) target(%arg9 : memref<208x128xf32, #tpu.memory_space<vmem>>) offsets(%dma_start3A_209 : memref<208xi32, #tpu.memory_space<vmem>>) semaphore(%arg13 : memref<!tpu.dma_semaphore, #tpu.memory_space<semaphore_mem>>)
    %dma_wait3A_213 = arith.constant 3328 : i32
    %dma_wait3A_214 = tpu.memref_slice %arg5[%dma_wait3A_213] : memref<6656xi32, #tpu.memory_space<vmem>> -> memref<208xi32, #tpu.memory_space<vmem>>
    %dma_wait3A_215 = arith.constant 0 : i32
    %dma_wait3A_216 = arith.constant 0 : i32
    %dma_wait3A_217 = tpu.memref_slice %arg2[%dma_wait3A_215, %dma_wait3A_216] : memref<16384x128xf32, #tpu.memory_space<hbm>> -> memref<16384x128xf32, #tpu.memory_space<hbm>>
    tpu.wait_indirect_dma semaphore(%arg10 : memref<!tpu.dma_semaphore, #tpu.memory_space<semaphore_mem>>) src(%dma_wait3A_217 : memref<16384x128xf32, #tpu.memory_space<hbm>>) dst(%arg6 : memref<208x128xf32, #tpu.memory_space<vmem>>)
    %add3A_218 = arith.constant 3328 : i32
    %add3A_219 = arith.addi %mul3A_2, %add3A_218 : i32
    "tpu.region"() ({
      %run_scoped3A = tpu.sem_alloc : memref<!tpu.dma_semaphore, #tpu.memory_space<semaphore_mem>>
      %dma_start3A_385 = arith.constant 0 : i32
      %dma_start3A_386 = tpu.memref_slice %arg4[%add3A_219, %dma_start3A_385] : memref<212992x128xf32, #tpu.memory_space<hbm>> -> memref<208x128xf32, #tpu.memory_space<hbm>>
      %dma_start3A_387 = arith.constant 0 : i32
      %dma_start3A_388 = tpu.memref_slice %arg4[%add3A_219, %dma_start3A_387] : memref<212992x128xf32, #tpu.memory_space<hbm>> -> memref<208x128xf32, #tpu.memory_space<hbm>>
      tpu.enqueue_dma source(%arg6 : memref<208x128xf32, #tpu.memory_space<vmem>>) target(%dma_start3A_388 : memref<208x128xf32, #tpu.memory_space<hbm>>) target_semaphore(%run_scoped3A : memref<!tpu.dma_semaphore, #tpu.memory_space<semaphore_mem>>)
      %dma_wait3A_389 = arith.constant 0 : i32
      %dma_wait3A_390 = tpu.memref_slice %arg4[%add3A_219, %dma_wait3A_389] : memref<212992x128xf32, #tpu.memory_space<hbm>> -> memref<208x128xf32, #tpu.memory_space<hbm>>
      %dma_wait3A_391 = arith.constant 0 : i32
      %dma_wait3A_392 = tpu.memref_slice %arg4[%add3A_219, %dma_wait3A_391] : memref<212992x128xf32, #tpu.memory_space<hbm>> -> memref<208x128xf32, #tpu.memory_space<hbm>>
      tpu.wait_dma2 semaphore(%run_scoped3A : memref<!tpu.dma_semaphore, #tpu.memory_space<semaphore_mem>>) src(%arg6 : memref<208x128xf32, #tpu.memory_space<vmem>>) dst(%dma_wait3A_392 : memref<208x128xf32, #tpu.memory_space<hbm>>)
      tpu.yield
    }) : () -> ()
    %dma_wait3A_220 = arith.constant 3536 : i32
    %dma_wait3A_221 = tpu.memref_slice %arg5[%dma_wait3A_220] : memref<6656xi32, #tpu.memory_space<vmem>> -> memref<208xi32, #tpu.memory_space<vmem>>
    %dma_wait3A_222 = arith.constant 0 : i32
    %dma_wait3A_223 = arith.constant 0 : i32
    %dma_wait3A_224 = tpu.memref_slice %arg2[%dma_wait3A_222, %dma_wait3A_223] : memref<16384x128xf32, #tpu.memory_space<hbm>> -> memref<16384x128xf32, #tpu.memory_space<hbm>>
    tpu.wait_indirect_dma semaphore(%arg11 : memref<!tpu.dma_semaphore, #tpu.memory_space<semaphore_mem>>) src(%dma_wait3A_224 : memref<16384x128xf32, #tpu.memory_space<hbm>>) dst(%arg7 : memref<208x128xf32, #tpu.memory_space<vmem>>)
    %add3A_225 = arith.constant 3536 : i32
    %add3A_226 = arith.addi %mul3A_2, %add3A_225 : i32
    "tpu.region"() ({
      %run_scoped3A = tpu.sem_alloc : memref<!tpu.dma_semaphore, #tpu.memory_space<semaphore_mem>>
      %dma_start3A_385 = arith.constant 0 : i32
      %dma_start3A_386 = tpu.memref_slice %arg4[%add3A_226, %dma_start3A_385] : memref<212992x128xf32, #tpu.memory_space<hbm>> -> memref<208x128xf32, #tpu.memory_space<hbm>>
      %dma_start3A_387 = arith.constant 0 : i32
      %dma_start3A_388 = tpu.memref_slice %arg4[%add3A_226, %dma_start3A_387] : memref<212992x128xf32, #tpu.memory_space<hbm>> -> memref<208x128xf32, #tpu.memory_space<hbm>>
      tpu.enqueue_dma source(%arg7 : memref<208x128xf32, #tpu.memory_space<vmem>>) target(%dma_start3A_388 : memref<208x128xf32, #tpu.memory_space<hbm>>) target_semaphore(%run_scoped3A : memref<!tpu.dma_semaphore, #tpu.memory_space<semaphore_mem>>)
      %dma_wait3A_389 = arith.constant 0 : i32
      %dma_wait3A_390 = tpu.memref_slice %arg4[%add3A_226, %dma_wait3A_389] : memref<212992x128xf32, #tpu.memory_space<hbm>> -> memref<208x128xf32, #tpu.memory_space<hbm>>
      %dma_wait3A_391 = arith.constant 0 : i32
      %dma_wait3A_392 = tpu.memref_slice %arg4[%add3A_226, %dma_wait3A_391] : memref<212992x128xf32, #tpu.memory_space<hbm>> -> memref<208x128xf32, #tpu.memory_space<hbm>>
      tpu.wait_dma2 semaphore(%run_scoped3A : memref<!tpu.dma_semaphore, #tpu.memory_space<semaphore_mem>>) src(%arg7 : memref<208x128xf32, #tpu.memory_space<vmem>>) dst(%dma_wait3A_392 : memref<208x128xf32, #tpu.memory_space<hbm>>)
      tpu.yield
    }) : () -> ()
    %dma_wait3A_227 = arith.constant 3744 : i32
    %dma_wait3A_228 = tpu.memref_slice %arg5[%dma_wait3A_227] : memref<6656xi32, #tpu.memory_space<vmem>> -> memref<208xi32, #tpu.memory_space<vmem>>
    %dma_wait3A_229 = arith.constant 0 : i32
    %dma_wait3A_230 = arith.constant 0 : i32
    %dma_wait3A_231 = tpu.memref_slice %arg2[%dma_wait3A_229, %dma_wait3A_230] : memref<16384x128xf32, #tpu.memory_space<hbm>> -> memref<16384x128xf32, #tpu.memory_space<hbm>>
    tpu.wait_indirect_dma semaphore(%arg12 : memref<!tpu.dma_semaphore, #tpu.memory_space<semaphore_mem>>) src(%dma_wait3A_231 : memref<16384x128xf32, #tpu.memory_space<hbm>>) dst(%arg8 : memref<208x128xf32, #tpu.memory_space<vmem>>)
    %add3A_232 = arith.constant 3744 : i32
    %add3A_233 = arith.addi %mul3A_2, %add3A_232 : i32
    "tpu.region"() ({
      %run_scoped3A = tpu.sem_alloc : memref<!tpu.dma_semaphore, #tpu.memory_space<semaphore_mem>>
      %dma_start3A_385 = arith.constant 0 : i32
      %dma_start3A_386 = tpu.memref_slice %arg4[%add3A_233, %dma_start3A_385] : memref<212992x128xf32, #tpu.memory_space<hbm>> -> memref<208x128xf32, #tpu.memory_space<hbm>>
      %dma_start3A_387 = arith.constant 0 : i32
      %dma_start3A_388 = tpu.memref_slice %arg4[%add3A_233, %dma_start3A_387] : memref<212992x128xf32, #tpu.memory_space<hbm>> -> memref<208x128xf32, #tpu.memory_space<hbm>>
      tpu.enqueue_dma source(%arg8 : memref<208x128xf32, #tpu.memory_space<vmem>>) target(%dma_start3A_388 : memref<208x128xf32, #tpu.memory_space<hbm>>) target_semaphore(%run_scoped3A : memref<!tpu.dma_semaphore, #tpu.memory_space<semaphore_mem>>)
      %dma_wait3A_389 = arith.constant 0 : i32
      %dma_wait3A_390 = tpu.memref_slice %arg4[%add3A_233, %dma_wait3A_389] : memref<212992x128xf32, #tpu.memory_space<hbm>> -> memref<208x128xf32, #tpu.memory_space<hbm>>
      %dma_wait3A_391 = arith.constant 0 : i32
      %dma_wait3A_392 = tpu.memref_slice %arg4[%add3A_233, %dma_wait3A_391] : memref<212992x128xf32, #tpu.memory_space<hbm>> -> memref<208x128xf32, #tpu.memory_space<hbm>>
      tpu.wait_dma2 semaphore(%run_scoped3A : memref<!tpu.dma_semaphore, #tpu.memory_space<semaphore_mem>>) src(%arg8 : memref<208x128xf32, #tpu.memory_space<vmem>>) dst(%dma_wait3A_392 : memref<208x128xf32, #tpu.memory_space<hbm>>)
      tpu.yield
    }) : () -> ()
    %dma_wait3A_234 = arith.constant 3952 : i32
    %dma_wait3A_235 = tpu.memref_slice %arg5[%dma_wait3A_234] : memref<6656xi32, #tpu.memory_space<vmem>> -> memref<208xi32, #tpu.memory_space<vmem>>
    %dma_wait3A_236 = arith.constant 0 : i32
    %dma_wait3A_237 = arith.constant 0 : i32
    %dma_wait3A_238 = tpu.memref_slice %arg2[%dma_wait3A_236, %dma_wait3A_237] : memref<16384x128xf32, #tpu.memory_space<hbm>> -> memref<16384x128xf32, #tpu.memory_space<hbm>>
    tpu.wait_indirect_dma semaphore(%arg13 : memref<!tpu.dma_semaphore, #tpu.memory_space<semaphore_mem>>) src(%dma_wait3A_238 : memref<16384x128xf32, #tpu.memory_space<hbm>>) dst(%arg9 : memref<208x128xf32, #tpu.memory_space<vmem>>)
    %add3A_239 = arith.constant 3952 : i32
    %add3A_240 = arith.addi %mul3A_2, %add3A_239 : i32
    "tpu.region"() ({
      %run_scoped3A = tpu.sem_alloc : memref<!tpu.dma_semaphore, #tpu.memory_space<semaphore_mem>>
      %dma_start3A_385 = arith.constant 0 : i32
      %dma_start3A_386 = tpu.memref_slice %arg4[%add3A_240, %dma_start3A_385] : memref<212992x128xf32, #tpu.memory_space<hbm>> -> memref<208x128xf32, #tpu.memory_space<hbm>>
      %dma_start3A_387 = arith.constant 0 : i32
      %dma_start3A_388 = tpu.memref_slice %arg4[%add3A_240, %dma_start3A_387] : memref<212992x128xf32, #tpu.memory_space<hbm>> -> memref<208x128xf32, #tpu.memory_space<hbm>>
      tpu.enqueue_dma source(%arg9 : memref<208x128xf32, #tpu.memory_space<vmem>>) target(%dma_start3A_388 : memref<208x128xf32, #tpu.memory_space<hbm>>) target_semaphore(%run_scoped3A : memref<!tpu.dma_semaphore, #tpu.memory_space<semaphore_mem>>)
      %dma_wait3A_389 = arith.constant 0 : i32
      %dma_wait3A_390 = tpu.memref_slice %arg4[%add3A_240, %dma_wait3A_389] : memref<212992x128xf32, #tpu.memory_space<hbm>> -> memref<208x128xf32, #tpu.memory_space<hbm>>
      %dma_wait3A_391 = arith.constant 0 : i32
      %dma_wait3A_392 = tpu.memref_slice %arg4[%add3A_240, %dma_wait3A_391] : memref<212992x128xf32, #tpu.memory_space<hbm>> -> memref<208x128xf32, #tpu.memory_space<hbm>>
      tpu.wait_dma2 semaphore(%run_scoped3A : memref<!tpu.dma_semaphore, #tpu.memory_space<semaphore_mem>>) src(%arg9 : memref<208x128xf32, #tpu.memory_space<vmem>>) dst(%dma_wait3A_392 : memref<208x128xf32, #tpu.memory_space<hbm>>)
      tpu.yield
    }) : () -> ()
    %dma_start3A_241 = arith.constant 4160 : i32
    %dma_start3A_242 = tpu.memref_slice %arg5[%dma_start3A_241] : memref<6656xi32, #tpu.memory_space<vmem>> -> memref<208xi32, #tpu.memory_space<vmem>>
    %dma_start3A_243 = arith.constant 0 : i32
    %dma_start3A_244 = arith.constant 0 : i32
    %dma_start3A_245 = tpu.memref_slice %arg2[%dma_start3A_243, %dma_start3A_244] : memref<16384x128xf32, #tpu.memory_space<hbm>> -> memref<16384x128xf32, #tpu.memory_space<hbm>>
    tpu.enqueue_indirect_dma source(%dma_start3A_245 : memref<16384x128xf32, #tpu.memory_space<hbm>>) target(%arg6 : memref<208x128xf32, #tpu.memory_space<vmem>>) offsets(%dma_start3A_242 : memref<208xi32, #tpu.memory_space<vmem>>) semaphore(%arg10 : memref<!tpu.dma_semaphore, #tpu.memory_space<semaphore_mem>>)
    %dma_start3A_246 = arith.constant 4368 : i32
    %dma_start3A_247 = tpu.memref_slice %arg5[%dma_start3A_246] : memref<6656xi32, #tpu.memory_space<vmem>> -> memref<208xi32, #tpu.memory_space<vmem>>
    %dma_start3A_248 = arith.constant 0 : i32
    %dma_start3A_249 = arith.constant 0 : i32
    %dma_start3A_250 = tpu.memref_slice %arg2[%dma_start3A_248, %dma_start3A_249] : memref<16384x128xf32, #tpu.memory_space<hbm>> -> memref<16384x128xf32, #tpu.memory_space<hbm>>
    tpu.enqueue_indirect_dma source(%dma_start3A_250 : memref<16384x128xf32, #tpu.memory_space<hbm>>) target(%arg7 : memref<208x128xf32, #tpu.memory_space<vmem>>) offsets(%dma_start3A_247 : memref<208xi32, #tpu.memory_space<vmem>>) semaphore(%arg11 : memref<!tpu.dma_semaphore, #tpu.memory_space<semaphore_mem>>)
    %dma_start3A_251 = arith.constant 4576 : i32
    %dma_start3A_252 = tpu.memref_slice %arg5[%dma_start3A_251] : memref<6656xi32, #tpu.memory_space<vmem>> -> memref<208xi32, #tpu.memory_space<vmem>>
    %dma_start3A_253 = arith.constant 0 : i32
    %dma_start3A_254 = arith.constant 0 : i32
    %dma_start3A_255 = tpu.memref_slice %arg2[%dma_start3A_253, %dma_start3A_254] : memref<16384x128xf32, #tpu.memory_space<hbm>> -> memref<16384x128xf32, #tpu.memory_space<hbm>>
    tpu.enqueue_indirect_dma source(%dma_start3A_255 : memref<16384x128xf32, #tpu.memory_space<hbm>>) target(%arg8 : memref<208x128xf32, #tpu.memory_space<vmem>>) offsets(%dma_start3A_252 : memref<208xi32, #tpu.memory_space<vmem>>) semaphore(%arg12 : memref<!tpu.dma_semaphore, #tpu.memory_space<semaphore_mem>>)
    %dma_start3A_256 = arith.constant 4784 : i32
    %dma_start3A_257 = tpu.memref_slice %arg5[%dma_start3A_256] : memref<6656xi32, #tpu.memory_space<vmem>> -> memref<208xi32, #tpu.memory_space<vmem>>
    %dma_start3A_258 = arith.constant 0 : i32
    %dma_start3A_259 = arith.constant 0 : i32
    %dma_start3A_260 = tpu.memref_slice %arg2[%dma_start3A_258, %dma_start3A_259] : memref<16384x128xf32, #tpu.memory_space<hbm>> -> memref<16384x128xf32, #tpu.memory_space<hbm>>
    tpu.enqueue_indirect_dma source(%dma_start3A_260 : memref<16384x128xf32, #tpu.memory_space<hbm>>) target(%arg9 : memref<208x128xf32, #tpu.memory_space<vmem>>) offsets(%dma_start3A_257 : memref<208xi32, #tpu.memory_space<vmem>>) semaphore(%arg13 : memref<!tpu.dma_semaphore, #tpu.memory_space<semaphore_mem>>)
    %dma_wait3A_261 = arith.constant 4160 : i32
    %dma_wait3A_262 = tpu.memref_slice %arg5[%dma_wait3A_261] : memref<6656xi32, #tpu.memory_space<vmem>> -> memref<208xi32, #tpu.memory_space<vmem>>
    %dma_wait3A_263 = arith.constant 0 : i32
    %dma_wait3A_264 = arith.constant 0 : i32
    %dma_wait3A_265 = tpu.memref_slice %arg2[%dma_wait3A_263, %dma_wait3A_264] : memref<16384x128xf32, #tpu.memory_space<hbm>> -> memref<16384x128xf32, #tpu.memory_space<hbm>>
    tpu.wait_indirect_dma semaphore(%arg10 : memref<!tpu.dma_semaphore, #tpu.memory_space<semaphore_mem>>) src(%dma_wait3A_265 : memref<16384x128xf32, #tpu.memory_space<hbm>>) dst(%arg6 : memref<208x128xf32, #tpu.memory_space<vmem>>)
    %add3A_266 = arith.constant 4160 : i32
    %add3A_267 = arith.addi %mul3A_2, %add3A_266 : i32
    "tpu.region"() ({
      %run_scoped3A = tpu.sem_alloc : memref<!tpu.dma_semaphore, #tpu.memory_space<semaphore_mem>>
      %dma_start3A_385 = arith.constant 0 : i32
      %dma_start3A_386 = tpu.memref_slice %arg4[%add3A_267, %dma_start3A_385] : memref<212992x128xf32, #tpu.memory_space<hbm>> -> memref<208x128xf32, #tpu.memory_space<hbm>>
      %dma_start3A_387 = arith.constant 0 : i32
      %dma_start3A_388 = tpu.memref_slice %arg4[%add3A_267, %dma_start3A_387] : memref<212992x128xf32, #tpu.memory_space<hbm>> -> memref<208x128xf32, #tpu.memory_space<hbm>>
      tpu.enqueue_dma source(%arg6 : memref<208x128xf32, #tpu.memory_space<vmem>>) target(%dma_start3A_388 : memref<208x128xf32, #tpu.memory_space<hbm>>) target_semaphore(%run_scoped3A : memref<!tpu.dma_semaphore, #tpu.memory_space<semaphore_mem>>)
      %dma_wait3A_389 = arith.constant 0 : i32
      %dma_wait3A_390 = tpu.memref_slice %arg4[%add3A_267, %dma_wait3A_389] : memref<212992x128xf32, #tpu.memory_space<hbm>> -> memref<208x128xf32, #tpu.memory_space<hbm>>
      %dma_wait3A_391 = arith.constant 0 : i32
      %dma_wait3A_392 = tpu.memref_slice %arg4[%add3A_267, %dma_wait3A_391] : memref<212992x128xf32, #tpu.memory_space<hbm>> -> memref<208x128xf32, #tpu.memory_space<hbm>>
      tpu.wait_dma2 semaphore(%run_scoped3A : memref<!tpu.dma_semaphore, #tpu.memory_space<semaphore_mem>>) src(%arg6 : memref<208x128xf32, #tpu.memory_space<vmem>>) dst(%dma_wait3A_392 : memref<208x128xf32, #tpu.memory_space<hbm>>)
      tpu.yield
    }) : () -> ()
    %dma_wait3A_268 = arith.constant 4368 : i32
    %dma_wait3A_269 = tpu.memref_slice %arg5[%dma_wait3A_268] : memref<6656xi32, #tpu.memory_space<vmem>> -> memref<208xi32, #tpu.memory_space<vmem>>
    %dma_wait3A_270 = arith.constant 0 : i32
    %dma_wait3A_271 = arith.constant 0 : i32
    %dma_wait3A_272 = tpu.memref_slice %arg2[%dma_wait3A_270, %dma_wait3A_271] : memref<16384x128xf32, #tpu.memory_space<hbm>> -> memref<16384x128xf32, #tpu.memory_space<hbm>>
    tpu.wait_indirect_dma semaphore(%arg11 : memref<!tpu.dma_semaphore, #tpu.memory_space<semaphore_mem>>) src(%dma_wait3A_272 : memref<16384x128xf32, #tpu.memory_space<hbm>>) dst(%arg7 : memref<208x128xf32, #tpu.memory_space<vmem>>)
    %add3A_273 = arith.constant 4368 : i32
    %add3A_274 = arith.addi %mul3A_2, %add3A_273 : i32
    "tpu.region"() ({
      %run_scoped3A = tpu.sem_alloc : memref<!tpu.dma_semaphore, #tpu.memory_space<semaphore_mem>>
      %dma_start3A_385 = arith.constant 0 : i32
      %dma_start3A_386 = tpu.memref_slice %arg4[%add3A_274, %dma_start3A_385] : memref<212992x128xf32, #tpu.memory_space<hbm>> -> memref<208x128xf32, #tpu.memory_space<hbm>>
      %dma_start3A_387 = arith.constant 0 : i32
      %dma_start3A_388 = tpu.memref_slice %arg4[%add3A_274, %dma_start3A_387] : memref<212992x128xf32, #tpu.memory_space<hbm>> -> memref<208x128xf32, #tpu.memory_space<hbm>>
      tpu.enqueue_dma source(%arg7 : memref<208x128xf32, #tpu.memory_space<vmem>>) target(%dma_start3A_388 : memref<208x128xf32, #tpu.memory_space<hbm>>) target_semaphore(%run_scoped3A : memref<!tpu.dma_semaphore, #tpu.memory_space<semaphore_mem>>)
      %dma_wait3A_389 = arith.constant 0 : i32
      %dma_wait3A_390 = tpu.memref_slice %arg4[%add3A_274, %dma_wait3A_389] : memref<212992x128xf32, #tpu.memory_space<hbm>> -> memref<208x128xf32, #tpu.memory_space<hbm>>
      %dma_wait3A_391 = arith.constant 0 : i32
      %dma_wait3A_392 = tpu.memref_slice %arg4[%add3A_274, %dma_wait3A_391] : memref<212992x128xf32, #tpu.memory_space<hbm>> -> memref<208x128xf32, #tpu.memory_space<hbm>>
      tpu.wait_dma2 semaphore(%run_scoped3A : memref<!tpu.dma_semaphore, #tpu.memory_space<semaphore_mem>>) src(%arg7 : memref<208x128xf32, #tpu.memory_space<vmem>>) dst(%dma_wait3A_392 : memref<208x128xf32, #tpu.memory_space<hbm>>)
      tpu.yield
    }) : () -> ()
    %dma_wait3A_275 = arith.constant 4576 : i32
    %dma_wait3A_276 = tpu.memref_slice %arg5[%dma_wait3A_275] : memref<6656xi32, #tpu.memory_space<vmem>> -> memref<208xi32, #tpu.memory_space<vmem>>
    %dma_wait3A_277 = arith.constant 0 : i32
    %dma_wait3A_278 = arith.constant 0 : i32
    %dma_wait3A_279 = tpu.memref_slice %arg2[%dma_wait3A_277, %dma_wait3A_278] : memref<16384x128xf32, #tpu.memory_space<hbm>> -> memref<16384x128xf32, #tpu.memory_space<hbm>>
    tpu.wait_indirect_dma semaphore(%arg12 : memref<!tpu.dma_semaphore, #tpu.memory_space<semaphore_mem>>) src(%dma_wait3A_279 : memref<16384x128xf32, #tpu.memory_space<hbm>>) dst(%arg8 : memref<208x128xf32, #tpu.memory_space<vmem>>)
    %add3A_280 = arith.constant 4576 : i32
    %add3A_281 = arith.addi %mul3A_2, %add3A_280 : i32
    "tpu.region"() ({
      %run_scoped3A = tpu.sem_alloc : memref<!tpu.dma_semaphore, #tpu.memory_space<semaphore_mem>>
      %dma_start3A_385 = arith.constant 0 : i32
      %dma_start3A_386 = tpu.memref_slice %arg4[%add3A_281, %dma_start3A_385] : memref<212992x128xf32, #tpu.memory_space<hbm>> -> memref<208x128xf32, #tpu.memory_space<hbm>>
      %dma_start3A_387 = arith.constant 0 : i32
      %dma_start3A_388 = tpu.memref_slice %arg4[%add3A_281, %dma_start3A_387] : memref<212992x128xf32, #tpu.memory_space<hbm>> -> memref<208x128xf32, #tpu.memory_space<hbm>>
      tpu.enqueue_dma source(%arg8 : memref<208x128xf32, #tpu.memory_space<vmem>>) target(%dma_start3A_388 : memref<208x128xf32, #tpu.memory_space<hbm>>) target_semaphore(%run_scoped3A : memref<!tpu.dma_semaphore, #tpu.memory_space<semaphore_mem>>)
      %dma_wait3A_389 = arith.constant 0 : i32
      %dma_wait3A_390 = tpu.memref_slice %arg4[%add3A_281, %dma_wait3A_389] : memref<212992x128xf32, #tpu.memory_space<hbm>> -> memref<208x128xf32, #tpu.memory_space<hbm>>
      %dma_wait3A_391 = arith.constant 0 : i32
      %dma_wait3A_392 = tpu.memref_slice %arg4[%add3A_281, %dma_wait3A_391] : memref<212992x128xf32, #tpu.memory_space<hbm>> -> memref<208x128xf32, #tpu.memory_space<hbm>>
      tpu.wait_dma2 semaphore(%run_scoped3A : memref<!tpu.dma_semaphore, #tpu.memory_space<semaphore_mem>>) src(%arg8 : memref<208x128xf32, #tpu.memory_space<vmem>>) dst(%dma_wait3A_392 : memref<208x128xf32, #tpu.memory_space<hbm>>)
      tpu.yield
    }) : () -> ()
    %dma_wait3A_282 = arith.constant 4784 : i32
    %dma_wait3A_283 = tpu.memref_slice %arg5[%dma_wait3A_282] : memref<6656xi32, #tpu.memory_space<vmem>> -> memref<208xi32, #tpu.memory_space<vmem>>
    %dma_wait3A_284 = arith.constant 0 : i32
    %dma_wait3A_285 = arith.constant 0 : i32
    %dma_wait3A_286 = tpu.memref_slice %arg2[%dma_wait3A_284, %dma_wait3A_285] : memref<16384x128xf32, #tpu.memory_space<hbm>> -> memref<16384x128xf32, #tpu.memory_space<hbm>>
    tpu.wait_indirect_dma semaphore(%arg13 : memref<!tpu.dma_semaphore, #tpu.memory_space<semaphore_mem>>) src(%dma_wait3A_286 : memref<16384x128xf32, #tpu.memory_space<hbm>>) dst(%arg9 : memref<208x128xf32, #tpu.memory_space<vmem>>)
    %add3A_287 = arith.constant 4784 : i32
    %add3A_288 = arith.addi %mul3A_2, %add3A_287 : i32
    "tpu.region"() ({
      %run_scoped3A = tpu.sem_alloc : memref<!tpu.dma_semaphore, #tpu.memory_space<semaphore_mem>>
      %dma_start3A_385 = arith.constant 0 : i32
      %dma_start3A_386 = tpu.memref_slice %arg4[%add3A_288, %dma_start3A_385] : memref<212992x128xf32, #tpu.memory_space<hbm>> -> memref<208x128xf32, #tpu.memory_space<hbm>>
      %dma_start3A_387 = arith.constant 0 : i32
      %dma_start3A_388 = tpu.memref_slice %arg4[%add3A_288, %dma_start3A_387] : memref<212992x128xf32, #tpu.memory_space<hbm>> -> memref<208x128xf32, #tpu.memory_space<hbm>>
      tpu.enqueue_dma source(%arg9 : memref<208x128xf32, #tpu.memory_space<vmem>>) target(%dma_start3A_388 : memref<208x128xf32, #tpu.memory_space<hbm>>) target_semaphore(%run_scoped3A : memref<!tpu.dma_semaphore, #tpu.memory_space<semaphore_mem>>)
      %dma_wait3A_389 = arith.constant 0 : i32
      %dma_wait3A_390 = tpu.memref_slice %arg4[%add3A_288, %dma_wait3A_389] : memref<212992x128xf32, #tpu.memory_space<hbm>> -> memref<208x128xf32, #tpu.memory_space<hbm>>
      %dma_wait3A_391 = arith.constant 0 : i32
      %dma_wait3A_392 = tpu.memref_slice %arg4[%add3A_288, %dma_wait3A_391] : memref<212992x128xf32, #tpu.memory_space<hbm>> -> memref<208x128xf32, #tpu.memory_space<hbm>>
      tpu.wait_dma2 semaphore(%run_scoped3A : memref<!tpu.dma_semaphore, #tpu.memory_space<semaphore_mem>>) src(%arg9 : memref<208x128xf32, #tpu.memory_space<vmem>>) dst(%dma_wait3A_392 : memref<208x128xf32, #tpu.memory_space<hbm>>)
      tpu.yield
    }) : () -> ()
    %dma_start3A_289 = arith.constant 4992 : i32
    %dma_start3A_290 = tpu.memref_slice %arg5[%dma_start3A_289] : memref<6656xi32, #tpu.memory_space<vmem>> -> memref<208xi32, #tpu.memory_space<vmem>>
    %dma_start3A_291 = arith.constant 0 : i32
    %dma_start3A_292 = arith.constant 0 : i32
    %dma_start3A_293 = tpu.memref_slice %arg2[%dma_start3A_291, %dma_start3A_292] : memref<16384x128xf32, #tpu.memory_space<hbm>> -> memref<16384x128xf32, #tpu.memory_space<hbm>>
    tpu.enqueue_indirect_dma source(%dma_start3A_293 : memref<16384x128xf32, #tpu.memory_space<hbm>>) target(%arg6 : memref<208x128xf32, #tpu.memory_space<vmem>>) offsets(%dma_start3A_290 : memref<208xi32, #tpu.memory_space<vmem>>) semaphore(%arg10 : memref<!tpu.dma_semaphore, #tpu.memory_space<semaphore_mem>>)
    %dma_start3A_294 = arith.constant 5200 : i32
    %dma_start3A_295 = tpu.memref_slice %arg5[%dma_start3A_294] : memref<6656xi32, #tpu.memory_space<vmem>> -> memref<208xi32, #tpu.memory_space<vmem>>
    %dma_start3A_296 = arith.constant 0 : i32
    %dma_start3A_297 = arith.constant 0 : i32
    %dma_start3A_298 = tpu.memref_slice %arg2[%dma_start3A_296, %dma_start3A_297] : memref<16384x128xf32, #tpu.memory_space<hbm>> -> memref<16384x128xf32, #tpu.memory_space<hbm>>
    tpu.enqueue_indirect_dma source(%dma_start3A_298 : memref<16384x128xf32, #tpu.memory_space<hbm>>) target(%arg7 : memref<208x128xf32, #tpu.memory_space<vmem>>) offsets(%dma_start3A_295 : memref<208xi32, #tpu.memory_space<vmem>>) semaphore(%arg11 : memref<!tpu.dma_semaphore, #tpu.memory_space<semaphore_mem>>)
    %dma_start3A_299 = arith.constant 5408 : i32
    %dma_start3A_300 = tpu.memref_slice %arg5[%dma_start3A_299] : memref<6656xi32, #tpu.memory_space<vmem>> -> memref<208xi32, #tpu.memory_space<vmem>>
    %dma_start3A_301 = arith.constant 0 : i32
    %dma_start3A_302 = arith.constant 0 : i32
    %dma_start3A_303 = tpu.memref_slice %arg2[%dma_start3A_301, %dma_start3A_302] : memref<16384x128xf32, #tpu.memory_space<hbm>> -> memref<16384x128xf32, #tpu.memory_space<hbm>>
    tpu.enqueue_indirect_dma source(%dma_start3A_303 : memref<16384x128xf32, #tpu.memory_space<hbm>>) target(%arg8 : memref<208x128xf32, #tpu.memory_space<vmem>>) offsets(%dma_start3A_300 : memref<208xi32, #tpu.memory_space<vmem>>) semaphore(%arg12 : memref<!tpu.dma_semaphore, #tpu.memory_space<semaphore_mem>>)
    %dma_start3A_304 = arith.constant 5616 : i32
    %dma_start3A_305 = tpu.memref_slice %arg5[%dma_start3A_304] : memref<6656xi32, #tpu.memory_space<vmem>> -> memref<208xi32, #tpu.memory_space<vmem>>
    %dma_start3A_306 = arith.constant 0 : i32
    %dma_start3A_307 = arith.constant 0 : i32
    %dma_start3A_308 = tpu.memref_slice %arg2[%dma_start3A_306, %dma_start3A_307] : memref<16384x128xf32, #tpu.memory_space<hbm>> -> memref<16384x128xf32, #tpu.memory_space<hbm>>
    tpu.enqueue_indirect_dma source(%dma_start3A_308 : memref<16384x128xf32, #tpu.memory_space<hbm>>) target(%arg9 : memref<208x128xf32, #tpu.memory_space<vmem>>) offsets(%dma_start3A_305 : memref<208xi32, #tpu.memory_space<vmem>>) semaphore(%arg13 : memref<!tpu.dma_semaphore, #tpu.memory_space<semaphore_mem>>)
    %dma_wait3A_309 = arith.constant 4992 : i32
    %dma_wait3A_310 = tpu.memref_slice %arg5[%dma_wait3A_309] : memref<6656xi32, #tpu.memory_space<vmem>> -> memref<208xi32, #tpu.memory_space<vmem>>
    %dma_wait3A_311 = arith.constant 0 : i32
    %dma_wait3A_312 = arith.constant 0 : i32
    %dma_wait3A_313 = tpu.memref_slice %arg2[%dma_wait3A_311, %dma_wait3A_312] : memref<16384x128xf32, #tpu.memory_space<hbm>> -> memref<16384x128xf32, #tpu.memory_space<hbm>>
    tpu.wait_indirect_dma semaphore(%arg10 : memref<!tpu.dma_semaphore, #tpu.memory_space<semaphore_mem>>) src(%dma_wait3A_313 : memref<16384x128xf32, #tpu.memory_space<hbm>>) dst(%arg6 : memref<208x128xf32, #tpu.memory_space<vmem>>)
    %add3A_314 = arith.constant 4992 : i32
    %add3A_315 = arith.addi %mul3A_2, %add3A_314 : i32
    "tpu.region"() ({
      %run_scoped3A = tpu.sem_alloc : memref<!tpu.dma_semaphore, #tpu.memory_space<semaphore_mem>>
      %dma_start3A_385 = arith.constant 0 : i32
      %dma_start3A_386 = tpu.memref_slice %arg4[%add3A_315, %dma_start3A_385] : memref<212992x128xf32, #tpu.memory_space<hbm>> -> memref<208x128xf32, #tpu.memory_space<hbm>>
      %dma_start3A_387 = arith.constant 0 : i32
      %dma_start3A_388 = tpu.memref_slice %arg4[%add3A_315, %dma_start3A_387] : memref<212992x128xf32, #tpu.memory_space<hbm>> -> memref<208x128xf32, #tpu.memory_space<hbm>>
      tpu.enqueue_dma source(%arg6 : memref<208x128xf32, #tpu.memory_space<vmem>>) target(%dma_start3A_388 : memref<208x128xf32, #tpu.memory_space<hbm>>) target_semaphore(%run_scoped3A : memref<!tpu.dma_semaphore, #tpu.memory_space<semaphore_mem>>)
      %dma_wait3A_389 = arith.constant 0 : i32
      %dma_wait3A_390 = tpu.memref_slice %arg4[%add3A_315, %dma_wait3A_389] : memref<212992x128xf32, #tpu.memory_space<hbm>> -> memref<208x128xf32, #tpu.memory_space<hbm>>
      %dma_wait3A_391 = arith.constant 0 : i32
      %dma_wait3A_392 = tpu.memref_slice %arg4[%add3A_315, %dma_wait3A_391] : memref<212992x128xf32, #tpu.memory_space<hbm>> -> memref<208x128xf32, #tpu.memory_space<hbm>>
      tpu.wait_dma2 semaphore(%run_scoped3A : memref<!tpu.dma_semaphore, #tpu.memory_space<semaphore_mem>>) src(%arg6 : memref<208x128xf32, #tpu.memory_space<vmem>>) dst(%dma_wait3A_392 : memref<208x128xf32, #tpu.memory_space<hbm>>)
      tpu.yield
    }) : () -> ()
    %dma_wait3A_316 = arith.constant 5200 : i32
    %dma_wait3A_317 = tpu.memref_slice %arg5[%dma_wait3A_316] : memref<6656xi32, #tpu.memory_space<vmem>> -> memref<208xi32, #tpu.memory_space<vmem>>
    %dma_wait3A_318 = arith.constant 0 : i32
    %dma_wait3A_319 = arith.constant 0 : i32
    %dma_wait3A_320 = tpu.memref_slice %arg2[%dma_wait3A_318, %dma_wait3A_319] : memref<16384x128xf32, #tpu.memory_space<hbm>> -> memref<16384x128xf32, #tpu.memory_space<hbm>>
    tpu.wait_indirect_dma semaphore(%arg11 : memref<!tpu.dma_semaphore, #tpu.memory_space<semaphore_mem>>) src(%dma_wait3A_320 : memref<16384x128xf32, #tpu.memory_space<hbm>>) dst(%arg7 : memref<208x128xf32, #tpu.memory_space<vmem>>)
    %add3A_321 = arith.constant 5200 : i32
    %add3A_322 = arith.addi %mul3A_2, %add3A_321 : i32
    "tpu.region"() ({
      %run_scoped3A = tpu.sem_alloc : memref<!tpu.dma_semaphore, #tpu.memory_space<semaphore_mem>>
      %dma_start3A_385 = arith.constant 0 : i32
      %dma_start3A_386 = tpu.memref_slice %arg4[%add3A_322, %dma_start3A_385] : memref<212992x128xf32, #tpu.memory_space<hbm>> -> memref<208x128xf32, #tpu.memory_space<hbm>>
      %dma_start3A_387 = arith.constant 0 : i32
      %dma_start3A_388 = tpu.memref_slice %arg4[%add3A_322, %dma_start3A_387] : memref<212992x128xf32, #tpu.memory_space<hbm>> -> memref<208x128xf32, #tpu.memory_space<hbm>>
      tpu.enqueue_dma source(%arg7 : memref<208x128xf32, #tpu.memory_space<vmem>>) target(%dma_start3A_388 : memref<208x128xf32, #tpu.memory_space<hbm>>) target_semaphore(%run_scoped3A : memref<!tpu.dma_semaphore, #tpu.memory_space<semaphore_mem>>)
      %dma_wait3A_389 = arith.constant 0 : i32
      %dma_wait3A_390 = tpu.memref_slice %arg4[%add3A_322, %dma_wait3A_389] : memref<212992x128xf32, #tpu.memory_space<hbm>> -> memref<208x128xf32, #tpu.memory_space<hbm>>
      %dma_wait3A_391 = arith.constant 0 : i32
      %dma_wait3A_392 = tpu.memref_slice %arg4[%add3A_322, %dma_wait3A_391] : memref<212992x128xf32, #tpu.memory_space<hbm>> -> memref<208x128xf32, #tpu.memory_space<hbm>>
      tpu.wait_dma2 semaphore(%run_scoped3A : memref<!tpu.dma_semaphore, #tpu.memory_space<semaphore_mem>>) src(%arg7 : memref<208x128xf32, #tpu.memory_space<vmem>>) dst(%dma_wait3A_392 : memref<208x128xf32, #tpu.memory_space<hbm>>)
      tpu.yield
    }) : () -> ()
    %dma_wait3A_323 = arith.constant 5408 : i32
    %dma_wait3A_324 = tpu.memref_slice %arg5[%dma_wait3A_323] : memref<6656xi32, #tpu.memory_space<vmem>> -> memref<208xi32, #tpu.memory_space<vmem>>
    %dma_wait3A_325 = arith.constant 0 : i32
    %dma_wait3A_326 = arith.constant 0 : i32
    %dma_wait3A_327 = tpu.memref_slice %arg2[%dma_wait3A_325, %dma_wait3A_326] : memref<16384x128xf32, #tpu.memory_space<hbm>> -> memref<16384x128xf32, #tpu.memory_space<hbm>>
    tpu.wait_indirect_dma semaphore(%arg12 : memref<!tpu.dma_semaphore, #tpu.memory_space<semaphore_mem>>) src(%dma_wait3A_327 : memref<16384x128xf32, #tpu.memory_space<hbm>>) dst(%arg8 : memref<208x128xf32, #tpu.memory_space<vmem>>)
    %add3A_328 = arith.constant 5408 : i32
    %add3A_329 = arith.addi %mul3A_2, %add3A_328 : i32
    "tpu.region"() ({
      %run_scoped3A = tpu.sem_alloc : memref<!tpu.dma_semaphore, #tpu.memory_space<semaphore_mem>>
      %dma_start3A_385 = arith.constant 0 : i32
      %dma_start3A_386 = tpu.memref_slice %arg4[%add3A_329, %dma_start3A_385] : memref<212992x128xf32, #tpu.memory_space<hbm>> -> memref<208x128xf32, #tpu.memory_space<hbm>>
      %dma_start3A_387 = arith.constant 0 : i32
      %dma_start3A_388 = tpu.memref_slice %arg4[%add3A_329, %dma_start3A_387] : memref<212992x128xf32, #tpu.memory_space<hbm>> -> memref<208x128xf32, #tpu.memory_space<hbm>>
      tpu.enqueue_dma source(%arg8 : memref<208x128xf32, #tpu.memory_space<vmem>>) target(%dma_start3A_388 : memref<208x128xf32, #tpu.memory_space<hbm>>) target_semaphore(%run_scoped3A : memref<!tpu.dma_semaphore, #tpu.memory_space<semaphore_mem>>)
      %dma_wait3A_389 = arith.constant 0 : i32
      %dma_wait3A_390 = tpu.memref_slice %arg4[%add3A_329, %dma_wait3A_389] : memref<212992x128xf32, #tpu.memory_space<hbm>> -> memref<208x128xf32, #tpu.memory_space<hbm>>
      %dma_wait3A_391 = arith.constant 0 : i32
      %dma_wait3A_392 = tpu.memref_slice %arg4[%add3A_329, %dma_wait3A_391] : memref<212992x128xf32, #tpu.memory_space<hbm>> -> memref<208x128xf32, #tpu.memory_space<hbm>>
      tpu.wait_dma2 semaphore(%run_scoped3A : memref<!tpu.dma_semaphore, #tpu.memory_space<semaphore_mem>>) src(%arg8 : memref<208x128xf32, #tpu.memory_space<vmem>>) dst(%dma_wait3A_392 : memref<208x128xf32, #tpu.memory_space<hbm>>)
      tpu.yield
    }) : () -> ()
    %dma_wait3A_330 = arith.constant 5616 : i32
    %dma_wait3A_331 = tpu.memref_slice %arg5[%dma_wait3A_330] : memref<6656xi32, #tpu.memory_space<vmem>> -> memref<208xi32, #tpu.memory_space<vmem>>
    %dma_wait3A_332 = arith.constant 0 : i32
    %dma_wait3A_333 = arith.constant 0 : i32
    %dma_wait3A_334 = tpu.memref_slice %arg2[%dma_wait3A_332, %dma_wait3A_333] : memref<16384x128xf32, #tpu.memory_space<hbm>> -> memref<16384x128xf32, #tpu.memory_space<hbm>>
    tpu.wait_indirect_dma semaphore(%arg13 : memref<!tpu.dma_semaphore, #tpu.memory_space<semaphore_mem>>) src(%dma_wait3A_334 : memref<16384x128xf32, #tpu.memory_space<hbm>>) dst(%arg9 : memref<208x128xf32, #tpu.memory_space<vmem>>)
    %add3A_335 = arith.constant 5616 : i32
    %add3A_336 = arith.addi %mul3A_2, %add3A_335 : i32
    "tpu.region"() ({
      %run_scoped3A = tpu.sem_alloc : memref<!tpu.dma_semaphore, #tpu.memory_space<semaphore_mem>>
      %dma_start3A_385 = arith.constant 0 : i32
      %dma_start3A_386 = tpu.memref_slice %arg4[%add3A_336, %dma_start3A_385] : memref<212992x128xf32, #tpu.memory_space<hbm>> -> memref<208x128xf32, #tpu.memory_space<hbm>>
      %dma_start3A_387 = arith.constant 0 : i32
      %dma_start3A_388 = tpu.memref_slice %arg4[%add3A_336, %dma_start3A_387] : memref<212992x128xf32, #tpu.memory_space<hbm>> -> memref<208x128xf32, #tpu.memory_space<hbm>>
      tpu.enqueue_dma source(%arg9 : memref<208x128xf32, #tpu.memory_space<vmem>>) target(%dma_start3A_388 : memref<208x128xf32, #tpu.memory_space<hbm>>) target_semaphore(%run_scoped3A : memref<!tpu.dma_semaphore, #tpu.memory_space<semaphore_mem>>)
      %dma_wait3A_389 = arith.constant 0 : i32
      %dma_wait3A_390 = tpu.memref_slice %arg4[%add3A_336, %dma_wait3A_389] : memref<212992x128xf32, #tpu.memory_space<hbm>> -> memref<208x128xf32, #tpu.memory_space<hbm>>
      %dma_wait3A_391 = arith.constant 0 : i32
      %dma_wait3A_392 = tpu.memref_slice %arg4[%add3A_336, %dma_wait3A_391] : memref<212992x128xf32, #tpu.memory_space<hbm>> -> memref<208x128xf32, #tpu.memory_space<hbm>>
      tpu.wait_dma2 semaphore(%run_scoped3A : memref<!tpu.dma_semaphore, #tpu.memory_space<semaphore_mem>>) src(%arg9 : memref<208x128xf32, #tpu.memory_space<vmem>>) dst(%dma_wait3A_392 : memref<208x128xf32, #tpu.memory_space<hbm>>)
      tpu.yield
    }) : () -> ()
    %dma_start3A_337 = arith.constant 5824 : i32
    %dma_start3A_338 = tpu.memref_slice %arg5[%dma_start3A_337] : memref<6656xi32, #tpu.memory_space<vmem>> -> memref<208xi32, #tpu.memory_space<vmem>>
    %dma_start3A_339 = arith.constant 0 : i32
    %dma_start3A_340 = arith.constant 0 : i32
    %dma_start3A_341 = tpu.memref_slice %arg2[%dma_start3A_339, %dma_start3A_340] : memref<16384x128xf32, #tpu.memory_space<hbm>> -> memref<16384x128xf32, #tpu.memory_space<hbm>>
    tpu.enqueue_indirect_dma source(%dma_start3A_341 : memref<16384x128xf32, #tpu.memory_space<hbm>>) target(%arg6 : memref<208x128xf32, #tpu.memory_space<vmem>>) offsets(%dma_start3A_338 : memref<208xi32, #tpu.memory_space<vmem>>) semaphore(%arg10 : memref<!tpu.dma_semaphore, #tpu.memory_space<semaphore_mem>>)
    %dma_start3A_342 = arith.constant 6032 : i32
    %dma_start3A_343 = tpu.memref_slice %arg5[%dma_start3A_342] : memref<6656xi32, #tpu.memory_space<vmem>> -> memref<208xi32, #tpu.memory_space<vmem>>
    %dma_start3A_344 = arith.constant 0 : i32
    %dma_start3A_345 = arith.constant 0 : i32
    %dma_start3A_346 = tpu.memref_slice %arg2[%dma_start3A_344, %dma_start3A_345] : memref<16384x128xf32, #tpu.memory_space<hbm>> -> memref<16384x128xf32, #tpu.memory_space<hbm>>
    tpu.enqueue_indirect_dma source(%dma_start3A_346 : memref<16384x128xf32, #tpu.memory_space<hbm>>) target(%arg7 : memref<208x128xf32, #tpu.memory_space<vmem>>) offsets(%dma_start3A_343 : memref<208xi32, #tpu.memory_space<vmem>>) semaphore(%arg11 : memref<!tpu.dma_semaphore, #tpu.memory_space<semaphore_mem>>)
    %dma_start3A_347 = arith.constant 6240 : i32
    %dma_start3A_348 = tpu.memref_slice %arg5[%dma_start3A_347] : memref<6656xi32, #tpu.memory_space<vmem>> -> memref<208xi32, #tpu.memory_space<vmem>>
    %dma_start3A_349 = arith.constant 0 : i32
    %dma_start3A_350 = arith.constant 0 : i32
    %dma_start3A_351 = tpu.memref_slice %arg2[%dma_start3A_349, %dma_start3A_350] : memref<16384x128xf32, #tpu.memory_space<hbm>> -> memref<16384x128xf32, #tpu.memory_space<hbm>>
    tpu.enqueue_indirect_dma source(%dma_start3A_351 : memref<16384x128xf32, #tpu.memory_space<hbm>>) target(%arg8 : memref<208x128xf32, #tpu.memory_space<vmem>>) offsets(%dma_start3A_348 : memref<208xi32, #tpu.memory_space<vmem>>) semaphore(%arg12 : memref<!tpu.dma_semaphore, #tpu.memory_space<semaphore_mem>>)
    %dma_start3A_352 = arith.constant 6448 : i32
    %dma_start3A_353 = tpu.memref_slice %arg5[%dma_start3A_352] : memref<6656xi32, #tpu.memory_space<vmem>> -> memref<208xi32, #tpu.memory_space<vmem>>
    %dma_start3A_354 = arith.constant 0 : i32
    %dma_start3A_355 = arith.constant 0 : i32
    %dma_start3A_356 = tpu.memref_slice %arg2[%dma_start3A_354, %dma_start3A_355] : memref<16384x128xf32, #tpu.memory_space<hbm>> -> memref<16384x128xf32, #tpu.memory_space<hbm>>
    tpu.enqueue_indirect_dma source(%dma_start3A_356 : memref<16384x128xf32, #tpu.memory_space<hbm>>) target(%arg9 : memref<208x128xf32, #tpu.memory_space<vmem>>) offsets(%dma_start3A_353 : memref<208xi32, #tpu.memory_space<vmem>>) semaphore(%arg13 : memref<!tpu.dma_semaphore, #tpu.memory_space<semaphore_mem>>)
    %dma_wait3A_357 = arith.constant 5824 : i32
    %dma_wait3A_358 = tpu.memref_slice %arg5[%dma_wait3A_357] : memref<6656xi32, #tpu.memory_space<vmem>> -> memref<208xi32, #tpu.memory_space<vmem>>
    %dma_wait3A_359 = arith.constant 0 : i32
    %dma_wait3A_360 = arith.constant 0 : i32
    %dma_wait3A_361 = tpu.memref_slice %arg2[%dma_wait3A_359, %dma_wait3A_360] : memref<16384x128xf32, #tpu.memory_space<hbm>> -> memref<16384x128xf32, #tpu.memory_space<hbm>>
    tpu.wait_indirect_dma semaphore(%arg10 : memref<!tpu.dma_semaphore, #tpu.memory_space<semaphore_mem>>) src(%dma_wait3A_361 : memref<16384x128xf32, #tpu.memory_space<hbm>>) dst(%arg6 : memref<208x128xf32, #tpu.memory_space<vmem>>)
    %add3A_362 = arith.constant 5824 : i32
    %add3A_363 = arith.addi %mul3A_2, %add3A_362 : i32
    "tpu.region"() ({
      %run_scoped3A = tpu.sem_alloc : memref<!tpu.dma_semaphore, #tpu.memory_space<semaphore_mem>>
      %dma_start3A_385 = arith.constant 0 : i32
      %dma_start3A_386 = tpu.memref_slice %arg4[%add3A_363, %dma_start3A_385] : memref<212992x128xf32, #tpu.memory_space<hbm>> -> memref<208x128xf32, #tpu.memory_space<hbm>>
      %dma_start3A_387 = arith.constant 0 : i32
      %dma_start3A_388 = tpu.memref_slice %arg4[%add3A_363, %dma_start3A_387] : memref<212992x128xf32, #tpu.memory_space<hbm>> -> memref<208x128xf32, #tpu.memory_space<hbm>>
      tpu.enqueue_dma source(%arg6 : memref<208x128xf32, #tpu.memory_space<vmem>>) target(%dma_start3A_388 : memref<208x128xf32, #tpu.memory_space<hbm>>) target_semaphore(%run_scoped3A : memref<!tpu.dma_semaphore, #tpu.memory_space<semaphore_mem>>)
      %dma_wait3A_389 = arith.constant 0 : i32
      %dma_wait3A_390 = tpu.memref_slice %arg4[%add3A_363, %dma_wait3A_389] : memref<212992x128xf32, #tpu.memory_space<hbm>> -> memref<208x128xf32, #tpu.memory_space<hbm>>
      %dma_wait3A_391 = arith.constant 0 : i32
      %dma_wait3A_392 = tpu.memref_slice %arg4[%add3A_363, %dma_wait3A_391] : memref<212992x128xf32, #tpu.memory_space<hbm>> -> memref<208x128xf32, #tpu.memory_space<hbm>>
      tpu.wait_dma2 semaphore(%run_scoped3A : memref<!tpu.dma_semaphore, #tpu.memory_space<semaphore_mem>>) src(%arg6 : memref<208x128xf32, #tpu.memory_space<vmem>>) dst(%dma_wait3A_392 : memref<208x128xf32, #tpu.memory_space<hbm>>)
      tpu.yield
    }) : () -> ()
    %dma_wait3A_364 = arith.constant 6032 : i32
    %dma_wait3A_365 = tpu.memref_slice %arg5[%dma_wait3A_364] : memref<6656xi32, #tpu.memory_space<vmem>> -> memref<208xi32, #tpu.memory_space<vmem>>
    %dma_wait3A_366 = arith.constant 0 : i32
    %dma_wait3A_367 = arith.constant 0 : i32
    %dma_wait3A_368 = tpu.memref_slice %arg2[%dma_wait3A_366, %dma_wait3A_367] : memref<16384x128xf32, #tpu.memory_space<hbm>> -> memref<16384x128xf32, #tpu.memory_space<hbm>>
    tpu.wait_indirect_dma semaphore(%arg11 : memref<!tpu.dma_semaphore, #tpu.memory_space<semaphore_mem>>) src(%dma_wait3A_368 : memref<16384x128xf32, #tpu.memory_space<hbm>>) dst(%arg7 : memref<208x128xf32, #tpu.memory_space<vmem>>)
    %add3A_369 = arith.constant 6032 : i32
    %add3A_370 = arith.addi %mul3A_2, %add3A_369 : i32
    "tpu.region"() ({
      %run_scoped3A = tpu.sem_alloc : memref<!tpu.dma_semaphore, #tpu.memory_space<semaphore_mem>>
      %dma_start3A_385 = arith.constant 0 : i32
      %dma_start3A_386 = tpu.memref_slice %arg4[%add3A_370, %dma_start3A_385] : memref<212992x128xf32, #tpu.memory_space<hbm>> -> memref<208x128xf32, #tpu.memory_space<hbm>>
      %dma_start3A_387 = arith.constant 0 : i32
      %dma_start3A_388 = tpu.memref_slice %arg4[%add3A_370, %dma_start3A_387] : memref<212992x128xf32, #tpu.memory_space<hbm>> -> memref<208x128xf32, #tpu.memory_space<hbm>>
      tpu.enqueue_dma source(%arg7 : memref<208x128xf32, #tpu.memory_space<vmem>>) target(%dma_start3A_388 : memref<208x128xf32, #tpu.memory_space<hbm>>) target_semaphore(%run_scoped3A : memref<!tpu.dma_semaphore, #tpu.memory_space<semaphore_mem>>)
      %dma_wait3A_389 = arith.constant 0 : i32
      %dma_wait3A_390 = tpu.memref_slice %arg4[%add3A_370, %dma_wait3A_389] : memref<212992x128xf32, #tpu.memory_space<hbm>> -> memref<208x128xf32, #tpu.memory_space<hbm>>
      %dma_wait3A_391 = arith.constant 0 : i32
      %dma_wait3A_392 = tpu.memref_slice %arg4[%add3A_370, %dma_wait3A_391] : memref<212992x128xf32, #tpu.memory_space<hbm>> -> memref<208x128xf32, #tpu.memory_space<hbm>>
      tpu.wait_dma2 semaphore(%run_scoped3A : memref<!tpu.dma_semaphore, #tpu.memory_space<semaphore_mem>>) src(%arg7 : memref<208x128xf32, #tpu.memory_space<vmem>>) dst(%dma_wait3A_392 : memref<208x128xf32, #tpu.memory_space<hbm>>)
      tpu.yield
    }) : () -> ()
    %dma_wait3A_371 = arith.constant 6240 : i32
    %dma_wait3A_372 = tpu.memref_slice %arg5[%dma_wait3A_371] : memref<6656xi32, #tpu.memory_space<vmem>> -> memref<208xi32, #tpu.memory_space<vmem>>
    %dma_wait3A_373 = arith.constant 0 : i32
    %dma_wait3A_374 = arith.constant 0 : i32
    %dma_wait3A_375 = tpu.memref_slice %arg2[%dma_wait3A_373, %dma_wait3A_374] : memref<16384x128xf32, #tpu.memory_space<hbm>> -> memref<16384x128xf32, #tpu.memory_space<hbm>>
    tpu.wait_indirect_dma semaphore(%arg12 : memref<!tpu.dma_semaphore, #tpu.memory_space<semaphore_mem>>) src(%dma_wait3A_375 : memref<16384x128xf32, #tpu.memory_space<hbm>>) dst(%arg8 : memref<208x128xf32, #tpu.memory_space<vmem>>)
    %add3A_376 = arith.constant 6240 : i32
    %add3A_377 = arith.addi %mul3A_2, %add3A_376 : i32
    "tpu.region"() ({
      %run_scoped3A = tpu.sem_alloc : memref<!tpu.dma_semaphore, #tpu.memory_space<semaphore_mem>>
      %dma_start3A_385 = arith.constant 0 : i32
      %dma_start3A_386 = tpu.memref_slice %arg4[%add3A_377, %dma_start3A_385] : memref<212992x128xf32, #tpu.memory_space<hbm>> -> memref<208x128xf32, #tpu.memory_space<hbm>>
      %dma_start3A_387 = arith.constant 0 : i32
      %dma_start3A_388 = tpu.memref_slice %arg4[%add3A_377, %dma_start3A_387] : memref<212992x128xf32, #tpu.memory_space<hbm>> -> memref<208x128xf32, #tpu.memory_space<hbm>>
      tpu.enqueue_dma source(%arg8 : memref<208x128xf32, #tpu.memory_space<vmem>>) target(%dma_start3A_388 : memref<208x128xf32, #tpu.memory_space<hbm>>) target_semaphore(%run_scoped3A : memref<!tpu.dma_semaphore, #tpu.memory_space<semaphore_mem>>)
      %dma_wait3A_389 = arith.constant 0 : i32
      %dma_wait3A_390 = tpu.memref_slice %arg4[%add3A_377, %dma_wait3A_389] : memref<212992x128xf32, #tpu.memory_space<hbm>> -> memref<208x128xf32, #tpu.memory_space<hbm>>
      %dma_wait3A_391 = arith.constant 0 : i32
      %dma_wait3A_392 = tpu.memref_slice %arg4[%add3A_377, %dma_wait3A_391] : memref<212992x128xf32, #tpu.memory_space<hbm>> -> memref<208x128xf32, #tpu.memory_space<hbm>>
      tpu.wait_dma2 semaphore(%run_scoped3A : memref<!tpu.dma_semaphore, #tpu.memory_space<semaphore_mem>>) src(%arg8 : memref<208x128xf32, #tpu.memory_space<vmem>>) dst(%dma_wait3A_392 : memref<208x128xf32, #tpu.memory_space<hbm>>)
      tpu.yield
    }) : () -> ()
    %dma_wait3A_378 = arith.constant 6448 : i32
    %dma_wait3A_379 = tpu.memref_slice %arg5[%dma_wait3A_378] : memref<6656xi32, #tpu.memory_space<vmem>> -> memref<208xi32, #tpu.memory_space<vmem>>
    %dma_wait3A_380 = arith.constant 0 : i32
    %dma_wait3A_381 = arith.constant 0 : i32
    %dma_wait3A_382 = tpu.memref_slice %arg2[%dma_wait3A_380, %dma_wait3A_381] : memref<16384x128xf32, #tpu.memory_space<hbm>> -> memref<16384x128xf32, #tpu.memory_space<hbm>>
    tpu.wait_indirect_dma semaphore(%arg13 : memref<!tpu.dma_semaphore, #tpu.memory_space<semaphore_mem>>) src(%dma_wait3A_382 : memref<16384x128xf32, #tpu.memory_space<hbm>>) dst(%arg9 : memref<208x128xf32, #tpu.memory_space<vmem>>)
    %add3A_383 = arith.constant 6448 : i32
    %add3A_384 = arith.addi %mul3A_2, %add3A_383 : i32
    "tpu.region"() ({
      %run_scoped3A = tpu.sem_alloc : memref<!tpu.dma_semaphore, #tpu.memory_space<semaphore_mem>>
      %dma_start3A_385 = arith.constant 0 : i32
      %dma_start3A_386 = tpu.memref_slice %arg4[%add3A_384, %dma_start3A_385] : memref<212992x128xf32, #tpu.memory_space<hbm>> -> memref<208x128xf32, #tpu.memory_space<hbm>>
      %dma_start3A_387 = arith.constant 0 : i32
      %dma_start3A_388 = tpu.memref_slice %arg4[%add3A_384, %dma_start3A_387] : memref<212992x128xf32, #tpu.memory_space<hbm>> -> memref<208x128xf32, #tpu.memory_space<hbm>>
      tpu.enqueue_dma source(%arg9 : memref<208x128xf32, #tpu.memory_space<vmem>>) target(%dma_start3A_388 : memref<208x128xf32, #tpu.memory_space<hbm>>) target_semaphore(%run_scoped3A : memref<!tpu.dma_semaphore, #tpu.memory_space<semaphore_mem>>)
      %dma_wait3A_389 = arith.constant 0 : i32
      %dma_wait3A_390 = tpu.memref_slice %arg4[%add3A_384, %dma_wait3A_389] : memref<212992x128xf32, #tpu.memory_space<hbm>> -> memref<208x128xf32, #tpu.memory_space<hbm>>
      %dma_wait3A_391 = arith.constant 0 : i32
      %dma_wait3A_392 = tpu.memref_slice %arg4[%add3A_384, %dma_wait3A_391] : memref<212992x128xf32, #tpu.memory_space<hbm>> -> memref<208x128xf32, #tpu.memory_space<hbm>>
      tpu.wait_dma2 semaphore(%run_scoped3A : memref<!tpu.dma_semaphore, #tpu.memory_space<semaphore_mem>>) src(%arg9 : memref<208x128xf32, #tpu.memory_space<vmem>>) dst(%dma_wait3A_392 : memref<208x128xf32, #tpu.memory_space<hbm>>)
      tpu.yield
    }) : () -> ()
    return
  }
}

module attributes {stable_mosaic.version = 14 : i64} {
  func.func @_fps_kernel(%arg0: memref<8x2048xf32, #tpu.memory_space<vmem>>, %arg1: memref<8x2048xf32, #tpu.memory_space<vmem>>, %arg2: memref<8x2048xf32, #tpu.memory_space<vmem>>, %arg3: memref<8x410xf32, #tpu.memory_space<vmem>>, %arg4: memref<8x410xf32, #tpu.memory_space<vmem>>, %arg5: memref<8x410xf32, #tpu.memory_space<vmem>>, %arg6: memref<8x103xf32, #tpu.memory_space<vmem>>, %arg7: memref<8x103xf32, #tpu.memory_space<vmem>>, %arg8: memref<8x103xf32, #tpu.memory_space<vmem>>) attributes {dimension_semantics = [], scalar_prefetch = 0 : i64, scratch_operands = 0 : i64, tpu.core_type = #tpu.core_type<tc>} {
    %get3A = arith.constant 0 : index
    %get3A_0 = arith.constant 0 : index
    %get3A_1 = vector.load %arg0[%get3A, %get3A_0] : memref<8x2048xf32, #tpu.memory_space<vmem>>, vector<8x2048xf32>
    %get3A_2 = arith.constant 0 : index
    %get3A_3 = arith.constant 0 : index
    %get3A_4 = vector.load %arg1[%get3A_2, %get3A_3] : memref<8x2048xf32, #tpu.memory_space<vmem>>, vector<8x2048xf32>
    %get3A_5 = arith.constant 0 : index
    %get3A_6 = arith.constant 0 : index
    %get3A_7 = vector.load %arg2[%get3A_5, %get3A_6] : memref<8x2048xf32, #tpu.memory_space<vmem>>, vector<8x2048xf32>
    %iota3A = tpu.iota {dimensions = array<i32: 1>} : vector<8x2048xi32>
    %iota3A_8 = tpu.iota {dimensions = array<i32: 1>} : vector<8x410xi32>
    %slice3A = vector.extract_strided_slice %get3A_1 {offsets = [0, 0], sizes = [8, 1], strides = [1, 1]} : vector<8x2048xf32> to vector<8x1xf32>
    %slice3A_9 = vector.extract_strided_slice %get3A_4 {offsets = [0, 0], sizes = [8, 1], strides = [1, 1]} : vector<8x2048xf32> to vector<8x1xf32>
    %slice3A_10 = vector.extract_strided_slice %get3A_7 {offsets = [0, 0], sizes = [8, 1], strides = [1, 1]} : vector<8x2048xf32> to vector<8x1xf32>
    %eq3A = arith.constant 0 : i32
    %eq3A_11 = vector.broadcast %eq3A : i32 to vector<8x410xi32>
    %eq3A_12 = arith.cmpi eq, %iota3A_8, %eq3A_11 : vector<8x410xi32>
    %jit3A = arith.constant 0.000000e+00 : f32
    %broadcast_in_dim3A = vector.shape_cast %slice3A : vector<8x1xf32> to vector<8x1xf32>
    %broadcast_in_dim3A_13 = vector.broadcast %broadcast_in_dim3A : vector<8x1xf32> to vector<8x410xf32>
    %broadcast_in_dim3A_14 = vector.broadcast %jit3A : f32 to vector<8x410xf32>
    %select_n3A = arith.select %eq3A_12, %broadcast_in_dim3A_13, %broadcast_in_dim3A_14 : vector<8x410xi1>, vector<8x410xf32>
    %eq3A_15 = arith.constant 0 : i32
    %eq3A_16 = vector.broadcast %eq3A_15 : i32 to vector<8x410xi32>
    %eq3A_17 = arith.cmpi eq, %iota3A_8, %eq3A_16 : vector<8x410xi32>
    %jit3A_18 = arith.constant 0.000000e+00 : f32
    %broadcast_in_dim3A_19 = vector.shape_cast %slice3A_9 : vector<8x1xf32> to vector<8x1xf32>
    %broadcast_in_dim3A_20 = vector.broadcast %broadcast_in_dim3A_19 : vector<8x1xf32> to vector<8x410xf32>
    %broadcast_in_dim3A_21 = vector.broadcast %jit3A_18 : f32 to vector<8x410xf32>
    %select_n3A_22 = arith.select %eq3A_17, %broadcast_in_dim3A_20, %broadcast_in_dim3A_21 : vector<8x410xi1>, vector<8x410xf32>
    %eq3A_23 = arith.constant 0 : i32
    %eq3A_24 = vector.broadcast %eq3A_23 : i32 to vector<8x410xi32>
    %eq3A_25 = arith.cmpi eq, %iota3A_8, %eq3A_24 : vector<8x410xi32>
    %jit3A_26 = arith.constant 0.000000e+00 : f32
    %broadcast_in_dim3A_27 = vector.shape_cast %slice3A_10 : vector<8x1xf32> to vector<8x1xf32>
    %broadcast_in_dim3A_28 = vector.broadcast %broadcast_in_dim3A_27 : vector<8x1xf32> to vector<8x410xf32>
    %broadcast_in_dim3A_29 = vector.broadcast %jit3A_26 : f32 to vector<8x410xf32>
    %select_n3A_30 = arith.select %eq3A_25, %broadcast_in_dim3A_28, %broadcast_in_dim3A_29 : vector<8x410xi1>, vector<8x410xf32>
    %broadcast_in_dim3A_31 = arith.constant 1.000000e+30 : f32
    %broadcast_in_dim3A_32 = vector.broadcast %broadcast_in_dim3A_31 : f32 to vector<8x2048xf32>
    %scan3A = arith.constant 1 : i32
    %scan3A_33 = arith.constant 409 : i32
    %scan3A_34 = arith.addi %scan3A, %scan3A_33 : i32
    %scan3A_35 = arith.constant 1 : i32
    %scan3A_36:7 = scf.for %scan3A_91 = %scan3A to %scan3A_34 step %scan3A_35 iter_args(%scan3A_92 = %slice3A, %scan3A_93 = %slice3A_9, %scan3A_94 = %slice3A_10, %scan3A_95 = %broadcast_in_dim3A_32, %scan3A_96 = %select_n3A, %scan3A_97 = %select_n3A_22, %scan3A_98 = %select_n3A_30) -> (vector<8x1xf32>, vector<8x1xf32>, vector<8x1xf32>, vector<8x2048xf32>, vector<8x410xf32>, vector<8x410xf32>, vector<8x410xf32>)  : i32 {
      %sub3A = vector.broadcast %scan3A_92 : vector<8x1xf32> to vector<8x2048xf32>
      %sub3A_99 = arith.subf %get3A_1, %sub3A : vector<8x2048xf32>
      %integer_pow3A = arith.mulf %sub3A_99, %sub3A_99 : vector<8x2048xf32>
      %sub3A_100 = vector.broadcast %scan3A_93 : vector<8x1xf32> to vector<8x2048xf32>
      %sub3A_101 = arith.subf %get3A_4, %sub3A_100 : vector<8x2048xf32>
      %integer_pow3A_102 = arith.mulf %sub3A_101, %sub3A_101 : vector<8x2048xf32>
      %add3A = arith.addf %integer_pow3A, %integer_pow3A_102 : vector<8x2048xf32>
      %sub3A_103 = vector.broadcast %scan3A_94 : vector<8x1xf32> to vector<8x2048xf32>
      %sub3A_104 = arith.subf %get3A_7, %sub3A_103 : vector<8x2048xf32>
      %integer_pow3A_105 = arith.mulf %sub3A_104, %sub3A_104 : vector<8x2048xf32>
      %add3A_106 = arith.addf %add3A, %integer_pow3A_105 : vector<8x2048xf32>
      %min3A = arith.minimumf %scan3A_95, %add3A_106 : vector<8x2048xf32>
      %reduce_max3A = arith.constant dense<0xFF800000> : vector<8xf32>
      %reduce_max3A_107 = vector.multi_reduction <maximumf>, %min3A, %reduce_max3A [1] : vector<8x2048xf32> to vector<8xf32>
      %broadcast_in_dim3A_108 = vector.shape_cast %reduce_max3A_107 : vector<8xf32> to vector<8x1xf32>
      %eq3A_109 = vector.broadcast %broadcast_in_dim3A_108 : vector<8x1xf32> to vector<8x2048xf32>
      %eq3A_110 = arith.cmpf oeq, %min3A, %eq3A_109 : vector<8x2048xf32>
      %jit3A_111 = arith.constant 2048 : i32
      %broadcast_in_dim3A_112 = vector.broadcast %jit3A_111 : i32 to vector<8x2048xi32>
      %select_n3A_113 = arith.select %eq3A_110, %iota3A, %broadcast_in_dim3A_112 : vector<8x2048xi1>, vector<8x2048xi32>
      %reduce_min3A = arith.constant dense<2147483647> : vector<8xi32>
      %reduce_min3A_114 = vector.multi_reduction <minsi>, %select_n3A_113, %reduce_min3A [1] : vector<8x2048xi32> to vector<8xi32>
      %broadcast_in_dim3A_115 = vector.shape_cast %reduce_min3A_114 : vector<8xi32> to vector<8x1xi32>
      %eq3A_116 = vector.broadcast %broadcast_in_dim3A_115 : vector<8x1xi32> to vector<8x2048xi32>
      %eq3A_117 = arith.cmpi eq, %iota3A, %eq3A_116 : vector<8x2048xi32>
      %jit3A_118 = arith.constant 0.000000e+00 : f32
      %broadcast_in_dim3A_119 = vector.broadcast %jit3A_118 : f32 to vector<8x2048xf32>
      %select_n3A_120 = arith.select %eq3A_117, %get3A_1, %broadcast_in_dim3A_119 : vector<8x2048xi1>, vector<8x2048xf32>
      %reduce_sum3A = arith.constant dense<0.000000e+00> : vector<8xf32>
      %reduce_sum3A_121 = vector.multi_reduction <add>, %select_n3A_120, %reduce_sum3A [1] : vector<8x2048xf32> to vector<8xf32>
      %broadcast_in_dim3A_122 = vector.shape_cast %reduce_sum3A_121 : vector<8xf32> to vector<8x1xf32>
      %jit3A_123 = arith.constant 0.000000e+00 : f32
      %broadcast_in_dim3A_124 = vector.broadcast %jit3A_123 : f32 to vector<8x2048xf32>
      %select_n3A_125 = arith.select %eq3A_117, %get3A_4, %broadcast_in_dim3A_124 : vector<8x2048xi1>, vector<8x2048xf32>
      %reduce_sum3A_126 = arith.constant dense<0.000000e+00> : vector<8xf32>
      %reduce_sum3A_127 = vector.multi_reduction <add>, %select_n3A_125, %reduce_sum3A_126 [1] : vector<8x2048xf32> to vector<8xf32>
      %broadcast_in_dim3A_128 = vector.shape_cast %reduce_sum3A_127 : vector<8xf32> to vector<8x1xf32>
      %jit3A_129 = arith.constant 0.000000e+00 : f32
      %broadcast_in_dim3A_130 = vector.broadcast %jit3A_129 : f32 to vector<8x2048xf32>
      %select_n3A_131 = arith.select %eq3A_117, %get3A_7, %broadcast_in_dim3A_130 : vector<8x2048xi1>, vector<8x2048xf32>
      %reduce_sum3A_132 = arith.constant dense<0.000000e+00> : vector<8xf32>
      %reduce_sum3A_133 = vector.multi_reduction <add>, %select_n3A_131, %reduce_sum3A_132 [1] : vector<8x2048xf32> to vector<8xf32>
      %broadcast_in_dim3A_134 = vector.shape_cast %reduce_sum3A_133 : vector<8xf32> to vector<8x1xf32>
      %eq3A_135 = vector.broadcast %scan3A_91 : i32 to vector<8x410xi32>
      %eq3A_136 = arith.cmpi eq, %iota3A_8, %eq3A_135 : vector<8x410xi32>
      %broadcast_in_dim3A_137 = vector.shape_cast %broadcast_in_dim3A_122 : vector<8x1xf32> to vector<8x1xf32>
      %broadcast_in_dim3A_138 = vector.broadcast %broadcast_in_dim3A_137 : vector<8x1xf32> to vector<8x410xf32>
      %select_n3A_139 = arith.select %eq3A_136, %broadcast_in_dim3A_138, %scan3A_96 : vector<8x410xi1>, vector<8x410xf32>
      %eq3A_140 = vector.broadcast %scan3A_91 : i32 to vector<8x410xi32>
      %eq3A_141 = arith.cmpi eq, %iota3A_8, %eq3A_140 : vector<8x410xi32>
      %broadcast_in_dim3A_142 = vector.shape_cast %broadcast_in_dim3A_128 : vector<8x1xf32> to vector<8x1xf32>
      %broadcast_in_dim3A_143 = vector.broadcast %broadcast_in_dim3A_142 : vector<8x1xf32> to vector<8x410xf32>
      %select_n3A_144 = arith.select %eq3A_141, %broadcast_in_dim3A_143, %scan3A_97 : vector<8x410xi1>, vector<8x410xf32>
      %eq3A_145 = vector.broadcast %scan3A_91 : i32 to vector<8x410xi32>
      %eq3A_146 = arith.cmpi eq, %iota3A_8, %eq3A_145 : vector<8x410xi32>
      %broadcast_in_dim3A_147 = vector.shape_cast %broadcast_in_dim3A_134 : vector<8x1xf32> to vector<8x1xf32>
      %broadcast_in_dim3A_148 = vector.broadcast %broadcast_in_dim3A_147 : vector<8x1xf32> to vector<8x410xf32>
      %select_n3A_149 = arith.select %eq3A_146, %broadcast_in_dim3A_148, %scan3A_98 : vector<8x410xi1>, vector<8x410xf32>
      scf.yield %broadcast_in_dim3A_122, %broadcast_in_dim3A_128, %broadcast_in_dim3A_134, %min3A, %select_n3A_139, %select_n3A_144, %select_n3A_149 : vector<8x1xf32>, vector<8x1xf32>, vector<8x1xf32>, vector<8x2048xf32>, vector<8x410xf32>, vector<8x410xf32>, vector<8x410xf32>
    }
    %scan3A_37 = arith.constant 409 : i32
    %swap3A = arith.constant 0 : index
    %swap3A_38 = arith.constant 0 : index
    %swap3A_39 = vector.load %arg3[%swap3A, %swap3A_38] : memref<8x410xf32, #tpu.memory_space<vmem>>, vector<8x410xf32>
    tpu.vector_store %arg3[%swap3A, %swap3A_38], %scan3A_36#4 {strides = array<i32>} : memref<8x410xf32, #tpu.memory_space<vmem>>, vector<8x410xf32>,
    %swap3A_40 = arith.constant 0 : index
    %swap3A_41 = arith.constant 0 : index
    %swap3A_42 = vector.load %arg4[%swap3A_40, %swap3A_41] : memref<8x410xf32, #tpu.memory_space<vmem>>, vector<8x410xf32>
    tpu.vector_store %arg4[%swap3A_40, %swap3A_41], %scan3A_36#5 {strides = array<i32>} : memref<8x410xf32, #tpu.memory_space<vmem>>, vector<8x410xf32>,
    %swap3A_43 = arith.constant 0 : index
    %swap3A_44 = arith.constant 0 : index
    %swap3A_45 = vector.load %arg5[%swap3A_43, %swap3A_44] : memref<8x410xf32, #tpu.memory_space<vmem>>, vector<8x410xf32>
    tpu.vector_store %arg5[%swap3A_43, %swap3A_44], %scan3A_36#6 {strides = array<i32>} : memref<8x410xf32, #tpu.memory_space<vmem>>, vector<8x410xf32>,
    %iota3A_46 = tpu.iota {dimensions = array<i32: 1>} : vector<8x103xi32>
    %slice3A_47 = vector.extract_strided_slice %scan3A_36#4 {offsets = [0, 0], sizes = [8, 1], strides = [1, 1]} : vector<8x410xf32> to vector<8x1xf32>
    %slice3A_48 = vector.extract_strided_slice %scan3A_36#5 {offsets = [0, 0], sizes = [8, 1], strides = [1, 1]} : vector<8x410xf32> to vector<8x1xf32>
    %slice3A_49 = vector.extract_strided_slice %scan3A_36#6 {offsets = [0, 0], sizes = [8, 1], strides = [1, 1]} : vector<8x410xf32> to vector<8x1xf32>
    %eq3A_50 = arith.constant 0 : i32
    %eq3A_51 = vector.broadcast %eq3A_50 : i32 to vector<8x103xi32>
    %eq3A_52 = arith.cmpi eq, %iota3A_46, %eq3A_51 : vector<8x103xi32>
    %jit3A_53 = arith.constant 0.000000e+00 : f32
    %broadcast_in_dim3A_54 = vector.shape_cast %slice3A_47 : vector<8x1xf32> to vector<8x1xf32>
    %broadcast_in_dim3A_55 = vector.broadcast %broadcast_in_dim3A_54 : vector<8x1xf32> to vector<8x103xf32>
    %broadcast_in_dim3A_56 = vector.broadcast %jit3A_53 : f32 to vector<8x103xf32>
    %select_n3A_57 = arith.select %eq3A_52, %broadcast_in_dim3A_55, %broadcast_in_dim3A_56 : vector<8x103xi1>, vector<8x103xf32>
    %eq3A_58 = arith.constant 0 : i32
    %eq3A_59 = vector.broadcast %eq3A_58 : i32 to vector<8x103xi32>
    %eq3A_60 = arith.cmpi eq, %iota3A_46, %eq3A_59 : vector<8x103xi32>
    %jit3A_61 = arith.constant 0.000000e+00 : f32
    %broadcast_in_dim3A_62 = vector.shape_cast %slice3A_48 : vector<8x1xf32> to vector<8x1xf32>
    %broadcast_in_dim3A_63 = vector.broadcast %broadcast_in_dim3A_62 : vector<8x1xf32> to vector<8x103xf32>
    %broadcast_in_dim3A_64 = vector.broadcast %jit3A_61 : f32 to vector<8x103xf32>
    %select_n3A_65 = arith.select %eq3A_60, %broadcast_in_dim3A_63, %broadcast_in_dim3A_64 : vector<8x103xi1>, vector<8x103xf32>
    %eq3A_66 = arith.constant 0 : i32
    %eq3A_67 = vector.broadcast %eq3A_66 : i32 to vector<8x103xi32>
    %eq3A_68 = arith.cmpi eq, %iota3A_46, %eq3A_67 : vector<8x103xi32>
    %jit3A_69 = arith.constant 0.000000e+00 : f32
    %broadcast_in_dim3A_70 = vector.shape_cast %slice3A_49 : vector<8x1xf32> to vector<8x1xf32>
    %broadcast_in_dim3A_71 = vector.broadcast %broadcast_in_dim3A_70 : vector<8x1xf32> to vector<8x103xf32>
    %broadcast_in_dim3A_72 = vector.broadcast %jit3A_69 : f32 to vector<8x103xf32>
    %select_n3A_73 = arith.select %eq3A_68, %broadcast_in_dim3A_71, %broadcast_in_dim3A_72 : vector<8x103xi1>, vector<8x103xf32>
    %broadcast_in_dim3A_74 = arith.constant 1.000000e+30 : f32
    %broadcast_in_dim3A_75 = vector.broadcast %broadcast_in_dim3A_74 : f32 to vector<8x410xf32>
    %scan3A_76 = arith.constant 1 : i32
    %scan3A_77 = arith.constant 102 : i32
    %scan3A_78 = arith.addi %scan3A_76, %scan3A_77 : i32
    %scan3A_79 = arith.constant 1 : i32
    %scan3A_80:7 = scf.for %scan3A_91 = %scan3A_76 to %scan3A_78 step %scan3A_79 iter_args(%scan3A_92 = %slice3A_47, %scan3A_93 = %slice3A_48, %scan3A_94 = %slice3A_49, %scan3A_95 = %broadcast_in_dim3A_75, %scan3A_96 = %select_n3A_57, %scan3A_97 = %select_n3A_65, %scan3A_98 = %select_n3A_73) -> (vector<8x1xf32>, vector<8x1xf32>, vector<8x1xf32>, vector<8x410xf32>, vector<8x103xf32>, vector<8x103xf32>, vector<8x103xf32>)  : i32 {
      %sub3A = vector.broadcast %scan3A_92 : vector<8x1xf32> to vector<8x410xf32>
      %sub3A_99 = arith.subf %scan3A_36#4, %sub3A : vector<8x410xf32>
      %integer_pow3A = arith.mulf %sub3A_99, %sub3A_99 : vector<8x410xf32>
      %sub3A_100 = vector.broadcast %scan3A_93 : vector<8x1xf32> to vector<8x410xf32>
      %sub3A_101 = arith.subf %scan3A_36#5, %sub3A_100 : vector<8x410xf32>
      %integer_pow3A_102 = arith.mulf %sub3A_101, %sub3A_101 : vector<8x410xf32>
      %add3A = arith.addf %integer_pow3A, %integer_pow3A_102 : vector<8x410xf32>
      %sub3A_103 = vector.broadcast %scan3A_94 : vector<8x1xf32> to vector<8x410xf32>
      %sub3A_104 = arith.subf %scan3A_36#6, %sub3A_103 : vector<8x410xf32>
      %integer_pow3A_105 = arith.mulf %sub3A_104, %sub3A_104 : vector<8x410xf32>
      %add3A_106 = arith.addf %add3A, %integer_pow3A_105 : vector<8x410xf32>
      %min3A = arith.minimumf %scan3A_95, %add3A_106 : vector<8x410xf32>
      %reduce_max3A = arith.constant dense<0xFF800000> : vector<8xf32>
      %reduce_max3A_107 = vector.multi_reduction <maximumf>, %min3A, %reduce_max3A [1] : vector<8x410xf32> to vector<8xf32>
      %broadcast_in_dim3A_108 = vector.shape_cast %reduce_max3A_107 : vector<8xf32> to vector<8x1xf32>
      %eq3A_109 = vector.broadcast %broadcast_in_dim3A_108 : vector<8x1xf32> to vector<8x410xf32>
      %eq3A_110 = arith.cmpf oeq, %min3A, %eq3A_109 : vector<8x410xf32>
      %jit3A_111 = arith.constant 410 : i32
      %broadcast_in_dim3A_112 = vector.broadcast %jit3A_111 : i32 to vector<8x410xi32>
      %select_n3A_113 = arith.select %eq3A_110, %iota3A_8, %broadcast_in_dim3A_112 : vector<8x410xi1>, vector<8x410xi32>
      %reduce_min3A = arith.constant dense<2147483647> : vector<8xi32>
      %reduce_min3A_114 = vector.multi_reduction <minsi>, %select_n3A_113, %reduce_min3A [1] : vector<8x410xi32> to vector<8xi32>
      %broadcast_in_dim3A_115 = vector.shape_cast %reduce_min3A_114 : vector<8xi32> to vector<8x1xi32>
      %eq3A_116 = vector.broadcast %broadcast_in_dim3A_115 : vector<8x1xi32> to vector<8x410xi32>
      %eq3A_117 = arith.cmpi eq, %iota3A_8, %eq3A_116 : vector<8x410xi32>
      %jit3A_118 = arith.constant 0.000000e+00 : f32
      %broadcast_in_dim3A_119 = vector.broadcast %jit3A_118 : f32 to vector<8x410xf32>
      %select_n3A_120 = arith.select %eq3A_117, %scan3A_36#4, %broadcast_in_dim3A_119 : vector<8x410xi1>, vector<8x410xf32>
      %reduce_sum3A = arith.constant dense<0.000000e+00> : vector<8xf32>
      %reduce_sum3A_121 = vector.multi_reduction <add>, %select_n3A_120, %reduce_sum3A [1] : vector<8x410xf32> to vector<8xf32>
      %broadcast_in_dim3A_122 = vector.shape_cast %reduce_sum3A_121 : vector<8xf32> to vector<8x1xf32>
      %jit3A_123 = arith.constant 0.000000e+00 : f32
      %broadcast_in_dim3A_124 = vector.broadcast %jit3A_123 : f32 to vector<8x410xf32>
      %select_n3A_125 = arith.select %eq3A_117, %scan3A_36#5, %broadcast_in_dim3A_124 : vector<8x410xi1>, vector<8x410xf32>
      %reduce_sum3A_126 = arith.constant dense<0.000000e+00> : vector<8xf32>
      %reduce_sum3A_127 = vector.multi_reduction <add>, %select_n3A_125, %reduce_sum3A_126 [1] : vector<8x410xf32> to vector<8xf32>
      %broadcast_in_dim3A_128 = vector.shape_cast %reduce_sum3A_127 : vector<8xf32> to vector<8x1xf32>
      %jit3A_129 = arith.constant 0.000000e+00 : f32
      %broadcast_in_dim3A_130 = vector.broadcast %jit3A_129 : f32 to vector<8x410xf32>
      %select_n3A_131 = arith.select %eq3A_117, %scan3A_36#6, %broadcast_in_dim3A_130 : vector<8x410xi1>, vector<8x410xf32>
      %reduce_sum3A_132 = arith.constant dense<0.000000e+00> : vector<8xf32>
      %reduce_sum3A_133 = vector.multi_reduction <add>, %select_n3A_131, %reduce_sum3A_132 [1] : vector<8x410xf32> to vector<8xf32>
      %broadcast_in_dim3A_134 = vector.shape_cast %reduce_sum3A_133 : vector<8xf32> to vector<8x1xf32>
      %eq3A_135 = vector.broadcast %scan3A_91 : i32 to vector<8x103xi32>
      %eq3A_136 = arith.cmpi eq, %iota3A_46, %eq3A_135 : vector<8x103xi32>
      %broadcast_in_dim3A_137 = vector.shape_cast %broadcast_in_dim3A_122 : vector<8x1xf32> to vector<8x1xf32>
      %broadcast_in_dim3A_138 = vector.broadcast %broadcast_in_dim3A_137 : vector<8x1xf32> to vector<8x103xf32>
      %select_n3A_139 = arith.select %eq3A_136, %broadcast_in_dim3A_138, %scan3A_96 : vector<8x103xi1>, vector<8x103xf32>
      %eq3A_140 = vector.broadcast %scan3A_91 : i32 to vector<8x103xi32>
      %eq3A_141 = arith.cmpi eq, %iota3A_46, %eq3A_140 : vector<8x103xi32>
      %broadcast_in_dim3A_142 = vector.shape_cast %broadcast_in_dim3A_128 : vector<8x1xf32> to vector<8x1xf32>
      %broadcast_in_dim3A_143 = vector.broadcast %broadcast_in_dim3A_142 : vector<8x1xf32> to vector<8x103xf32>
      %select_n3A_144 = arith.select %eq3A_141, %broadcast_in_dim3A_143, %scan3A_97 : vector<8x103xi1>, vector<8x103xf32>
      %eq3A_145 = vector.broadcast %scan3A_91 : i32 to vector<8x103xi32>
      %eq3A_146 = arith.cmpi eq, %iota3A_46, %eq3A_145 : vector<8x103xi32>
      %broadcast_in_dim3A_147 = vector.shape_cast %broadcast_in_dim3A_134 : vector<8x1xf32> to vector<8x1xf32>
      %broadcast_in_dim3A_148 = vector.broadcast %broadcast_in_dim3A_147 : vector<8x1xf32> to vector<8x103xf32>
      %select_n3A_149 = arith.select %eq3A_146, %broadcast_in_dim3A_148, %scan3A_98 : vector<8x103xi1>, vector<8x103xf32>
      scf.yield %broadcast_in_dim3A_122, %broadcast_in_dim3A_128, %broadcast_in_dim3A_134, %min3A, %select_n3A_139, %select_n3A_144, %select_n3A_149 : vector<8x1xf32>, vector<8x1xf32>, vector<8x1xf32>, vector<8x410xf32>, vector<8x103xf32>, vector<8x103xf32>, vector<8x103xf32>
    }
    %scan3A_81 = arith.constant 102 : i32
    %swap3A_82 = arith.constant 0 : index
    %swap3A_83 = arith.constant 0 : index
    %swap3A_84 = vector.load %arg6[%swap3A_82, %swap3A_83] : memref<8x103xf32, #tpu.memory_space<vmem>>, vector<8x103xf32>
    tpu.vector_store %arg6[%swap3A_82, %swap3A_83], %scan3A_80#4 {strides = array<i32>} : memref<8x103xf32, #tpu.memory_space<vmem>>, vector<8x103xf32>,
    %swap3A_85 = arith.constant 0 : index
    %swap3A_86 = arith.constant 0 : index
    %swap3A_87 = vector.load %arg7[%swap3A_85, %swap3A_86] : memref<8x103xf32, #tpu.memory_space<vmem>>, vector<8x103xf32>
    tpu.vector_store %arg7[%swap3A_85, %swap3A_86], %scan3A_80#5 {strides = array<i32>} : memref<8x103xf32, #tpu.memory_space<vmem>>, vector<8x103xf32>,
    %swap3A_88 = arith.constant 0 : index
    %swap3A_89 = arith.constant 0 : index
    %swap3A_90 = vector.load %arg8[%swap3A_88, %swap3A_89] : memref<8x103xf32, #tpu.memory_space<vmem>>, vector<8x103xf32>
    tpu.vector_store %arg8[%swap3A_88, %swap3A_89], %scan3A_80#6 {strides = array<i32>} : memref<8x103xf32, #tpu.memory_space<vmem>>, vector<8x103xf32>,
    return
  }
}

module attributes {stable_mosaic.version = 14 : i64} {
  func.func @kern(%arg0: i32, %arg1: memref<1x1x2048xf32, #tpu.memory_space<vmem>>, %arg2: memref<1x1x2048xf32, #tpu.memory_space<vmem>>, %arg3: memref<1x1x2048xf32, #tpu.memory_space<vmem>>, %arg4: memref<1x2048x1xf32, #tpu.memory_space<vmem>>, %arg5: memref<1x416x1xf32, #tpu.memory_space<vmem>>, %arg6: memref<1x416x1xf32, #tpu.memory_space<vmem>>, %arg7: memref<1x416x1xf32, #tpu.memory_space<vmem>>, %arg8: memref<4x64xf32, #tpu.memory_space<vmem>>, %arg9: memref<1x64xf32, #tpu.memory_space<vmem>>, %arg10: memref<1x416x64xi32, #tpu.memory_space<vmem>>, %arg11: memref<1x416x1xi32, #tpu.memory_space<vmem>>, %arg12: memref<1x2048x128xf32, #tpu.memory_space<vmem>>, %arg13: memref<1x416x64xf32, #tpu.memory_space<vmem>>) attributes {dimension_semantics = [#tpu.dimension_semantics<arbitrary>], iteration_bounds = array<i64: 8>, scalar_prefetch = 0 : i64, scratch_operands = 0 : i64, tpu.core_type = #tpu.core_type<tc>, window_params = [{transform_indices = @transform_0, window_bounds = array<i64: 1, 1, 2048>}, {transform_indices = @transform_1, window_bounds = array<i64: 1, 1, 2048>}, {transform_indices = @transform_2, window_bounds = array<i64: 1, 1, 2048>}, {transform_indices = @transform_3, window_bounds = array<i64: 1, 2048, 1>}, {transform_indices = @transform_4, window_bounds = array<i64: 1, 416, 1>}, {transform_indices = @transform_5, window_bounds = array<i64: 1, 416, 1>}, {transform_indices = @transform_6, window_bounds = array<i64: 1, 416, 1>}, {pipeline_mode = #tpu.pipeline_mode<synchronous>, transform_indices = @transform_7, window_bounds = array<i64: 4, 64>}, {pipeline_mode = #tpu.pipeline_mode<synchronous>, transform_indices = @transform_8, window_bounds = array<i64: 1, 64>}, {transform_indices = @transform_9, window_bounds = array<i64: 1, 416, 64>}, {transform_indices = @transform_10, window_bounds = array<i64: 1, 416, 1>}, {transform_indices = @transform_11, window_bounds = array<i64: 1, 2048, 128>}, {transform_indices = @transform_12, window_bounds = array<i64: 1, 416, 64>}]} {
    %get3A = arith.constant 0 : index
    %get3A_0 = arith.constant 0 : index
    %get3A_1 = arith.constant 0 : index
    %get3A_2 = vector.load %arg1[%get3A, %get3A_0, %get3A_1] : memref<1x1x2048xf32, #tpu.memory_space<vmem>>, vector<1x1x2048xf32>
    %reshape3A = vector.shape_cast %get3A_2 : vector<1x1x2048xf32> to vector<1x2048xf32>
    %get3A_3 = arith.constant 0 : index
    %get3A_4 = arith.constant 0 : index
    %get3A_5 = arith.constant 0 : index
    %get3A_6 = vector.load %arg2[%get3A_3, %get3A_4, %get3A_5] : memref<1x1x2048xf32, #tpu.memory_space<vmem>>, vector<1x1x2048xf32>
    %reshape3A_7 = vector.shape_cast %get3A_6 : vector<1x1x2048xf32> to vector<1x2048xf32>
    %get3A_8 = arith.constant 0 : index
    %get3A_9 = arith.constant 0 : index
    %get3A_10 = arith.constant 0 : index
    %get3A_11 = vector.load %arg3[%get3A_8, %get3A_9, %get3A_10] : memref<1x1x2048xf32, #tpu.memory_space<vmem>>, vector<1x1x2048xf32>
    %reshape3A_12 = vector.shape_cast %get3A_11 : vector<1x1x2048xf32> to vector<1x2048xf32>
    %get3A_13 = arith.constant 0 : index
    %get3A_14 = arith.constant 0 : index
    %get3A_15 = arith.constant 0 : index
    %get3A_16 = vector.load %arg5[%get3A_13, %get3A_14, %get3A_15] : memref<1x416x1xf32, #tpu.memory_space<vmem>>, vector<1x416x1xf32>
    %reshape3A_17 = vector.shape_cast %get3A_16 : vector<1x416x1xf32> to vector<416x1xf32>
    %get3A_18 = arith.constant 0 : index
    %get3A_19 = arith.constant 0 : index
    %get3A_20 = arith.constant 0 : index
    %get3A_21 = vector.load %arg6[%get3A_18, %get3A_19, %get3A_20] : memref<1x416x1xf32, #tpu.memory_space<vmem>>, vector<1x416x1xf32>
    %reshape3A_22 = vector.shape_cast %get3A_21 : vector<1x416x1xf32> to vector<416x1xf32>
    %get3A_23 = arith.constant 0 : index
    %get3A_24 = arith.constant 0 : index
    %get3A_25 = arith.constant 0 : index
    %get3A_26 = vector.load %arg7[%get3A_23, %get3A_24, %get3A_25] : memref<1x416x1xf32, #tpu.memory_space<vmem>>, vector<1x416x1xf32>
    %reshape3A_27 = vector.shape_cast %get3A_26 : vector<1x416x1xf32> to vector<416x1xf32>
    %get3A_28 = arith.constant 0 : index
    %get3A_29 = arith.constant 0 : index
    %get3A_30 = arith.constant 0 : index
    %get3A_31 = vector.load %arg4[%get3A_28, %get3A_29, %get3A_30] : memref<1x2048x1xf32, #tpu.memory_space<vmem>>, vector<1x2048x1xf32>
    %reshape3A_32 = vector.shape_cast %get3A_31 : vector<1x2048x1xf32> to vector<2048x1xf32>
    %get3A_33 = arith.constant 0 : index
    %get3A_34 = arith.constant 0 : index
    %get3A_35 = vector.load %arg8[%get3A_33, %get3A_34] : memref<4x64xf32, #tpu.memory_space<vmem>>, vector<4x64xf32>
    %get3A_36 = arith.constant 0 : index
    %get3A_37 = arith.constant 0 : index
    %get3A_38 = vector.load %arg9[%get3A_36, %get3A_37] : memref<1x64xf32, #tpu.memory_space<vmem>>, vector<1x64xf32>
    %sub3A = vector.broadcast %reshape3A_17 : vector<416x1xf32> to vector<416x2048xf32>
    %sub3A_39 = vector.broadcast %reshape3A : vector<1x2048xf32> to vector<416x2048xf32>
    %sub3A_40 = arith.subf %sub3A, %sub3A_39 : vector<416x2048xf32>
    %integer_pow3A = arith.mulf %sub3A_40, %sub3A_40 : vector<416x2048xf32>
    %sub3A_41 = vector.broadcast %reshape3A_22 : vector<416x1xf32> to vector<416x2048xf32>
    %sub3A_42 = vector.broadcast %reshape3A_7 : vector<1x2048xf32> to vector<416x2048xf32>
    %sub3A_43 = arith.subf %sub3A_41, %sub3A_42 : vector<416x2048xf32>
    %integer_pow3A_44 = arith.mulf %sub3A_43, %sub3A_43 : vector<416x2048xf32>
    %add3A = arith.addf %integer_pow3A, %integer_pow3A_44 : vector<416x2048xf32>
    %sub3A_45 = vector.broadcast %reshape3A_27 : vector<416x1xf32> to vector<416x2048xf32>
    %sub3A_46 = vector.broadcast %reshape3A_12 : vector<1x2048xf32> to vector<416x2048xf32>
    %sub3A_47 = arith.subf %sub3A_45, %sub3A_46 : vector<416x2048xf32>
    %integer_pow3A_48 = arith.mulf %sub3A_47, %sub3A_47 : vector<416x2048xf32>
    %add3A_49 = arith.addf %add3A, %integer_pow3A_48 : vector<416x2048xf32>
    %bitcast_convert_type3A = tpu.bitcast %add3A_49 : vector<416x2048xf32> -> vector<416x2048xi32>
    %lt3A = arith.constant 1025758986 : i32
    %lt3A_50 = vector.broadcast %lt3A : i32 to vector<416x2048xi32>
    %lt3A_51 = arith.cmpi slt, %bitcast_convert_type3A, %lt3A_50 : vector<416x2048xi32>
    %jit3A = arith.constant 2147483647 : i32
    %broadcast_in_dim3A = vector.broadcast %jit3A : i32 to vector<416x2048xi32>
    %select_n3A = arith.select %lt3A_51, %bitcast_convert_type3A, %broadcast_in_dim3A : vector<416x2048xi1>, vector<416x2048xi32>
    %broadcast_in_dim3A_52 = arith.constant 0 : i32
    %broadcast_in_dim3A_53 = vector.broadcast %broadcast_in_dim3A_52 : i32 to vector<416x1xi32>
    %broadcast_in_dim3A_54 = arith.constant 1025758986 : i32
    %broadcast_in_dim3A_55 = vector.broadcast %broadcast_in_dim3A_54 : i32 to vector<416x1xi32>
    %scan3A = arith.constant 0 : i32
    %scan3A_56 = arith.constant 30 : i32
    %scan3A_57 = arith.addi %scan3A, %scan3A_56 : i32
    %scan3A_58 = arith.constant 1 : i32
    %scan3A_59:2 = scf.for %scan3A_784 = %scan3A to %scan3A_57 step %scan3A_58 iter_args(%scan3A_785 = %broadcast_in_dim3A_53, %scan3A_786 = %broadcast_in_dim3A_55) -> (vector<416x1xi32>, vector<416x1xi32>)  : i32 {
      %sub3A_787 = arith.subi %scan3A_786, %scan3A_785 : vector<416x1xi32>
      %jit3A_788 = arith.constant 2 : i32
      %div3A = vector.broadcast %jit3A_788 : i32 to vector<416x1xi32>
      %div3A_789 = arith.divsi %sub3A_787, %div3A : vector<416x1xi32>
      %sign3A = arith.constant 0 : i32
      %sign3A_790 = vector.broadcast %sign3A : i32 to vector<416x1xi32>
      %sign3A_791 = arith.cmpi sgt, %sub3A_787, %sign3A_790 : vector<416x1xi32>
      %sign3A_792 = arith.extui %sign3A_791 : vector<416x1xi1> to vector<416x1xi32>
      %sign3A_793 = arith.constant 0 : i32
      %sign3A_794 = vector.broadcast %sign3A_793 : i32 to vector<416x1xi32>
      %sign3A_795 = arith.cmpi slt, %sub3A_787, %sign3A_794 : vector<416x1xi32>
      %sign3A_796 = arith.extui %sign3A_795 : vector<416x1xi1> to vector<416x1xi32>
      %sign3A_797 = arith.subi %sign3A_792, %sign3A_796 : vector<416x1xi32>
      %sign3A_798 = arith.constant 0 : i32
      %sign3A_799 = arith.cmpi sgt, %jit3A_788, %sign3A_798 : i32
      %sign3A_800 = arith.extui %sign3A_799 : i1 to i32
      %sign3A_801 = arith.constant 0 : i32
      %sign3A_802 = arith.cmpi slt, %jit3A_788, %sign3A_801 : i32
      %sign3A_803 = arith.extui %sign3A_802 : i1 to i32
      %sign3A_804 = arith.subi %sign3A_800, %sign3A_803 : i32
      %ne3A = vector.broadcast %sign3A_804 : i32 to vector<416x1xi32>
      %ne3A_805 = arith.cmpi ne, %sign3A_797, %ne3A : vector<416x1xi32>
      %rem3A = vector.broadcast %jit3A_788 : i32 to vector<416x1xi32>
      %rem3A_806 = arith.remsi %sub3A_787, %rem3A : vector<416x1xi32>
      %ne3A_807 = arith.constant 0 : i32
      %ne3A_808 = vector.broadcast %ne3A_807 : i32 to vector<416x1xi32>
      %ne3A_809 = arith.cmpi ne, %rem3A_806, %ne3A_808 : vector<416x1xi32>
      %and3A_810 = arith.andi %ne3A_805, %ne3A_809 : vector<416x1xi1>
      %sub3A_811 = arith.constant 1 : i32
      %sub3A_812 = vector.broadcast %sub3A_811 : i32 to vector<416x1xi32>
      %sub3A_813 = arith.subi %div3A_789, %sub3A_812 : vector<416x1xi32>
      %select_n3A_814 = arith.select %and3A_810, %sub3A_813, %div3A_789 : vector<416x1xi1>, vector<416x1xi32>
      %add3A_815 = arith.addi %scan3A_785, %select_n3A_814 : vector<416x1xi32>
      %le3A = vector.broadcast %add3A_815 : vector<416x1xi32> to vector<416x2048xi32>
      %le3A_816 = arith.cmpi sle, %select_n3A, %le3A : vector<416x2048xi32>
      %convert_element_type3A_817 = arith.extui %le3A_816 : vector<416x2048xi1> to vector<416x2048xi32>
      %reduce_sum3A_818 = arith.constant dense<0> : vector<416xi32>
      %reduce_sum3A_819 = vector.multi_reduction <add>, %convert_element_type3A_817, %reduce_sum3A_818 [1] : vector<416x2048xi32> to vector<416xi32>
      %broadcast_in_dim3A_820 = vector.shape_cast %reduce_sum3A_819 : vector<416xi32> to vector<416x1xi32>
      %ge3A = arith.constant 64 : i32
      %ge3A_821 = vector.broadcast %ge3A : i32 to vector<416x1xi32>
      %ge3A_822 = arith.cmpi sge, %broadcast_in_dim3A_820, %ge3A_821 : vector<416x1xi32>
      %add3A_823 = arith.constant 1 : i32
      %add3A_824 = vector.broadcast %add3A_823 : i32 to vector<416x1xi32>
      %add3A_825 = arith.addi %add3A_815, %add3A_824 : vector<416x1xi32>
      %select_n3A_826 = arith.select %ge3A_822, %scan3A_785, %add3A_825 : vector<416x1xi1>, vector<416x1xi32>
      %select_n3A_827 = arith.select %ge3A_822, %add3A_815, %scan3A_786 : vector<416x1xi1>, vector<416x1xi32>
      scf.yield %select_n3A_826, %select_n3A_827 : vector<416x1xi32>, vector<416x1xi32>
    }
    %lt3A_60 = vector.broadcast %scan3A_59#1 : vector<416x1xi32> to vector<416x2048xi32>
    %lt3A_61 = arith.cmpi slt, %select_n3A, %lt3A_60 : vector<416x2048xi32>
    %and3A = arith.andi %lt3A_51, %lt3A_61 : vector<416x2048xi1>
    %convert_element_type3A = arith.extui %and3A : vector<416x2048xi1> to vector<416x2048xi32>
    %reduce_sum3A = arith.constant dense<0> : vector<416xi32>
    %reduce_sum3A_62 = vector.multi_reduction <add>, %convert_element_type3A, %reduce_sum3A [1] : vector<416x2048xi32> to vector<416xi32>
    %broadcast_in_dim3A_63 = vector.shape_cast %reduce_sum3A_62 : vector<416xi32> to vector<416x1xi32>
    %eq3A = vector.broadcast %scan3A_59#1 : vector<416x1xi32> to vector<416x2048xi32>
    %eq3A_64 = arith.cmpi eq, %select_n3A, %eq3A : vector<416x2048xi32>
    %and3A_65 = arith.andi %lt3A_51, %eq3A_64 : vector<416x2048xi1>
    %convert_element_type3A_66 = arith.extui %and3A_65 : vector<416x2048xi1> to vector<416x2048xi32>
    %shift_left3A = arith.constant 16 : i32
    %shift_left3A_67 = vector.broadcast %shift_left3A : i32 to vector<416x2048xi32>
    %shift_left3A_68 = arith.shli %convert_element_type3A_66, %shift_left3A_67 : vector<416x2048xi32>
    %convert_element_type3A_69 = arith.extui %and3A : vector<416x2048xi1> to vector<416x2048xi32>
    %or3A = arith.ori %shift_left3A_68, %convert_element_type3A_69 : vector<416x2048xi32>
    %broadcast_in_dim3A_70 = arith.constant 0 : i32
    %broadcast_in_dim3A_71 = vector.broadcast %broadcast_in_dim3A_70 : i32 to vector<416x1xi32>
    %slice3A = vector.extract_strided_slice %or3A {offsets = [0, 0], sizes = [416, 2047], strides = [1, 1]} : vector<416x2048xi32> to vector<416x2047xi32>
    %concatenate3A = tpu.concatenate %broadcast_in_dim3A_71, %slice3A in 1 : vector<416x1xi32>, vector<416x2047xi32> -> vector<416x2048xi32>
    %add3A_72 = arith.addi %or3A, %concatenate3A : vector<416x2048xi32>
    %broadcast_in_dim3A_73 = arith.constant 0 : i32
    %broadcast_in_dim3A_74 = vector.broadcast %broadcast_in_dim3A_73 : i32 to vector<416x2xi32>
    %slice3A_75 = vector.extract_strided_slice %add3A_72 {offsets = [0, 0], sizes = [416, 2046], strides = [1, 1]} : vector<416x2048xi32> to vector<416x2046xi32>
    %concatenate3A_76 = tpu.concatenate %broadcast_in_dim3A_74, %slice3A_75 in 1 : vector<416x2xi32>, vector<416x2046xi32> -> vector<416x2048xi32>
    %add3A_77 = arith.addi %add3A_72, %concatenate3A_76 : vector<416x2048xi32>
    %broadcast_in_dim3A_78 = arith.constant 0 : i32
    %broadcast_in_dim3A_79 = vector.broadcast %broadcast_in_dim3A_78 : i32 to vector<416x4xi32>
    %slice3A_80 = vector.extract_strided_slice %add3A_77 {offsets = [0, 0], sizes = [416, 2044], strides = [1, 1]} : vector<416x2048xi32> to vector<416x2044xi32>
    %concatenate3A_81 = tpu.concatenate %broadcast_in_dim3A_79, %slice3A_80 in 1 : vector<416x4xi32>, vector<416x2044xi32> -> vector<416x2048xi32>
    %add3A_82 = arith.addi %add3A_77, %concatenate3A_81 : vector<416x2048xi32>
    %broadcast_in_dim3A_83 = arith.constant 0 : i32
    %broadcast_in_dim3A_84 = vector.broadcast %broadcast_in_dim3A_83 : i32 to vector<416x8xi32>
    %slice3A_85 = vector.extract_strided_slice %add3A_82 {offsets = [0, 0], sizes = [416, 2040], strides = [1, 1]} : vector<416x2048xi32> to vector<416x2040xi32>
    %concatenate3A_86 = tpu.concatenate %broadcast_in_dim3A_84, %slice3A_85 in 1 : vector<416x8xi32>, vector<416x2040xi32> -> vector<416x2048xi32>
    %add3A_87 = arith.addi %add3A_82, %concatenate3A_86 : vector<416x2048xi32>
    %broadcast_in_dim3A_88 = arith.constant 0 : i32
    %broadcast_in_dim3A_89 = vector.broadcast %broadcast_in_dim3A_88 : i32 to vector<416x16xi32>
    %slice3A_90 = vector.extract_strided_slice %add3A_87 {offsets = [0, 0], sizes = [416, 2032], strides = [1, 1]} : vector<416x2048xi32> to vector<416x2032xi32>
    %concatenate3A_91 = tpu.concatenate %broadcast_in_dim3A_89, %slice3A_90 in 1 : vector<416x16xi32>, vector<416x2032xi32> -> vector<416x2048xi32>
    %add3A_92 = arith.addi %add3A_87, %concatenate3A_91 : vector<416x2048xi32>
    %broadcast_in_dim3A_93 = arith.constant 0 : i32
    %broadcast_in_dim3A_94 = vector.broadcast %broadcast_in_dim3A_93 : i32 to vector<416x32xi32>
    %slice3A_95 = vector.extract_strided_slice %add3A_92 {offsets = [0, 0], sizes = [416, 2016], strides = [1, 1]} : vector<416x2048xi32> to vector<416x2016xi32>
    %concatenate3A_96 = tpu.concatenate %broadcast_in_dim3A_94, %slice3A_95 in 1 : vector<416x32xi32>, vector<416x2016xi32> -> vector<416x2048xi32>
    %add3A_97 = arith.addi %add3A_92, %concatenate3A_96 : vector<416x2048xi32>
    %broadcast_in_dim3A_98 = arith.constant 0 : i32
    %broadcast_in_dim3A_99 = vector.broadcast %broadcast_in_dim3A_98 : i32 to vector<416x64xi32>
    %slice3A_100 = vector.extract_strided_slice %add3A_97 {offsets = [0, 0], sizes = [416, 1984], strides = [1, 1]} : vector<416x2048xi32> to vector<416x1984xi32>
    %concatenate3A_101 = tpu.concatenate %broadcast_in_dim3A_99, %slice3A_100 in 1 : vector<416x64xi32>, vector<416x1984xi32> -> vector<416x2048xi32>
    %add3A_102 = arith.addi %add3A_97, %concatenate3A_101 : vector<416x2048xi32>
    %broadcast_in_dim3A_103 = arith.constant 0 : i32
    %broadcast_in_dim3A_104 = vector.broadcast %broadcast_in_dim3A_103 : i32 to vector<416x128xi32>
    %slice3A_105 = vector.extract_strided_slice %add3A_102 {offsets = [0, 0], sizes = [416, 1920], strides = [1, 1]} : vector<416x2048xi32> to vector<416x1920xi32>
    %concatenate3A_106 = tpu.concatenate %broadcast_in_dim3A_104, %slice3A_105 in 1 : vector<416x128xi32>, vector<416x1920xi32> -> vector<416x2048xi32>
    %add3A_107 = arith.addi %add3A_102, %concatenate3A_106 : vector<416x2048xi32>
    %broadcast_in_dim3A_108 = arith.constant 0 : i32
    %broadcast_in_dim3A_109 = vector.broadcast %broadcast_in_dim3A_108 : i32 to vector<416x256xi32>
    %slice3A_110 = vector.extract_strided_slice %add3A_107 {offsets = [0, 0], sizes = [416, 1792], strides = [1, 1]} : vector<416x2048xi32> to vector<416x1792xi32>
    %concatenate3A_111 = tpu.concatenate %broadcast_in_dim3A_109, %slice3A_110 in 1 : vector<416x256xi32>, vector<416x1792xi32> -> vector<416x2048xi32>
    %add3A_112 = arith.addi %add3A_107, %concatenate3A_111 : vector<416x2048xi32>
    %broadcast_in_dim3A_113 = arith.constant 0 : i32
    %broadcast_in_dim3A_114 = vector.broadcast %broadcast_in_dim3A_113 : i32 to vector<416x512xi32>
    %slice3A_115 = vector.extract_strided_slice %add3A_112 {offsets = [0, 0], sizes = [416, 1536], strides = [1, 1]} : vector<416x2048xi32> to vector<416x1536xi32>
    %concatenate3A_116 = tpu.concatenate %broadcast_in_dim3A_114, %slice3A_115 in 1 : vector<416x512xi32>, vector<416x1536xi32> -> vector<416x2048xi32>
    %add3A_117 = arith.addi %add3A_112, %concatenate3A_116 : vector<416x2048xi32>
    %broadcast_in_dim3A_118 = arith.constant 0 : i32
    %broadcast_in_dim3A_119 = vector.broadcast %broadcast_in_dim3A_118 : i32 to vector<416x1024xi32>
    %slice3A_120 = vector.extract_strided_slice %add3A_117 {offsets = [0, 0], sizes = [416, 1024], strides = [1, 1]} : vector<416x2048xi32> to vector<416x1024xi32>
    %concatenate3A_121 = tpu.concatenate %broadcast_in_dim3A_119, %slice3A_120 in 1 : vector<416x1024xi32>, vector<416x1024xi32> -> vector<416x2048xi32>
    %add3A_122 = arith.addi %add3A_117, %concatenate3A_121 : vector<416x2048xi32>
    %shift_right_arithmetic3A = arith.constant 16 : i32
    %shift_right_arithmetic3A_123 = vector.broadcast %shift_right_arithmetic3A : i32 to vector<416x2048xi32>
    %shift_right_arithmetic3A_124 = arith.shrsi %add3A_122, %shift_right_arithmetic3A_123 : vector<416x2048xi32>
    %convert_element_type3A_125 = arith.extui %and3A_65 : vector<416x2048xi1> to vector<416x2048xi32>
    %sub3A_126 = arith.subi %shift_right_arithmetic3A_124, %convert_element_type3A_125 : vector<416x2048xi32>
    %and3A_127 = arith.constant 65535 : i32
    %and3A_128 = vector.broadcast %and3A_127 : i32 to vector<416x2048xi32>
    %and3A_129 = arith.andi %add3A_122, %and3A_128 : vector<416x2048xi32>
    %convert_element_type3A_130 = arith.extui %and3A : vector<416x2048xi1> to vector<416x2048xi32>
    %sub3A_131 = arith.subi %and3A_129, %convert_element_type3A_130 : vector<416x2048xi32>
    %sub3A_132 = arith.constant 64 : i32
    %sub3A_133 = vector.broadcast %sub3A_132 : i32 to vector<416x1xi32>
    %sub3A_134 = arith.subi %sub3A_133, %broadcast_in_dim3A_63 : vector<416x1xi32>
    %lt3A_135 = vector.broadcast %sub3A_134 : vector<416x1xi32> to vector<416x2048xi32>
    %lt3A_136 = arith.cmpi slt, %sub3A_126, %lt3A_135 : vector<416x2048xi32>
    %and3A_137 = arith.andi %and3A_65, %lt3A_136 : vector<416x2048xi1>
    %or3A_138 = arith.ori %and3A, %and3A_137 : vector<416x2048xi1>
    %convert_element_type3A_139 = arith.extui %or3A_138 : vector<416x2048xi1> to vector<416x2048xi32>
    %reduce_sum3A_140 = arith.constant dense<0> : vector<416xi32>
    %reduce_sum3A_141 = vector.multi_reduction <add>, %convert_element_type3A_139, %reduce_sum3A_140 [1] : vector<416x2048xi32> to vector<416xi32>
    %broadcast_in_dim3A_142 = vector.shape_cast %reduce_sum3A_141 : vector<416xi32> to vector<416x1xi32>
    %min3A = vector.broadcast %sub3A_134 : vector<416x1xi32> to vector<416x2048xi32>
    %min3A_143 = arith.minsi %sub3A_126, %min3A : vector<416x2048xi32>
    %add3A_144 = arith.addi %sub3A_131, %min3A_143 : vector<416x2048xi32>
    %jit3A_145 = arith.constant -1 : i32
    %broadcast_in_dim3A_146 = vector.broadcast %jit3A_145 : i32 to vector<416x2048xi32>
    %select_n3A_147 = arith.select %or3A_138, %add3A_144, %broadcast_in_dim3A_146 : vector<416x2048xi1>, vector<416x2048xi32>
    %iota3A = tpu.iota {dimensions = array<i32: 1>} : vector<1x64x1xi32>
    %iota3A_148 = tpu.iota {dimensions = array<i32: 2>} : vector<1x1x2048xi32>
    %slice3A_149 = vector.extract_strided_slice %select_n3A_147 {offsets = [0, 0], sizes = [16, 2048], strides = [1, 1]} : vector<416x2048xi32> to vector<16x2048xi32>
    %broadcast_in_dim3A_150 = vector.shape_cast %slice3A_149 : vector<16x2048xi32> to vector<16x1x2048xi32>
    %eq3A_151 = vector.broadcast %broadcast_in_dim3A_150 : vector<16x1x2048xi32> to vector<16x64x2048xi32>
    %eq3A_152 = vector.broadcast %iota3A : vector<1x64x1xi32> to vector<16x64x2048xi32>
    %eq3A_153 = arith.cmpi eq, %eq3A_151, %eq3A_152 : vector<16x64x2048xi32>
    %jit3A_154 = arith.constant 0 : i32
    %broadcast_in_dim3A_155 = vector.shape_cast %iota3A_148 : vector<1x1x2048xi32> to vector<1x1x2048xi32>
    %broadcast_in_dim3A_156 = vector.broadcast %broadcast_in_dim3A_155 : vector<1x1x2048xi32> to vector<16x64x2048xi32>
    %broadcast_in_dim3A_157 = vector.broadcast %jit3A_154 : i32 to vector<16x64x2048xi32>
    %select_n3A_158 = arith.select %eq3A_153, %broadcast_in_dim3A_156, %broadcast_in_dim3A_157 : vector<16x64x2048xi1>, vector<16x64x2048xi32>
    %reduce_sum3A_159 = arith.constant dense<0> : vector<16x64xi32>
    %reduce_sum3A_160 = vector.multi_reduction <add>, %select_n3A_158, %reduce_sum3A_159 [2] : vector<16x64x2048xi32> to vector<16x64xi32>
    %mul3A = arith.constant 2048 : i32
    %mul3A_161 = arith.muli %arg0, %mul3A : i32
    %add3A_162 = vector.broadcast %mul3A_161 : i32 to vector<16x64xi32>
    %add3A_163 = arith.addi %reduce_sum3A_160, %add3A_162 : vector<16x64xi32>
    %swap3A = arith.constant 0 : index
    %swap3A_164 = arith.constant 0 : index
    %swap3A_165 = arith.constant 0 : index
    %swap3A_166 = vector.load %arg10[%swap3A, %swap3A_164, %swap3A_165] : memref<1x416x64xi32, #tpu.memory_space<vmem>>, vector<1x16x64xi32>
    %swap3A_167 = vector.shape_cast %swap3A_166 : vector<1x16x64xi32> to vector<16x64xi32>
    %swap3A_168 = vector.shape_cast %add3A_163 : vector<16x64xi32> to vector<1x16x64xi32>
    tpu.vector_store %arg10[%swap3A, %swap3A_164, %swap3A_165], %swap3A_168 {strides = array<i32>} : memref<1x416x64xi32, #tpu.memory_space<vmem>>, vector<1x16x64xi32>,
    %slice3A_169 = vector.extract_strided_slice %select_n3A_147 {offsets = [16, 0], sizes = [16, 2048], strides = [1, 1]} : vector<416x2048xi32> to vector<16x2048xi32>
    %broadcast_in_dim3A_170 = vector.shape_cast %slice3A_169 : vector<16x2048xi32> to vector<16x1x2048xi32>
    %eq3A_171 = vector.broadcast %broadcast_in_dim3A_170 : vector<16x1x2048xi32> to vector<16x64x2048xi32>
    %eq3A_172 = vector.broadcast %iota3A : vector<1x64x1xi32> to vector<16x64x2048xi32>
    %eq3A_173 = arith.cmpi eq, %eq3A_171, %eq3A_172 : vector<16x64x2048xi32>
    %jit3A_174 = arith.constant 0 : i32
    %broadcast_in_dim3A_175 = vector.shape_cast %iota3A_148 : vector<1x1x2048xi32> to vector<1x1x2048xi32>
    %broadcast_in_dim3A_176 = vector.broadcast %broadcast_in_dim3A_175 : vector<1x1x2048xi32> to vector<16x64x2048xi32>
    %broadcast_in_dim3A_177 = vector.broadcast %jit3A_174 : i32 to vector<16x64x2048xi32>
    %select_n3A_178 = arith.select %eq3A_173, %broadcast_in_dim3A_176, %broadcast_in_dim3A_177 : vector<16x64x2048xi1>, vector<16x64x2048xi32>
    %reduce_sum3A_179 = arith.constant dense<0> : vector<16x64xi32>
    %reduce_sum3A_180 = vector.multi_reduction <add>, %select_n3A_178, %reduce_sum3A_179 [2] : vector<16x64x2048xi32> to vector<16x64xi32>
    %mul3A_181 = arith.constant 2048 : i32
    %mul3A_182 = arith.muli %arg0, %mul3A_181 : i32
    %add3A_183 = vector.broadcast %mul3A_182 : i32 to vector<16x64xi32>
    %add3A_184 = arith.addi %reduce_sum3A_180, %add3A_183 : vector<16x64xi32>
    %swap3A_185 = arith.constant 0 : index
    %swap3A_186 = arith.constant 16 : index
    %swap3A_187 = arith.constant 0 : index
    %swap3A_188 = vector.load %arg10[%swap3A_185, %swap3A_186, %swap3A_187] : memref<1x416x64xi32, #tpu.memory_space<vmem>>, vector<1x16x64xi32>
    %swap3A_189 = vector.shape_cast %swap3A_188 : vector<1x16x64xi32> to vector<16x64xi32>
    %swap3A_190 = vector.shape_cast %add3A_184 : vector<16x64xi32> to vector<1x16x64xi32>
    tpu.vector_store %arg10[%swap3A_185, %swap3A_186, %swap3A_187], %swap3A_190 {strides = array<i32>} : memref<1x416x64xi32, #tpu.memory_space<vmem>>, vector<1x16x64xi32>,
    %slice3A_191 = vector.extract_strided_slice %select_n3A_147 {offsets = [32, 0], sizes = [16, 2048], strides = [1, 1]} : vector<416x2048xi32> to vector<16x2048xi32>
    %broadcast_in_dim3A_192 = vector.shape_cast %slice3A_191 : vector<16x2048xi32> to vector<16x1x2048xi32>
    %eq3A_193 = vector.broadcast %broadcast_in_dim3A_192 : vector<16x1x2048xi32> to vector<16x64x2048xi32>
    %eq3A_194 = vector.broadcast %iota3A : vector<1x64x1xi32> to vector<16x64x2048xi32>
    %eq3A_195 = arith.cmpi eq, %eq3A_193, %eq3A_194 : vector<16x64x2048xi32>
    %jit3A_196 = arith.constant 0 : i32
    %broadcast_in_dim3A_197 = vector.shape_cast %iota3A_148 : vector<1x1x2048xi32> to vector<1x1x2048xi32>
    %broadcast_in_dim3A_198 = vector.broadcast %broadcast_in_dim3A_197 : vector<1x1x2048xi32> to vector<16x64x2048xi32>
    %broadcast_in_dim3A_199 = vector.broadcast %jit3A_196 : i32 to vector<16x64x2048xi32>
    %select_n3A_200 = arith.select %eq3A_195, %broadcast_in_dim3A_198, %broadcast_in_dim3A_199 : vector<16x64x2048xi1>, vector<16x64x2048xi32>
    %reduce_sum3A_201 = arith.constant dense<0> : vector<16x64xi32>
    %reduce_sum3A_202 = vector.multi_reduction <add>, %select_n3A_200, %reduce_sum3A_201 [2] : vector<16x64x2048xi32> to vector<16x64xi32>
    %mul3A_203 = arith.constant 2048 : i32
    %mul3A_204 = arith.muli %arg0, %mul3A_203 : i32
    %add3A_205 = vector.broadcast %mul3A_204 : i32 to vector<16x64xi32>
    %add3A_206 = arith.addi %reduce_sum3A_202, %add3A_205 : vector<16x64xi32>
    %swap3A_207 = arith.constant 0 : index
    %swap3A_208 = arith.constant 32 : index
    %swap3A_209 = arith.constant 0 : index
    %swap3A_210 = vector.load %arg10[%swap3A_207, %swap3A_208, %swap3A_209] : memref<1x416x64xi32, #tpu.memory_space<vmem>>, vector<1x16x64xi32>
    %swap3A_211 = vector.shape_cast %swap3A_210 : vector<1x16x64xi32> to vector<16x64xi32>
    %swap3A_212 = vector.shape_cast %add3A_206 : vector<16x64xi32> to vector<1x16x64xi32>
    tpu.vector_store %arg10[%swap3A_207, %swap3A_208, %swap3A_209], %swap3A_212 {strides = array<i32>} : memref<1x416x64xi32, #tpu.memory_space<vmem>>, vector<1x16x64xi32>,
    %slice3A_213 = vector.extract_strided_slice %select_n3A_147 {offsets = [48, 0], sizes = [16, 2048], strides = [1, 1]} : vector<416x2048xi32> to vector<16x2048xi32>
    %broadcast_in_dim3A_214 = vector.shape_cast %slice3A_213 : vector<16x2048xi32> to vector<16x1x2048xi32>
    %eq3A_215 = vector.broadcast %broadcast_in_dim3A_214 : vector<16x1x2048xi32> to vector<16x64x2048xi32>
    %eq3A_216 = vector.broadcast %iota3A : vector<1x64x1xi32> to vector<16x64x2048xi32>
    %eq3A_217 = arith.cmpi eq, %eq3A_215, %eq3A_216 : vector<16x64x2048xi32>
    %jit3A_218 = arith.constant 0 : i32
    %broadcast_in_dim3A_219 = vector.shape_cast %iota3A_148 : vector<1x1x2048xi32> to vector<1x1x2048xi32>
    %broadcast_in_dim3A_220 = vector.broadcast %broadcast_in_dim3A_219 : vector<1x1x2048xi32> to vector<16x64x2048xi32>
    %broadcast_in_dim3A_221 = vector.broadcast %jit3A_218 : i32 to vector<16x64x2048xi32>
    %select_n3A_222 = arith.select %eq3A_217, %broadcast_in_dim3A_220, %broadcast_in_dim3A_221 : vector<16x64x2048xi1>, vector<16x64x2048xi32>
    %reduce_sum3A_223 = arith.constant dense<0> : vector<16x64xi32>
    %reduce_sum3A_224 = vector.multi_reduction <add>, %select_n3A_222, %reduce_sum3A_223 [2] : vector<16x64x2048xi32> to vector<16x64xi32>
    %mul3A_225 = arith.constant 2048 : i32
    %mul3A_226 = arith.muli %arg0, %mul3A_225 : i32
    %add3A_227 = vector.broadcast %mul3A_226 : i32 to vector<16x64xi32>
    %add3A_228 = arith.addi %reduce_sum3A_224, %add3A_227 : vector<16x64xi32>
    %swap3A_229 = arith.constant 0 : index
    %swap3A_230 = arith.constant 48 : index
    %swap3A_231 = arith.constant 0 : index
    %swap3A_232 = vector.load %arg10[%swap3A_229, %swap3A_230, %swap3A_231] : memref<1x416x64xi32, #tpu.memory_space<vmem>>, vector<1x16x64xi32>
    %swap3A_233 = vector.shape_cast %swap3A_232 : vector<1x16x64xi32> to vector<16x64xi32>
    %swap3A_234 = vector.shape_cast %add3A_228 : vector<16x64xi32> to vector<1x16x64xi32>
    tpu.vector_store %arg10[%swap3A_229, %swap3A_230, %swap3A_231], %swap3A_234 {strides = array<i32>} : memref<1x416x64xi32, #tpu.memory_space<vmem>>, vector<1x16x64xi32>,
    %slice3A_235 = vector.extract_strided_slice %select_n3A_147 {offsets = [64, 0], sizes = [16, 2048], strides = [1, 1]} : vector<416x2048xi32> to vector<16x2048xi32>
    %broadcast_in_dim3A_236 = vector.shape_cast %slice3A_235 : vector<16x2048xi32> to vector<16x1x2048xi32>
    %eq3A_237 = vector.broadcast %broadcast_in_dim3A_236 : vector<16x1x2048xi32> to vector<16x64x2048xi32>
    %eq3A_238 = vector.broadcast %iota3A : vector<1x64x1xi32> to vector<16x64x2048xi32>
    %eq3A_239 = arith.cmpi eq, %eq3A_237, %eq3A_238 : vector<16x64x2048xi32>
    %jit3A_240 = arith.constant 0 : i32
    %broadcast_in_dim3A_241 = vector.shape_cast %iota3A_148 : vector<1x1x2048xi32> to vector<1x1x2048xi32>
    %broadcast_in_dim3A_242 = vector.broadcast %broadcast_in_dim3A_241 : vector<1x1x2048xi32> to vector<16x64x2048xi32>
    %broadcast_in_dim3A_243 = vector.broadcast %jit3A_240 : i32 to vector<16x64x2048xi32>
    %select_n3A_244 = arith.select %eq3A_239, %broadcast_in_dim3A_242, %broadcast_in_dim3A_243 : vector<16x64x2048xi1>, vector<16x64x2048xi32>
    %reduce_sum3A_245 = arith.constant dense<0> : vector<16x64xi32>
    %reduce_sum3A_246 = vector.multi_reduction <add>, %select_n3A_244, %reduce_sum3A_245 [2] : vector<16x64x2048xi32> to vector<16x64xi32>
    %mul3A_247 = arith.constant 2048 : i32
    %mul3A_248 = arith.muli %arg0, %mul3A_247 : i32
    %add3A_249 = vector.broadcast %mul3A_248 : i32 to vector<16x64xi32>
    %add3A_250 = arith.addi %reduce_sum3A_246, %add3A_249 : vector<16x64xi32>
    %swap3A_251 = arith.constant 0 : index
    %swap3A_252 = arith.constant 64 : index
    %swap3A_253 = arith.constant 0 : index
    %swap3A_254 = vector.load %arg10[%swap3A_251, %swap3A_252, %swap3A_253] : memref<1x416x64xi32, #tpu.memory_space<vmem>>, vector<1x16x64xi32>
    %swap3A_255 = vector.shape_cast %swap3A_254 : vector<1x16x64xi32> to vector<16x64xi32>
    %swap3A_256 = vector.shape_cast %add3A_250 : vector<16x64xi32> to vector<1x16x64xi32>
    tpu.vector_store %arg10[%swap3A_251, %swap3A_252, %swap3A_253], %swap3A_256 {strides = array<i32>} : memref<1x416x64xi32, #tpu.memory_space<vmem>>, vector<1x16x64xi32>,
    %slice3A_257 = vector.extract_strided_slice %select_n3A_147 {offsets = [80, 0], sizes = [16, 2048], strides = [1, 1]} : vector<416x2048xi32> to vector<16x2048xi32>
    %broadcast_in_dim3A_258 = vector.shape_cast %slice3A_257 : vector<16x2048xi32> to vector<16x1x2048xi32>
    %eq3A_259 = vector.broadcast %broadcast_in_dim3A_258 : vector<16x1x2048xi32> to vector<16x64x2048xi32>
    %eq3A_260 = vector.broadcast %iota3A : vector<1x64x1xi32> to vector<16x64x2048xi32>
    %eq3A_261 = arith.cmpi eq, %eq3A_259, %eq3A_260 : vector<16x64x2048xi32>
    %jit3A_262 = arith.constant 0 : i32
    %broadcast_in_dim3A_263 = vector.shape_cast %iota3A_148 : vector<1x1x2048xi32> to vector<1x1x2048xi32>
    %broadcast_in_dim3A_264 = vector.broadcast %broadcast_in_dim3A_263 : vector<1x1x2048xi32> to vector<16x64x2048xi32>
    %broadcast_in_dim3A_265 = vector.broadcast %jit3A_262 : i32 to vector<16x64x2048xi32>
    %select_n3A_266 = arith.select %eq3A_261, %broadcast_in_dim3A_264, %broadcast_in_dim3A_265 : vector<16x64x2048xi1>, vector<16x64x2048xi32>
    %reduce_sum3A_267 = arith.constant dense<0> : vector<16x64xi32>
    %reduce_sum3A_268 = vector.multi_reduction <add>, %select_n3A_266, %reduce_sum3A_267 [2] : vector<16x64x2048xi32> to vector<16x64xi32>
    %mul3A_269 = arith.constant 2048 : i32
    %mul3A_270 = arith.muli %arg0, %mul3A_269 : i32
    %add3A_271 = vector.broadcast %mul3A_270 : i32 to vector<16x64xi32>
    %add3A_272 = arith.addi %reduce_sum3A_268, %add3A_271 : vector<16x64xi32>
    %swap3A_273 = arith.constant 0 : index
    %swap3A_274 = arith.constant 80 : index
    %swap3A_275 = arith.constant 0 : index
    %swap3A_276 = vector.load %arg10[%swap3A_273, %swap3A_274, %swap3A_275] : memref<1x416x64xi32, #tpu.memory_space<vmem>>, vector<1x16x64xi32>
    %swap3A_277 = vector.shape_cast %swap3A_276 : vector<1x16x64xi32> to vector<16x64xi32>
    %swap3A_278 = vector.shape_cast %add3A_272 : vector<16x64xi32> to vector<1x16x64xi32>
    tpu.vector_store %arg10[%swap3A_273, %swap3A_274, %swap3A_275], %swap3A_278 {strides = array<i32>} : memref<1x416x64xi32, #tpu.memory_space<vmem>>, vector<1x16x64xi32>,
    %slice3A_279 = vector.extract_strided_slice %select_n3A_147 {offsets = [96, 0], sizes = [16, 2048], strides = [1, 1]} : vector<416x2048xi32> to vector<16x2048xi32>
    %broadcast_in_dim3A_280 = vector.shape_cast %slice3A_279 : vector<16x2048xi32> to vector<16x1x2048xi32>
    %eq3A_281 = vector.broadcast %broadcast_in_dim3A_280 : vector<16x1x2048xi32> to vector<16x64x2048xi32>
    %eq3A_282 = vector.broadcast %iota3A : vector<1x64x1xi32> to vector<16x64x2048xi32>
    %eq3A_283 = arith.cmpi eq, %eq3A_281, %eq3A_282 : vector<16x64x2048xi32>
    %jit3A_284 = arith.constant 0 : i32
    %broadcast_in_dim3A_285 = vector.shape_cast %iota3A_148 : vector<1x1x2048xi32> to vector<1x1x2048xi32>
    %broadcast_in_dim3A_286 = vector.broadcast %broadcast_in_dim3A_285 : vector<1x1x2048xi32> to vector<16x64x2048xi32>
    %broadcast_in_dim3A_287 = vector.broadcast %jit3A_284 : i32 to vector<16x64x2048xi32>
    %select_n3A_288 = arith.select %eq3A_283, %broadcast_in_dim3A_286, %broadcast_in_dim3A_287 : vector<16x64x2048xi1>, vector<16x64x2048xi32>
    %reduce_sum3A_289 = arith.constant dense<0> : vector<16x64xi32>
    %reduce_sum3A_290 = vector.multi_reduction <add>, %select_n3A_288, %reduce_sum3A_289 [2] : vector<16x64x2048xi32> to vector<16x64xi32>
    %mul3A_291 = arith.constant 2048 : i32
    %mul3A_292 = arith.muli %arg0, %mul3A_291 : i32
    %add3A_293 = vector.broadcast %mul3A_292 : i32 to vector<16x64xi32>
    %add3A_294 = arith.addi %reduce_sum3A_290, %add3A_293 : vector<16x64xi32>
    %swap3A_295 = arith.constant 0 : index
    %swap3A_296 = arith.constant 96 : index
    %swap3A_297 = arith.constant 0 : index
    %swap3A_298 = vector.load %arg10[%swap3A_295, %swap3A_296, %swap3A_297] : memref<1x416x64xi32, #tpu.memory_space<vmem>>, vector<1x16x64xi32>
    %swap3A_299 = vector.shape_cast %swap3A_298 : vector<1x16x64xi32> to vector<16x64xi32>
    %swap3A_300 = vector.shape_cast %add3A_294 : vector<16x64xi32> to vector<1x16x64xi32>
    tpu.vector_store %arg10[%swap3A_295, %swap3A_296, %swap3A_297], %swap3A_300 {strides = array<i32>} : memref<1x416x64xi32, #tpu.memory_space<vmem>>, vector<1x16x64xi32>,
    %slice3A_301 = vector.extract_strided_slice %select_n3A_147 {offsets = [112, 0], sizes = [16, 2048], strides = [1, 1]} : vector<416x2048xi32> to vector<16x2048xi32>
    %broadcast_in_dim3A_302 = vector.shape_cast %slice3A_301 : vector<16x2048xi32> to vector<16x1x2048xi32>
    %eq3A_303 = vector.broadcast %broadcast_in_dim3A_302 : vector<16x1x2048xi32> to vector<16x64x2048xi32>
    %eq3A_304 = vector.broadcast %iota3A : vector<1x64x1xi32> to vector<16x64x2048xi32>
    %eq3A_305 = arith.cmpi eq, %eq3A_303, %eq3A_304 : vector<16x64x2048xi32>
    %jit3A_306 = arith.constant 0 : i32
    %broadcast_in_dim3A_307 = vector.shape_cast %iota3A_148 : vector<1x1x2048xi32> to vector<1x1x2048xi32>
    %broadcast_in_dim3A_308 = vector.broadcast %broadcast_in_dim3A_307 : vector<1x1x2048xi32> to vector<16x64x2048xi32>
    %broadcast_in_dim3A_309 = vector.broadcast %jit3A_306 : i32 to vector<16x64x2048xi32>
    %select_n3A_310 = arith.select %eq3A_305, %broadcast_in_dim3A_308, %broadcast_in_dim3A_309 : vector<16x64x2048xi1>, vector<16x64x2048xi32>
    %reduce_sum3A_311 = arith.constant dense<0> : vector<16x64xi32>
    %reduce_sum3A_312 = vector.multi_reduction <add>, %select_n3A_310, %reduce_sum3A_311 [2] : vector<16x64x2048xi32> to vector<16x64xi32>
    %mul3A_313 = arith.constant 2048 : i32
    %mul3A_314 = arith.muli %arg0, %mul3A_313 : i32
    %add3A_315 = vector.broadcast %mul3A_314 : i32 to vector<16x64xi32>
    %add3A_316 = arith.addi %reduce_sum3A_312, %add3A_315 : vector<16x64xi32>
    %swap3A_317 = arith.constant 0 : index
    %swap3A_318 = arith.constant 112 : index
    %swap3A_319 = arith.constant 0 : index
    %swap3A_320 = vector.load %arg10[%swap3A_317, %swap3A_318, %swap3A_319] : memref<1x416x64xi32, #tpu.memory_space<vmem>>, vector<1x16x64xi32>
    %swap3A_321 = vector.shape_cast %swap3A_320 : vector<1x16x64xi32> to vector<16x64xi32>
    %swap3A_322 = vector.shape_cast %add3A_316 : vector<16x64xi32> to vector<1x16x64xi32>
    tpu.vector_store %arg10[%swap3A_317, %swap3A_318, %swap3A_319], %swap3A_322 {strides = array<i32>} : memref<1x416x64xi32, #tpu.memory_space<vmem>>, vector<1x16x64xi32>,
    %slice3A_323 = vector.extract_strided_slice %select_n3A_147 {offsets = [128, 0], sizes = [16, 2048], strides = [1, 1]} : vector<416x2048xi32> to vector<16x2048xi32>
    %broadcast_in_dim3A_324 = vector.shape_cast %slice3A_323 : vector<16x2048xi32> to vector<16x1x2048xi32>
    %eq3A_325 = vector.broadcast %broadcast_in_dim3A_324 : vector<16x1x2048xi32> to vector<16x64x2048xi32>
    %eq3A_326 = vector.broadcast %iota3A : vector<1x64x1xi32> to vector<16x64x2048xi32>
    %eq3A_327 = arith.cmpi eq, %eq3A_325, %eq3A_326 : vector<16x64x2048xi32>
    %jit3A_328 = arith.constant 0 : i32
    %broadcast_in_dim3A_329 = vector.shape_cast %iota3A_148 : vector<1x1x2048xi32> to vector<1x1x2048xi32>
    %broadcast_in_dim3A_330 = vector.broadcast %broadcast_in_dim3A_329 : vector<1x1x2048xi32> to vector<16x64x2048xi32>
    %broadcast_in_dim3A_331 = vector.broadcast %jit3A_328 : i32 to vector<16x64x2048xi32>
    %select_n3A_332 = arith.select %eq3A_327, %broadcast_in_dim3A_330, %broadcast_in_dim3A_331 : vector<16x64x2048xi1>, vector<16x64x2048xi32>
    %reduce_sum3A_333 = arith.constant dense<0> : vector<16x64xi32>
    %reduce_sum3A_334 = vector.multi_reduction <add>, %select_n3A_332, %reduce_sum3A_333 [2] : vector<16x64x2048xi32> to vector<16x64xi32>
    %mul3A_335 = arith.constant 2048 : i32
    %mul3A_336 = arith.muli %arg0, %mul3A_335 : i32
    %add3A_337 = vector.broadcast %mul3A_336 : i32 to vector<16x64xi32>
    %add3A_338 = arith.addi %reduce_sum3A_334, %add3A_337 : vector<16x64xi32>
    %swap3A_339 = arith.constant 0 : index
    %swap3A_340 = arith.constant 128 : index
    %swap3A_341 = arith.constant 0 : index
    %swap3A_342 = vector.load %arg10[%swap3A_339, %swap3A_340, %swap3A_341] : memref<1x416x64xi32, #tpu.memory_space<vmem>>, vector<1x16x64xi32>
    %swap3A_343 = vector.shape_cast %swap3A_342 : vector<1x16x64xi32> to vector<16x64xi32>
    %swap3A_344 = vector.shape_cast %add3A_338 : vector<16x64xi32> to vector<1x16x64xi32>
    tpu.vector_store %arg10[%swap3A_339, %swap3A_340, %swap3A_341], %swap3A_344 {strides = array<i32>} : memref<1x416x64xi32, #tpu.memory_space<vmem>>, vector<1x16x64xi32>,
    %slice3A_345 = vector.extract_strided_slice %select_n3A_147 {offsets = [144, 0], sizes = [16, 2048], strides = [1, 1]} : vector<416x2048xi32> to vector<16x2048xi32>
    %broadcast_in_dim3A_346 = vector.shape_cast %slice3A_345 : vector<16x2048xi32> to vector<16x1x2048xi32>
    %eq3A_347 = vector.broadcast %broadcast_in_dim3A_346 : vector<16x1x2048xi32> to vector<16x64x2048xi32>
    %eq3A_348 = vector.broadcast %iota3A : vector<1x64x1xi32> to vector<16x64x2048xi32>
    %eq3A_349 = arith.cmpi eq, %eq3A_347, %eq3A_348 : vector<16x64x2048xi32>
    %jit3A_350 = arith.constant 0 : i32
    %broadcast_in_dim3A_351 = vector.shape_cast %iota3A_148 : vector<1x1x2048xi32> to vector<1x1x2048xi32>
    %broadcast_in_dim3A_352 = vector.broadcast %broadcast_in_dim3A_351 : vector<1x1x2048xi32> to vector<16x64x2048xi32>
    %broadcast_in_dim3A_353 = vector.broadcast %jit3A_350 : i32 to vector<16x64x2048xi32>
    %select_n3A_354 = arith.select %eq3A_349, %broadcast_in_dim3A_352, %broadcast_in_dim3A_353 : vector<16x64x2048xi1>, vector<16x64x2048xi32>
    %reduce_sum3A_355 = arith.constant dense<0> : vector<16x64xi32>
    %reduce_sum3A_356 = vector.multi_reduction <add>, %select_n3A_354, %reduce_sum3A_355 [2] : vector<16x64x2048xi32> to vector<16x64xi32>
    %mul3A_357 = arith.constant 2048 : i32
    %mul3A_358 = arith.muli %arg0, %mul3A_357 : i32
    %add3A_359 = vector.broadcast %mul3A_358 : i32 to vector<16x64xi32>
    %add3A_360 = arith.addi %reduce_sum3A_356, %add3A_359 : vector<16x64xi32>
    %swap3A_361 = arith.constant 0 : index
    %swap3A_362 = arith.constant 144 : index
    %swap3A_363 = arith.constant 0 : index
    %swap3A_364 = vector.load %arg10[%swap3A_361, %swap3A_362, %swap3A_363] : memref<1x416x64xi32, #tpu.memory_space<vmem>>, vector<1x16x64xi32>
    %swap3A_365 = vector.shape_cast %swap3A_364 : vector<1x16x64xi32> to vector<16x64xi32>
    %swap3A_366 = vector.shape_cast %add3A_360 : vector<16x64xi32> to vector<1x16x64xi32>
    tpu.vector_store %arg10[%swap3A_361, %swap3A_362, %swap3A_363], %swap3A_366 {strides = array<i32>} : memref<1x416x64xi32, #tpu.memory_space<vmem>>, vector<1x16x64xi32>,
    %slice3A_367 = vector.extract_strided_slice %select_n3A_147 {offsets = [160, 0], sizes = [16, 2048], strides = [1, 1]} : vector<416x2048xi32> to vector<16x2048xi32>
    %broadcast_in_dim3A_368 = vector.shape_cast %slice3A_367 : vector<16x2048xi32> to vector<16x1x2048xi32>
    %eq3A_369 = vector.broadcast %broadcast_in_dim3A_368 : vector<16x1x2048xi32> to vector<16x64x2048xi32>
    %eq3A_370 = vector.broadcast %iota3A : vector<1x64x1xi32> to vector<16x64x2048xi32>
    %eq3A_371 = arith.cmpi eq, %eq3A_369, %eq3A_370 : vector<16x64x2048xi32>
    %jit3A_372 = arith.constant 0 : i32
    %broadcast_in_dim3A_373 = vector.shape_cast %iota3A_148 : vector<1x1x2048xi32> to vector<1x1x2048xi32>
    %broadcast_in_dim3A_374 = vector.broadcast %broadcast_in_dim3A_373 : vector<1x1x2048xi32> to vector<16x64x2048xi32>
    %broadcast_in_dim3A_375 = vector.broadcast %jit3A_372 : i32 to vector<16x64x2048xi32>
    %select_n3A_376 = arith.select %eq3A_371, %broadcast_in_dim3A_374, %broadcast_in_dim3A_375 : vector<16x64x2048xi1>, vector<16x64x2048xi32>
    %reduce_sum3A_377 = arith.constant dense<0> : vector<16x64xi32>
    %reduce_sum3A_378 = vector.multi_reduction <add>, %select_n3A_376, %reduce_sum3A_377 [2] : vector<16x64x2048xi32> to vector<16x64xi32>
    %mul3A_379 = arith.constant 2048 : i32
    %mul3A_380 = arith.muli %arg0, %mul3A_379 : i32
    %add3A_381 = vector.broadcast %mul3A_380 : i32 to vector<16x64xi32>
    %add3A_382 = arith.addi %reduce_sum3A_378, %add3A_381 : vector<16x64xi32>
    %swap3A_383 = arith.constant 0 : index
    %swap3A_384 = arith.constant 160 : index
    %swap3A_385 = arith.constant 0 : index
    %swap3A_386 = vector.load %arg10[%swap3A_383, %swap3A_384, %swap3A_385] : memref<1x416x64xi32, #tpu.memory_space<vmem>>, vector<1x16x64xi32>
    %swap3A_387 = vector.shape_cast %swap3A_386 : vector<1x16x64xi32> to vector<16x64xi32>
    %swap3A_388 = vector.shape_cast %add3A_382 : vector<16x64xi32> to vector<1x16x64xi32>
    tpu.vector_store %arg10[%swap3A_383, %swap3A_384, %swap3A_385], %swap3A_388 {strides = array<i32>} : memref<1x416x64xi32, #tpu.memory_space<vmem>>, vector<1x16x64xi32>,
    %slice3A_389 = vector.extract_strided_slice %select_n3A_147 {offsets = [176, 0], sizes = [16, 2048], strides = [1, 1]} : vector<416x2048xi32> to vector<16x2048xi32>
    %broadcast_in_dim3A_390 = vector.shape_cast %slice3A_389 : vector<16x2048xi32> to vector<16x1x2048xi32>
    %eq3A_391 = vector.broadcast %broadcast_in_dim3A_390 : vector<16x1x2048xi32> to vector<16x64x2048xi32>
    %eq3A_392 = vector.broadcast %iota3A : vector<1x64x1xi32> to vector<16x64x2048xi32>
    %eq3A_393 = arith.cmpi eq, %eq3A_391, %eq3A_392 : vector<16x64x2048xi32>
    %jit3A_394 = arith.constant 0 : i32
    %broadcast_in_dim3A_395 = vector.shape_cast %iota3A_148 : vector<1x1x2048xi32> to vector<1x1x2048xi32>
    %broadcast_in_dim3A_396 = vector.broadcast %broadcast_in_dim3A_395 : vector<1x1x2048xi32> to vector<16x64x2048xi32>
    %broadcast_in_dim3A_397 = vector.broadcast %jit3A_394 : i32 to vector<16x64x2048xi32>
    %select_n3A_398 = arith.select %eq3A_393, %broadcast_in_dim3A_396, %broadcast_in_dim3A_397 : vector<16x64x2048xi1>, vector<16x64x2048xi32>
    %reduce_sum3A_399 = arith.constant dense<0> : vector<16x64xi32>
    %reduce_sum3A_400 = vector.multi_reduction <add>, %select_n3A_398, %reduce_sum3A_399 [2] : vector<16x64x2048xi32> to vector<16x64xi32>
    %mul3A_401 = arith.constant 2048 : i32
    %mul3A_402 = arith.muli %arg0, %mul3A_401 : i32
    %add3A_403 = vector.broadcast %mul3A_402 : i32 to vector<16x64xi32>
    %add3A_404 = arith.addi %reduce_sum3A_400, %add3A_403 : vector<16x64xi32>
    %swap3A_405 = arith.constant 0 : index
    %swap3A_406 = arith.constant 176 : index
    %swap3A_407 = arith.constant 0 : index
    %swap3A_408 = vector.load %arg10[%swap3A_405, %swap3A_406, %swap3A_407] : memref<1x416x64xi32, #tpu.memory_space<vmem>>, vector<1x16x64xi32>
    %swap3A_409 = vector.shape_cast %swap3A_408 : vector<1x16x64xi32> to vector<16x64xi32>
    %swap3A_410 = vector.shape_cast %add3A_404 : vector<16x64xi32> to vector<1x16x64xi32>
    tpu.vector_store %arg10[%swap3A_405, %swap3A_406, %swap3A_407], %swap3A_410 {strides = array<i32>} : memref<1x416x64xi32, #tpu.memory_space<vmem>>, vector<1x16x64xi32>,
    %slice3A_411 = vector.extract_strided_slice %select_n3A_147 {offsets = [192, 0], sizes = [16, 2048], strides = [1, 1]} : vector<416x2048xi32> to vector<16x2048xi32>
    %broadcast_in_dim3A_412 = vector.shape_cast %slice3A_411 : vector<16x2048xi32> to vector<16x1x2048xi32>
    %eq3A_413 = vector.broadcast %broadcast_in_dim3A_412 : vector<16x1x2048xi32> to vector<16x64x2048xi32>
    %eq3A_414 = vector.broadcast %iota3A : vector<1x64x1xi32> to vector<16x64x2048xi32>
    %eq3A_415 = arith.cmpi eq, %eq3A_413, %eq3A_414 : vector<16x64x2048xi32>
    %jit3A_416 = arith.constant 0 : i32
    %broadcast_in_dim3A_417 = vector.shape_cast %iota3A_148 : vector<1x1x2048xi32> to vector<1x1x2048xi32>
    %broadcast_in_dim3A_418 = vector.broadcast %broadcast_in_dim3A_417 : vector<1x1x2048xi32> to vector<16x64x2048xi32>
    %broadcast_in_dim3A_419 = vector.broadcast %jit3A_416 : i32 to vector<16x64x2048xi32>
    %select_n3A_420 = arith.select %eq3A_415, %broadcast_in_dim3A_418, %broadcast_in_dim3A_419 : vector<16x64x2048xi1>, vector<16x64x2048xi32>
    %reduce_sum3A_421 = arith.constant dense<0> : vector<16x64xi32>
    %reduce_sum3A_422 = vector.multi_reduction <add>, %select_n3A_420, %reduce_sum3A_421 [2] : vector<16x64x2048xi32> to vector<16x64xi32>
    %mul3A_423 = arith.constant 2048 : i32
    %mul3A_424 = arith.muli %arg0, %mul3A_423 : i32
    %add3A_425 = vector.broadcast %mul3A_424 : i32 to vector<16x64xi32>
    %add3A_426 = arith.addi %reduce_sum3A_422, %add3A_425 : vector<16x64xi32>
    %swap3A_427 = arith.constant 0 : index
    %swap3A_428 = arith.constant 192 : index
    %swap3A_429 = arith.constant 0 : index
    %swap3A_430 = vector.load %arg10[%swap3A_427, %swap3A_428, %swap3A_429] : memref<1x416x64xi32, #tpu.memory_space<vmem>>, vector<1x16x64xi32>
    %swap3A_431 = vector.shape_cast %swap3A_430 : vector<1x16x64xi32> to vector<16x64xi32>
    %swap3A_432 = vector.shape_cast %add3A_426 : vector<16x64xi32> to vector<1x16x64xi32>
    tpu.vector_store %arg10[%swap3A_427, %swap3A_428, %swap3A_429], %swap3A_432 {strides = array<i32>} : memref<1x416x64xi32, #tpu.memory_space<vmem>>, vector<1x16x64xi32>,
    %slice3A_433 = vector.extract_strided_slice %select_n3A_147 {offsets = [208, 0], sizes = [16, 2048], strides = [1, 1]} : vector<416x2048xi32> to vector<16x2048xi32>
    %broadcast_in_dim3A_434 = vector.shape_cast %slice3A_433 : vector<16x2048xi32> to vector<16x1x2048xi32>
    %eq3A_435 = vector.broadcast %broadcast_in_dim3A_434 : vector<16x1x2048xi32> to vector<16x64x2048xi32>
    %eq3A_436 = vector.broadcast %iota3A : vector<1x64x1xi32> to vector<16x64x2048xi32>
    %eq3A_437 = arith.cmpi eq, %eq3A_435, %eq3A_436 : vector<16x64x2048xi32>
    %jit3A_438 = arith.constant 0 : i32
    %broadcast_in_dim3A_439 = vector.shape_cast %iota3A_148 : vector<1x1x2048xi32> to vector<1x1x2048xi32>
    %broadcast_in_dim3A_440 = vector.broadcast %broadcast_in_dim3A_439 : vector<1x1x2048xi32> to vector<16x64x2048xi32>
    %broadcast_in_dim3A_441 = vector.broadcast %jit3A_438 : i32 to vector<16x64x2048xi32>
    %select_n3A_442 = arith.select %eq3A_437, %broadcast_in_dim3A_440, %broadcast_in_dim3A_441 : vector<16x64x2048xi1>, vector<16x64x2048xi32>
    %reduce_sum3A_443 = arith.constant dense<0> : vector<16x64xi32>
    %reduce_sum3A_444 = vector.multi_reduction <add>, %select_n3A_442, %reduce_sum3A_443 [2] : vector<16x64x2048xi32> to vector<16x64xi32>
    %mul3A_445 = arith.constant 2048 : i32
    %mul3A_446 = arith.muli %arg0, %mul3A_445 : i32
    %add3A_447 = vector.broadcast %mul3A_446 : i32 to vector<16x64xi32>
    %add3A_448 = arith.addi %reduce_sum3A_444, %add3A_447 : vector<16x64xi32>
    %swap3A_449 = arith.constant 0 : index
    %swap3A_450 = arith.constant 208 : index
    %swap3A_451 = arith.constant 0 : index
    %swap3A_452 = vector.load %arg10[%swap3A_449, %swap3A_450, %swap3A_451] : memref<1x416x64xi32, #tpu.memory_space<vmem>>, vector<1x16x64xi32>
    %swap3A_453 = vector.shape_cast %swap3A_452 : vector<1x16x64xi32> to vector<16x64xi32>
    %swap3A_454 = vector.shape_cast %add3A_448 : vector<16x64xi32> to vector<1x16x64xi32>
    tpu.vector_store %arg10[%swap3A_449, %swap3A_450, %swap3A_451], %swap3A_454 {strides = array<i32>} : memref<1x416x64xi32, #tpu.memory_space<vmem>>, vector<1x16x64xi32>,
    %slice3A_455 = vector.extract_strided_slice %select_n3A_147 {offsets = [224, 0], sizes = [16, 2048], strides = [1, 1]} : vector<416x2048xi32> to vector<16x2048xi32>
    %broadcast_in_dim3A_456 = vector.shape_cast %slice3A_455 : vector<16x2048xi32> to vector<16x1x2048xi32>
    %eq3A_457 = vector.broadcast %broadcast_in_dim3A_456 : vector<16x1x2048xi32> to vector<16x64x2048xi32>
    %eq3A_458 = vector.broadcast %iota3A : vector<1x64x1xi32> to vector<16x64x2048xi32>
    %eq3A_459 = arith.cmpi eq, %eq3A_457, %eq3A_458 : vector<16x64x2048xi32>
    %jit3A_460 = arith.constant 0 : i32
    %broadcast_in_dim3A_461 = vector.shape_cast %iota3A_148 : vector<1x1x2048xi32> to vector<1x1x2048xi32>
    %broadcast_in_dim3A_462 = vector.broadcast %broadcast_in_dim3A_461 : vector<1x1x2048xi32> to vector<16x64x2048xi32>
    %broadcast_in_dim3A_463 = vector.broadcast %jit3A_460 : i32 to vector<16x64x2048xi32>
    %select_n3A_464 = arith.select %eq3A_459, %broadcast_in_dim3A_462, %broadcast_in_dim3A_463 : vector<16x64x2048xi1>, vector<16x64x2048xi32>
    %reduce_sum3A_465 = arith.constant dense<0> : vector<16x64xi32>
    %reduce_sum3A_466 = vector.multi_reduction <add>, %select_n3A_464, %reduce_sum3A_465 [2] : vector<16x64x2048xi32> to vector<16x64xi32>
    %mul3A_467 = arith.constant 2048 : i32
    %mul3A_468 = arith.muli %arg0, %mul3A_467 : i32
    %add3A_469 = vector.broadcast %mul3A_468 : i32 to vector<16x64xi32>
    %add3A_470 = arith.addi %reduce_sum3A_466, %add3A_469 : vector<16x64xi32>
    %swap3A_471 = arith.constant 0 : index
    %swap3A_472 = arith.constant 224 : index
    %swap3A_473 = arith.constant 0 : index
    %swap3A_474 = vector.load %arg10[%swap3A_471, %swap3A_472, %swap3A_473] : memref<1x416x64xi32, #tpu.memory_space<vmem>>, vector<1x16x64xi32>
    %swap3A_475 = vector.shape_cast %swap3A_474 : vector<1x16x64xi32> to vector<16x64xi32>
    %swap3A_476 = vector.shape_cast %add3A_470 : vector<16x64xi32> to vector<1x16x64xi32>
    tpu.vector_store %arg10[%swap3A_471, %swap3A_472, %swap3A_473], %swap3A_476 {strides = array<i32>} : memref<1x416x64xi32, #tpu.memory_space<vmem>>, vector<1x16x64xi32>,
    %slice3A_477 = vector.extract_strided_slice %select_n3A_147 {offsets = [240, 0], sizes = [16, 2048], strides = [1, 1]} : vector<416x2048xi32> to vector<16x2048xi32>
    %broadcast_in_dim3A_478 = vector.shape_cast %slice3A_477 : vector<16x2048xi32> to vector<16x1x2048xi32>
    %eq3A_479 = vector.broadcast %broadcast_in_dim3A_478 : vector<16x1x2048xi32> to vector<16x64x2048xi32>
    %eq3A_480 = vector.broadcast %iota3A : vector<1x64x1xi32> to vector<16x64x2048xi32>
    %eq3A_481 = arith.cmpi eq, %eq3A_479, %eq3A_480 : vector<16x64x2048xi32>
    %jit3A_482 = arith.constant 0 : i32
    %broadcast_in_dim3A_483 = vector.shape_cast %iota3A_148 : vector<1x1x2048xi32> to vector<1x1x2048xi32>
    %broadcast_in_dim3A_484 = vector.broadcast %broadcast_in_dim3A_483 : vector<1x1x2048xi32> to vector<16x64x2048xi32>
    %broadcast_in_dim3A_485 = vector.broadcast %jit3A_482 : i32 to vector<16x64x2048xi32>
    %select_n3A_486 = arith.select %eq3A_481, %broadcast_in_dim3A_484, %broadcast_in_dim3A_485 : vector<16x64x2048xi1>, vector<16x64x2048xi32>
    %reduce_sum3A_487 = arith.constant dense<0> : vector<16x64xi32>
    %reduce_sum3A_488 = vector.multi_reduction <add>, %select_n3A_486, %reduce_sum3A_487 [2] : vector<16x64x2048xi32> to vector<16x64xi32>
    %mul3A_489 = arith.constant 2048 : i32
    %mul3A_490 = arith.muli %arg0, %mul3A_489 : i32
    %add3A_491 = vector.broadcast %mul3A_490 : i32 to vector<16x64xi32>
    %add3A_492 = arith.addi %reduce_sum3A_488, %add3A_491 : vector<16x64xi32>
    %swap3A_493 = arith.constant 0 : index
    %swap3A_494 = arith.constant 240 : index
    %swap3A_495 = arith.constant 0 : index
    %swap3A_496 = vector.load %arg10[%swap3A_493, %swap3A_494, %swap3A_495] : memref<1x416x64xi32, #tpu.memory_space<vmem>>, vector<1x16x64xi32>
    %swap3A_497 = vector.shape_cast %swap3A_496 : vector<1x16x64xi32> to vector<16x64xi32>
    %swap3A_498 = vector.shape_cast %add3A_492 : vector<16x64xi32> to vector<1x16x64xi32>
    tpu.vector_store %arg10[%swap3A_493, %swap3A_494, %swap3A_495], %swap3A_498 {strides = array<i32>} : memref<1x416x64xi32, #tpu.memory_space<vmem>>, vector<1x16x64xi32>,
    %slice3A_499 = vector.extract_strided_slice %select_n3A_147 {offsets = [256, 0], sizes = [16, 2048], strides = [1, 1]} : vector<416x2048xi32> to vector<16x2048xi32>
    %broadcast_in_dim3A_500 = vector.shape_cast %slice3A_499 : vector<16x2048xi32> to vector<16x1x2048xi32>
    %eq3A_501 = vector.broadcast %broadcast_in_dim3A_500 : vector<16x1x2048xi32> to vector<16x64x2048xi32>
    %eq3A_502 = vector.broadcast %iota3A : vector<1x64x1xi32> to vector<16x64x2048xi32>
    %eq3A_503 = arith.cmpi eq, %eq3A_501, %eq3A_502 : vector<16x64x2048xi32>
    %jit3A_504 = arith.constant 0 : i32
    %broadcast_in_dim3A_505 = vector.shape_cast %iota3A_148 : vector<1x1x2048xi32> to vector<1x1x2048xi32>
    %broadcast_in_dim3A_506 = vector.broadcast %broadcast_in_dim3A_505 : vector<1x1x2048xi32> to vector<16x64x2048xi32>
    %broadcast_in_dim3A_507 = vector.broadcast %jit3A_504 : i32 to vector<16x64x2048xi32>
    %select_n3A_508 = arith.select %eq3A_503, %broadcast_in_dim3A_506, %broadcast_in_dim3A_507 : vector<16x64x2048xi1>, vector<16x64x2048xi32>
    %reduce_sum3A_509 = arith.constant dense<0> : vector<16x64xi32>
    %reduce_sum3A_510 = vector.multi_reduction <add>, %select_n3A_508, %reduce_sum3A_509 [2] : vector<16x64x2048xi32> to vector<16x64xi32>
    %mul3A_511 = arith.constant 2048 : i32
    %mul3A_512 = arith.muli %arg0, %mul3A_511 : i32
    %add3A_513 = vector.broadcast %mul3A_512 : i32 to vector<16x64xi32>
    %add3A_514 = arith.addi %reduce_sum3A_510, %add3A_513 : vector<16x64xi32>
    %swap3A_515 = arith.constant 0 : index
    %swap3A_516 = arith.constant 256 : index
    %swap3A_517 = arith.constant 0 : index
    %swap3A_518 = vector.load %arg10[%swap3A_515, %swap3A_516, %swap3A_517] : memref<1x416x64xi32, #tpu.memory_space<vmem>>, vector<1x16x64xi32>
    %swap3A_519 = vector.shape_cast %swap3A_518 : vector<1x16x64xi32> to vector<16x64xi32>
    %swap3A_520 = vector.shape_cast %add3A_514 : vector<16x64xi32> to vector<1x16x64xi32>
    tpu.vector_store %arg10[%swap3A_515, %swap3A_516, %swap3A_517], %swap3A_520 {strides = array<i32>} : memref<1x416x64xi32, #tpu.memory_space<vmem>>, vector<1x16x64xi32>,
    %slice3A_521 = vector.extract_strided_slice %select_n3A_147 {offsets = [272, 0], sizes = [16, 2048], strides = [1, 1]} : vector<416x2048xi32> to vector<16x2048xi32>
    %broadcast_in_dim3A_522 = vector.shape_cast %slice3A_521 : vector<16x2048xi32> to vector<16x1x2048xi32>
    %eq3A_523 = vector.broadcast %broadcast_in_dim3A_522 : vector<16x1x2048xi32> to vector<16x64x2048xi32>
    %eq3A_524 = vector.broadcast %iota3A : vector<1x64x1xi32> to vector<16x64x2048xi32>
    %eq3A_525 = arith.cmpi eq, %eq3A_523, %eq3A_524 : vector<16x64x2048xi32>
    %jit3A_526 = arith.constant 0 : i32
    %broadcast_in_dim3A_527 = vector.shape_cast %iota3A_148 : vector<1x1x2048xi32> to vector<1x1x2048xi32>
    %broadcast_in_dim3A_528 = vector.broadcast %broadcast_in_dim3A_527 : vector<1x1x2048xi32> to vector<16x64x2048xi32>
    %broadcast_in_dim3A_529 = vector.broadcast %jit3A_526 : i32 to vector<16x64x2048xi32>
    %select_n3A_530 = arith.select %eq3A_525, %broadcast_in_dim3A_528, %broadcast_in_dim3A_529 : vector<16x64x2048xi1>, vector<16x64x2048xi32>
    %reduce_sum3A_531 = arith.constant dense<0> : vector<16x64xi32>
    %reduce_sum3A_532 = vector.multi_reduction <add>, %select_n3A_530, %reduce_sum3A_531 [2] : vector<16x64x2048xi32> to vector<16x64xi32>
    %mul3A_533 = arith.constant 2048 : i32
    %mul3A_534 = arith.muli %arg0, %mul3A_533 : i32
    %add3A_535 = vector.broadcast %mul3A_534 : i32 to vector<16x64xi32>
    %add3A_536 = arith.addi %reduce_sum3A_532, %add3A_535 : vector<16x64xi32>
    %swap3A_537 = arith.constant 0 : index
    %swap3A_538 = arith.constant 272 : index
    %swap3A_539 = arith.constant 0 : index
    %swap3A_540 = vector.load %arg10[%swap3A_537, %swap3A_538, %swap3A_539] : memref<1x416x64xi32, #tpu.memory_space<vmem>>, vector<1x16x64xi32>
    %swap3A_541 = vector.shape_cast %swap3A_540 : vector<1x16x64xi32> to vector<16x64xi32>
    %swap3A_542 = vector.shape_cast %add3A_536 : vector<16x64xi32> to vector<1x16x64xi32>
    tpu.vector_store %arg10[%swap3A_537, %swap3A_538, %swap3A_539], %swap3A_542 {strides = array<i32>} : memref<1x416x64xi32, #tpu.memory_space<vmem>>, vector<1x16x64xi32>,
    %slice3A_543 = vector.extract_strided_slice %select_n3A_147 {offsets = [288, 0], sizes = [16, 2048], strides = [1, 1]} : vector<416x2048xi32> to vector<16x2048xi32>
    %broadcast_in_dim3A_544 = vector.shape_cast %slice3A_543 : vector<16x2048xi32> to vector<16x1x2048xi32>
    %eq3A_545 = vector.broadcast %broadcast_in_dim3A_544 : vector<16x1x2048xi32> to vector<16x64x2048xi32>
    %eq3A_546 = vector.broadcast %iota3A : vector<1x64x1xi32> to vector<16x64x2048xi32>
    %eq3A_547 = arith.cmpi eq, %eq3A_545, %eq3A_546 : vector<16x64x2048xi32>
    %jit3A_548 = arith.constant 0 : i32
    %broadcast_in_dim3A_549 = vector.shape_cast %iota3A_148 : vector<1x1x2048xi32> to vector<1x1x2048xi32>
    %broadcast_in_dim3A_550 = vector.broadcast %broadcast_in_dim3A_549 : vector<1x1x2048xi32> to vector<16x64x2048xi32>
    %broadcast_in_dim3A_551 = vector.broadcast %jit3A_548 : i32 to vector<16x64x2048xi32>
    %select_n3A_552 = arith.select %eq3A_547, %broadcast_in_dim3A_550, %broadcast_in_dim3A_551 : vector<16x64x2048xi1>, vector<16x64x2048xi32>
    %reduce_sum3A_553 = arith.constant dense<0> : vector<16x64xi32>
    %reduce_sum3A_554 = vector.multi_reduction <add>, %select_n3A_552, %reduce_sum3A_553 [2] : vector<16x64x2048xi32> to vector<16x64xi32>
    %mul3A_555 = arith.constant 2048 : i32
    %mul3A_556 = arith.muli %arg0, %mul3A_555 : i32
    %add3A_557 = vector.broadcast %mul3A_556 : i32 to vector<16x64xi32>
    %add3A_558 = arith.addi %reduce_sum3A_554, %add3A_557 : vector<16x64xi32>
    %swap3A_559 = arith.constant 0 : index
    %swap3A_560 = arith.constant 288 : index
    %swap3A_561 = arith.constant 0 : index
    %swap3A_562 = vector.load %arg10[%swap3A_559, %swap3A_560, %swap3A_561] : memref<1x416x64xi32, #tpu.memory_space<vmem>>, vector<1x16x64xi32>
    %swap3A_563 = vector.shape_cast %swap3A_562 : vector<1x16x64xi32> to vector<16x64xi32>
    %swap3A_564 = vector.shape_cast %add3A_558 : vector<16x64xi32> to vector<1x16x64xi32>
    tpu.vector_store %arg10[%swap3A_559, %swap3A_560, %swap3A_561], %swap3A_564 {strides = array<i32>} : memref<1x416x64xi32, #tpu.memory_space<vmem>>, vector<1x16x64xi32>,
    %slice3A_565 = vector.extract_strided_slice %select_n3A_147 {offsets = [304, 0], sizes = [16, 2048], strides = [1, 1]} : vector<416x2048xi32> to vector<16x2048xi32>
    %broadcast_in_dim3A_566 = vector.shape_cast %slice3A_565 : vector<16x2048xi32> to vector<16x1x2048xi32>
    %eq3A_567 = vector.broadcast %broadcast_in_dim3A_566 : vector<16x1x2048xi32> to vector<16x64x2048xi32>
    %eq3A_568 = vector.broadcast %iota3A : vector<1x64x1xi32> to vector<16x64x2048xi32>
    %eq3A_569 = arith.cmpi eq, %eq3A_567, %eq3A_568 : vector<16x64x2048xi32>
    %jit3A_570 = arith.constant 0 : i32
    %broadcast_in_dim3A_571 = vector.shape_cast %iota3A_148 : vector<1x1x2048xi32> to vector<1x1x2048xi32>
    %broadcast_in_dim3A_572 = vector.broadcast %broadcast_in_dim3A_571 : vector<1x1x2048xi32> to vector<16x64x2048xi32>
    %broadcast_in_dim3A_573 = vector.broadcast %jit3A_570 : i32 to vector<16x64x2048xi32>
    %select_n3A_574 = arith.select %eq3A_569, %broadcast_in_dim3A_572, %broadcast_in_dim3A_573 : vector<16x64x2048xi1>, vector<16x64x2048xi32>
    %reduce_sum3A_575 = arith.constant dense<0> : vector<16x64xi32>
    %reduce_sum3A_576 = vector.multi_reduction <add>, %select_n3A_574, %reduce_sum3A_575 [2] : vector<16x64x2048xi32> to vector<16x64xi32>
    %mul3A_577 = arith.constant 2048 : i32
    %mul3A_578 = arith.muli %arg0, %mul3A_577 : i32
    %add3A_579 = vector.broadcast %mul3A_578 : i32 to vector<16x64xi32>
    %add3A_580 = arith.addi %reduce_sum3A_576, %add3A_579 : vector<16x64xi32>
    %swap3A_581 = arith.constant 0 : index
    %swap3A_582 = arith.constant 304 : index
    %swap3A_583 = arith.constant 0 : index
    %swap3A_584 = vector.load %arg10[%swap3A_581, %swap3A_582, %swap3A_583] : memref<1x416x64xi32, #tpu.memory_space<vmem>>, vector<1x16x64xi32>
    %swap3A_585 = vector.shape_cast %swap3A_584 : vector<1x16x64xi32> to vector<16x64xi32>
    %swap3A_586 = vector.shape_cast %add3A_580 : vector<16x64xi32> to vector<1x16x64xi32>
    tpu.vector_store %arg10[%swap3A_581, %swap3A_582, %swap3A_583], %swap3A_586 {strides = array<i32>} : memref<1x416x64xi32, #tpu.memory_space<vmem>>, vector<1x16x64xi32>,
    %slice3A_587 = vector.extract_strided_slice %select_n3A_147 {offsets = [320, 0], sizes = [16, 2048], strides = [1, 1]} : vector<416x2048xi32> to vector<16x2048xi32>
    %broadcast_in_dim3A_588 = vector.shape_cast %slice3A_587 : vector<16x2048xi32> to vector<16x1x2048xi32>
    %eq3A_589 = vector.broadcast %broadcast_in_dim3A_588 : vector<16x1x2048xi32> to vector<16x64x2048xi32>
    %eq3A_590 = vector.broadcast %iota3A : vector<1x64x1xi32> to vector<16x64x2048xi32>
    %eq3A_591 = arith.cmpi eq, %eq3A_589, %eq3A_590 : vector<16x64x2048xi32>
    %jit3A_592 = arith.constant 0 : i32
    %broadcast_in_dim3A_593 = vector.shape_cast %iota3A_148 : vector<1x1x2048xi32> to vector<1x1x2048xi32>
    %broadcast_in_dim3A_594 = vector.broadcast %broadcast_in_dim3A_593 : vector<1x1x2048xi32> to vector<16x64x2048xi32>
    %broadcast_in_dim3A_595 = vector.broadcast %jit3A_592 : i32 to vector<16x64x2048xi32>
    %select_n3A_596 = arith.select %eq3A_591, %broadcast_in_dim3A_594, %broadcast_in_dim3A_595 : vector<16x64x2048xi1>, vector<16x64x2048xi32>
    %reduce_sum3A_597 = arith.constant dense<0> : vector<16x64xi32>
    %reduce_sum3A_598 = vector.multi_reduction <add>, %select_n3A_596, %reduce_sum3A_597 [2] : vector<16x64x2048xi32> to vector<16x64xi32>
    %mul3A_599 = arith.constant 2048 : i32
    %mul3A_600 = arith.muli %arg0, %mul3A_599 : i32
    %add3A_601 = vector.broadcast %mul3A_600 : i32 to vector<16x64xi32>
    %add3A_602 = arith.addi %reduce_sum3A_598, %add3A_601 : vector<16x64xi32>
    %swap3A_603 = arith.constant 0 : index
    %swap3A_604 = arith.constant 320 : index
    %swap3A_605 = arith.constant 0 : index
    %swap3A_606 = vector.load %arg10[%swap3A_603, %swap3A_604, %swap3A_605] : memref<1x416x64xi32, #tpu.memory_space<vmem>>, vector<1x16x64xi32>
    %swap3A_607 = vector.shape_cast %swap3A_606 : vector<1x16x64xi32> to vector<16x64xi32>
    %swap3A_608 = vector.shape_cast %add3A_602 : vector<16x64xi32> to vector<1x16x64xi32>
    tpu.vector_store %arg10[%swap3A_603, %swap3A_604, %swap3A_605], %swap3A_608 {strides = array<i32>} : memref<1x416x64xi32, #tpu.memory_space<vmem>>, vector<1x16x64xi32>,
    %slice3A_609 = vector.extract_strided_slice %select_n3A_147 {offsets = [336, 0], sizes = [16, 2048], strides = [1, 1]} : vector<416x2048xi32> to vector<16x2048xi32>
    %broadcast_in_dim3A_610 = vector.shape_cast %slice3A_609 : vector<16x2048xi32> to vector<16x1x2048xi32>
    %eq3A_611 = vector.broadcast %broadcast_in_dim3A_610 : vector<16x1x2048xi32> to vector<16x64x2048xi32>
    %eq3A_612 = vector.broadcast %iota3A : vector<1x64x1xi32> to vector<16x64x2048xi32>
    %eq3A_613 = arith.cmpi eq, %eq3A_611, %eq3A_612 : vector<16x64x2048xi32>
    %jit3A_614 = arith.constant 0 : i32
    %broadcast_in_dim3A_615 = vector.shape_cast %iota3A_148 : vector<1x1x2048xi32> to vector<1x1x2048xi32>
    %broadcast_in_dim3A_616 = vector.broadcast %broadcast_in_dim3A_615 : vector<1x1x2048xi32> to vector<16x64x2048xi32>
    %broadcast_in_dim3A_617 = vector.broadcast %jit3A_614 : i32 to vector<16x64x2048xi32>
    %select_n3A_618 = arith.select %eq3A_613, %broadcast_in_dim3A_616, %broadcast_in_dim3A_617 : vector<16x64x2048xi1>, vector<16x64x2048xi32>
    %reduce_sum3A_619 = arith.constant dense<0> : vector<16x64xi32>
    %reduce_sum3A_620 = vector.multi_reduction <add>, %select_n3A_618, %reduce_sum3A_619 [2] : vector<16x64x2048xi32> to vector<16x64xi32>
    %mul3A_621 = arith.constant 2048 : i32
    %mul3A_622 = arith.muli %arg0, %mul3A_621 : i32
    %add3A_623 = vector.broadcast %mul3A_622 : i32 to vector<16x64xi32>
    %add3A_624 = arith.addi %reduce_sum3A_620, %add3A_623 : vector<16x64xi32>
    %swap3A_625 = arith.constant 0 : index
    %swap3A_626 = arith.constant 336 : index
    %swap3A_627 = arith.constant 0 : index
    %swap3A_628 = vector.load %arg10[%swap3A_625, %swap3A_626, %swap3A_627] : memref<1x416x64xi32, #tpu.memory_space<vmem>>, vector<1x16x64xi32>
    %swap3A_629 = vector.shape_cast %swap3A_628 : vector<1x16x64xi32> to vector<16x64xi32>
    %swap3A_630 = vector.shape_cast %add3A_624 : vector<16x64xi32> to vector<1x16x64xi32>
    tpu.vector_store %arg10[%swap3A_625, %swap3A_626, %swap3A_627], %swap3A_630 {strides = array<i32>} : memref<1x416x64xi32, #tpu.memory_space<vmem>>, vector<1x16x64xi32>,
    %slice3A_631 = vector.extract_strided_slice %select_n3A_147 {offsets = [352, 0], sizes = [16, 2048], strides = [1, 1]} : vector<416x2048xi32> to vector<16x2048xi32>
    %broadcast_in_dim3A_632 = vector.shape_cast %slice3A_631 : vector<16x2048xi32> to vector<16x1x2048xi32>
    %eq3A_633 = vector.broadcast %broadcast_in_dim3A_632 : vector<16x1x2048xi32> to vector<16x64x2048xi32>
    %eq3A_634 = vector.broadcast %iota3A : vector<1x64x1xi32> to vector<16x64x2048xi32>
    %eq3A_635 = arith.cmpi eq, %eq3A_633, %eq3A_634 : vector<16x64x2048xi32>
    %jit3A_636 = arith.constant 0 : i32
    %broadcast_in_dim3A_637 = vector.shape_cast %iota3A_148 : vector<1x1x2048xi32> to vector<1x1x2048xi32>
    %broadcast_in_dim3A_638 = vector.broadcast %broadcast_in_dim3A_637 : vector<1x1x2048xi32> to vector<16x64x2048xi32>
    %broadcast_in_dim3A_639 = vector.broadcast %jit3A_636 : i32 to vector<16x64x2048xi32>
    %select_n3A_640 = arith.select %eq3A_635, %broadcast_in_dim3A_638, %broadcast_in_dim3A_639 : vector<16x64x2048xi1>, vector<16x64x2048xi32>
    %reduce_sum3A_641 = arith.constant dense<0> : vector<16x64xi32>
    %reduce_sum3A_642 = vector.multi_reduction <add>, %select_n3A_640, %reduce_sum3A_641 [2] : vector<16x64x2048xi32> to vector<16x64xi32>
    %mul3A_643 = arith.constant 2048 : i32
    %mul3A_644 = arith.muli %arg0, %mul3A_643 : i32
    %add3A_645 = vector.broadcast %mul3A_644 : i32 to vector<16x64xi32>
    %add3A_646 = arith.addi %reduce_sum3A_642, %add3A_645 : vector<16x64xi32>
    %swap3A_647 = arith.constant 0 : index
    %swap3A_648 = arith.constant 352 : index
    %swap3A_649 = arith.constant 0 : index
    %swap3A_650 = vector.load %arg10[%swap3A_647, %swap3A_648, %swap3A_649] : memref<1x416x64xi32, #tpu.memory_space<vmem>>, vector<1x16x64xi32>
    %swap3A_651 = vector.shape_cast %swap3A_650 : vector<1x16x64xi32> to vector<16x64xi32>
    %swap3A_652 = vector.shape_cast %add3A_646 : vector<16x64xi32> to vector<1x16x64xi32>
    tpu.vector_store %arg10[%swap3A_647, %swap3A_648, %swap3A_649], %swap3A_652 {strides = array<i32>} : memref<1x416x64xi32, #tpu.memory_space<vmem>>, vector<1x16x64xi32>,
    %slice3A_653 = vector.extract_strided_slice %select_n3A_147 {offsets = [368, 0], sizes = [16, 2048], strides = [1, 1]} : vector<416x2048xi32> to vector<16x2048xi32>
    %broadcast_in_dim3A_654 = vector.shape_cast %slice3A_653 : vector<16x2048xi32> to vector<16x1x2048xi32>
    %eq3A_655 = vector.broadcast %broadcast_in_dim3A_654 : vector<16x1x2048xi32> to vector<16x64x2048xi32>
    %eq3A_656 = vector.broadcast %iota3A : vector<1x64x1xi32> to vector<16x64x2048xi32>
    %eq3A_657 = arith.cmpi eq, %eq3A_655, %eq3A_656 : vector<16x64x2048xi32>
    %jit3A_658 = arith.constant 0 : i32
    %broadcast_in_dim3A_659 = vector.shape_cast %iota3A_148 : vector<1x1x2048xi32> to vector<1x1x2048xi32>
    %broadcast_in_dim3A_660 = vector.broadcast %broadcast_in_dim3A_659 : vector<1x1x2048xi32> to vector<16x64x2048xi32>
    %broadcast_in_dim3A_661 = vector.broadcast %jit3A_658 : i32 to vector<16x64x2048xi32>
    %select_n3A_662 = arith.select %eq3A_657, %broadcast_in_dim3A_660, %broadcast_in_dim3A_661 : vector<16x64x2048xi1>, vector<16x64x2048xi32>
    %reduce_sum3A_663 = arith.constant dense<0> : vector<16x64xi32>
    %reduce_sum3A_664 = vector.multi_reduction <add>, %select_n3A_662, %reduce_sum3A_663 [2] : vector<16x64x2048xi32> to vector<16x64xi32>
    %mul3A_665 = arith.constant 2048 : i32
    %mul3A_666 = arith.muli %arg0, %mul3A_665 : i32
    %add3A_667 = vector.broadcast %mul3A_666 : i32 to vector<16x64xi32>
    %add3A_668 = arith.addi %reduce_sum3A_664, %add3A_667 : vector<16x64xi32>
    %swap3A_669 = arith.constant 0 : index
    %swap3A_670 = arith.constant 368 : index
    %swap3A_671 = arith.constant 0 : index
    %swap3A_672 = vector.load %arg10[%swap3A_669, %swap3A_670, %swap3A_671] : memref<1x416x64xi32, #tpu.memory_space<vmem>>, vector<1x16x64xi32>
    %swap3A_673 = vector.shape_cast %swap3A_672 : vector<1x16x64xi32> to vector<16x64xi32>
    %swap3A_674 = vector.shape_cast %add3A_668 : vector<16x64xi32> to vector<1x16x64xi32>
    tpu.vector_store %arg10[%swap3A_669, %swap3A_670, %swap3A_671], %swap3A_674 {strides = array<i32>} : memref<1x416x64xi32, #tpu.memory_space<vmem>>, vector<1x16x64xi32>,
    %slice3A_675 = vector.extract_strided_slice %select_n3A_147 {offsets = [384, 0], sizes = [16, 2048], strides = [1, 1]} : vector<416x2048xi32> to vector<16x2048xi32>
    %broadcast_in_dim3A_676 = vector.shape_cast %slice3A_675 : vector<16x2048xi32> to vector<16x1x2048xi32>
    %eq3A_677 = vector.broadcast %broadcast_in_dim3A_676 : vector<16x1x2048xi32> to vector<16x64x2048xi32>
    %eq3A_678 = vector.broadcast %iota3A : vector<1x64x1xi32> to vector<16x64x2048xi32>
    %eq3A_679 = arith.cmpi eq, %eq3A_677, %eq3A_678 : vector<16x64x2048xi32>
    %jit3A_680 = arith.constant 0 : i32
    %broadcast_in_dim3A_681 = vector.shape_cast %iota3A_148 : vector<1x1x2048xi32> to vector<1x1x2048xi32>
    %broadcast_in_dim3A_682 = vector.broadcast %broadcast_in_dim3A_681 : vector<1x1x2048xi32> to vector<16x64x2048xi32>
    %broadcast_in_dim3A_683 = vector.broadcast %jit3A_680 : i32 to vector<16x64x2048xi32>
    %select_n3A_684 = arith.select %eq3A_679, %broadcast_in_dim3A_682, %broadcast_in_dim3A_683 : vector<16x64x2048xi1>, vector<16x64x2048xi32>
    %reduce_sum3A_685 = arith.constant dense<0> : vector<16x64xi32>
    %reduce_sum3A_686 = vector.multi_reduction <add>, %select_n3A_684, %reduce_sum3A_685 [2] : vector<16x64x2048xi32> to vector<16x64xi32>
    %mul3A_687 = arith.constant 2048 : i32
    %mul3A_688 = arith.muli %arg0, %mul3A_687 : i32
    %add3A_689 = vector.broadcast %mul3A_688 : i32 to vector<16x64xi32>
    %add3A_690 = arith.addi %reduce_sum3A_686, %add3A_689 : vector<16x64xi32>
    %swap3A_691 = arith.constant 0 : index
    %swap3A_692 = arith.constant 384 : index
    %swap3A_693 = arith.constant 0 : index
    %swap3A_694 = vector.load %arg10[%swap3A_691, %swap3A_692, %swap3A_693] : memref<1x416x64xi32, #tpu.memory_space<vmem>>, vector<1x16x64xi32>
    %swap3A_695 = vector.shape_cast %swap3A_694 : vector<1x16x64xi32> to vector<16x64xi32>
    %swap3A_696 = vector.shape_cast %add3A_690 : vector<16x64xi32> to vector<1x16x64xi32>
    tpu.vector_store %arg10[%swap3A_691, %swap3A_692, %swap3A_693], %swap3A_696 {strides = array<i32>} : memref<1x416x64xi32, #tpu.memory_space<vmem>>, vector<1x16x64xi32>,
    %slice3A_697 = vector.extract_strided_slice %select_n3A_147 {offsets = [400, 0], sizes = [16, 2048], strides = [1, 1]} : vector<416x2048xi32> to vector<16x2048xi32>
    %broadcast_in_dim3A_698 = vector.shape_cast %slice3A_697 : vector<16x2048xi32> to vector<16x1x2048xi32>
    %eq3A_699 = vector.broadcast %broadcast_in_dim3A_698 : vector<16x1x2048xi32> to vector<16x64x2048xi32>
    %eq3A_700 = vector.broadcast %iota3A : vector<1x64x1xi32> to vector<16x64x2048xi32>
    %eq3A_701 = arith.cmpi eq, %eq3A_699, %eq3A_700 : vector<16x64x2048xi32>
    %jit3A_702 = arith.constant 0 : i32
    %broadcast_in_dim3A_703 = vector.shape_cast %iota3A_148 : vector<1x1x2048xi32> to vector<1x1x2048xi32>
    %broadcast_in_dim3A_704 = vector.broadcast %broadcast_in_dim3A_703 : vector<1x1x2048xi32> to vector<16x64x2048xi32>
    %broadcast_in_dim3A_705 = vector.broadcast %jit3A_702 : i32 to vector<16x64x2048xi32>
    %select_n3A_706 = arith.select %eq3A_701, %broadcast_in_dim3A_704, %broadcast_in_dim3A_705 : vector<16x64x2048xi1>, vector<16x64x2048xi32>
    %reduce_sum3A_707 = arith.constant dense<0> : vector<16x64xi32>
    %reduce_sum3A_708 = vector.multi_reduction <add>, %select_n3A_706, %reduce_sum3A_707 [2] : vector<16x64x2048xi32> to vector<16x64xi32>
    %mul3A_709 = arith.constant 2048 : i32
    %mul3A_710 = arith.muli %arg0, %mul3A_709 : i32
    %add3A_711 = vector.broadcast %mul3A_710 : i32 to vector<16x64xi32>
    %add3A_712 = arith.addi %reduce_sum3A_708, %add3A_711 : vector<16x64xi32>
    %swap3A_713 = arith.constant 0 : index
    %swap3A_714 = arith.constant 400 : index
    %swap3A_715 = arith.constant 0 : index
    %swap3A_716 = vector.load %arg10[%swap3A_713, %swap3A_714, %swap3A_715] : memref<1x416x64xi32, #tpu.memory_space<vmem>>, vector<1x16x64xi32>
    %swap3A_717 = vector.shape_cast %swap3A_716 : vector<1x16x64xi32> to vector<16x64xi32>
    %swap3A_718 = vector.shape_cast %add3A_712 : vector<16x64xi32> to vector<1x16x64xi32>
    tpu.vector_store %arg10[%swap3A_713, %swap3A_714, %swap3A_715], %swap3A_718 {strides = array<i32>} : memref<1x416x64xi32, #tpu.memory_space<vmem>>, vector<1x16x64xi32>,
    %reshape3A_719 = vector.shape_cast %broadcast_in_dim3A_142 : vector<416x1xi32> to vector<1x416x1xi32>
    %swap3A_720 = arith.constant 0 : index
    %swap3A_721 = arith.constant 0 : index
    %swap3A_722 = arith.constant 0 : index
    %swap3A_723 = vector.load %arg11[%swap3A_720, %swap3A_721, %swap3A_722] : memref<1x416x1xi32, #tpu.memory_space<vmem>>, vector<1x416x1xi32>
    tpu.vector_store %arg11[%swap3A_720, %swap3A_721, %swap3A_722], %reshape3A_719 {strides = array<i32>} : memref<1x416x1xi32, #tpu.memory_space<vmem>>, vector<1x416x1xi32>,
    %slice3A_724 = vector.extract_strided_slice %get3A_35 {offsets = [0, 0], sizes = [1, 64], strides = [1, 1]} : vector<4x64xf32> to vector<1x64xf32>
    %dot_general3A = arith.constant dense<0.000000e+00> : vector<2048x64xf32>
    %dot_general3A_725 = tpu.matmul %reshape3A_32, %slice3A_724, %dot_general3A {dimension_numbers = #tpu.dot_dimension_numbers<[1], [0], [0], [1], [0, 0, 1, 1], [], []>, transpose_lhs_hint = false} : vector<2048x1xf32>, vector<1x64xf32>, vector<2048x64xf32> -> vector<2048x64xf32>
    %reshape3A_726 = vector.shape_cast %reshape3A : vector<1x2048xf32> to vector<2048x1xf32>
    %slice3A_727 = vector.extract_strided_slice %get3A_35 {offsets = [1, 0], sizes = [1, 64], strides = [1, 1]} : vector<4x64xf32> to vector<1x64xf32>
    %squeeze3A = vector.shape_cast %slice3A_727 : vector<1x64xf32> to vector<64xf32>
    %reshape3A_728 = vector.shape_cast %squeeze3A : vector<64xf32> to vector<1x64xf32>
    %mul3A_729 = vector.broadcast %reshape3A_726 : vector<2048x1xf32> to vector<2048x64xf32>
    %mul3A_730 = vector.broadcast %reshape3A_728 : vector<1x64xf32> to vector<2048x64xf32>
    %mul3A_731 = arith.mulf %mul3A_729, %mul3A_730 : vector<2048x64xf32>
    %add3A_732 = arith.addf %dot_general3A_725, %mul3A_731 : vector<2048x64xf32>
    %reshape3A_733 = vector.shape_cast %reshape3A_7 : vector<1x2048xf32> to vector<2048x1xf32>
    %slice3A_734 = vector.extract_strided_slice %get3A_35 {offsets = [2, 0], sizes = [1, 64], strides = [1, 1]} : vector<4x64xf32> to vector<1x64xf32>
    %squeeze3A_735 = vector.shape_cast %slice3A_734 : vector<1x64xf32> to vector<64xf32>
    %reshape3A_736 = vector.shape_cast %squeeze3A_735 : vector<64xf32> to vector<1x64xf32>
    %mul3A_737 = vector.broadcast %reshape3A_733 : vector<2048x1xf32> to vector<2048x64xf32>
    %mul3A_738 = vector.broadcast %reshape3A_736 : vector<1x64xf32> to vector<2048x64xf32>
    %mul3A_739 = arith.mulf %mul3A_737, %mul3A_738 : vector<2048x64xf32>
    %add3A_740 = arith.addf %add3A_732, %mul3A_739 : vector<2048x64xf32>
    %reshape3A_741 = vector.shape_cast %reshape3A_12 : vector<1x2048xf32> to vector<2048x1xf32>
    %slice3A_742 = vector.extract_strided_slice %get3A_35 {offsets = [3, 0], sizes = [1, 64], strides = [1, 1]} : vector<4x64xf32> to vector<1x64xf32>
    %squeeze3A_743 = vector.shape_cast %slice3A_742 : vector<1x64xf32> to vector<64xf32>
    %reshape3A_744 = vector.shape_cast %squeeze3A_743 : vector<64xf32> to vector<1x64xf32>
    %mul3A_745 = vector.broadcast %reshape3A_741 : vector<2048x1xf32> to vector<2048x64xf32>
    %mul3A_746 = vector.broadcast %reshape3A_744 : vector<1x64xf32> to vector<2048x64xf32>
    %mul3A_747 = arith.mulf %mul3A_745, %mul3A_746 : vector<2048x64xf32>
    %add3A_748 = arith.addf %add3A_740, %mul3A_747 : vector<2048x64xf32>
    %jit3A_749 = arith.constant 0 : i32
    %convert_element_type3A_750 = arith.sitofp %jit3A_749 : i32 to f32
    %pad3A = vector.broadcast %convert_element_type3A_750 : f32 to vector<2048x64xf32>
    %pad3A_751 = tpu.concatenate %add3A_748, %pad3A in 1 : vector<2048x64xf32>, vector<2048x64xf32> -> vector<2048x128xf32>
    %reshape3A_752 = vector.shape_cast %pad3A_751 : vector<2048x128xf32> to vector<1x2048x128xf32>
    %swap3A_753 = arith.constant 0 : index
    %swap3A_754 = arith.constant 0 : index
    %swap3A_755 = arith.constant 0 : index
    %swap3A_756 = vector.load %arg12[%swap3A_753, %swap3A_754, %swap3A_755] : memref<1x2048x128xf32, #tpu.memory_space<vmem>>, vector<1x2048x128xf32>
    tpu.vector_store %arg12[%swap3A_753, %swap3A_754, %swap3A_755], %reshape3A_752 {strides = array<i32>} : memref<1x2048x128xf32, #tpu.memory_space<vmem>>, vector<1x2048x128xf32>,
    %slice3A_757 = vector.extract_strided_slice %get3A_35 {offsets = [1, 0], sizes = [1, 64], strides = [1, 1]} : vector<4x64xf32> to vector<1x64xf32>
    %squeeze3A_758 = vector.shape_cast %slice3A_757 : vector<1x64xf32> to vector<64xf32>
    %reshape3A_759 = vector.shape_cast %squeeze3A_758 : vector<64xf32> to vector<1x64xf32>
    %mul3A_760 = vector.broadcast %reshape3A_17 : vector<416x1xf32> to vector<416x64xf32>
    %mul3A_761 = vector.broadcast %reshape3A_759 : vector<1x64xf32> to vector<416x64xf32>
    %mul3A_762 = arith.mulf %mul3A_760, %mul3A_761 : vector<416x64xf32>
    %slice3A_763 = vector.extract_strided_slice %get3A_35 {offsets = [2, 0], sizes = [1, 64], strides = [1, 1]} : vector<4x64xf32> to vector<1x64xf32>
    %squeeze3A_764 = vector.shape_cast %slice3A_763 : vector<1x64xf32> to vector<64xf32>
    %reshape3A_765 = vector.shape_cast %squeeze3A_764 : vector<64xf32> to vector<1x64xf32>
    %mul3A_766 = vector.broadcast %reshape3A_22 : vector<416x1xf32> to vector<416x64xf32>
    %mul3A_767 = vector.broadcast %reshape3A_765 : vector<1x64xf32> to vector<416x64xf32>
    %mul3A_768 = arith.mulf %mul3A_766, %mul3A_767 : vector<416x64xf32>
    %add3A_769 = arith.addf %mul3A_762, %mul3A_768 : vector<416x64xf32>
    %slice3A_770 = vector.extract_strided_slice %get3A_35 {offsets = [3, 0], sizes = [1, 64], strides = [1, 1]} : vector<4x64xf32> to vector<1x64xf32>
    %squeeze3A_771 = vector.shape_cast %slice3A_770 : vector<1x64xf32> to vector<64xf32>
    %reshape3A_772 = vector.shape_cast %squeeze3A_771 : vector<64xf32> to vector<1x64xf32>
    %mul3A_773 = vector.broadcast %reshape3A_27 : vector<416x1xf32> to vector<416x64xf32>
    %mul3A_774 = vector.broadcast %reshape3A_772 : vector<1x64xf32> to vector<416x64xf32>
    %mul3A_775 = arith.mulf %mul3A_773, %mul3A_774 : vector<416x64xf32>
    %add3A_776 = arith.addf %add3A_769, %mul3A_775 : vector<416x64xf32>
    %sub3A_777 = vector.broadcast %get3A_38 : vector<1x64xf32> to vector<416x64xf32>
    %sub3A_778 = arith.subf %sub3A_777, %add3A_776 : vector<416x64xf32>
    %reshape3A_779 = vector.shape_cast %sub3A_778 : vector<416x64xf32> to vector<1x416x64xf32>
    %swap3A_780 = arith.constant 0 : index
    %swap3A_781 = arith.constant 0 : index
    %swap3A_782 = arith.constant 0 : index
    %swap3A_783 = vector.load %arg13[%swap3A_780, %swap3A_781, %swap3A_782] : memref<1x416x64xf32, #tpu.memory_space<vmem>>, vector<1x416x64xf32>
    tpu.vector_store %arg13[%swap3A_780, %swap3A_781, %swap3A_782], %reshape3A_779 {strides = array<i32>} : memref<1x416x64xf32, #tpu.memory_space<vmem>>, vector<1x416x64xf32>,
    return
  }
  func.func @transform_0(%arg0: i32) -> (i32, i32, i32) {
    %c0_i32 = arith.constant 0 : i32
    %c0_i32_0 = arith.constant 0 : i32
    %c0_i32_1 = arith.constant 0 : i32
    return %arg0, %c0_i32, %c0_i32_0 : i32, i32, i32
  }
  func.func @transform_1(%arg0: i32) -> (i32, i32, i32) {
    %c0_i32 = arith.constant 0 : i32
    %c0_i32_0 = arith.constant 0 : i32
    %c0_i32_1 = arith.constant 0 : i32
    return %arg0, %c0_i32, %c0_i32_0 : i32, i32, i32
  }
  func.func @transform_2(%arg0: i32) -> (i32, i32, i32) {
    %c0_i32 = arith.constant 0 : i32
    %c0_i32_0 = arith.constant 0 : i32
    %c0_i32_1 = arith.constant 0 : i32
    return %arg0, %c0_i32, %c0_i32_0 : i32, i32, i32
  }
  func.func @transform_3(%arg0: i32) -> (i32, i32, i32) {
    %c0_i32 = arith.constant 0 : i32
    %c0_i32_0 = arith.constant 0 : i32
    %c0_i32_1 = arith.constant 0 : i32
    return %arg0, %c0_i32, %c0_i32_0 : i32, i32, i32
  }
  func.func @transform_4(%arg0: i32) -> (i32, i32, i32) {
    %c0_i32 = arith.constant 0 : i32
    %c0_i32_0 = arith.constant 0 : i32
    %c0_i32_1 = arith.constant 0 : i32
    return %arg0, %c0_i32, %c0_i32_0 : i32, i32, i32
  }
  func.func @transform_5(%arg0: i32) -> (i32, i32, i32) {
    %c0_i32 = arith.constant 0 : i32
    %c0_i32_0 = arith.constant 0 : i32
    %c0_i32_1 = arith.constant 0 : i32
    return %arg0, %c0_i32, %c0_i32_0 : i32, i32, i32
  }
  func.func @transform_6(%arg0: i32) -> (i32, i32, i32) {
    %c0_i32 = arith.constant 0 : i32
    %c0_i32_0 = arith.constant 0 : i32
    %c0_i32_1 = arith.constant 0 : i32
    return %arg0, %c0_i32, %c0_i32_0 : i32, i32, i32
  }
  func.func @transform_7(%arg0: i32) -> (i32, i32) {
    %c0_i32 = arith.constant 0 : i32
    %c0_i32_0 = arith.constant 0 : i32
    %c0_i32_1 = arith.constant 0 : i32
    return %c0_i32, %c0_i32_0 : i32, i32
  }
  func.func @transform_8(%arg0: i32) -> (i32, i32) {
    %c0_i32 = arith.constant 0 : i32
    %c0_i32_0 = arith.constant 0 : i32
    %c0_i32_1 = arith.constant 0 : i32
    return %c0_i32, %c0_i32_0 : i32, i32
  }
  func.func @transform_9(%arg0: i32) -> (i32, i32, i32) {
    %c0_i32 = arith.constant 0 : i32
    %c0_i32_0 = arith.constant 0 : i32
    %c0_i32_1 = arith.constant 0 : i32
    return %arg0, %c0_i32, %c0_i32_0 : i32, i32, i32
  }
  func.func @transform_10(%arg0: i32) -> (i32, i32, i32) {
    %c0_i32 = arith.constant 0 : i32
    %c0_i32_0 = arith.constant 0 : i32
    %c0_i32_1 = arith.constant 0 : i32
    return %arg0, %c0_i32, %c0_i32_0 : i32, i32, i32
  }
  func.func @transform_11(%arg0: i32) -> (i32, i32, i32) {
    %c0_i32 = arith.constant 0 : i32
    %c0_i32_0 = arith.constant 0 : i32
    %c0_i32_1 = arith.constant 0 : i32
    return %arg0, %c0_i32, %c0_i32_0 : i32, i32, i32
  }
  func.func @transform_12(%arg0: i32) -> (i32, i32, i32) {
    %c0_i32 = arith.constant 0 : i32
    %c0_i32_0 = arith.constant 0 : i32
    %c0_i32_1 = arith.constant 0 : i32
    return %arg0, %c0_i32, %c0_i32_0 : i32, i32, i32
  }
}

module attributes {stable_mosaic.version = 14 : i64} {
  func.func @kern(%arg0: i32, %arg1: memref<1x416x64x128xf32, #tpu.memory_space<vmem>>, %arg2: memref<1x416x64xf32, #tpu.memory_space<vmem>>, %arg3: memref<1x416x1xi32, #tpu.memory_space<vmem>>, %arg4: memref<1x1x64xf32, #tpu.memory_space<vmem>>, %arg5: memref<1x1x64xf32, #tpu.memory_space<vmem>>, %arg6: memref<64x64xf32, #tpu.memory_space<vmem>>, %arg7: memref<1x1x64xf32, #tpu.memory_space<vmem>>, %arg8: memref<1x1x64xf32, #tpu.memory_space<vmem>>, %arg9: memref<1x1x64xf32, #tpu.memory_space<vmem>>, %arg10: memref<64x128xf32, #tpu.memory_space<vmem>>, %arg11: memref<1x1x128xf32, #tpu.memory_space<vmem>>, %arg12: memref<1x1x128xf32, #tpu.memory_space<vmem>>, %arg13: memref<1x1x128xf32, #tpu.memory_space<vmem>>, %arg14: memref<1x416x128xf32, #tpu.memory_space<vmem>>) attributes {dimension_semantics = [#tpu.dimension_semantics<arbitrary>], iteration_bounds = array<i64: 8>, scalar_prefetch = 0 : i64, scratch_operands = 0 : i64, tpu.core_type = #tpu.core_type<tc>, window_params = [{transform_indices = @transform_0, window_bounds = array<i64: 1, 416, 64, 128>}, {transform_indices = @transform_1, window_bounds = array<i64: 1, 416, 64>}, {transform_indices = @transform_2, window_bounds = array<i64: 1, 416, 1>}, {pipeline_mode = #tpu.pipeline_mode<synchronous>, transform_indices = @transform_3, window_bounds = array<i64: 1, 1, 64>}, {pipeline_mode = #tpu.pipeline_mode<synchronous>, transform_indices = @transform_4, window_bounds = array<i64: 1, 1, 64>}, {pipeline_mode = #tpu.pipeline_mode<synchronous>, transform_indices = @transform_5, window_bounds = array<i64: 64, 64>}, {pipeline_mode = #tpu.pipeline_mode<synchronous>, transform_indices = @transform_6, window_bounds = array<i64: 1, 1, 64>}, {pipeline_mode = #tpu.pipeline_mode<synchronous>, transform_indices = @transform_7, window_bounds = array<i64: 1, 1, 64>}, {pipeline_mode = #tpu.pipeline_mode<synchronous>, transform_indices = @transform_8, window_bounds = array<i64: 1, 1, 64>}, {pipeline_mode = #tpu.pipeline_mode<synchronous>, transform_indices = @transform_9, window_bounds = array<i64: 64, 128>}, {pipeline_mode = #tpu.pipeline_mode<synchronous>, transform_indices = @transform_10, window_bounds = array<i64: 1, 1, 128>}, {pipeline_mode = #tpu.pipeline_mode<synchronous>, transform_indices = @transform_11, window_bounds = array<i64: 1, 1, 128>}, {pipeline_mode = #tpu.pipeline_mode<synchronous>, transform_indices = @transform_12, window_bounds = array<i64: 1, 1, 128>}, {transform_indices = @transform_13, window_bounds = array<i64: 1, 416, 128>}]} {
    %get3A = arith.constant 0 : index
    %get3A_0 = arith.constant 0 : index
    %get3A_1 = arith.constant 0 : index
    %get3A_2 = arith.constant 0 : index
    %get3A_3 = vector.load %arg1[%get3A, %get3A_0, %get3A_1, %get3A_2] : memref<1x416x64x128xf32, #tpu.memory_space<vmem>>, vector<1x416x64x128xf32>
    %reshape3A = vector.shape_cast %get3A_3 : vector<1x416x64x128xf32> to vector<416x64x128xf32>
    %slice3A = vector.extract_strided_slice %reshape3A {offsets = [0, 0, 0], sizes = [416, 64, 64], strides = [1, 1, 1]} : vector<416x64x128xf32> to vector<416x64x64xf32>
    %get3A_4 = arith.constant 0 : index
    %get3A_5 = arith.constant 0 : index
    %get3A_6 = arith.constant 0 : index
    %get3A_7 = vector.load %arg2[%get3A_4, %get3A_5, %get3A_6] : memref<1x416x64xf32, #tpu.memory_space<vmem>>, vector<1x416x64xf32>
    %reshape3A_8 = vector.shape_cast %get3A_7 : vector<1x416x64xf32> to vector<416x64xf32>
    %get3A_9 = arith.constant 0 : index
    %get3A_10 = arith.constant 0 : index
    %get3A_11 = arith.constant 0 : index
    %get3A_12 = vector.load %arg3[%get3A_9, %get3A_10, %get3A_11] : memref<1x416x1xi32, #tpu.memory_space<vmem>>, vector<1x416x1xi32>
    %reshape3A_13 = vector.shape_cast %get3A_12 : vector<1x416x1xi32> to vector<416x1xi32>
    %broadcast_in_dim3A = vector.shape_cast %reshape3A_8 : vector<416x64xf32> to vector<416x1x64xf32>
    %add3A = vector.broadcast %broadcast_in_dim3A : vector<416x1x64xf32> to vector<416x64x64xf32>
    %add3A_14 = arith.addf %slice3A, %add3A : vector<416x64x64xf32>
    %max3A = arith.constant 0.000000e+00 : f32
    %max3A_15 = vector.broadcast %max3A : f32 to vector<416x64x64xf32>
    %max3A_16 = arith.maximumf %add3A_14, %max3A_15 : vector<416x64x64xf32>
    %get3A_17 = arith.constant 0 : index
    %get3A_18 = arith.constant 0 : index
    %get3A_19 = arith.constant 0 : index
    %get3A_20 = vector.load %arg4[%get3A_17, %get3A_18, %get3A_19] : memref<1x1x64xf32, #tpu.memory_space<vmem>>, vector<1x1x64xf32>
    %mul3A = arith.constant 0.999994993 : f32
    %mul3A_21 = vector.broadcast %mul3A : f32 to vector<1x1x64xf32>
    %mul3A_22 = arith.mulf %mul3A_21, %get3A_20 : vector<1x1x64xf32>
    %mul3A_23 = vector.broadcast %mul3A_22 : vector<1x1x64xf32> to vector<416x64x64xf32>
    %mul3A_24 = arith.mulf %max3A_16, %mul3A_23 : vector<416x64x64xf32>
    %get3A_25 = arith.constant 0 : index
    %get3A_26 = arith.constant 0 : index
    %get3A_27 = arith.constant 0 : index
    %get3A_28 = vector.load %arg5[%get3A_25, %get3A_26, %get3A_27] : memref<1x1x64xf32, #tpu.memory_space<vmem>>, vector<1x1x64xf32>
    %add3A_29 = vector.broadcast %get3A_28 : vector<1x1x64xf32> to vector<416x64x64xf32>
    %add3A_30 = arith.addf %mul3A_24, %add3A_29 : vector<416x64x64xf32>
    %get3A_31 = arith.constant 0 : index
    %get3A_32 = arith.constant 0 : index
    %get3A_33 = vector.load %arg6[%get3A_31, %get3A_32] : memref<64x64xf32, #tpu.memory_space<vmem>>, vector<64x64xf32>
    %get3A_34 = arith.constant 0 : index
    %get3A_35 = arith.constant 0 : index
    %get3A_36 = arith.constant 0 : index
    %get3A_37 = vector.load %arg7[%get3A_34, %get3A_35, %get3A_36] : memref<1x1x64xf32, #tpu.memory_space<vmem>>, vector<1x1x64xf32>
    %get3A_38 = arith.constant 0 : index
    %get3A_39 = arith.constant 0 : index
    %get3A_40 = arith.constant 0 : index
    %get3A_41 = vector.load %arg8[%get3A_38, %get3A_39, %get3A_40] : memref<1x1x64xf32, #tpu.memory_space<vmem>>, vector<1x1x64xf32>
    %get3A_42 = arith.constant 0 : index
    %get3A_43 = arith.constant 0 : index
    %get3A_44 = arith.constant 0 : index
    %get3A_45 = vector.load %arg9[%get3A_42, %get3A_43, %get3A_44] : memref<1x1x64xf32, #tpu.memory_space<vmem>>, vector<1x1x64xf32>
    %dot_general3A = arith.constant dense<0.000000e+00> : vector<416x64x64xf32>
    %dot_general3A_46 = tpu.matmul %add3A_30, %get3A_33, %dot_general3A {dimension_numbers = #tpu.dot_dimension_numbers<[2], [0], [0, 1], [1], [0, 0, 0, 1, 1, 1], [], []>, transpose_lhs_hint = false} : vector<416x64x64xf32>, vector<64x64xf32>, vector<416x64x64xf32> -> vector<416x64x64xf32>
    %add3A_47 = vector.broadcast %get3A_37 : vector<1x1x64xf32> to vector<416x64x64xf32>
    %add3A_48 = arith.addf %dot_general3A_46, %add3A_47 : vector<416x64x64xf32>
    %max3A_49 = arith.constant 0.000000e+00 : f32
    %max3A_50 = vector.broadcast %max3A_49 : f32 to vector<416x64x64xf32>
    %max3A_51 = arith.maximumf %add3A_48, %max3A_50 : vector<416x64x64xf32>
    %mul3A_52 = arith.constant 0.999994993 : f32
    %mul3A_53 = vector.broadcast %mul3A_52 : f32 to vector<1x1x64xf32>
    %mul3A_54 = arith.mulf %mul3A_53, %get3A_41 : vector<1x1x64xf32>
    %mul3A_55 = vector.broadcast %mul3A_54 : vector<1x1x64xf32> to vector<416x64x64xf32>
    %mul3A_56 = arith.mulf %max3A_51, %mul3A_55 : vector<416x64x64xf32>
    %add3A_57 = vector.broadcast %get3A_45 : vector<1x1x64xf32> to vector<416x64x64xf32>
    %add3A_58 = arith.addf %mul3A_56, %add3A_57 : vector<416x64x64xf32>
    %get3A_59 = arith.constant 0 : index
    %get3A_60 = arith.constant 0 : index
    %get3A_61 = vector.load %arg10[%get3A_59, %get3A_60] : memref<64x128xf32, #tpu.memory_space<vmem>>, vector<64x128xf32>
    %get3A_62 = arith.constant 0 : index
    %get3A_63 = arith.constant 0 : index
    %get3A_64 = arith.constant 0 : index
    %get3A_65 = vector.load %arg11[%get3A_62, %get3A_63, %get3A_64] : memref<1x1x128xf32, #tpu.memory_space<vmem>>, vector<1x1x128xf32>
    %get3A_66 = arith.constant 0 : index
    %get3A_67 = arith.constant 0 : index
    %get3A_68 = arith.constant 0 : index
    %get3A_69 = vector.load %arg12[%get3A_66, %get3A_67, %get3A_68] : memref<1x1x128xf32, #tpu.memory_space<vmem>>, vector<1x1x128xf32>
    %get3A_70 = arith.constant 0 : index
    %get3A_71 = arith.constant 0 : index
    %get3A_72 = arith.constant 0 : index
    %get3A_73 = vector.load %arg13[%get3A_70, %get3A_71, %get3A_72] : memref<1x1x128xf32, #tpu.memory_space<vmem>>, vector<1x1x128xf32>
    %dot_general3A_74 = arith.constant dense<0.000000e+00> : vector<416x64x128xf32>
    %dot_general3A_75 = tpu.matmul %add3A_58, %get3A_61, %dot_general3A_74 {dimension_numbers = #tpu.dot_dimension_numbers<[2], [0], [0, 1], [1], [0, 0, 0, 1, 1, 1], [], []>, transpose_lhs_hint = false} : vector<416x64x64xf32>, vector<64x128xf32>, vector<416x64x128xf32> -> vector<416x64x128xf32>
    %add3A_76 = vector.broadcast %get3A_65 : vector<1x1x128xf32> to vector<416x64x128xf32>
    %add3A_77 = arith.addf %dot_general3A_75, %add3A_76 : vector<416x64x128xf32>
    %max3A_78 = arith.constant 0.000000e+00 : f32
    %max3A_79 = vector.broadcast %max3A_78 : f32 to vector<416x64x128xf32>
    %max3A_80 = arith.maximumf %add3A_77, %max3A_79 : vector<416x64x128xf32>
    %mul3A_81 = arith.constant 0.999994993 : f32
    %mul3A_82 = vector.broadcast %mul3A_81 : f32 to vector<1x1x128xf32>
    %mul3A_83 = arith.mulf %mul3A_82, %get3A_69 : vector<1x1x128xf32>
    %mul3A_84 = vector.broadcast %mul3A_83 : vector<1x1x128xf32> to vector<416x64x128xf32>
    %mul3A_85 = arith.mulf %max3A_80, %mul3A_84 : vector<416x64x128xf32>
    %add3A_86 = vector.broadcast %get3A_73 : vector<1x1x128xf32> to vector<416x64x128xf32>
    %add3A_87 = arith.addf %mul3A_85, %add3A_86 : vector<416x64x128xf32>
    %iota3A = tpu.iota {dimensions = array<i32: 1>} : vector<1x64x1xi32>
    %broadcast_in_dim3A_88 = vector.shape_cast %reshape3A_13 : vector<416x1xi32> to vector<416x1x1xi32>
    %lt3A = vector.broadcast %iota3A : vector<1x64x1xi32> to vector<416x64x1xi32>
    %lt3A_89 = vector.broadcast %broadcast_in_dim3A_88 : vector<416x1x1xi32> to vector<416x64x1xi32>
    %lt3A_90 = arith.cmpi slt, %lt3A, %lt3A_89 : vector<416x64x1xi32>
    %jit3A = arith.constant -1.000000e+30 : f32
    %broadcast_in_dim3A_91 = vector.shape_cast %lt3A_90 : vector<416x64x1xi1> to vector<416x64x1xi1>
    %broadcast_in_dim3A_92 = vector.broadcast %broadcast_in_dim3A_91 : vector<416x64x1xi1> to vector<416x64x128xi1>
    %broadcast_in_dim3A_93 = vector.broadcast %jit3A : f32 to vector<416x64x128xf32>
    %select_n3A = arith.select %broadcast_in_dim3A_92, %add3A_87, %broadcast_in_dim3A_93 : vector<416x64x128xi1>, vector<416x64x128xf32>
    %reduce_max3A = arith.constant dense<0xFF800000> : vector<416x128xf32>
    %reduce_max3A_94 = vector.multi_reduction <maximumf>, %select_n3A, %reduce_max3A [1] : vector<416x64x128xf32> to vector<416x128xf32>
    %gt3A = arith.constant 0 : i32
    %gt3A_95 = vector.broadcast %gt3A : i32 to vector<416x1xi32>
    %gt3A_96 = arith.cmpi sgt, %reshape3A_13, %gt3A_95 : vector<416x1xi32>
    %jit3A_97 = arith.constant 0.000000e+00 : f32
    %broadcast_in_dim3A_98 = vector.shape_cast %gt3A_96 : vector<416x1xi1> to vector<416x1xi1>
    %broadcast_in_dim3A_99 = vector.broadcast %broadcast_in_dim3A_98 : vector<416x1xi1> to vector<416x128xi1>
    %broadcast_in_dim3A_100 = vector.broadcast %jit3A_97 : f32 to vector<416x128xf32>
    %select_n3A_101 = arith.select %broadcast_in_dim3A_99, %reduce_max3A_94, %broadcast_in_dim3A_100 : vector<416x128xi1>, vector<416x128xf32>
    %reshape3A_102 = vector.shape_cast %select_n3A_101 : vector<416x128xf32> to vector<1x416x128xf32>
    %swap3A = arith.constant 0 : index
    %swap3A_103 = arith.constant 0 : index
    %swap3A_104 = arith.constant 0 : index
    %swap3A_105 = vector.load %arg14[%swap3A, %swap3A_103, %swap3A_104] : memref<1x416x128xf32, #tpu.memory_space<vmem>>, vector<1x416x128xf32>
    tpu.vector_store %arg14[%swap3A, %swap3A_103, %swap3A_104], %reshape3A_102 {strides = array<i32>} : memref<1x416x128xf32, #tpu.memory_space<vmem>>, vector<1x416x128xf32>,
    return
  }
  func.func @transform_0(%arg0: i32) -> (i32, i32, i32, i32) {
    %c0_i32 = arith.constant 0 : i32
    %c0_i32_0 = arith.constant 0 : i32
    %c0_i32_1 = arith.constant 0 : i32
    %c0_i32_2 = arith.constant 0 : i32
    return %arg0, %c0_i32, %c0_i32_0, %c0_i32_1 : i32, i32, i32, i32
  }
  func.func @transform_1(%arg0: i32) -> (i32, i32, i32) {
    %c0_i32 = arith.constant 0 : i32
    %c0_i32_0 = arith.constant 0 : i32
    %c0_i32_1 = arith.constant 0 : i32
    return %arg0, %c0_i32, %c0_i32_0 : i32, i32, i32
  }
  func.func @transform_2(%arg0: i32) -> (i32, i32, i32) {
    %c0_i32 = arith.constant 0 : i32
    %c0_i32_0 = arith.constant 0 : i32
    %c0_i32_1 = arith.constant 0 : i32
    return %arg0, %c0_i32, %c0_i32_0 : i32, i32, i32
  }
  func.func @transform_3(%arg0: i32) -> (i32, i32, i32) {
    %c0_i32 = arith.constant 0 : i32
    %c0_i32_0 = arith.constant 0 : i32
    %c0_i32_1 = arith.constant 0 : i32
    %c0_i32_2 = arith.constant 0 : i32
    return %c0_i32, %c0_i32_0, %c0_i32_1 : i32, i32, i32
  }
  func.func @transform_4(%arg0: i32) -> (i32, i32, i32) {
    %c0_i32 = arith.constant 0 : i32
    %c0_i32_0 = arith.constant 0 : i32
    %c0_i32_1 = arith.constant 0 : i32
    %c0_i32_2 = arith.constant 0 : i32
    return %c0_i32, %c0_i32_0, %c0_i32_1 : i32, i32, i32
  }
  func.func @transform_5(%arg0: i32) -> (i32, i32) {
    %c0_i32 = arith.constant 0 : i32
    %c0_i32_0 = arith.constant 0 : i32
    %c0_i32_1 = arith.constant 0 : i32
    return %c0_i32, %c0_i32_0 : i32, i32
  }
  func.func @transform_6(%arg0: i32) -> (i32, i32, i32) {
    %c0_i32 = arith.constant 0 : i32
    %c0_i32_0 = arith.constant 0 : i32
    %c0_i32_1 = arith.constant 0 : i32
    %c0_i32_2 = arith.constant 0 : i32
    return %c0_i32, %c0_i32_0, %c0_i32_1 : i32, i32, i32
  }
  func.func @transform_7(%arg0: i32) -> (i32, i32, i32) {
    %c0_i32 = arith.constant 0 : i32
    %c0_i32_0 = arith.constant 0 : i32
    %c0_i32_1 = arith.constant 0 : i32
    %c0_i32_2 = arith.constant 0 : i32
    return %c0_i32, %c0_i32_0, %c0_i32_1 : i32, i32, i32
  }
  func.func @transform_8(%arg0: i32) -> (i32, i32, i32) {
    %c0_i32 = arith.constant 0 : i32
    %c0_i32_0 = arith.constant 0 : i32
    %c0_i32_1 = arith.constant 0 : i32
    %c0_i32_2 = arith.constant 0 : i32
    return %c0_i32, %c0_i32_0, %c0_i32_1 : i32, i32, i32
  }
  func.func @transform_9(%arg0: i32) -> (i32, i32) {
    %c0_i32 = arith.constant 0 : i32
    %c0_i32_0 = arith.constant 0 : i32
    %c0_i32_1 = arith.constant 0 : i32
    return %c0_i32, %c0_i32_0 : i32, i32
  }
  func.func @transform_10(%arg0: i32) -> (i32, i32, i32) {
    %c0_i32 = arith.constant 0 : i32
    %c0_i32_0 = arith.constant 0 : i32
    %c0_i32_1 = arith.constant 0 : i32
    %c0_i32_2 = arith.constant 0 : i32
    return %c0_i32, %c0_i32_0, %c0_i32_1 : i32, i32, i32
  }
  func.func @transform_11(%arg0: i32) -> (i32, i32, i32) {
    %c0_i32 = arith.constant 0 : i32
    %c0_i32_0 = arith.constant 0 : i32
    %c0_i32_1 = arith.constant 0 : i32
    %c0_i32_2 = arith.constant 0 : i32
    return %c0_i32, %c0_i32_0, %c0_i32_1 : i32, i32, i32
  }
  func.func @transform_12(%arg0: i32) -> (i32, i32, i32) {
    %c0_i32 = arith.constant 0 : i32
    %c0_i32_0 = arith.constant 0 : i32
    %c0_i32_1 = arith.constant 0 : i32
    %c0_i32_2 = arith.constant 0 : i32
    return %c0_i32, %c0_i32_0, %c0_i32_1 : i32, i32, i32
  }
  func.func @transform_13(%arg0: i32) -> (i32, i32, i32) {
    %c0_i32 = arith.constant 0 : i32
    %c0_i32_0 = arith.constant 0 : i32
    %c0_i32_1 = arith.constant 0 : i32
    return %arg0, %c0_i32, %c0_i32_0 : i32, i32, i32
  }
}

module attributes {stable_mosaic.version = 14 : i64} {
  func.func @kern(%arg0: i32, %arg1: memref<1x1x410xf32, #tpu.memory_space<vmem>>, %arg2: memref<1x1x410xf32, #tpu.memory_space<vmem>>, %arg3: memref<1x1x410xf32, #tpu.memory_space<vmem>>, %arg4: memref<1x410x128xf32, #tpu.memory_space<vmem>>, %arg5: memref<1x112x1xf32, #tpu.memory_space<vmem>>, %arg6: memref<1x112x1xf32, #tpu.memory_space<vmem>>, %arg7: memref<1x112x1xf32, #tpu.memory_space<vmem>>, %arg8: memref<131x128xf32, #tpu.memory_space<vmem>>, %arg9: memref<1x128xf32, #tpu.memory_space<vmem>>, %arg10: memref<1x128xf32, #tpu.memory_space<vmem>>, %arg11: memref<1x128xf32, #tpu.memory_space<vmem>>, %arg12: memref<128x128xf32, #tpu.memory_space<vmem>>, %arg13: memref<1x128xf32, #tpu.memory_space<vmem>>, %arg14: memref<1x128xf32, #tpu.memory_space<vmem>>, %arg15: memref<1x128xf32, #tpu.memory_space<vmem>>, %arg16: memref<128x256xf32, #tpu.memory_space<vmem>>, %arg17: memref<1x256xf32, #tpu.memory_space<vmem>>, %arg18: memref<1x256xf32, #tpu.memory_space<vmem>>, %arg19: memref<1x256xf32, #tpu.memory_space<vmem>>, %arg20: memref<1x112x256xf32, #tpu.memory_space<vmem>>) attributes {dimension_semantics = [#tpu.dimension_semantics<arbitrary>], iteration_bounds = array<i64: 8>, scalar_prefetch = 0 : i64, scratch_operands = 0 : i64, tpu.core_type = #tpu.core_type<tc>, window_params = [{transform_indices = @transform_0, window_bounds = array<i64: 1, 1, 410>}, {transform_indices = @transform_1, window_bounds = array<i64: 1, 1, 410>}, {transform_indices = @transform_2, window_bounds = array<i64: 1, 1, 410>}, {transform_indices = @transform_3, window_bounds = array<i64: 1, 410, 128>}, {transform_indices = @transform_4, window_bounds = array<i64: 1, 112, 1>}, {transform_indices = @transform_5, window_bounds = array<i64: 1, 112, 1>}, {transform_indices = @transform_6, window_bounds = array<i64: 1, 112, 1>}, {pipeline_mode = #tpu.pipeline_mode<synchronous>, transform_indices = @transform_7, window_bounds = array<i64: 131, 128>}, {pipeline_mode = #tpu.pipeline_mode<synchronous>, transform_indices = @transform_8, window_bounds = array<i64: 1, 128>}, {pipeline_mode = #tpu.pipeline_mode<synchronous>, transform_indices = @transform_9, window_bounds = array<i64: 1, 128>}, {pipeline_mode = #tpu.pipeline_mode<synchronous>, transform_indices = @transform_10, window_bounds = array<i64: 1, 128>}, {pipeline_mode = #tpu.pipeline_mode<synchronous>, transform_indices = @transform_11, window_bounds = array<i64: 128, 128>}, {pipeline_mode = #tpu.pipeline_mode<synchronous>, transform_indices = @transform_12, window_bounds = array<i64: 1, 128>}, {pipeline_mode = #tpu.pipeline_mode<synchronous>, transform_indices = @transform_13, window_bounds = array<i64: 1, 128>}, {pipeline_mode = #tpu.pipeline_mode<synchronous>, transform_indices = @transform_14, window_bounds = array<i64: 1, 128>}, {pipeline_mode = #tpu.pipeline_mode<synchronous>, transform_indices = @transform_15, window_bounds = array<i64: 128, 256>}, {pipeline_mode = #tpu.pipeline_mode<synchronous>, transform_indices = @transform_16, window_bounds = array<i64: 1, 256>}, {pipeline_mode = #tpu.pipeline_mode<synchronous>, transform_indices = @transform_17, window_bounds = array<i64: 1, 256>}, {pipeline_mode = #tpu.pipeline_mode<synchronous>, transform_indices = @transform_18, window_bounds = array<i64: 1, 256>}, {transform_indices = @transform_19, window_bounds = array<i64: 1, 112, 256>}]} {
    %get3A = arith.constant 0 : index
    %get3A_0 = arith.constant 0 : index
    %get3A_1 = arith.constant 0 : index
    %get3A_2 = vector.load %arg1[%get3A, %get3A_0, %get3A_1] : memref<1x1x410xf32, #tpu.memory_space<vmem>>, vector<1x1x410xf32>
    %reshape3A = vector.shape_cast %get3A_2 : vector<1x1x410xf32> to vector<1x410xf32>
    %get3A_3 = arith.constant 0 : index
    %get3A_4 = arith.constant 0 : index
    %get3A_5 = arith.constant 0 : index
    %get3A_6 = vector.load %arg2[%get3A_3, %get3A_4, %get3A_5] : memref<1x1x410xf32, #tpu.memory_space<vmem>>, vector<1x1x410xf32>
    %reshape3A_7 = vector.shape_cast %get3A_6 : vector<1x1x410xf32> to vector<1x410xf32>
    %get3A_8 = arith.constant 0 : index
    %get3A_9 = arith.constant 0 : index
    %get3A_10 = arith.constant 0 : index
    %get3A_11 = vector.load %arg3[%get3A_8, %get3A_9, %get3A_10] : memref<1x1x410xf32, #tpu.memory_space<vmem>>, vector<1x1x410xf32>
    %reshape3A_12 = vector.shape_cast %get3A_11 : vector<1x1x410xf32> to vector<1x410xf32>
    %get3A_13 = arith.constant 0 : index
    %get3A_14 = arith.constant 0 : index
    %get3A_15 = arith.constant 0 : index
    %get3A_16 = vector.load %arg5[%get3A_13, %get3A_14, %get3A_15] : memref<1x112x1xf32, #tpu.memory_space<vmem>>, vector<1x112x1xf32>
    %reshape3A_17 = vector.shape_cast %get3A_16 : vector<1x112x1xf32> to vector<112x1xf32>
    %get3A_18 = arith.constant 0 : index
    %get3A_19 = arith.constant 0 : index
    %get3A_20 = arith.constant 0 : index
    %get3A_21 = vector.load %arg6[%get3A_18, %get3A_19, %get3A_20] : memref<1x112x1xf32, #tpu.memory_space<vmem>>, vector<1x112x1xf32>
    %reshape3A_22 = vector.shape_cast %get3A_21 : vector<1x112x1xf32> to vector<112x1xf32>
    %get3A_23 = arith.constant 0 : index
    %get3A_24 = arith.constant 0 : index
    %get3A_25 = arith.constant 0 : index
    %get3A_26 = vector.load %arg7[%get3A_23, %get3A_24, %get3A_25] : memref<1x112x1xf32, #tpu.memory_space<vmem>>, vector<1x112x1xf32>
    %reshape3A_27 = vector.shape_cast %get3A_26 : vector<1x112x1xf32> to vector<112x1xf32>
    %get3A_28 = arith.constant 0 : index
    %get3A_29 = arith.constant 0 : index
    %get3A_30 = arith.constant 0 : index
    %get3A_31 = vector.load %arg4[%get3A_28, %get3A_29, %get3A_30] : memref<1x410x128xf32, #tpu.memory_space<vmem>>, vector<1x410x128xf32>
    %reshape3A_32 = vector.shape_cast %get3A_31 : vector<1x410x128xf32> to vector<410x128xf32>
    %get3A_33 = arith.constant 0 : index
    %get3A_34 = arith.constant 0 : index
    %get3A_35 = vector.load %arg8[%get3A_33, %get3A_34] : memref<131x128xf32, #tpu.memory_space<vmem>>, vector<131x128xf32>
    %get3A_36 = arith.constant 0 : index
    %get3A_37 = arith.constant 0 : index
    %get3A_38 = vector.load %arg9[%get3A_36, %get3A_37] : memref<1x128xf32, #tpu.memory_space<vmem>>, vector<1x128xf32>
    %sub3A = vector.broadcast %reshape3A_17 : vector<112x1xf32> to vector<112x410xf32>
    %sub3A_39 = vector.broadcast %reshape3A : vector<1x410xf32> to vector<112x410xf32>
    %sub3A_40 = arith.subf %sub3A, %sub3A_39 : vector<112x410xf32>
    %integer_pow3A = arith.mulf %sub3A_40, %sub3A_40 : vector<112x410xf32>
    %sub3A_41 = vector.broadcast %reshape3A_22 : vector<112x1xf32> to vector<112x410xf32>
    %sub3A_42 = vector.broadcast %reshape3A_7 : vector<1x410xf32> to vector<112x410xf32>
    %sub3A_43 = arith.subf %sub3A_41, %sub3A_42 : vector<112x410xf32>
    %integer_pow3A_44 = arith.mulf %sub3A_43, %sub3A_43 : vector<112x410xf32>
    %add3A = arith.addf %integer_pow3A, %integer_pow3A_44 : vector<112x410xf32>
    %sub3A_45 = vector.broadcast %reshape3A_27 : vector<112x1xf32> to vector<112x410xf32>
    %sub3A_46 = vector.broadcast %reshape3A_12 : vector<1x410xf32> to vector<112x410xf32>
    %sub3A_47 = arith.subf %sub3A_45, %sub3A_46 : vector<112x410xf32>
    %integer_pow3A_48 = arith.mulf %sub3A_47, %sub3A_47 : vector<112x410xf32>
    %add3A_49 = arith.addf %add3A, %integer_pow3A_48 : vector<112x410xf32>
    %bitcast_convert_type3A = tpu.bitcast %add3A_49 : vector<112x410xf32> -> vector<112x410xi32>
    %lt3A = arith.constant 1042536202 : i32
    %lt3A_50 = vector.broadcast %lt3A : i32 to vector<112x410xi32>
    %lt3A_51 = arith.cmpi slt, %bitcast_convert_type3A, %lt3A_50 : vector<112x410xi32>
    %jit3A = arith.constant 2147483647 : i32
    %broadcast_in_dim3A = vector.broadcast %jit3A : i32 to vector<112x410xi32>
    %select_n3A = arith.select %lt3A_51, %bitcast_convert_type3A, %broadcast_in_dim3A : vector<112x410xi1>, vector<112x410xi32>
    %broadcast_in_dim3A_52 = arith.constant 0 : i32
    %broadcast_in_dim3A_53 = vector.broadcast %broadcast_in_dim3A_52 : i32 to vector<112x1xi32>
    %broadcast_in_dim3A_54 = arith.constant 1042536202 : i32
    %broadcast_in_dim3A_55 = vector.broadcast %broadcast_in_dim3A_54 : i32 to vector<112x1xi32>
    %scan3A = arith.constant 0 : i32
    %scan3A_56 = arith.constant 30 : i32
    %scan3A_57 = arith.addi %scan3A, %scan3A_56 : i32
    %scan3A_58 = arith.constant 1 : i32
    %scan3A_59:2 = scf.for %scan3A_949 = %scan3A to %scan3A_57 step %scan3A_58 iter_args(%scan3A_950 = %broadcast_in_dim3A_53, %scan3A_951 = %broadcast_in_dim3A_55) -> (vector<112x1xi32>, vector<112x1xi32>)  : i32 {
      %sub3A_952 = arith.subi %scan3A_951, %scan3A_950 : vector<112x1xi32>
      %jit3A_953 = arith.constant 2 : i32
      %div3A = vector.broadcast %jit3A_953 : i32 to vector<112x1xi32>
      %div3A_954 = arith.divsi %sub3A_952, %div3A : vector<112x1xi32>
      %sign3A = arith.constant 0 : i32
      %sign3A_955 = vector.broadcast %sign3A : i32 to vector<112x1xi32>
      %sign3A_956 = arith.cmpi sgt, %sub3A_952, %sign3A_955 : vector<112x1xi32>
      %sign3A_957 = arith.extui %sign3A_956 : vector<112x1xi1> to vector<112x1xi32>
      %sign3A_958 = arith.constant 0 : i32
      %sign3A_959 = vector.broadcast %sign3A_958 : i32 to vector<112x1xi32>
      %sign3A_960 = arith.cmpi slt, %sub3A_952, %sign3A_959 : vector<112x1xi32>
      %sign3A_961 = arith.extui %sign3A_960 : vector<112x1xi1> to vector<112x1xi32>
      %sign3A_962 = arith.subi %sign3A_957, %sign3A_961 : vector<112x1xi32>
      %sign3A_963 = arith.constant 0 : i32
      %sign3A_964 = arith.cmpi sgt, %jit3A_953, %sign3A_963 : i32
      %sign3A_965 = arith.extui %sign3A_964 : i1 to i32
      %sign3A_966 = arith.constant 0 : i32
      %sign3A_967 = arith.cmpi slt, %jit3A_953, %sign3A_966 : i32
      %sign3A_968 = arith.extui %sign3A_967 : i1 to i32
      %sign3A_969 = arith.subi %sign3A_965, %sign3A_968 : i32
      %ne3A = vector.broadcast %sign3A_969 : i32 to vector<112x1xi32>
      %ne3A_970 = arith.cmpi ne, %sign3A_962, %ne3A : vector<112x1xi32>
      %rem3A = vector.broadcast %jit3A_953 : i32 to vector<112x1xi32>
      %rem3A_971 = arith.remsi %sub3A_952, %rem3A : vector<112x1xi32>
      %ne3A_972 = arith.constant 0 : i32
      %ne3A_973 = vector.broadcast %ne3A_972 : i32 to vector<112x1xi32>
      %ne3A_974 = arith.cmpi ne, %rem3A_971, %ne3A_973 : vector<112x1xi32>
      %and3A_975 = arith.andi %ne3A_970, %ne3A_974 : vector<112x1xi1>
      %sub3A_976 = arith.constant 1 : i32
      %sub3A_977 = vector.broadcast %sub3A_976 : i32 to vector<112x1xi32>
      %sub3A_978 = arith.subi %div3A_954, %sub3A_977 : vector<112x1xi32>
      %select_n3A_979 = arith.select %and3A_975, %sub3A_978, %div3A_954 : vector<112x1xi1>, vector<112x1xi32>
      %add3A_980 = arith.addi %scan3A_950, %select_n3A_979 : vector<112x1xi32>
      %le3A = vector.broadcast %add3A_980 : vector<112x1xi32> to vector<112x410xi32>
      %le3A_981 = arith.cmpi sle, %select_n3A, %le3A : vector<112x410xi32>
      %convert_element_type3A_982 = arith.extui %le3A_981 : vector<112x410xi1> to vector<112x410xi32>
      %reduce_sum3A_983 = arith.constant dense<0> : vector<112xi32>
      %reduce_sum3A_984 = vector.multi_reduction <add>, %convert_element_type3A_982, %reduce_sum3A_983 [1] : vector<112x410xi32> to vector<112xi32>
      %broadcast_in_dim3A_985 = vector.shape_cast %reduce_sum3A_984 : vector<112xi32> to vector<112x1xi32>
      %ge3A = arith.constant 64 : i32
      %ge3A_986 = vector.broadcast %ge3A : i32 to vector<112x1xi32>
      %ge3A_987 = arith.cmpi sge, %broadcast_in_dim3A_985, %ge3A_986 : vector<112x1xi32>
      %select_n3A_988 = arith.select %ge3A_987, %add3A_980, %scan3A_951 : vector<112x1xi1>, vector<112x1xi32>
      %add3A_989 = arith.constant 1 : i32
      %add3A_990 = vector.broadcast %add3A_989 : i32 to vector<112x1xi32>
      %add3A_991 = arith.addi %add3A_980, %add3A_990 : vector<112x1xi32>
      %select_n3A_992 = arith.select %ge3A_987, %scan3A_950, %add3A_991 : vector<112x1xi1>, vector<112x1xi32>
      scf.yield %select_n3A_992, %select_n3A_988 : vector<112x1xi32>, vector<112x1xi32>
    }
    %lt3A_60 = vector.broadcast %scan3A_59#1 : vector<112x1xi32> to vector<112x410xi32>
    %lt3A_61 = arith.cmpi slt, %select_n3A, %lt3A_60 : vector<112x410xi32>
    %and3A = arith.andi %lt3A_51, %lt3A_61 : vector<112x410xi1>
    %convert_element_type3A = arith.extui %and3A : vector<112x410xi1> to vector<112x410xi32>
    %reduce_sum3A = arith.constant dense<0> : vector<112xi32>
    %reduce_sum3A_62 = vector.multi_reduction <add>, %convert_element_type3A, %reduce_sum3A [1] : vector<112x410xi32> to vector<112xi32>
    %broadcast_in_dim3A_63 = vector.shape_cast %reduce_sum3A_62 : vector<112xi32> to vector<112x1xi32>
    %eq3A = vector.broadcast %scan3A_59#1 : vector<112x1xi32> to vector<112x410xi32>
    %eq3A_64 = arith.cmpi eq, %select_n3A, %eq3A : vector<112x410xi32>
    %and3A_65 = arith.andi %lt3A_51, %eq3A_64 : vector<112x410xi1>
    %convert_element_type3A_66 = arith.extui %and3A_65 : vector<112x410xi1> to vector<112x410xi32>
    %shift_left3A = arith.constant 16 : i32
    %shift_left3A_67 = vector.broadcast %shift_left3A : i32 to vector<112x410xi32>
    %shift_left3A_68 = arith.shli %convert_element_type3A_66, %shift_left3A_67 : vector<112x410xi32>
    %convert_element_type3A_69 = arith.extui %and3A : vector<112x410xi1> to vector<112x410xi32>
    %or3A = arith.ori %shift_left3A_68, %convert_element_type3A_69 : vector<112x410xi32>
    %broadcast_in_dim3A_70 = arith.constant 0 : i32
    %broadcast_in_dim3A_71 = vector.broadcast %broadcast_in_dim3A_70 : i32 to vector<112x1xi32>
    %slice3A = vector.extract_strided_slice %or3A {offsets = [0, 0], sizes = [112, 409], strides = [1, 1]} : vector<112x410xi32> to vector<112x409xi32>
    %concatenate3A = tpu.concatenate %broadcast_in_dim3A_71, %slice3A in 1 : vector<112x1xi32>, vector<112x409xi32> -> vector<112x410xi32>
    %add3A_72 = arith.addi %or3A, %concatenate3A : vector<112x410xi32>
    %broadcast_in_dim3A_73 = arith.constant 0 : i32
    %broadcast_in_dim3A_74 = vector.broadcast %broadcast_in_dim3A_73 : i32 to vector<112x2xi32>
    %slice3A_75 = vector.extract_strided_slice %add3A_72 {offsets = [0, 0], sizes = [112, 408], strides = [1, 1]} : vector<112x410xi32> to vector<112x408xi32>
    %concatenate3A_76 = tpu.concatenate %broadcast_in_dim3A_74, %slice3A_75 in 1 : vector<112x2xi32>, vector<112x408xi32> -> vector<112x410xi32>
    %add3A_77 = arith.addi %add3A_72, %concatenate3A_76 : vector<112x410xi32>
    %broadcast_in_dim3A_78 = arith.constant 0 : i32
    %broadcast_in_dim3A_79 = vector.broadcast %broadcast_in_dim3A_78 : i32 to vector<112x4xi32>
    %slice3A_80 = vector.extract_strided_slice %add3A_77 {offsets = [0, 0], sizes = [112, 406], strides = [1, 1]} : vector<112x410xi32> to vector<112x406xi32>
    %concatenate3A_81 = tpu.concatenate %broadcast_in_dim3A_79, %slice3A_80 in 1 : vector<112x4xi32>, vector<112x406xi32> -> vector<112x410xi32>
    %add3A_82 = arith.addi %add3A_77, %concatenate3A_81 : vector<112x410xi32>
    %broadcast_in_dim3A_83 = arith.constant 0 : i32
    %broadcast_in_dim3A_84 = vector.broadcast %broadcast_in_dim3A_83 : i32 to vector<112x8xi32>
    %slice3A_85 = vector.extract_strided_slice %add3A_82 {offsets = [0, 0], sizes = [112, 402], strides = [1, 1]} : vector<112x410xi32> to vector<112x402xi32>
    %concatenate3A_86 = tpu.concatenate %broadcast_in_dim3A_84, %slice3A_85 in 1 : vector<112x8xi32>, vector<112x402xi32> -> vector<112x410xi32>
    %add3A_87 = arith.addi %add3A_82, %concatenate3A_86 : vector<112x410xi32>
    %broadcast_in_dim3A_88 = arith.constant 0 : i32
    %broadcast_in_dim3A_89 = vector.broadcast %broadcast_in_dim3A_88 : i32 to vector<112x16xi32>
    %slice3A_90 = vector.extract_strided_slice %add3A_87 {offsets = [0, 0], sizes = [112, 394], strides = [1, 1]} : vector<112x410xi32> to vector<112x394xi32>
    %concatenate3A_91 = tpu.concatenate %broadcast_in_dim3A_89, %slice3A_90 in 1 : vector<112x16xi32>, vector<112x394xi32> -> vector<112x410xi32>
    %add3A_92 = arith.addi %add3A_87, %concatenate3A_91 : vector<112x410xi32>
    %broadcast_in_dim3A_93 = arith.constant 0 : i32
    %broadcast_in_dim3A_94 = vector.broadcast %broadcast_in_dim3A_93 : i32 to vector<112x32xi32>
    %slice3A_95 = vector.extract_strided_slice %add3A_92 {offsets = [0, 0], sizes = [112, 378], strides = [1, 1]} : vector<112x410xi32> to vector<112x378xi32>
    %concatenate3A_96 = tpu.concatenate %broadcast_in_dim3A_94, %slice3A_95 in 1 : vector<112x32xi32>, vector<112x378xi32> -> vector<112x410xi32>
    %add3A_97 = arith.addi %add3A_92, %concatenate3A_96 : vector<112x410xi32>
    %broadcast_in_dim3A_98 = arith.constant 0 : i32
    %broadcast_in_dim3A_99 = vector.broadcast %broadcast_in_dim3A_98 : i32 to vector<112x64xi32>
    %slice3A_100 = vector.extract_strided_slice %add3A_97 {offsets = [0, 0], sizes = [112, 346], strides = [1, 1]} : vector<112x410xi32> to vector<112x346xi32>
    %concatenate3A_101 = tpu.concatenate %broadcast_in_dim3A_99, %slice3A_100 in 1 : vector<112x64xi32>, vector<112x346xi32> -> vector<112x410xi32>
    %add3A_102 = arith.addi %add3A_97, %concatenate3A_101 : vector<112x410xi32>
    %broadcast_in_dim3A_103 = arith.constant 0 : i32
    %broadcast_in_dim3A_104 = vector.broadcast %broadcast_in_dim3A_103 : i32 to vector<112x128xi32>
    %slice3A_105 = vector.extract_strided_slice %add3A_102 {offsets = [0, 0], sizes = [112, 282], strides = [1, 1]} : vector<112x410xi32> to vector<112x282xi32>
    %concatenate3A_106 = tpu.concatenate %broadcast_in_dim3A_104, %slice3A_105 in 1 : vector<112x128xi32>, vector<112x282xi32> -> vector<112x410xi32>
    %add3A_107 = arith.addi %add3A_102, %concatenate3A_106 : vector<112x410xi32>
    %broadcast_in_dim3A_108 = arith.constant 0 : i32
    %broadcast_in_dim3A_109 = vector.broadcast %broadcast_in_dim3A_108 : i32 to vector<112x256xi32>
    %slice3A_110 = vector.extract_strided_slice %add3A_107 {offsets = [0, 0], sizes = [112, 154], strides = [1, 1]} : vector<112x410xi32> to vector<112x154xi32>
    %concatenate3A_111 = tpu.concatenate %broadcast_in_dim3A_109, %slice3A_110 in 1 : vector<112x256xi32>, vector<112x154xi32> -> vector<112x410xi32>
    %add3A_112 = arith.addi %add3A_107, %concatenate3A_111 : vector<112x410xi32>
    %shift_right_arithmetic3A = arith.constant 16 : i32
    %shift_right_arithmetic3A_113 = vector.broadcast %shift_right_arithmetic3A : i32 to vector<112x410xi32>
    %shift_right_arithmetic3A_114 = arith.shrsi %add3A_112, %shift_right_arithmetic3A_113 : vector<112x410xi32>
    %convert_element_type3A_115 = arith.extui %and3A_65 : vector<112x410xi1> to vector<112x410xi32>
    %sub3A_116 = arith.subi %shift_right_arithmetic3A_114, %convert_element_type3A_115 : vector<112x410xi32>
    %and3A_117 = arith.constant 65535 : i32
    %and3A_118 = vector.broadcast %and3A_117 : i32 to vector<112x410xi32>
    %and3A_119 = arith.andi %add3A_112, %and3A_118 : vector<112x410xi32>
    %convert_element_type3A_120 = arith.extui %and3A : vector<112x410xi1> to vector<112x410xi32>
    %sub3A_121 = arith.subi %and3A_119, %convert_element_type3A_120 : vector<112x410xi32>
    %sub3A_122 = arith.constant 64 : i32
    %sub3A_123 = vector.broadcast %sub3A_122 : i32 to vector<112x1xi32>
    %sub3A_124 = arith.subi %sub3A_123, %broadcast_in_dim3A_63 : vector<112x1xi32>
    %lt3A_125 = vector.broadcast %sub3A_124 : vector<112x1xi32> to vector<112x410xi32>
    %lt3A_126 = arith.cmpi slt, %sub3A_116, %lt3A_125 : vector<112x410xi32>
    %and3A_127 = arith.andi %and3A_65, %lt3A_126 : vector<112x410xi1>
    %or3A_128 = arith.ori %and3A, %and3A_127 : vector<112x410xi1>
    %convert_element_type3A_129 = arith.extui %or3A_128 : vector<112x410xi1> to vector<112x410xi32>
    %reduce_sum3A_130 = arith.constant dense<0> : vector<112xi32>
    %reduce_sum3A_131 = vector.multi_reduction <add>, %convert_element_type3A_129, %reduce_sum3A_130 [1] : vector<112x410xi32> to vector<112xi32>
    %broadcast_in_dim3A_132 = vector.shape_cast %reduce_sum3A_131 : vector<112xi32> to vector<112x1xi32>
    %min3A = vector.broadcast %sub3A_124 : vector<112x1xi32> to vector<112x410xi32>
    %min3A_133 = arith.minsi %sub3A_116, %min3A : vector<112x410xi32>
    %add3A_134 = arith.addi %sub3A_121, %min3A_133 : vector<112x410xi32>
    %jit3A_135 = arith.constant -1 : i32
    %broadcast_in_dim3A_136 = vector.broadcast %jit3A_135 : i32 to vector<112x410xi32>
    %select_n3A_137 = arith.select %or3A_128, %add3A_134, %broadcast_in_dim3A_136 : vector<112x410xi1>, vector<112x410xi32>
    %slice3A_138 = vector.extract_strided_slice %get3A_35 {offsets = [0, 0], sizes = [128, 128], strides = [1, 1]} : vector<131x128xf32> to vector<128x128xf32>
    %dot_general3A = arith.constant dense<0.000000e+00> : vector<410x128xf32>
    %dot_general3A_139 = tpu.matmul %reshape3A_32, %slice3A_138, %dot_general3A {dimension_numbers = #tpu.dot_dimension_numbers<[1], [0], [0], [1], [0, 0, 1, 1], [], []>, transpose_lhs_hint = false} : vector<410x128xf32>, vector<128x128xf32>, vector<410x128xf32> -> vector<410x128xf32>
    %reshape3A_140 = vector.shape_cast %reshape3A : vector<1x410xf32> to vector<410x1xf32>
    %slice3A_141 = vector.extract_strided_slice %get3A_35 {offsets = [128, 0], sizes = [1, 128], strides = [1, 1]} : vector<131x128xf32> to vector<1x128xf32>
    %squeeze3A = vector.shape_cast %slice3A_141 : vector<1x128xf32> to vector<128xf32>
    %reshape3A_142 = vector.shape_cast %squeeze3A : vector<128xf32> to vector<1x128xf32>
    %mul3A = vector.broadcast %reshape3A_140 : vector<410x1xf32> to vector<410x128xf32>
    %mul3A_143 = vector.broadcast %reshape3A_142 : vector<1x128xf32> to vector<410x128xf32>
    %mul3A_144 = arith.mulf %mul3A, %mul3A_143 : vector<410x128xf32>
    %add3A_145 = arith.addf %dot_general3A_139, %mul3A_144 : vector<410x128xf32>
    %reshape3A_146 = vector.shape_cast %reshape3A_7 : vector<1x410xf32> to vector<410x1xf32>
    %slice3A_147 = vector.extract_strided_slice %get3A_35 {offsets = [129, 0], sizes = [1, 128], strides = [1, 1]} : vector<131x128xf32> to vector<1x128xf32>
    %squeeze3A_148 = vector.shape_cast %slice3A_147 : vector<1x128xf32> to vector<128xf32>
    %reshape3A_149 = vector.shape_cast %squeeze3A_148 : vector<128xf32> to vector<1x128xf32>
    %mul3A_150 = vector.broadcast %reshape3A_146 : vector<410x1xf32> to vector<410x128xf32>
    %mul3A_151 = vector.broadcast %reshape3A_149 : vector<1x128xf32> to vector<410x128xf32>
    %mul3A_152 = arith.mulf %mul3A_150, %mul3A_151 : vector<410x128xf32>
    %add3A_153 = arith.addf %add3A_145, %mul3A_152 : vector<410x128xf32>
    %reshape3A_154 = vector.shape_cast %reshape3A_12 : vector<1x410xf32> to vector<410x1xf32>
    %slice3A_155 = vector.extract_strided_slice %get3A_35 {offsets = [130, 0], sizes = [1, 128], strides = [1, 1]} : vector<131x128xf32> to vector<1x128xf32>
    %squeeze3A_156 = vector.shape_cast %slice3A_155 : vector<1x128xf32> to vector<128xf32>
    %reshape3A_157 = vector.shape_cast %squeeze3A_156 : vector<128xf32> to vector<1x128xf32>
    %mul3A_158 = vector.broadcast %reshape3A_154 : vector<410x1xf32> to vector<410x128xf32>
    %mul3A_159 = vector.broadcast %reshape3A_157 : vector<1x128xf32> to vector<410x128xf32>
    %mul3A_160 = arith.mulf %mul3A_158, %mul3A_159 : vector<410x128xf32>
    %add3A_161 = arith.addf %add3A_153, %mul3A_160 : vector<410x128xf32>
    %slice3A_162 = vector.extract_strided_slice %get3A_35 {offsets = [128, 0], sizes = [1, 128], strides = [1, 1]} : vector<131x128xf32> to vector<1x128xf32>
    %squeeze3A_163 = vector.shape_cast %slice3A_162 : vector<1x128xf32> to vector<128xf32>
    %reshape3A_164 = vector.shape_cast %squeeze3A_163 : vector<128xf32> to vector<1x128xf32>
    %mul3A_165 = vector.broadcast %reshape3A_17 : vector<112x1xf32> to vector<112x128xf32>
    %mul3A_166 = vector.broadcast %reshape3A_164 : vector<1x128xf32> to vector<112x128xf32>
    %mul3A_167 = arith.mulf %mul3A_165, %mul3A_166 : vector<112x128xf32>
    %slice3A_168 = vector.extract_strided_slice %get3A_35 {offsets = [129, 0], sizes = [1, 128], strides = [1, 1]} : vector<131x128xf32> to vector<1x128xf32>
    %squeeze3A_169 = vector.shape_cast %slice3A_168 : vector<1x128xf32> to vector<128xf32>
    %reshape3A_170 = vector.shape_cast %squeeze3A_169 : vector<128xf32> to vector<1x128xf32>
    %mul3A_171 = vector.broadcast %reshape3A_22 : vector<112x1xf32> to vector<112x128xf32>
    %mul3A_172 = vector.broadcast %reshape3A_170 : vector<1x128xf32> to vector<112x128xf32>
    %mul3A_173 = arith.mulf %mul3A_171, %mul3A_172 : vector<112x128xf32>
    %add3A_174 = arith.addf %mul3A_167, %mul3A_173 : vector<112x128xf32>
    %slice3A_175 = vector.extract_strided_slice %get3A_35 {offsets = [130, 0], sizes = [1, 128], strides = [1, 1]} : vector<131x128xf32> to vector<1x128xf32>
    %squeeze3A_176 = vector.shape_cast %slice3A_175 : vector<1x128xf32> to vector<128xf32>
    %reshape3A_177 = vector.shape_cast %squeeze3A_176 : vector<128xf32> to vector<1x128xf32>
    %mul3A_178 = vector.broadcast %reshape3A_27 : vector<112x1xf32> to vector<112x128xf32>
    %mul3A_179 = vector.broadcast %reshape3A_177 : vector<1x128xf32> to vector<112x128xf32>
    %mul3A_180 = arith.mulf %mul3A_178, %mul3A_179 : vector<112x128xf32>
    %add3A_181 = arith.addf %add3A_174, %mul3A_180 : vector<112x128xf32>
    %sub3A_182 = vector.broadcast %get3A_38 : vector<1x128xf32> to vector<112x128xf32>
    %sub3A_183 = arith.subf %sub3A_182, %add3A_181 : vector<112x128xf32>
    %iota3A = tpu.iota {dimensions = array<i32: 1>} : vector<1x64x1xi32>
    %get3A_184 = arith.constant 0 : index
    %get3A_185 = arith.constant 0 : index
    %get3A_186 = vector.load %arg10[%get3A_184, %get3A_185] : memref<1x128xf32, #tpu.memory_space<vmem>>, vector<1x128xf32>
    %get3A_187 = arith.constant 0 : index
    %get3A_188 = arith.constant 0 : index
    %get3A_189 = vector.load %arg11[%get3A_187, %get3A_188] : memref<1x128xf32, #tpu.memory_space<vmem>>, vector<1x128xf32>
    %slice3A_190 = vector.extract_strided_slice %select_n3A_137 {offsets = [0, 0], sizes = [16, 410], strides = [1, 1]} : vector<112x410xi32> to vector<16x410xi32>
    %broadcast_in_dim3A_191 = vector.shape_cast %slice3A_190 : vector<16x410xi32> to vector<16x1x410xi32>
    %eq3A_192 = vector.broadcast %broadcast_in_dim3A_191 : vector<16x1x410xi32> to vector<16x64x410xi32>
    %eq3A_193 = vector.broadcast %iota3A : vector<1x64x1xi32> to vector<16x64x410xi32>
    %eq3A_194 = arith.cmpi eq, %eq3A_192, %eq3A_193 : vector<16x64x410xi32>
    %convert_element_type3A_195 = arith.extui %eq3A_194 : vector<16x64x410xi1> to vector<16x64x410xi32>
    %convert_element_type3A_196 = arith.sitofp %convert_element_type3A_195 : vector<16x64x410xi32> to vector<16x64x410xf32>
    %dot_general3A_197 = arith.constant dense<0.000000e+00> : vector<16x64x128xf32>
    %dot_general3A_198 = tpu.matmul %convert_element_type3A_196, %add3A_161, %dot_general3A_197 {dimension_numbers = #tpu.dot_dimension_numbers<[2], [0], [0, 1], [1], [0, 0, 0, 1, 1, 1], [], []>, transpose_lhs_hint = false} : vector<16x64x410xf32>, vector<410x128xf32>, vector<16x64x128xf32> -> vector<16x64x128xf32>
    %slice3A_199 = vector.extract_strided_slice %sub3A_183 {offsets = [0, 0], sizes = [16, 128], strides = [1, 1]} : vector<112x128xf32> to vector<16x128xf32>
    %broadcast_in_dim3A_200 = vector.shape_cast %slice3A_199 : vector<16x128xf32> to vector<16x1x128xf32>
    %add3A_201 = vector.broadcast %broadcast_in_dim3A_200 : vector<16x1x128xf32> to vector<16x64x128xf32>
    %add3A_202 = arith.addf %dot_general3A_198, %add3A_201 : vector<16x64x128xf32>
    %max3A = arith.constant 0.000000e+00 : f32
    %max3A_203 = vector.broadcast %max3A : f32 to vector<16x64x128xf32>
    %max3A_204 = arith.maximumf %add3A_202, %max3A_203 : vector<16x64x128xf32>
    %mul3A_205 = arith.constant 0.999994993 : f32
    %mul3A_206 = vector.broadcast %mul3A_205 : f32 to vector<1x128xf32>
    %mul3A_207 = arith.mulf %mul3A_206, %get3A_186 : vector<1x128xf32>
    %broadcast_in_dim3A_208 = vector.shape_cast %mul3A_207 : vector<1x128xf32> to vector<1x1x128xf32>
    %mul3A_209 = vector.broadcast %broadcast_in_dim3A_208 : vector<1x1x128xf32> to vector<16x64x128xf32>
    %mul3A_210 = arith.mulf %max3A_204, %mul3A_209 : vector<16x64x128xf32>
    %broadcast_in_dim3A_211 = vector.shape_cast %get3A_189 : vector<1x128xf32> to vector<1x1x128xf32>
    %add3A_212 = vector.broadcast %broadcast_in_dim3A_211 : vector<1x1x128xf32> to vector<16x64x128xf32>
    %add3A_213 = arith.addf %mul3A_210, %add3A_212 : vector<16x64x128xf32>
    %get3A_214 = arith.constant 0 : index
    %get3A_215 = arith.constant 0 : index
    %get3A_216 = vector.load %arg12[%get3A_214, %get3A_215] : memref<128x128xf32, #tpu.memory_space<vmem>>, vector<128x128xf32>
    %get3A_217 = arith.constant 0 : index
    %get3A_218 = arith.constant 0 : index
    %get3A_219 = vector.load %arg13[%get3A_217, %get3A_218] : memref<1x128xf32, #tpu.memory_space<vmem>>, vector<1x128xf32>
    %get3A_220 = arith.constant 0 : index
    %get3A_221 = arith.constant 0 : index
    %get3A_222 = vector.load %arg14[%get3A_220, %get3A_221] : memref<1x128xf32, #tpu.memory_space<vmem>>, vector<1x128xf32>
    %get3A_223 = arith.constant 0 : index
    %get3A_224 = arith.constant 0 : index
    %get3A_225 = vector.load %arg15[%get3A_223, %get3A_224] : memref<1x128xf32, #tpu.memory_space<vmem>>, vector<1x128xf32>
    %dot_general3A_226 = arith.constant dense<0.000000e+00> : vector<16x64x128xf32>
    %dot_general3A_227 = tpu.matmul %add3A_213, %get3A_216, %dot_general3A_226 {dimension_numbers = #tpu.dot_dimension_numbers<[2], [0], [0, 1], [1], [0, 0, 0, 1, 1, 1], [], []>, transpose_lhs_hint = false} : vector<16x64x128xf32>, vector<128x128xf32>, vector<16x64x128xf32> -> vector<16x64x128xf32>
    %broadcast_in_dim3A_228 = vector.shape_cast %get3A_219 : vector<1x128xf32> to vector<1x1x128xf32>
    %add3A_229 = vector.broadcast %broadcast_in_dim3A_228 : vector<1x1x128xf32> to vector<16x64x128xf32>
    %add3A_230 = arith.addf %dot_general3A_227, %add3A_229 : vector<16x64x128xf32>
    %max3A_231 = arith.constant 0.000000e+00 : f32
    %max3A_232 = vector.broadcast %max3A_231 : f32 to vector<16x64x128xf32>
    %max3A_233 = arith.maximumf %add3A_230, %max3A_232 : vector<16x64x128xf32>
    %mul3A_234 = arith.constant 0.999994993 : f32
    %mul3A_235 = vector.broadcast %mul3A_234 : f32 to vector<1x128xf32>
    %mul3A_236 = arith.mulf %mul3A_235, %get3A_222 : vector<1x128xf32>
    %broadcast_in_dim3A_237 = vector.shape_cast %mul3A_236 : vector<1x128xf32> to vector<1x1x128xf32>
    %mul3A_238 = vector.broadcast %broadcast_in_dim3A_237 : vector<1x1x128xf32> to vector<16x64x128xf32>
    %mul3A_239 = arith.mulf %max3A_233, %mul3A_238 : vector<16x64x128xf32>
    %broadcast_in_dim3A_240 = vector.shape_cast %get3A_225 : vector<1x128xf32> to vector<1x1x128xf32>
    %add3A_241 = vector.broadcast %broadcast_in_dim3A_240 : vector<1x1x128xf32> to vector<16x64x128xf32>
    %add3A_242 = arith.addf %mul3A_239, %add3A_241 : vector<16x64x128xf32>
    %get3A_243 = arith.constant 0 : index
    %get3A_244 = arith.constant 0 : index
    %get3A_245 = vector.load %arg16[%get3A_243, %get3A_244] : memref<128x256xf32, #tpu.memory_space<vmem>>, vector<128x256xf32>
    %get3A_246 = arith.constant 0 : index
    %get3A_247 = arith.constant 0 : index
    %get3A_248 = vector.load %arg17[%get3A_246, %get3A_247] : memref<1x256xf32, #tpu.memory_space<vmem>>, vector<1x256xf32>
    %get3A_249 = arith.constant 0 : index
    %get3A_250 = arith.constant 0 : index
    %get3A_251 = vector.load %arg18[%get3A_249, %get3A_250] : memref<1x256xf32, #tpu.memory_space<vmem>>, vector<1x256xf32>
    %get3A_252 = arith.constant 0 : index
    %get3A_253 = arith.constant 0 : index
    %get3A_254 = vector.load %arg19[%get3A_252, %get3A_253] : memref<1x256xf32, #tpu.memory_space<vmem>>, vector<1x256xf32>
    %dot_general3A_255 = arith.constant dense<0.000000e+00> : vector<16x64x256xf32>
    %dot_general3A_256 = tpu.matmul %add3A_242, %get3A_245, %dot_general3A_255 {dimension_numbers = #tpu.dot_dimension_numbers<[2], [0], [0, 1], [1], [0, 0, 0, 1, 1, 1], [], []>, transpose_lhs_hint = false} : vector<16x64x128xf32>, vector<128x256xf32>, vector<16x64x256xf32> -> vector<16x64x256xf32>
    %broadcast_in_dim3A_257 = vector.shape_cast %get3A_248 : vector<1x256xf32> to vector<1x1x256xf32>
    %add3A_258 = vector.broadcast %broadcast_in_dim3A_257 : vector<1x1x256xf32> to vector<16x64x256xf32>
    %add3A_259 = arith.addf %dot_general3A_256, %add3A_258 : vector<16x64x256xf32>
    %max3A_260 = arith.constant 0.000000e+00 : f32
    %max3A_261 = vector.broadcast %max3A_260 : f32 to vector<16x64x256xf32>
    %max3A_262 = arith.maximumf %add3A_259, %max3A_261 : vector<16x64x256xf32>
    %mul3A_263 = arith.constant 0.999994993 : f32
    %mul3A_264 = vector.broadcast %mul3A_263 : f32 to vector<1x256xf32>
    %mul3A_265 = arith.mulf %mul3A_264, %get3A_251 : vector<1x256xf32>
    %broadcast_in_dim3A_266 = vector.shape_cast %mul3A_265 : vector<1x256xf32> to vector<1x1x256xf32>
    %mul3A_267 = vector.broadcast %broadcast_in_dim3A_266 : vector<1x1x256xf32> to vector<16x64x256xf32>
    %mul3A_268 = arith.mulf %max3A_262, %mul3A_267 : vector<16x64x256xf32>
    %broadcast_in_dim3A_269 = vector.shape_cast %get3A_254 : vector<1x256xf32> to vector<1x1x256xf32>
    %add3A_270 = vector.broadcast %broadcast_in_dim3A_269 : vector<1x1x256xf32> to vector<16x64x256xf32>
    %add3A_271 = arith.addf %mul3A_268, %add3A_270 : vector<16x64x256xf32>
    %slice3A_272 = vector.extract_strided_slice %broadcast_in_dim3A_132 {offsets = [0, 0], sizes = [16, 1], strides = [1, 1]} : vector<112x1xi32> to vector<16x1xi32>
    %broadcast_in_dim3A_273 = vector.shape_cast %slice3A_272 : vector<16x1xi32> to vector<16x1x1xi32>
    %lt3A_274 = vector.broadcast %iota3A : vector<1x64x1xi32> to vector<16x64x1xi32>
    %lt3A_275 = vector.broadcast %broadcast_in_dim3A_273 : vector<16x1x1xi32> to vector<16x64x1xi32>
    %lt3A_276 = arith.cmpi slt, %lt3A_274, %lt3A_275 : vector<16x64x1xi32>
    %jit3A_277 = arith.constant -1.000000e+30 : f32
    %broadcast_in_dim3A_278 = vector.shape_cast %lt3A_276 : vector<16x64x1xi1> to vector<16x64x1xi1>
    %broadcast_in_dim3A_279 = vector.broadcast %broadcast_in_dim3A_278 : vector<16x64x1xi1> to vector<16x64x256xi1>
    %broadcast_in_dim3A_280 = vector.broadcast %jit3A_277 : f32 to vector<16x64x256xf32>
    %select_n3A_281 = arith.select %broadcast_in_dim3A_279, %add3A_271, %broadcast_in_dim3A_280 : vector<16x64x256xi1>, vector<16x64x256xf32>
    %reduce_max3A = arith.constant dense<0xFF800000> : vector<16x256xf32>
    %reduce_max3A_282 = vector.multi_reduction <maximumf>, %select_n3A_281, %reduce_max3A [1] : vector<16x64x256xf32> to vector<16x256xf32>
    %gt3A = arith.constant 0 : i32
    %gt3A_283 = vector.broadcast %gt3A : i32 to vector<16x1xi32>
    %gt3A_284 = arith.cmpi sgt, %slice3A_272, %gt3A_283 : vector<16x1xi32>
    %jit3A_285 = arith.constant 0.000000e+00 : f32
    %broadcast_in_dim3A_286 = vector.shape_cast %gt3A_284 : vector<16x1xi1> to vector<16x1xi1>
    %broadcast_in_dim3A_287 = vector.broadcast %broadcast_in_dim3A_286 : vector<16x1xi1> to vector<16x256xi1>
    %broadcast_in_dim3A_288 = vector.broadcast %jit3A_285 : f32 to vector<16x256xf32>
    %select_n3A_289 = arith.select %broadcast_in_dim3A_287, %reduce_max3A_282, %broadcast_in_dim3A_288 : vector<16x256xi1>, vector<16x256xf32>
    %swap3A = arith.constant 0 : index
    %swap3A_290 = arith.constant 0 : index
    %swap3A_291 = arith.constant 0 : index
    %swap3A_292 = vector.load %arg20[%swap3A, %swap3A_290, %swap3A_291] : memref<1x112x256xf32, #tpu.memory_space<vmem>>, vector<1x16x256xf32>
    %swap3A_293 = vector.shape_cast %swap3A_292 : vector<1x16x256xf32> to vector<16x256xf32>
    %swap3A_294 = vector.shape_cast %select_n3A_289 : vector<16x256xf32> to vector<1x16x256xf32>
    tpu.vector_store %arg20[%swap3A, %swap3A_290, %swap3A_291], %swap3A_294 {strides = array<i32>} : memref<1x112x256xf32, #tpu.memory_space<vmem>>, vector<1x16x256xf32>,
    %slice3A_295 = vector.extract_strided_slice %select_n3A_137 {offsets = [16, 0], sizes = [16, 410], strides = [1, 1]} : vector<112x410xi32> to vector<16x410xi32>
    %broadcast_in_dim3A_296 = vector.shape_cast %slice3A_295 : vector<16x410xi32> to vector<16x1x410xi32>
    %eq3A_297 = vector.broadcast %broadcast_in_dim3A_296 : vector<16x1x410xi32> to vector<16x64x410xi32>
    %eq3A_298 = vector.broadcast %iota3A : vector<1x64x1xi32> to vector<16x64x410xi32>
    %eq3A_299 = arith.cmpi eq, %eq3A_297, %eq3A_298 : vector<16x64x410xi32>
    %convert_element_type3A_300 = arith.extui %eq3A_299 : vector<16x64x410xi1> to vector<16x64x410xi32>
    %convert_element_type3A_301 = arith.sitofp %convert_element_type3A_300 : vector<16x64x410xi32> to vector<16x64x410xf32>
    %dot_general3A_302 = arith.constant dense<0.000000e+00> : vector<16x64x128xf32>
    %dot_general3A_303 = tpu.matmul %convert_element_type3A_301, %add3A_161, %dot_general3A_302 {dimension_numbers = #tpu.dot_dimension_numbers<[2], [0], [0, 1], [1], [0, 0, 0, 1, 1, 1], [], []>, transpose_lhs_hint = false} : vector<16x64x410xf32>, vector<410x128xf32>, vector<16x64x128xf32> -> vector<16x64x128xf32>
    %slice3A_304 = vector.extract_strided_slice %sub3A_183 {offsets = [16, 0], sizes = [16, 128], strides = [1, 1]} : vector<112x128xf32> to vector<16x128xf32>
    %broadcast_in_dim3A_305 = vector.shape_cast %slice3A_304 : vector<16x128xf32> to vector<16x1x128xf32>
    %add3A_306 = vector.broadcast %broadcast_in_dim3A_305 : vector<16x1x128xf32> to vector<16x64x128xf32>
    %add3A_307 = arith.addf %dot_general3A_303, %add3A_306 : vector<16x64x128xf32>
    %max3A_308 = arith.constant 0.000000e+00 : f32
    %max3A_309 = vector.broadcast %max3A_308 : f32 to vector<16x64x128xf32>
    %max3A_310 = arith.maximumf %add3A_307, %max3A_309 : vector<16x64x128xf32>
    %mul3A_311 = arith.constant 0.999994993 : f32
    %mul3A_312 = vector.broadcast %mul3A_311 : f32 to vector<1x128xf32>
    %mul3A_313 = arith.mulf %mul3A_312, %get3A_186 : vector<1x128xf32>
    %broadcast_in_dim3A_314 = vector.shape_cast %mul3A_313 : vector<1x128xf32> to vector<1x1x128xf32>
    %mul3A_315 = vector.broadcast %broadcast_in_dim3A_314 : vector<1x1x128xf32> to vector<16x64x128xf32>
    %mul3A_316 = arith.mulf %max3A_310, %mul3A_315 : vector<16x64x128xf32>
    %broadcast_in_dim3A_317 = vector.shape_cast %get3A_189 : vector<1x128xf32> to vector<1x1x128xf32>
    %add3A_318 = vector.broadcast %broadcast_in_dim3A_317 : vector<1x1x128xf32> to vector<16x64x128xf32>
    %add3A_319 = arith.addf %mul3A_316, %add3A_318 : vector<16x64x128xf32>
    %get3A_320 = arith.constant 0 : index
    %get3A_321 = arith.constant 0 : index
    %get3A_322 = vector.load %arg12[%get3A_320, %get3A_321] : memref<128x128xf32, #tpu.memory_space<vmem>>, vector<128x128xf32>
    %get3A_323 = arith.constant 0 : index
    %get3A_324 = arith.constant 0 : index
    %get3A_325 = vector.load %arg13[%get3A_323, %get3A_324] : memref<1x128xf32, #tpu.memory_space<vmem>>, vector<1x128xf32>
    %get3A_326 = arith.constant 0 : index
    %get3A_327 = arith.constant 0 : index
    %get3A_328 = vector.load %arg14[%get3A_326, %get3A_327] : memref<1x128xf32, #tpu.memory_space<vmem>>, vector<1x128xf32>
    %get3A_329 = arith.constant 0 : index
    %get3A_330 = arith.constant 0 : index
    %get3A_331 = vector.load %arg15[%get3A_329, %get3A_330] : memref<1x128xf32, #tpu.memory_space<vmem>>, vector<1x128xf32>
    %dot_general3A_332 = arith.constant dense<0.000000e+00> : vector<16x64x128xf32>
    %dot_general3A_333 = tpu.matmul %add3A_319, %get3A_322, %dot_general3A_332 {dimension_numbers = #tpu.dot_dimension_numbers<[2], [0], [0, 1], [1], [0, 0, 0, 1, 1, 1], [], []>, transpose_lhs_hint = false} : vector<16x64x128xf32>, vector<128x128xf32>, vector<16x64x128xf32> -> vector<16x64x128xf32>
    %broadcast_in_dim3A_334 = vector.shape_cast %get3A_325 : vector<1x128xf32> to vector<1x1x128xf32>
    %add3A_335 = vector.broadcast %broadcast_in_dim3A_334 : vector<1x1x128xf32> to vector<16x64x128xf32>
    %add3A_336 = arith.addf %dot_general3A_333, %add3A_335 : vector<16x64x128xf32>
    %max3A_337 = arith.constant 0.000000e+00 : f32
    %max3A_338 = vector.broadcast %max3A_337 : f32 to vector<16x64x128xf32>
    %max3A_339 = arith.maximumf %add3A_336, %max3A_338 : vector<16x64x128xf32>
    %mul3A_340 = arith.constant 0.999994993 : f32
    %mul3A_341 = vector.broadcast %mul3A_340 : f32 to vector<1x128xf32>
    %mul3A_342 = arith.mulf %mul3A_341, %get3A_328 : vector<1x128xf32>
    %broadcast_in_dim3A_343 = vector.shape_cast %mul3A_342 : vector<1x128xf32> to vector<1x1x128xf32>
    %mul3A_344 = vector.broadcast %broadcast_in_dim3A_343 : vector<1x1x128xf32> to vector<16x64x128xf32>
    %mul3A_345 = arith.mulf %max3A_339, %mul3A_344 : vector<16x64x128xf32>
    %broadcast_in_dim3A_346 = vector.shape_cast %get3A_331 : vector<1x128xf32> to vector<1x1x128xf32>
    %add3A_347 = vector.broadcast %broadcast_in_dim3A_346 : vector<1x1x128xf32> to vector<16x64x128xf32>
    %add3A_348 = arith.addf %mul3A_345, %add3A_347 : vector<16x64x128xf32>
    %get3A_349 = arith.constant 0 : index
    %get3A_350 = arith.constant 0 : index
    %get3A_351 = vector.load %arg16[%get3A_349, %get3A_350] : memref<128x256xf32, #tpu.memory_space<vmem>>, vector<128x256xf32>
    %get3A_352 = arith.constant 0 : index
    %get3A_353 = arith.constant 0 : index
    %get3A_354 = vector.load %arg17[%get3A_352, %get3A_353] : memref<1x256xf32, #tpu.memory_space<vmem>>, vector<1x256xf32>
    %get3A_355 = arith.constant 0 : index
    %get3A_356 = arith.constant 0 : index
    %get3A_357 = vector.load %arg18[%get3A_355, %get3A_356] : memref<1x256xf32, #tpu.memory_space<vmem>>, vector<1x256xf32>
    %get3A_358 = arith.constant 0 : index
    %get3A_359 = arith.constant 0 : index
    %get3A_360 = vector.load %arg19[%get3A_358, %get3A_359] : memref<1x256xf32, #tpu.memory_space<vmem>>, vector<1x256xf32>
    %dot_general3A_361 = arith.constant dense<0.000000e+00> : vector<16x64x256xf32>
    %dot_general3A_362 = tpu.matmul %add3A_348, %get3A_351, %dot_general3A_361 {dimension_numbers = #tpu.dot_dimension_numbers<[2], [0], [0, 1], [1], [0, 0, 0, 1, 1, 1], [], []>, transpose_lhs_hint = false} : vector<16x64x128xf32>, vector<128x256xf32>, vector<16x64x256xf32> -> vector<16x64x256xf32>
    %broadcast_in_dim3A_363 = vector.shape_cast %get3A_354 : vector<1x256xf32> to vector<1x1x256xf32>
    %add3A_364 = vector.broadcast %broadcast_in_dim3A_363 : vector<1x1x256xf32> to vector<16x64x256xf32>
    %add3A_365 = arith.addf %dot_general3A_362, %add3A_364 : vector<16x64x256xf32>
    %max3A_366 = arith.constant 0.000000e+00 : f32
    %max3A_367 = vector.broadcast %max3A_366 : f32 to vector<16x64x256xf32>
    %max3A_368 = arith.maximumf %add3A_365, %max3A_367 : vector<16x64x256xf32>
    %mul3A_369 = arith.constant 0.999994993 : f32
    %mul3A_370 = vector.broadcast %mul3A_369 : f32 to vector<1x256xf32>
    %mul3A_371 = arith.mulf %mul3A_370, %get3A_357 : vector<1x256xf32>
    %broadcast_in_dim3A_372 = vector.shape_cast %mul3A_371 : vector<1x256xf32> to vector<1x1x256xf32>
    %mul3A_373 = vector.broadcast %broadcast_in_dim3A_372 : vector<1x1x256xf32> to vector<16x64x256xf32>
    %mul3A_374 = arith.mulf %max3A_368, %mul3A_373 : vector<16x64x256xf32>
    %broadcast_in_dim3A_375 = vector.shape_cast %get3A_360 : vector<1x256xf32> to vector<1x1x256xf32>
    %add3A_376 = vector.broadcast %broadcast_in_dim3A_375 : vector<1x1x256xf32> to vector<16x64x256xf32>
    %add3A_377 = arith.addf %mul3A_374, %add3A_376 : vector<16x64x256xf32>
    %slice3A_378 = vector.extract_strided_slice %broadcast_in_dim3A_132 {offsets = [16, 0], sizes = [16, 1], strides = [1, 1]} : vector<112x1xi32> to vector<16x1xi32>
    %broadcast_in_dim3A_379 = vector.shape_cast %slice3A_378 : vector<16x1xi32> to vector<16x1x1xi32>
    %lt3A_380 = vector.broadcast %iota3A : vector<1x64x1xi32> to vector<16x64x1xi32>
    %lt3A_381 = vector.broadcast %broadcast_in_dim3A_379 : vector<16x1x1xi32> to vector<16x64x1xi32>
    %lt3A_382 = arith.cmpi slt, %lt3A_380, %lt3A_381 : vector<16x64x1xi32>
    %jit3A_383 = arith.constant -1.000000e+30 : f32
    %broadcast_in_dim3A_384 = vector.shape_cast %lt3A_382 : vector<16x64x1xi1> to vector<16x64x1xi1>
    %broadcast_in_dim3A_385 = vector.broadcast %broadcast_in_dim3A_384 : vector<16x64x1xi1> to vector<16x64x256xi1>
    %broadcast_in_dim3A_386 = vector.broadcast %jit3A_383 : f32 to vector<16x64x256xf32>
    %select_n3A_387 = arith.select %broadcast_in_dim3A_385, %add3A_377, %broadcast_in_dim3A_386 : vector<16x64x256xi1>, vector<16x64x256xf32>
    %reduce_max3A_388 = arith.constant dense<0xFF800000> : vector<16x256xf32>
    %reduce_max3A_389 = vector.multi_reduction <maximumf>, %select_n3A_387, %reduce_max3A_388 [1] : vector<16x64x256xf32> to vector<16x256xf32>
    %gt3A_390 = arith.constant 0 : i32
    %gt3A_391 = vector.broadcast %gt3A_390 : i32 to vector<16x1xi32>
    %gt3A_392 = arith.cmpi sgt, %slice3A_378, %gt3A_391 : vector<16x1xi32>
    %jit3A_393 = arith.constant 0.000000e+00 : f32
    %broadcast_in_dim3A_394 = vector.shape_cast %gt3A_392 : vector<16x1xi1> to vector<16x1xi1>
    %broadcast_in_dim3A_395 = vector.broadcast %broadcast_in_dim3A_394 : vector<16x1xi1> to vector<16x256xi1>
    %broadcast_in_dim3A_396 = vector.broadcast %jit3A_393 : f32 to vector<16x256xf32>
    %select_n3A_397 = arith.select %broadcast_in_dim3A_395, %reduce_max3A_389, %broadcast_in_dim3A_396 : vector<16x256xi1>, vector<16x256xf32>
    %swap3A_398 = arith.constant 0 : index
    %swap3A_399 = arith.constant 16 : index
    %swap3A_400 = arith.constant 0 : index
    %swap3A_401 = vector.load %arg20[%swap3A_398, %swap3A_399, %swap3A_400] : memref<1x112x256xf32, #tpu.memory_space<vmem>>, vector<1x16x256xf32>
    %swap3A_402 = vector.shape_cast %swap3A_401 : vector<1x16x256xf32> to vector<16x256xf32>
    %swap3A_403 = vector.shape_cast %select_n3A_397 : vector<16x256xf32> to vector<1x16x256xf32>
    tpu.vector_store %arg20[%swap3A_398, %swap3A_399, %swap3A_400], %swap3A_403 {strides = array<i32>} : memref<1x112x256xf32, #tpu.memory_space<vmem>>, vector<1x16x256xf32>,
    %slice3A_404 = vector.extract_strided_slice %select_n3A_137 {offsets = [32, 0], sizes = [16, 410], strides = [1, 1]} : vector<112x410xi32> to vector<16x410xi32>
    %broadcast_in_dim3A_405 = vector.shape_cast %slice3A_404 : vector<16x410xi32> to vector<16x1x410xi32>
    %eq3A_406 = vector.broadcast %broadcast_in_dim3A_405 : vector<16x1x410xi32> to vector<16x64x410xi32>
    %eq3A_407 = vector.broadcast %iota3A : vector<1x64x1xi32> to vector<16x64x410xi32>
    %eq3A_408 = arith.cmpi eq, %eq3A_406, %eq3A_407 : vector<16x64x410xi32>
    %convert_element_type3A_409 = arith.extui %eq3A_408 : vector<16x64x410xi1> to vector<16x64x410xi32>
    %convert_element_type3A_410 = arith.sitofp %convert_element_type3A_409 : vector<16x64x410xi32> to vector<16x64x410xf32>
    %dot_general3A_411 = arith.constant dense<0.000000e+00> : vector<16x64x128xf32>
    %dot_general3A_412 = tpu.matmul %convert_element_type3A_410, %add3A_161, %dot_general3A_411 {dimension_numbers = #tpu.dot_dimension_numbers<[2], [0], [0, 1], [1], [0, 0, 0, 1, 1, 1], [], []>, transpose_lhs_hint = false} : vector<16x64x410xf32>, vector<410x128xf32>, vector<16x64x128xf32> -> vector<16x64x128xf32>
    %slice3A_413 = vector.extract_strided_slice %sub3A_183 {offsets = [32, 0], sizes = [16, 128], strides = [1, 1]} : vector<112x128xf32> to vector<16x128xf32>
    %broadcast_in_dim3A_414 = vector.shape_cast %slice3A_413 : vector<16x128xf32> to vector<16x1x128xf32>
    %add3A_415 = vector.broadcast %broadcast_in_dim3A_414 : vector<16x1x128xf32> to vector<16x64x128xf32>
    %add3A_416 = arith.addf %dot_general3A_412, %add3A_415 : vector<16x64x128xf32>
    %max3A_417 = arith.constant 0.000000e+00 : f32
    %max3A_418 = vector.broadcast %max3A_417 : f32 to vector<16x64x128xf32>
    %max3A_419 = arith.maximumf %add3A_416, %max3A_418 : vector<16x64x128xf32>
    %mul3A_420 = arith.constant 0.999994993 : f32
    %mul3A_421 = vector.broadcast %mul3A_420 : f32 to vector<1x128xf32>
    %mul3A_422 = arith.mulf %mul3A_421, %get3A_186 : vector<1x128xf32>
    %broadcast_in_dim3A_423 = vector.shape_cast %mul3A_422 : vector<1x128xf32> to vector<1x1x128xf32>
    %mul3A_424 = vector.broadcast %broadcast_in_dim3A_423 : vector<1x1x128xf32> to vector<16x64x128xf32>
    %mul3A_425 = arith.mulf %max3A_419, %mul3A_424 : vector<16x64x128xf32>
    %broadcast_in_dim3A_426 = vector.shape_cast %get3A_189 : vector<1x128xf32> to vector<1x1x128xf32>
    %add3A_427 = vector.broadcast %broadcast_in_dim3A_426 : vector<1x1x128xf32> to vector<16x64x128xf32>
    %add3A_428 = arith.addf %mul3A_425, %add3A_427 : vector<16x64x128xf32>
    %get3A_429 = arith.constant 0 : index
    %get3A_430 = arith.constant 0 : index
    %get3A_431 = vector.load %arg12[%get3A_429, %get3A_430] : memref<128x128xf32, #tpu.memory_space<vmem>>, vector<128x128xf32>
    %get3A_432 = arith.constant 0 : index
    %get3A_433 = arith.constant 0 : index
    %get3A_434 = vector.load %arg13[%get3A_432, %get3A_433] : memref<1x128xf32, #tpu.memory_space<vmem>>, vector<1x128xf32>
    %get3A_435 = arith.constant 0 : index
    %get3A_436 = arith.constant 0 : index
    %get3A_437 = vector.load %arg14[%get3A_435, %get3A_436] : memref<1x128xf32, #tpu.memory_space<vmem>>, vector<1x128xf32>
    %get3A_438 = arith.constant 0 : index
    %get3A_439 = arith.constant 0 : index
    %get3A_440 = vector.load %arg15[%get3A_438, %get3A_439] : memref<1x128xf32, #tpu.memory_space<vmem>>, vector<1x128xf32>
    %dot_general3A_441 = arith.constant dense<0.000000e+00> : vector<16x64x128xf32>
    %dot_general3A_442 = tpu.matmul %add3A_428, %get3A_431, %dot_general3A_441 {dimension_numbers = #tpu.dot_dimension_numbers<[2], [0], [0, 1], [1], [0, 0, 0, 1, 1, 1], [], []>, transpose_lhs_hint = false} : vector<16x64x128xf32>, vector<128x128xf32>, vector<16x64x128xf32> -> vector<16x64x128xf32>
    %broadcast_in_dim3A_443 = vector.shape_cast %get3A_434 : vector<1x128xf32> to vector<1x1x128xf32>
    %add3A_444 = vector.broadcast %broadcast_in_dim3A_443 : vector<1x1x128xf32> to vector<16x64x128xf32>
    %add3A_445 = arith.addf %dot_general3A_442, %add3A_444 : vector<16x64x128xf32>
    %max3A_446 = arith.constant 0.000000e+00 : f32
    %max3A_447 = vector.broadcast %max3A_446 : f32 to vector<16x64x128xf32>
    %max3A_448 = arith.maximumf %add3A_445, %max3A_447 : vector<16x64x128xf32>
    %mul3A_449 = arith.constant 0.999994993 : f32
    %mul3A_450 = vector.broadcast %mul3A_449 : f32 to vector<1x128xf32>
    %mul3A_451 = arith.mulf %mul3A_450, %get3A_437 : vector<1x128xf32>
    %broadcast_in_dim3A_452 = vector.shape_cast %mul3A_451 : vector<1x128xf32> to vector<1x1x128xf32>
    %mul3A_453 = vector.broadcast %broadcast_in_dim3A_452 : vector<1x1x128xf32> to vector<16x64x128xf32>
    %mul3A_454 = arith.mulf %max3A_448, %mul3A_453 : vector<16x64x128xf32>
    %broadcast_in_dim3A_455 = vector.shape_cast %get3A_440 : vector<1x128xf32> to vector<1x1x128xf32>
    %add3A_456 = vector.broadcast %broadcast_in_dim3A_455 : vector<1x1x128xf32> to vector<16x64x128xf32>
    %add3A_457 = arith.addf %mul3A_454, %add3A_456 : vector<16x64x128xf32>
    %get3A_458 = arith.constant 0 : index
    %get3A_459 = arith.constant 0 : index
    %get3A_460 = vector.load %arg16[%get3A_458, %get3A_459] : memref<128x256xf32, #tpu.memory_space<vmem>>, vector<128x256xf32>
    %get3A_461 = arith.constant 0 : index
    %get3A_462 = arith.constant 0 : index
    %get3A_463 = vector.load %arg17[%get3A_461, %get3A_462] : memref<1x256xf32, #tpu.memory_space<vmem>>, vector<1x256xf32>
    %get3A_464 = arith.constant 0 : index
    %get3A_465 = arith.constant 0 : index
    %get3A_466 = vector.load %arg18[%get3A_464, %get3A_465] : memref<1x256xf32, #tpu.memory_space<vmem>>, vector<1x256xf32>
    %get3A_467 = arith.constant 0 : index
    %get3A_468 = arith.constant 0 : index
    %get3A_469 = vector.load %arg19[%get3A_467, %get3A_468] : memref<1x256xf32, #tpu.memory_space<vmem>>, vector<1x256xf32>
    %dot_general3A_470 = arith.constant dense<0.000000e+00> : vector<16x64x256xf32>
    %dot_general3A_471 = tpu.matmul %add3A_457, %get3A_460, %dot_general3A_470 {dimension_numbers = #tpu.dot_dimension_numbers<[2], [0], [0, 1], [1], [0, 0, 0, 1, 1, 1], [], []>, transpose_lhs_hint = false} : vector<16x64x128xf32>, vector<128x256xf32>, vector<16x64x256xf32> -> vector<16x64x256xf32>
    %broadcast_in_dim3A_472 = vector.shape_cast %get3A_463 : vector<1x256xf32> to vector<1x1x256xf32>
    %add3A_473 = vector.broadcast %broadcast_in_dim3A_472 : vector<1x1x256xf32> to vector<16x64x256xf32>
    %add3A_474 = arith.addf %dot_general3A_471, %add3A_473 : vector<16x64x256xf32>
    %max3A_475 = arith.constant 0.000000e+00 : f32
    %max3A_476 = vector.broadcast %max3A_475 : f32 to vector<16x64x256xf32>
    %max3A_477 = arith.maximumf %add3A_474, %max3A_476 : vector<16x64x256xf32>
    %mul3A_478 = arith.constant 0.999994993 : f32
    %mul3A_479 = vector.broadcast %mul3A_478 : f32 to vector<1x256xf32>
    %mul3A_480 = arith.mulf %mul3A_479, %get3A_466 : vector<1x256xf32>
    %broadcast_in_dim3A_481 = vector.shape_cast %mul3A_480 : vector<1x256xf32> to vector<1x1x256xf32>
    %mul3A_482 = vector.broadcast %broadcast_in_dim3A_481 : vector<1x1x256xf32> to vector<16x64x256xf32>
    %mul3A_483 = arith.mulf %max3A_477, %mul3A_482 : vector<16x64x256xf32>
    %broadcast_in_dim3A_484 = vector.shape_cast %get3A_469 : vector<1x256xf32> to vector<1x1x256xf32>
    %add3A_485 = vector.broadcast %broadcast_in_dim3A_484 : vector<1x1x256xf32> to vector<16x64x256xf32>
    %add3A_486 = arith.addf %mul3A_483, %add3A_485 : vector<16x64x256xf32>
    %slice3A_487 = vector.extract_strided_slice %broadcast_in_dim3A_132 {offsets = [32, 0], sizes = [16, 1], strides = [1, 1]} : vector<112x1xi32> to vector<16x1xi32>
    %broadcast_in_dim3A_488 = vector.shape_cast %slice3A_487 : vector<16x1xi32> to vector<16x1x1xi32>
    %lt3A_489 = vector.broadcast %iota3A : vector<1x64x1xi32> to vector<16x64x1xi32>
    %lt3A_490 = vector.broadcast %broadcast_in_dim3A_488 : vector<16x1x1xi32> to vector<16x64x1xi32>
    %lt3A_491 = arith.cmpi slt, %lt3A_489, %lt3A_490 : vector<16x64x1xi32>
    %jit3A_492 = arith.constant -1.000000e+30 : f32
    %broadcast_in_dim3A_493 = vector.shape_cast %lt3A_491 : vector<16x64x1xi1> to vector<16x64x1xi1>
    %broadcast_in_dim3A_494 = vector.broadcast %broadcast_in_dim3A_493 : vector<16x64x1xi1> to vector<16x64x256xi1>
    %broadcast_in_dim3A_495 = vector.broadcast %jit3A_492 : f32 to vector<16x64x256xf32>
    %select_n3A_496 = arith.select %broadcast_in_dim3A_494, %add3A_486, %broadcast_in_dim3A_495 : vector<16x64x256xi1>, vector<16x64x256xf32>
    %reduce_max3A_497 = arith.constant dense<0xFF800000> : vector<16x256xf32>
    %reduce_max3A_498 = vector.multi_reduction <maximumf>, %select_n3A_496, %reduce_max3A_497 [1] : vector<16x64x256xf32> to vector<16x256xf32>
    %gt3A_499 = arith.constant 0 : i32
    %gt3A_500 = vector.broadcast %gt3A_499 : i32 to vector<16x1xi32>
    %gt3A_501 = arith.cmpi sgt, %slice3A_487, %gt3A_500 : vector<16x1xi32>
    %jit3A_502 = arith.constant 0.000000e+00 : f32
    %broadcast_in_dim3A_503 = vector.shape_cast %gt3A_501 : vector<16x1xi1> to vector<16x1xi1>
    %broadcast_in_dim3A_504 = vector.broadcast %broadcast_in_dim3A_503 : vector<16x1xi1> to vector<16x256xi1>
    %broadcast_in_dim3A_505 = vector.broadcast %jit3A_502 : f32 to vector<16x256xf32>
    %select_n3A_506 = arith.select %broadcast_in_dim3A_504, %reduce_max3A_498, %broadcast_in_dim3A_505 : vector<16x256xi1>, vector<16x256xf32>
    %swap3A_507 = arith.constant 0 : index
    %swap3A_508 = arith.constant 32 : index
    %swap3A_509 = arith.constant 0 : index
    %swap3A_510 = vector.load %arg20[%swap3A_507, %swap3A_508, %swap3A_509] : memref<1x112x256xf32, #tpu.memory_space<vmem>>, vector<1x16x256xf32>
    %swap3A_511 = vector.shape_cast %swap3A_510 : vector<1x16x256xf32> to vector<16x256xf32>
    %swap3A_512 = vector.shape_cast %select_n3A_506 : vector<16x256xf32> to vector<1x16x256xf32>
    tpu.vector_store %arg20[%swap3A_507, %swap3A_508, %swap3A_509], %swap3A_512 {strides = array<i32>} : memref<1x112x256xf32, #tpu.memory_space<vmem>>, vector<1x16x256xf32>,
    %slice3A_513 = vector.extract_strided_slice %select_n3A_137 {offsets = [48, 0], sizes = [16, 410], strides = [1, 1]} : vector<112x410xi32> to vector<16x410xi32>
    %broadcast_in_dim3A_514 = vector.shape_cast %slice3A_513 : vector<16x410xi32> to vector<16x1x410xi32>
    %eq3A_515 = vector.broadcast %broadcast_in_dim3A_514 : vector<16x1x410xi32> to vector<16x64x410xi32>
    %eq3A_516 = vector.broadcast %iota3A : vector<1x64x1xi32> to vector<16x64x410xi32>
    %eq3A_517 = arith.cmpi eq, %eq3A_515, %eq3A_516 : vector<16x64x410xi32>
    %convert_element_type3A_518 = arith.extui %eq3A_517 : vector<16x64x410xi1> to vector<16x64x410xi32>
    %convert_element_type3A_519 = arith.sitofp %convert_element_type3A_518 : vector<16x64x410xi32> to vector<16x64x410xf32>
    %dot_general3A_520 = arith.constant dense<0.000000e+00> : vector<16x64x128xf32>
    %dot_general3A_521 = tpu.matmul %convert_element_type3A_519, %add3A_161, %dot_general3A_520 {dimension_numbers = #tpu.dot_dimension_numbers<[2], [0], [0, 1], [1], [0, 0, 0, 1, 1, 1], [], []>, transpose_lhs_hint = false} : vector<16x64x410xf32>, vector<410x128xf32>, vector<16x64x128xf32> -> vector<16x64x128xf32>
    %slice3A_522 = vector.extract_strided_slice %sub3A_183 {offsets = [48, 0], sizes = [16, 128], strides = [1, 1]} : vector<112x128xf32> to vector<16x128xf32>
    %broadcast_in_dim3A_523 = vector.shape_cast %slice3A_522 : vector<16x128xf32> to vector<16x1x128xf32>
    %add3A_524 = vector.broadcast %broadcast_in_dim3A_523 : vector<16x1x128xf32> to vector<16x64x128xf32>
    %add3A_525 = arith.addf %dot_general3A_521, %add3A_524 : vector<16x64x128xf32>
    %max3A_526 = arith.constant 0.000000e+00 : f32
    %max3A_527 = vector.broadcast %max3A_526 : f32 to vector<16x64x128xf32>
    %max3A_528 = arith.maximumf %add3A_525, %max3A_527 : vector<16x64x128xf32>
    %mul3A_529 = arith.constant 0.999994993 : f32
    %mul3A_530 = vector.broadcast %mul3A_529 : f32 to vector<1x128xf32>
    %mul3A_531 = arith.mulf %mul3A_530, %get3A_186 : vector<1x128xf32>
    %broadcast_in_dim3A_532 = vector.shape_cast %mul3A_531 : vector<1x128xf32> to vector<1x1x128xf32>
    %mul3A_533 = vector.broadcast %broadcast_in_dim3A_532 : vector<1x1x128xf32> to vector<16x64x128xf32>
    %mul3A_534 = arith.mulf %max3A_528, %mul3A_533 : vector<16x64x128xf32>
    %broadcast_in_dim3A_535 = vector.shape_cast %get3A_189 : vector<1x128xf32> to vector<1x1x128xf32>
    %add3A_536 = vector.broadcast %broadcast_in_dim3A_535 : vector<1x1x128xf32> to vector<16x64x128xf32>
    %add3A_537 = arith.addf %mul3A_534, %add3A_536 : vector<16x64x128xf32>
    %get3A_538 = arith.constant 0 : index
    %get3A_539 = arith.constant 0 : index
    %get3A_540 = vector.load %arg12[%get3A_538, %get3A_539] : memref<128x128xf32, #tpu.memory_space<vmem>>, vector<128x128xf32>
    %get3A_541 = arith.constant 0 : index
    %get3A_542 = arith.constant 0 : index
    %get3A_543 = vector.load %arg13[%get3A_541, %get3A_542] : memref<1x128xf32, #tpu.memory_space<vmem>>, vector<1x128xf32>
    %get3A_544 = arith.constant 0 : index
    %get3A_545 = arith.constant 0 : index
    %get3A_546 = vector.load %arg14[%get3A_544, %get3A_545] : memref<1x128xf32, #tpu.memory_space<vmem>>, vector<1x128xf32>
    %get3A_547 = arith.constant 0 : index
    %get3A_548 = arith.constant 0 : index
    %get3A_549 = vector.load %arg15[%get3A_547, %get3A_548] : memref<1x128xf32, #tpu.memory_space<vmem>>, vector<1x128xf32>
    %dot_general3A_550 = arith.constant dense<0.000000e+00> : vector<16x64x128xf32>
    %dot_general3A_551 = tpu.matmul %add3A_537, %get3A_540, %dot_general3A_550 {dimension_numbers = #tpu.dot_dimension_numbers<[2], [0], [0, 1], [1], [0, 0, 0, 1, 1, 1], [], []>, transpose_lhs_hint = false} : vector<16x64x128xf32>, vector<128x128xf32>, vector<16x64x128xf32> -> vector<16x64x128xf32>
    %broadcast_in_dim3A_552 = vector.shape_cast %get3A_543 : vector<1x128xf32> to vector<1x1x128xf32>
    %add3A_553 = vector.broadcast %broadcast_in_dim3A_552 : vector<1x1x128xf32> to vector<16x64x128xf32>
    %add3A_554 = arith.addf %dot_general3A_551, %add3A_553 : vector<16x64x128xf32>
    %max3A_555 = arith.constant 0.000000e+00 : f32
    %max3A_556 = vector.broadcast %max3A_555 : f32 to vector<16x64x128xf32>
    %max3A_557 = arith.maximumf %add3A_554, %max3A_556 : vector<16x64x128xf32>
    %mul3A_558 = arith.constant 0.999994993 : f32
    %mul3A_559 = vector.broadcast %mul3A_558 : f32 to vector<1x128xf32>
    %mul3A_560 = arith.mulf %mul3A_559, %get3A_546 : vector<1x128xf32>
    %broadcast_in_dim3A_561 = vector.shape_cast %mul3A_560 : vector<1x128xf32> to vector<1x1x128xf32>
    %mul3A_562 = vector.broadcast %broadcast_in_dim3A_561 : vector<1x1x128xf32> to vector<16x64x128xf32>
    %mul3A_563 = arith.mulf %max3A_557, %mul3A_562 : vector<16x64x128xf32>
    %broadcast_in_dim3A_564 = vector.shape_cast %get3A_549 : vector<1x128xf32> to vector<1x1x128xf32>
    %add3A_565 = vector.broadcast %broadcast_in_dim3A_564 : vector<1x1x128xf32> to vector<16x64x128xf32>
    %add3A_566 = arith.addf %mul3A_563, %add3A_565 : vector<16x64x128xf32>
    %get3A_567 = arith.constant 0 : index
    %get3A_568 = arith.constant 0 : index
    %get3A_569 = vector.load %arg16[%get3A_567, %get3A_568] : memref<128x256xf32, #tpu.memory_space<vmem>>, vector<128x256xf32>
    %get3A_570 = arith.constant 0 : index
    %get3A_571 = arith.constant 0 : index
    %get3A_572 = vector.load %arg17[%get3A_570, %get3A_571] : memref<1x256xf32, #tpu.memory_space<vmem>>, vector<1x256xf32>
    %get3A_573 = arith.constant 0 : index
    %get3A_574 = arith.constant 0 : index
    %get3A_575 = vector.load %arg18[%get3A_573, %get3A_574] : memref<1x256xf32, #tpu.memory_space<vmem>>, vector<1x256xf32>
    %get3A_576 = arith.constant 0 : index
    %get3A_577 = arith.constant 0 : index
    %get3A_578 = vector.load %arg19[%get3A_576, %get3A_577] : memref<1x256xf32, #tpu.memory_space<vmem>>, vector<1x256xf32>
    %dot_general3A_579 = arith.constant dense<0.000000e+00> : vector<16x64x256xf32>
    %dot_general3A_580 = tpu.matmul %add3A_566, %get3A_569, %dot_general3A_579 {dimension_numbers = #tpu.dot_dimension_numbers<[2], [0], [0, 1], [1], [0, 0, 0, 1, 1, 1], [], []>, transpose_lhs_hint = false} : vector<16x64x128xf32>, vector<128x256xf32>, vector<16x64x256xf32> -> vector<16x64x256xf32>
    %broadcast_in_dim3A_581 = vector.shape_cast %get3A_572 : vector<1x256xf32> to vector<1x1x256xf32>
    %add3A_582 = vector.broadcast %broadcast_in_dim3A_581 : vector<1x1x256xf32> to vector<16x64x256xf32>
    %add3A_583 = arith.addf %dot_general3A_580, %add3A_582 : vector<16x64x256xf32>
    %max3A_584 = arith.constant 0.000000e+00 : f32
    %max3A_585 = vector.broadcast %max3A_584 : f32 to vector<16x64x256xf32>
    %max3A_586 = arith.maximumf %add3A_583, %max3A_585 : vector<16x64x256xf32>
    %mul3A_587 = arith.constant 0.999994993 : f32
    %mul3A_588 = vector.broadcast %mul3A_587 : f32 to vector<1x256xf32>
    %mul3A_589 = arith.mulf %mul3A_588, %get3A_575 : vector<1x256xf32>
    %broadcast_in_dim3A_590 = vector.shape_cast %mul3A_589 : vector<1x256xf32> to vector<1x1x256xf32>
    %mul3A_591 = vector.broadcast %broadcast_in_dim3A_590 : vector<1x1x256xf32> to vector<16x64x256xf32>
    %mul3A_592 = arith.mulf %max3A_586, %mul3A_591 : vector<16x64x256xf32>
    %broadcast_in_dim3A_593 = vector.shape_cast %get3A_578 : vector<1x256xf32> to vector<1x1x256xf32>
    %add3A_594 = vector.broadcast %broadcast_in_dim3A_593 : vector<1x1x256xf32> to vector<16x64x256xf32>
    %add3A_595 = arith.addf %mul3A_592, %add3A_594 : vector<16x64x256xf32>
    %slice3A_596 = vector.extract_strided_slice %broadcast_in_dim3A_132 {offsets = [48, 0], sizes = [16, 1], strides = [1, 1]} : vector<112x1xi32> to vector<16x1xi32>
    %broadcast_in_dim3A_597 = vector.shape_cast %slice3A_596 : vector<16x1xi32> to vector<16x1x1xi32>
    %lt3A_598 = vector.broadcast %iota3A : vector<1x64x1xi32> to vector<16x64x1xi32>
    %lt3A_599 = vector.broadcast %broadcast_in_dim3A_597 : vector<16x1x1xi32> to vector<16x64x1xi32>
    %lt3A_600 = arith.cmpi slt, %lt3A_598, %lt3A_599 : vector<16x64x1xi32>
    %jit3A_601 = arith.constant -1.000000e+30 : f32
    %broadcast_in_dim3A_602 = vector.shape_cast %lt3A_600 : vector<16x64x1xi1> to vector<16x64x1xi1>
    %broadcast_in_dim3A_603 = vector.broadcast %broadcast_in_dim3A_602 : vector<16x64x1xi1> to vector<16x64x256xi1>
    %broadcast_in_dim3A_604 = vector.broadcast %jit3A_601 : f32 to vector<16x64x256xf32>
    %select_n3A_605 = arith.select %broadcast_in_dim3A_603, %add3A_595, %broadcast_in_dim3A_604 : vector<16x64x256xi1>, vector<16x64x256xf32>
    %reduce_max3A_606 = arith.constant dense<0xFF800000> : vector<16x256xf32>
    %reduce_max3A_607 = vector.multi_reduction <maximumf>, %select_n3A_605, %reduce_max3A_606 [1] : vector<16x64x256xf32> to vector<16x256xf32>
    %gt3A_608 = arith.constant 0 : i32
    %gt3A_609 = vector.broadcast %gt3A_608 : i32 to vector<16x1xi32>
    %gt3A_610 = arith.cmpi sgt, %slice3A_596, %gt3A_609 : vector<16x1xi32>
    %jit3A_611 = arith.constant 0.000000e+00 : f32
    %broadcast_in_dim3A_612 = vector.shape_cast %gt3A_610 : vector<16x1xi1> to vector<16x1xi1>
    %broadcast_in_dim3A_613 = vector.broadcast %broadcast_in_dim3A_612 : vector<16x1xi1> to vector<16x256xi1>
    %broadcast_in_dim3A_614 = vector.broadcast %jit3A_611 : f32 to vector<16x256xf32>
    %select_n3A_615 = arith.select %broadcast_in_dim3A_613, %reduce_max3A_607, %broadcast_in_dim3A_614 : vector<16x256xi1>, vector<16x256xf32>
    %swap3A_616 = arith.constant 0 : index
    %swap3A_617 = arith.constant 48 : index
    %swap3A_618 = arith.constant 0 : index
    %swap3A_619 = vector.load %arg20[%swap3A_616, %swap3A_617, %swap3A_618] : memref<1x112x256xf32, #tpu.memory_space<vmem>>, vector<1x16x256xf32>
    %swap3A_620 = vector.shape_cast %swap3A_619 : vector<1x16x256xf32> to vector<16x256xf32>
    %swap3A_621 = vector.shape_cast %select_n3A_615 : vector<16x256xf32> to vector<1x16x256xf32>
    tpu.vector_store %arg20[%swap3A_616, %swap3A_617, %swap3A_618], %swap3A_621 {strides = array<i32>} : memref<1x112x256xf32, #tpu.memory_space<vmem>>, vector<1x16x256xf32>,
    %slice3A_622 = vector.extract_strided_slice %select_n3A_137 {offsets = [64, 0], sizes = [16, 410], strides = [1, 1]} : vector<112x410xi32> to vector<16x410xi32>
    %broadcast_in_dim3A_623 = vector.shape_cast %slice3A_622 : vector<16x410xi32> to vector<16x1x410xi32>
    %eq3A_624 = vector.broadcast %broadcast_in_dim3A_623 : vector<16x1x410xi32> to vector<16x64x410xi32>
    %eq3A_625 = vector.broadcast %iota3A : vector<1x64x1xi32> to vector<16x64x410xi32>
    %eq3A_626 = arith.cmpi eq, %eq3A_624, %eq3A_625 : vector<16x64x410xi32>
    %convert_element_type3A_627 = arith.extui %eq3A_626 : vector<16x64x410xi1> to vector<16x64x410xi32>
    %convert_element_type3A_628 = arith.sitofp %convert_element_type3A_627 : vector<16x64x410xi32> to vector<16x64x410xf32>
    %dot_general3A_629 = arith.constant dense<0.000000e+00> : vector<16x64x128xf32>
    %dot_general3A_630 = tpu.matmul %convert_element_type3A_628, %add3A_161, %dot_general3A_629 {dimension_numbers = #tpu.dot_dimension_numbers<[2], [0], [0, 1], [1], [0, 0, 0, 1, 1, 1], [], []>, transpose_lhs_hint = false} : vector<16x64x410xf32>, vector<410x128xf32>, vector<16x64x128xf32> -> vector<16x64x128xf32>
    %slice3A_631 = vector.extract_strided_slice %sub3A_183 {offsets = [64, 0], sizes = [16, 128], strides = [1, 1]} : vector<112x128xf32> to vector<16x128xf32>
    %broadcast_in_dim3A_632 = vector.shape_cast %slice3A_631 : vector<16x128xf32> to vector<16x1x128xf32>
    %add3A_633 = vector.broadcast %broadcast_in_dim3A_632 : vector<16x1x128xf32> to vector<16x64x128xf32>
    %add3A_634 = arith.addf %dot_general3A_630, %add3A_633 : vector<16x64x128xf32>
    %max3A_635 = arith.constant 0.000000e+00 : f32
    %max3A_636 = vector.broadcast %max3A_635 : f32 to vector<16x64x128xf32>
    %max3A_637 = arith.maximumf %add3A_634, %max3A_636 : vector<16x64x128xf32>
    %mul3A_638 = arith.constant 0.999994993 : f32
    %mul3A_639 = vector.broadcast %mul3A_638 : f32 to vector<1x128xf32>
    %mul3A_640 = arith.mulf %mul3A_639, %get3A_186 : vector<1x128xf32>
    %broadcast_in_dim3A_641 = vector.shape_cast %mul3A_640 : vector<1x128xf32> to vector<1x1x128xf32>
    %mul3A_642 = vector.broadcast %broadcast_in_dim3A_641 : vector<1x1x128xf32> to vector<16x64x128xf32>
    %mul3A_643 = arith.mulf %max3A_637, %mul3A_642 : vector<16x64x128xf32>
    %broadcast_in_dim3A_644 = vector.shape_cast %get3A_189 : vector<1x128xf32> to vector<1x1x128xf32>
    %add3A_645 = vector.broadcast %broadcast_in_dim3A_644 : vector<1x1x128xf32> to vector<16x64x128xf32>
    %add3A_646 = arith.addf %mul3A_643, %add3A_645 : vector<16x64x128xf32>
    %get3A_647 = arith.constant 0 : index
    %get3A_648 = arith.constant 0 : index
    %get3A_649 = vector.load %arg12[%get3A_647, %get3A_648] : memref<128x128xf32, #tpu.memory_space<vmem>>, vector<128x128xf32>
    %get3A_650 = arith.constant 0 : index
    %get3A_651 = arith.constant 0 : index
    %get3A_652 = vector.load %arg13[%get3A_650, %get3A_651] : memref<1x128xf32, #tpu.memory_space<vmem>>, vector<1x128xf32>
    %get3A_653 = arith.constant 0 : index
    %get3A_654 = arith.constant 0 : index
    %get3A_655 = vector.load %arg14[%get3A_653, %get3A_654] : memref<1x128xf32, #tpu.memory_space<vmem>>, vector<1x128xf32>
    %get3A_656 = arith.constant 0 : index
    %get3A_657 = arith.constant 0 : index
    %get3A_658 = vector.load %arg15[%get3A_656, %get3A_657] : memref<1x128xf32, #tpu.memory_space<vmem>>, vector<1x128xf32>
    %dot_general3A_659 = arith.constant dense<0.000000e+00> : vector<16x64x128xf32>
    %dot_general3A_660 = tpu.matmul %add3A_646, %get3A_649, %dot_general3A_659 {dimension_numbers = #tpu.dot_dimension_numbers<[2], [0], [0, 1], [1], [0, 0, 0, 1, 1, 1], [], []>, transpose_lhs_hint = false} : vector<16x64x128xf32>, vector<128x128xf32>, vector<16x64x128xf32> -> vector<16x64x128xf32>
    %broadcast_in_dim3A_661 = vector.shape_cast %get3A_652 : vector<1x128xf32> to vector<1x1x128xf32>
    %add3A_662 = vector.broadcast %broadcast_in_dim3A_661 : vector<1x1x128xf32> to vector<16x64x128xf32>
    %add3A_663 = arith.addf %dot_general3A_660, %add3A_662 : vector<16x64x128xf32>
    %max3A_664 = arith.constant 0.000000e+00 : f32
    %max3A_665 = vector.broadcast %max3A_664 : f32 to vector<16x64x128xf32>
    %max3A_666 = arith.maximumf %add3A_663, %max3A_665 : vector<16x64x128xf32>
    %mul3A_667 = arith.constant 0.999994993 : f32
    %mul3A_668 = vector.broadcast %mul3A_667 : f32 to vector<1x128xf32>
    %mul3A_669 = arith.mulf %mul3A_668, %get3A_655 : vector<1x128xf32>
    %broadcast_in_dim3A_670 = vector.shape_cast %mul3A_669 : vector<1x128xf32> to vector<1x1x128xf32>
    %mul3A_671 = vector.broadcast %broadcast_in_dim3A_670 : vector<1x1x128xf32> to vector<16x64x128xf32>
    %mul3A_672 = arith.mulf %max3A_666, %mul3A_671 : vector<16x64x128xf32>
    %broadcast_in_dim3A_673 = vector.shape_cast %get3A_658 : vector<1x128xf32> to vector<1x1x128xf32>
    %add3A_674 = vector.broadcast %broadcast_in_dim3A_673 : vector<1x1x128xf32> to vector<16x64x128xf32>
    %add3A_675 = arith.addf %mul3A_672, %add3A_674 : vector<16x64x128xf32>
    %get3A_676 = arith.constant 0 : index
    %get3A_677 = arith.constant 0 : index
    %get3A_678 = vector.load %arg16[%get3A_676, %get3A_677] : memref<128x256xf32, #tpu.memory_space<vmem>>, vector<128x256xf32>
    %get3A_679 = arith.constant 0 : index
    %get3A_680 = arith.constant 0 : index
    %get3A_681 = vector.load %arg17[%get3A_679, %get3A_680] : memref<1x256xf32, #tpu.memory_space<vmem>>, vector<1x256xf32>
    %get3A_682 = arith.constant 0 : index
    %get3A_683 = arith.constant 0 : index
    %get3A_684 = vector.load %arg18[%get3A_682, %get3A_683] : memref<1x256xf32, #tpu.memory_space<vmem>>, vector<1x256xf32>
    %get3A_685 = arith.constant 0 : index
    %get3A_686 = arith.constant 0 : index
    %get3A_687 = vector.load %arg19[%get3A_685, %get3A_686] : memref<1x256xf32, #tpu.memory_space<vmem>>, vector<1x256xf32>
    %dot_general3A_688 = arith.constant dense<0.000000e+00> : vector<16x64x256xf32>
    %dot_general3A_689 = tpu.matmul %add3A_675, %get3A_678, %dot_general3A_688 {dimension_numbers = #tpu.dot_dimension_numbers<[2], [0], [0, 1], [1], [0, 0, 0, 1, 1, 1], [], []>, transpose_lhs_hint = false} : vector<16x64x128xf32>, vector<128x256xf32>, vector<16x64x256xf32> -> vector<16x64x256xf32>
    %broadcast_in_dim3A_690 = vector.shape_cast %get3A_681 : vector<1x256xf32> to vector<1x1x256xf32>
    %add3A_691 = vector.broadcast %broadcast_in_dim3A_690 : vector<1x1x256xf32> to vector<16x64x256xf32>
    %add3A_692 = arith.addf %dot_general3A_689, %add3A_691 : vector<16x64x256xf32>
    %max3A_693 = arith.constant 0.000000e+00 : f32
    %max3A_694 = vector.broadcast %max3A_693 : f32 to vector<16x64x256xf32>
    %max3A_695 = arith.maximumf %add3A_692, %max3A_694 : vector<16x64x256xf32>
    %mul3A_696 = arith.constant 0.999994993 : f32
    %mul3A_697 = vector.broadcast %mul3A_696 : f32 to vector<1x256xf32>
    %mul3A_698 = arith.mulf %mul3A_697, %get3A_684 : vector<1x256xf32>
    %broadcast_in_dim3A_699 = vector.shape_cast %mul3A_698 : vector<1x256xf32> to vector<1x1x256xf32>
    %mul3A_700 = vector.broadcast %broadcast_in_dim3A_699 : vector<1x1x256xf32> to vector<16x64x256xf32>
    %mul3A_701 = arith.mulf %max3A_695, %mul3A_700 : vector<16x64x256xf32>
    %broadcast_in_dim3A_702 = vector.shape_cast %get3A_687 : vector<1x256xf32> to vector<1x1x256xf32>
    %add3A_703 = vector.broadcast %broadcast_in_dim3A_702 : vector<1x1x256xf32> to vector<16x64x256xf32>
    %add3A_704 = arith.addf %mul3A_701, %add3A_703 : vector<16x64x256xf32>
    %slice3A_705 = vector.extract_strided_slice %broadcast_in_dim3A_132 {offsets = [64, 0], sizes = [16, 1], strides = [1, 1]} : vector<112x1xi32> to vector<16x1xi32>
    %broadcast_in_dim3A_706 = vector.shape_cast %slice3A_705 : vector<16x1xi32> to vector<16x1x1xi32>
    %lt3A_707 = vector.broadcast %iota3A : vector<1x64x1xi32> to vector<16x64x1xi32>
    %lt3A_708 = vector.broadcast %broadcast_in_dim3A_706 : vector<16x1x1xi32> to vector<16x64x1xi32>
    %lt3A_709 = arith.cmpi slt, %lt3A_707, %lt3A_708 : vector<16x64x1xi32>
    %jit3A_710 = arith.constant -1.000000e+30 : f32
    %broadcast_in_dim3A_711 = vector.shape_cast %lt3A_709 : vector<16x64x1xi1> to vector<16x64x1xi1>
    %broadcast_in_dim3A_712 = vector.broadcast %broadcast_in_dim3A_711 : vector<16x64x1xi1> to vector<16x64x256xi1>
    %broadcast_in_dim3A_713 = vector.broadcast %jit3A_710 : f32 to vector<16x64x256xf32>
    %select_n3A_714 = arith.select %broadcast_in_dim3A_712, %add3A_704, %broadcast_in_dim3A_713 : vector<16x64x256xi1>, vector<16x64x256xf32>
    %reduce_max3A_715 = arith.constant dense<0xFF800000> : vector<16x256xf32>
    %reduce_max3A_716 = vector.multi_reduction <maximumf>, %select_n3A_714, %reduce_max3A_715 [1] : vector<16x64x256xf32> to vector<16x256xf32>
    %gt3A_717 = arith.constant 0 : i32
    %gt3A_718 = vector.broadcast %gt3A_717 : i32 to vector<16x1xi32>
    %gt3A_719 = arith.cmpi sgt, %slice3A_705, %gt3A_718 : vector<16x1xi32>
    %jit3A_720 = arith.constant 0.000000e+00 : f32
    %broadcast_in_dim3A_721 = vector.shape_cast %gt3A_719 : vector<16x1xi1> to vector<16x1xi1>
    %broadcast_in_dim3A_722 = vector.broadcast %broadcast_in_dim3A_721 : vector<16x1xi1> to vector<16x256xi1>
    %broadcast_in_dim3A_723 = vector.broadcast %jit3A_720 : f32 to vector<16x256xf32>
    %select_n3A_724 = arith.select %broadcast_in_dim3A_722, %reduce_max3A_716, %broadcast_in_dim3A_723 : vector<16x256xi1>, vector<16x256xf32>
    %swap3A_725 = arith.constant 0 : index
    %swap3A_726 = arith.constant 64 : index
    %swap3A_727 = arith.constant 0 : index
    %swap3A_728 = vector.load %arg20[%swap3A_725, %swap3A_726, %swap3A_727] : memref<1x112x256xf32, #tpu.memory_space<vmem>>, vector<1x16x256xf32>
    %swap3A_729 = vector.shape_cast %swap3A_728 : vector<1x16x256xf32> to vector<16x256xf32>
    %swap3A_730 = vector.shape_cast %select_n3A_724 : vector<16x256xf32> to vector<1x16x256xf32>
    tpu.vector_store %arg20[%swap3A_725, %swap3A_726, %swap3A_727], %swap3A_730 {strides = array<i32>} : memref<1x112x256xf32, #tpu.memory_space<vmem>>, vector<1x16x256xf32>,
    %slice3A_731 = vector.extract_strided_slice %select_n3A_137 {offsets = [80, 0], sizes = [16, 410], strides = [1, 1]} : vector<112x410xi32> to vector<16x410xi32>
    %broadcast_in_dim3A_732 = vector.shape_cast %slice3A_731 : vector<16x410xi32> to vector<16x1x410xi32>
    %eq3A_733 = vector.broadcast %broadcast_in_dim3A_732 : vector<16x1x410xi32> to vector<16x64x410xi32>
    %eq3A_734 = vector.broadcast %iota3A : vector<1x64x1xi32> to vector<16x64x410xi32>
    %eq3A_735 = arith.cmpi eq, %eq3A_733, %eq3A_734 : vector<16x64x410xi32>
    %convert_element_type3A_736 = arith.extui %eq3A_735 : vector<16x64x410xi1> to vector<16x64x410xi32>
    %convert_element_type3A_737 = arith.sitofp %convert_element_type3A_736 : vector<16x64x410xi32> to vector<16x64x410xf32>
    %dot_general3A_738 = arith.constant dense<0.000000e+00> : vector<16x64x128xf32>
    %dot_general3A_739 = tpu.matmul %convert_element_type3A_737, %add3A_161, %dot_general3A_738 {dimension_numbers = #tpu.dot_dimension_numbers<[2], [0], [0, 1], [1], [0, 0, 0, 1, 1, 1], [], []>, transpose_lhs_hint = false} : vector<16x64x410xf32>, vector<410x128xf32>, vector<16x64x128xf32> -> vector<16x64x128xf32>
    %slice3A_740 = vector.extract_strided_slice %sub3A_183 {offsets = [80, 0], sizes = [16, 128], strides = [1, 1]} : vector<112x128xf32> to vector<16x128xf32>
    %broadcast_in_dim3A_741 = vector.shape_cast %slice3A_740 : vector<16x128xf32> to vector<16x1x128xf32>
    %add3A_742 = vector.broadcast %broadcast_in_dim3A_741 : vector<16x1x128xf32> to vector<16x64x128xf32>
    %add3A_743 = arith.addf %dot_general3A_739, %add3A_742 : vector<16x64x128xf32>
    %max3A_744 = arith.constant 0.000000e+00 : f32
    %max3A_745 = vector.broadcast %max3A_744 : f32 to vector<16x64x128xf32>
    %max3A_746 = arith.maximumf %add3A_743, %max3A_745 : vector<16x64x128xf32>
    %mul3A_747 = arith.constant 0.999994993 : f32
    %mul3A_748 = vector.broadcast %mul3A_747 : f32 to vector<1x128xf32>
    %mul3A_749 = arith.mulf %mul3A_748, %get3A_186 : vector<1x128xf32>
    %broadcast_in_dim3A_750 = vector.shape_cast %mul3A_749 : vector<1x128xf32> to vector<1x1x128xf32>
    %mul3A_751 = vector.broadcast %broadcast_in_dim3A_750 : vector<1x1x128xf32> to vector<16x64x128xf32>
    %mul3A_752 = arith.mulf %max3A_746, %mul3A_751 : vector<16x64x128xf32>
    %broadcast_in_dim3A_753 = vector.shape_cast %get3A_189 : vector<1x128xf32> to vector<1x1x128xf32>
    %add3A_754 = vector.broadcast %broadcast_in_dim3A_753 : vector<1x1x128xf32> to vector<16x64x128xf32>
    %add3A_755 = arith.addf %mul3A_752, %add3A_754 : vector<16x64x128xf32>
    %get3A_756 = arith.constant 0 : index
    %get3A_757 = arith.constant 0 : index
    %get3A_758 = vector.load %arg12[%get3A_756, %get3A_757] : memref<128x128xf32, #tpu.memory_space<vmem>>, vector<128x128xf32>
    %get3A_759 = arith.constant 0 : index
    %get3A_760 = arith.constant 0 : index
    %get3A_761 = vector.load %arg13[%get3A_759, %get3A_760] : memref<1x128xf32, #tpu.memory_space<vmem>>, vector<1x128xf32>
    %get3A_762 = arith.constant 0 : index
    %get3A_763 = arith.constant 0 : index
    %get3A_764 = vector.load %arg14[%get3A_762, %get3A_763] : memref<1x128xf32, #tpu.memory_space<vmem>>, vector<1x128xf32>
    %get3A_765 = arith.constant 0 : index
    %get3A_766 = arith.constant 0 : index
    %get3A_767 = vector.load %arg15[%get3A_765, %get3A_766] : memref<1x128xf32, #tpu.memory_space<vmem>>, vector<1x128xf32>
    %dot_general3A_768 = arith.constant dense<0.000000e+00> : vector<16x64x128xf32>
    %dot_general3A_769 = tpu.matmul %add3A_755, %get3A_758, %dot_general3A_768 {dimension_numbers = #tpu.dot_dimension_numbers<[2], [0], [0, 1], [1], [0, 0, 0, 1, 1, 1], [], []>, transpose_lhs_hint = false} : vector<16x64x128xf32>, vector<128x128xf32>, vector<16x64x128xf32> -> vector<16x64x128xf32>
    %broadcast_in_dim3A_770 = vector.shape_cast %get3A_761 : vector<1x128xf32> to vector<1x1x128xf32>
    %add3A_771 = vector.broadcast %broadcast_in_dim3A_770 : vector<1x1x128xf32> to vector<16x64x128xf32>
    %add3A_772 = arith.addf %dot_general3A_769, %add3A_771 : vector<16x64x128xf32>
    %max3A_773 = arith.constant 0.000000e+00 : f32
    %max3A_774 = vector.broadcast %max3A_773 : f32 to vector<16x64x128xf32>
    %max3A_775 = arith.maximumf %add3A_772, %max3A_774 : vector<16x64x128xf32>
    %mul3A_776 = arith.constant 0.999994993 : f32
    %mul3A_777 = vector.broadcast %mul3A_776 : f32 to vector<1x128xf32>
    %mul3A_778 = arith.mulf %mul3A_777, %get3A_764 : vector<1x128xf32>
    %broadcast_in_dim3A_779 = vector.shape_cast %mul3A_778 : vector<1x128xf32> to vector<1x1x128xf32>
    %mul3A_780 = vector.broadcast %broadcast_in_dim3A_779 : vector<1x1x128xf32> to vector<16x64x128xf32>
    %mul3A_781 = arith.mulf %max3A_775, %mul3A_780 : vector<16x64x128xf32>
    %broadcast_in_dim3A_782 = vector.shape_cast %get3A_767 : vector<1x128xf32> to vector<1x1x128xf32>
    %add3A_783 = vector.broadcast %broadcast_in_dim3A_782 : vector<1x1x128xf32> to vector<16x64x128xf32>
    %add3A_784 = arith.addf %mul3A_781, %add3A_783 : vector<16x64x128xf32>
    %get3A_785 = arith.constant 0 : index
    %get3A_786 = arith.constant 0 : index
    %get3A_787 = vector.load %arg16[%get3A_785, %get3A_786] : memref<128x256xf32, #tpu.memory_space<vmem>>, vector<128x256xf32>
    %get3A_788 = arith.constant 0 : index
    %get3A_789 = arith.constant 0 : index
    %get3A_790 = vector.load %arg17[%get3A_788, %get3A_789] : memref<1x256xf32, #tpu.memory_space<vmem>>, vector<1x256xf32>
    %get3A_791 = arith.constant 0 : index
    %get3A_792 = arith.constant 0 : index
    %get3A_793 = vector.load %arg18[%get3A_791, %get3A_792] : memref<1x256xf32, #tpu.memory_space<vmem>>, vector<1x256xf32>
    %get3A_794 = arith.constant 0 : index
    %get3A_795 = arith.constant 0 : index
    %get3A_796 = vector.load %arg19[%get3A_794, %get3A_795] : memref<1x256xf32, #tpu.memory_space<vmem>>, vector<1x256xf32>
    %dot_general3A_797 = arith.constant dense<0.000000e+00> : vector<16x64x256xf32>
    %dot_general3A_798 = tpu.matmul %add3A_784, %get3A_787, %dot_general3A_797 {dimension_numbers = #tpu.dot_dimension_numbers<[2], [0], [0, 1], [1], [0, 0, 0, 1, 1, 1], [], []>, transpose_lhs_hint = false} : vector<16x64x128xf32>, vector<128x256xf32>, vector<16x64x256xf32> -> vector<16x64x256xf32>
    %broadcast_in_dim3A_799 = vector.shape_cast %get3A_790 : vector<1x256xf32> to vector<1x1x256xf32>
    %add3A_800 = vector.broadcast %broadcast_in_dim3A_799 : vector<1x1x256xf32> to vector<16x64x256xf32>
    %add3A_801 = arith.addf %dot_general3A_798, %add3A_800 : vector<16x64x256xf32>
    %max3A_802 = arith.constant 0.000000e+00 : f32
    %max3A_803 = vector.broadcast %max3A_802 : f32 to vector<16x64x256xf32>
    %max3A_804 = arith.maximumf %add3A_801, %max3A_803 : vector<16x64x256xf32>
    %mul3A_805 = arith.constant 0.999994993 : f32
    %mul3A_806 = vector.broadcast %mul3A_805 : f32 to vector<1x256xf32>
    %mul3A_807 = arith.mulf %mul3A_806, %get3A_793 : vector<1x256xf32>
    %broadcast_in_dim3A_808 = vector.shape_cast %mul3A_807 : vector<1x256xf32> to vector<1x1x256xf32>
    %mul3A_809 = vector.broadcast %broadcast_in_dim3A_808 : vector<1x1x256xf32> to vector<16x64x256xf32>
    %mul3A_810 = arith.mulf %max3A_804, %mul3A_809 : vector<16x64x256xf32>
    %broadcast_in_dim3A_811 = vector.shape_cast %get3A_796 : vector<1x256xf32> to vector<1x1x256xf32>
    %add3A_812 = vector.broadcast %broadcast_in_dim3A_811 : vector<1x1x256xf32> to vector<16x64x256xf32>
    %add3A_813 = arith.addf %mul3A_810, %add3A_812 : vector<16x64x256xf32>
    %slice3A_814 = vector.extract_strided_slice %broadcast_in_dim3A_132 {offsets = [80, 0], sizes = [16, 1], strides = [1, 1]} : vector<112x1xi32> to vector<16x1xi32>
    %broadcast_in_dim3A_815 = vector.shape_cast %slice3A_814 : vector<16x1xi32> to vector<16x1x1xi32>
    %lt3A_816 = vector.broadcast %iota3A : vector<1x64x1xi32> to vector<16x64x1xi32>
    %lt3A_817 = vector.broadcast %broadcast_in_dim3A_815 : vector<16x1x1xi32> to vector<16x64x1xi32>
    %lt3A_818 = arith.cmpi slt, %lt3A_816, %lt3A_817 : vector<16x64x1xi32>
    %jit3A_819 = arith.constant -1.000000e+30 : f32
    %broadcast_in_dim3A_820 = vector.shape_cast %lt3A_818 : vector<16x64x1xi1> to vector<16x64x1xi1>
    %broadcast_in_dim3A_821 = vector.broadcast %broadcast_in_dim3A_820 : vector<16x64x1xi1> to vector<16x64x256xi1>
    %broadcast_in_dim3A_822 = vector.broadcast %jit3A_819 : f32 to vector<16x64x256xf32>
    %select_n3A_823 = arith.select %broadcast_in_dim3A_821, %add3A_813, %broadcast_in_dim3A_822 : vector<16x64x256xi1>, vector<16x64x256xf32>
    %reduce_max3A_824 = arith.constant dense<0xFF800000> : vector<16x256xf32>
    %reduce_max3A_825 = vector.multi_reduction <maximumf>, %select_n3A_823, %reduce_max3A_824 [1] : vector<16x64x256xf32> to vector<16x256xf32>
    %gt3A_826 = arith.constant 0 : i32
    %gt3A_827 = vector.broadcast %gt3A_826 : i32 to vector<16x1xi32>
    %gt3A_828 = arith.cmpi sgt, %slice3A_814, %gt3A_827 : vector<16x1xi32>
    %jit3A_829 = arith.constant 0.000000e+00 : f32
    %broadcast_in_dim3A_830 = vector.shape_cast %gt3A_828 : vector<16x1xi1> to vector<16x1xi1>
    %broadcast_in_dim3A_831 = vector.broadcast %broadcast_in_dim3A_830 : vector<16x1xi1> to vector<16x256xi1>
    %broadcast_in_dim3A_832 = vector.broadcast %jit3A_829 : f32 to vector<16x256xf32>
    %select_n3A_833 = arith.select %broadcast_in_dim3A_831, %reduce_max3A_825, %broadcast_in_dim3A_832 : vector<16x256xi1>, vector<16x256xf32>
    %swap3A_834 = arith.constant 0 : index
    %swap3A_835 = arith.constant 80 : index
    %swap3A_836 = arith.constant 0 : index
    %swap3A_837 = vector.load %arg20[%swap3A_834, %swap3A_835, %swap3A_836] : memref<1x112x256xf32, #tpu.memory_space<vmem>>, vector<1x16x256xf32>
    %swap3A_838 = vector.shape_cast %swap3A_837 : vector<1x16x256xf32> to vector<16x256xf32>
    %swap3A_839 = vector.shape_cast %select_n3A_833 : vector<16x256xf32> to vector<1x16x256xf32>
    tpu.vector_store %arg20[%swap3A_834, %swap3A_835, %swap3A_836], %swap3A_839 {strides = array<i32>} : memref<1x112x256xf32, #tpu.memory_space<vmem>>, vector<1x16x256xf32>,
    %slice3A_840 = vector.extract_strided_slice %select_n3A_137 {offsets = [96, 0], sizes = [16, 410], strides = [1, 1]} : vector<112x410xi32> to vector<16x410xi32>
    %broadcast_in_dim3A_841 = vector.shape_cast %slice3A_840 : vector<16x410xi32> to vector<16x1x410xi32>
    %eq3A_842 = vector.broadcast %broadcast_in_dim3A_841 : vector<16x1x410xi32> to vector<16x64x410xi32>
    %eq3A_843 = vector.broadcast %iota3A : vector<1x64x1xi32> to vector<16x64x410xi32>
    %eq3A_844 = arith.cmpi eq, %eq3A_842, %eq3A_843 : vector<16x64x410xi32>
    %convert_element_type3A_845 = arith.extui %eq3A_844 : vector<16x64x410xi1> to vector<16x64x410xi32>
    %convert_element_type3A_846 = arith.sitofp %convert_element_type3A_845 : vector<16x64x410xi32> to vector<16x64x410xf32>
    %dot_general3A_847 = arith.constant dense<0.000000e+00> : vector<16x64x128xf32>
    %dot_general3A_848 = tpu.matmul %convert_element_type3A_846, %add3A_161, %dot_general3A_847 {dimension_numbers = #tpu.dot_dimension_numbers<[2], [0], [0, 1], [1], [0, 0, 0, 1, 1, 1], [], []>, transpose_lhs_hint = false} : vector<16x64x410xf32>, vector<410x128xf32>, vector<16x64x128xf32> -> vector<16x64x128xf32>
    %slice3A_849 = vector.extract_strided_slice %sub3A_183 {offsets = [96, 0], sizes = [16, 128], strides = [1, 1]} : vector<112x128xf32> to vector<16x128xf32>
    %broadcast_in_dim3A_850 = vector.shape_cast %slice3A_849 : vector<16x128xf32> to vector<16x1x128xf32>
    %add3A_851 = vector.broadcast %broadcast_in_dim3A_850 : vector<16x1x128xf32> to vector<16x64x128xf32>
    %add3A_852 = arith.addf %dot_general3A_848, %add3A_851 : vector<16x64x128xf32>
    %max3A_853 = arith.constant 0.000000e+00 : f32
    %max3A_854 = vector.broadcast %max3A_853 : f32 to vector<16x64x128xf32>
    %max3A_855 = arith.maximumf %add3A_852, %max3A_854 : vector<16x64x128xf32>
    %mul3A_856 = arith.constant 0.999994993 : f32
    %mul3A_857 = vector.broadcast %mul3A_856 : f32 to vector<1x128xf32>
    %mul3A_858 = arith.mulf %mul3A_857, %get3A_186 : vector<1x128xf32>
    %broadcast_in_dim3A_859 = vector.shape_cast %mul3A_858 : vector<1x128xf32> to vector<1x1x128xf32>
    %mul3A_860 = vector.broadcast %broadcast_in_dim3A_859 : vector<1x1x128xf32> to vector<16x64x128xf32>
    %mul3A_861 = arith.mulf %max3A_855, %mul3A_860 : vector<16x64x128xf32>
    %broadcast_in_dim3A_862 = vector.shape_cast %get3A_189 : vector<1x128xf32> to vector<1x1x128xf32>
    %add3A_863 = vector.broadcast %broadcast_in_dim3A_862 : vector<1x1x128xf32> to vector<16x64x128xf32>
    %add3A_864 = arith.addf %mul3A_861, %add3A_863 : vector<16x64x128xf32>
    %get3A_865 = arith.constant 0 : index
    %get3A_866 = arith.constant 0 : index
    %get3A_867 = vector.load %arg12[%get3A_865, %get3A_866] : memref<128x128xf32, #tpu.memory_space<vmem>>, vector<128x128xf32>
    %get3A_868 = arith.constant 0 : index
    %get3A_869 = arith.constant 0 : index
    %get3A_870 = vector.load %arg13[%get3A_868, %get3A_869] : memref<1x128xf32, #tpu.memory_space<vmem>>, vector<1x128xf32>
    %get3A_871 = arith.constant 0 : index
    %get3A_872 = arith.constant 0 : index
    %get3A_873 = vector.load %arg14[%get3A_871, %get3A_872] : memref<1x128xf32, #tpu.memory_space<vmem>>, vector<1x128xf32>
    %get3A_874 = arith.constant 0 : index
    %get3A_875 = arith.constant 0 : index
    %get3A_876 = vector.load %arg15[%get3A_874, %get3A_875] : memref<1x128xf32, #tpu.memory_space<vmem>>, vector<1x128xf32>
    %dot_general3A_877 = arith.constant dense<0.000000e+00> : vector<16x64x128xf32>
    %dot_general3A_878 = tpu.matmul %add3A_864, %get3A_867, %dot_general3A_877 {dimension_numbers = #tpu.dot_dimension_numbers<[2], [0], [0, 1], [1], [0, 0, 0, 1, 1, 1], [], []>, transpose_lhs_hint = false} : vector<16x64x128xf32>, vector<128x128xf32>, vector<16x64x128xf32> -> vector<16x64x128xf32>
    %broadcast_in_dim3A_879 = vector.shape_cast %get3A_870 : vector<1x128xf32> to vector<1x1x128xf32>
    %add3A_880 = vector.broadcast %broadcast_in_dim3A_879 : vector<1x1x128xf32> to vector<16x64x128xf32>
    %add3A_881 = arith.addf %dot_general3A_878, %add3A_880 : vector<16x64x128xf32>
    %max3A_882 = arith.constant 0.000000e+00 : f32
    %max3A_883 = vector.broadcast %max3A_882 : f32 to vector<16x64x128xf32>
    %max3A_884 = arith.maximumf %add3A_881, %max3A_883 : vector<16x64x128xf32>
    %mul3A_885 = arith.constant 0.999994993 : f32
    %mul3A_886 = vector.broadcast %mul3A_885 : f32 to vector<1x128xf32>
    %mul3A_887 = arith.mulf %mul3A_886, %get3A_873 : vector<1x128xf32>
    %broadcast_in_dim3A_888 = vector.shape_cast %mul3A_887 : vector<1x128xf32> to vector<1x1x128xf32>
    %mul3A_889 = vector.broadcast %broadcast_in_dim3A_888 : vector<1x1x128xf32> to vector<16x64x128xf32>
    %mul3A_890 = arith.mulf %max3A_884, %mul3A_889 : vector<16x64x128xf32>
    %broadcast_in_dim3A_891 = vector.shape_cast %get3A_876 : vector<1x128xf32> to vector<1x1x128xf32>
    %add3A_892 = vector.broadcast %broadcast_in_dim3A_891 : vector<1x1x128xf32> to vector<16x64x128xf32>
    %add3A_893 = arith.addf %mul3A_890, %add3A_892 : vector<16x64x128xf32>
    %get3A_894 = arith.constant 0 : index
    %get3A_895 = arith.constant 0 : index
    %get3A_896 = vector.load %arg16[%get3A_894, %get3A_895] : memref<128x256xf32, #tpu.memory_space<vmem>>, vector<128x256xf32>
    %get3A_897 = arith.constant 0 : index
    %get3A_898 = arith.constant 0 : index
    %get3A_899 = vector.load %arg17[%get3A_897, %get3A_898] : memref<1x256xf32, #tpu.memory_space<vmem>>, vector<1x256xf32>
    %get3A_900 = arith.constant 0 : index
    %get3A_901 = arith.constant 0 : index
    %get3A_902 = vector.load %arg18[%get3A_900, %get3A_901] : memref<1x256xf32, #tpu.memory_space<vmem>>, vector<1x256xf32>
    %get3A_903 = arith.constant 0 : index
    %get3A_904 = arith.constant 0 : index
    %get3A_905 = vector.load %arg19[%get3A_903, %get3A_904] : memref<1x256xf32, #tpu.memory_space<vmem>>, vector<1x256xf32>
    %dot_general3A_906 = arith.constant dense<0.000000e+00> : vector<16x64x256xf32>
    %dot_general3A_907 = tpu.matmul %add3A_893, %get3A_896, %dot_general3A_906 {dimension_numbers = #tpu.dot_dimension_numbers<[2], [0], [0, 1], [1], [0, 0, 0, 1, 1, 1], [], []>, transpose_lhs_hint = false} : vector<16x64x128xf32>, vector<128x256xf32>, vector<16x64x256xf32> -> vector<16x64x256xf32>
    %broadcast_in_dim3A_908 = vector.shape_cast %get3A_899 : vector<1x256xf32> to vector<1x1x256xf32>
    %add3A_909 = vector.broadcast %broadcast_in_dim3A_908 : vector<1x1x256xf32> to vector<16x64x256xf32>
    %add3A_910 = arith.addf %dot_general3A_907, %add3A_909 : vector<16x64x256xf32>
    %max3A_911 = arith.constant 0.000000e+00 : f32
    %max3A_912 = vector.broadcast %max3A_911 : f32 to vector<16x64x256xf32>
    %max3A_913 = arith.maximumf %add3A_910, %max3A_912 : vector<16x64x256xf32>
    %mul3A_914 = arith.constant 0.999994993 : f32
    %mul3A_915 = vector.broadcast %mul3A_914 : f32 to vector<1x256xf32>
    %mul3A_916 = arith.mulf %mul3A_915, %get3A_902 : vector<1x256xf32>
    %broadcast_in_dim3A_917 = vector.shape_cast %mul3A_916 : vector<1x256xf32> to vector<1x1x256xf32>
    %mul3A_918 = vector.broadcast %broadcast_in_dim3A_917 : vector<1x1x256xf32> to vector<16x64x256xf32>
    %mul3A_919 = arith.mulf %max3A_913, %mul3A_918 : vector<16x64x256xf32>
    %broadcast_in_dim3A_920 = vector.shape_cast %get3A_905 : vector<1x256xf32> to vector<1x1x256xf32>
    %add3A_921 = vector.broadcast %broadcast_in_dim3A_920 : vector<1x1x256xf32> to vector<16x64x256xf32>
    %add3A_922 = arith.addf %mul3A_919, %add3A_921 : vector<16x64x256xf32>
    %slice3A_923 = vector.extract_strided_slice %broadcast_in_dim3A_132 {offsets = [96, 0], sizes = [16, 1], strides = [1, 1]} : vector<112x1xi32> to vector<16x1xi32>
    %broadcast_in_dim3A_924 = vector.shape_cast %slice3A_923 : vector<16x1xi32> to vector<16x1x1xi32>
    %lt3A_925 = vector.broadcast %iota3A : vector<1x64x1xi32> to vector<16x64x1xi32>
    %lt3A_926 = vector.broadcast %broadcast_in_dim3A_924 : vector<16x1x1xi32> to vector<16x64x1xi32>
    %lt3A_927 = arith.cmpi slt, %lt3A_925, %lt3A_926 : vector<16x64x1xi32>
    %jit3A_928 = arith.constant -1.000000e+30 : f32
    %broadcast_in_dim3A_929 = vector.shape_cast %lt3A_927 : vector<16x64x1xi1> to vector<16x64x1xi1>
    %broadcast_in_dim3A_930 = vector.broadcast %broadcast_in_dim3A_929 : vector<16x64x1xi1> to vector<16x64x256xi1>
    %broadcast_in_dim3A_931 = vector.broadcast %jit3A_928 : f32 to vector<16x64x256xf32>
    %select_n3A_932 = arith.select %broadcast_in_dim3A_930, %add3A_922, %broadcast_in_dim3A_931 : vector<16x64x256xi1>, vector<16x64x256xf32>
    %reduce_max3A_933 = arith.constant dense<0xFF800000> : vector<16x256xf32>
    %reduce_max3A_934 = vector.multi_reduction <maximumf>, %select_n3A_932, %reduce_max3A_933 [1] : vector<16x64x256xf32> to vector<16x256xf32>
    %gt3A_935 = arith.constant 0 : i32
    %gt3A_936 = vector.broadcast %gt3A_935 : i32 to vector<16x1xi32>
    %gt3A_937 = arith.cmpi sgt, %slice3A_923, %gt3A_936 : vector<16x1xi32>
    %jit3A_938 = arith.constant 0.000000e+00 : f32
    %broadcast_in_dim3A_939 = vector.shape_cast %gt3A_937 : vector<16x1xi1> to vector<16x1xi1>
    %broadcast_in_dim3A_940 = vector.broadcast %broadcast_in_dim3A_939 : vector<16x1xi1> to vector<16x256xi1>
    %broadcast_in_dim3A_941 = vector.broadcast %jit3A_938 : f32 to vector<16x256xf32>
    %select_n3A_942 = arith.select %broadcast_in_dim3A_940, %reduce_max3A_934, %broadcast_in_dim3A_941 : vector<16x256xi1>, vector<16x256xf32>
    %swap3A_943 = arith.constant 0 : index
    %swap3A_944 = arith.constant 96 : index
    %swap3A_945 = arith.constant 0 : index
    %swap3A_946 = vector.load %arg20[%swap3A_943, %swap3A_944, %swap3A_945] : memref<1x112x256xf32, #tpu.memory_space<vmem>>, vector<1x16x256xf32>
    %swap3A_947 = vector.shape_cast %swap3A_946 : vector<1x16x256xf32> to vector<16x256xf32>
    %swap3A_948 = vector.shape_cast %select_n3A_942 : vector<16x256xf32> to vector<1x16x256xf32>
    tpu.vector_store %arg20[%swap3A_943, %swap3A_944, %swap3A_945], %swap3A_948 {strides = array<i32>} : memref<1x112x256xf32, #tpu.memory_space<vmem>>, vector<1x16x256xf32>,
    return
  }
  func.func @transform_0(%arg0: i32) -> (i32, i32, i32) {
    %c0_i32 = arith.constant 0 : i32
    %c0_i32_0 = arith.constant 0 : i32
    %c0_i32_1 = arith.constant 0 : i32
    return %arg0, %c0_i32, %c0_i32_0 : i32, i32, i32
  }
  func.func @transform_1(%arg0: i32) -> (i32, i32, i32) {
    %c0_i32 = arith.constant 0 : i32
    %c0_i32_0 = arith.constant 0 : i32
    %c0_i32_1 = arith.constant 0 : i32
    return %arg0, %c0_i32, %c0_i32_0 : i32, i32, i32
  }
  func.func @transform_2(%arg0: i32) -> (i32, i32, i32) {
    %c0_i32 = arith.constant 0 : i32
    %c0_i32_0 = arith.constant 0 : i32
    %c0_i32_1 = arith.constant 0 : i32
    return %arg0, %c0_i32, %c0_i32_0 : i32, i32, i32
  }
  func.func @transform_3(%arg0: i32) -> (i32, i32, i32) {
    %c0_i32 = arith.constant 0 : i32
    %c0_i32_0 = arith.constant 0 : i32
    %c0_i32_1 = arith.constant 0 : i32
    return %arg0, %c0_i32, %c0_i32_0 : i32, i32, i32
  }
  func.func @transform_4(%arg0: i32) -> (i32, i32, i32) {
    %c0_i32 = arith.constant 0 : i32
    %c0_i32_0 = arith.constant 0 : i32
    %c0_i32_1 = arith.constant 0 : i32
    return %arg0, %c0_i32, %c0_i32_0 : i32, i32, i32
  }
  func.func @transform_5(%arg0: i32) -> (i32, i32, i32) {
    %c0_i32 = arith.constant 0 : i32
    %c0_i32_0 = arith.constant 0 : i32
    %c0_i32_1 = arith.constant 0 : i32
    return %arg0, %c0_i32, %c0_i32_0 : i32, i32, i32
  }
  func.func @transform_6(%arg0: i32) -> (i32, i32, i32) {
    %c0_i32 = arith.constant 0 : i32
    %c0_i32_0 = arith.constant 0 : i32
    %c0_i32_1 = arith.constant 0 : i32
    return %arg0, %c0_i32, %c0_i32_0 : i32, i32, i32
  }
  func.func @transform_7(%arg0: i32) -> (i32, i32) {
    %c0_i32 = arith.constant 0 : i32
    %c0_i32_0 = arith.constant 0 : i32
    %c0_i32_1 = arith.constant 0 : i32
    return %c0_i32, %c0_i32_0 : i32, i32
  }
  func.func @transform_8(%arg0: i32) -> (i32, i32) {
    %c0_i32 = arith.constant 0 : i32
    %c0_i32_0 = arith.constant 0 : i32
    %c0_i32_1 = arith.constant 0 : i32
    return %c0_i32, %c0_i32_0 : i32, i32
  }
  func.func @transform_9(%arg0: i32) -> (i32, i32) {
    %c0_i32 = arith.constant 0 : i32
    %c0_i32_0 = arith.constant 0 : i32
    %c0_i32_1 = arith.constant 0 : i32
    return %c0_i32, %c0_i32_0 : i32, i32
  }
  func.func @transform_10(%arg0: i32) -> (i32, i32) {
    %c0_i32 = arith.constant 0 : i32
    %c0_i32_0 = arith.constant 0 : i32
    %c0_i32_1 = arith.constant 0 : i32
    return %c0_i32, %c0_i32_0 : i32, i32
  }
  func.func @transform_11(%arg0: i32) -> (i32, i32) {
    %c0_i32 = arith.constant 0 : i32
    %c0_i32_0 = arith.constant 0 : i32
    %c0_i32_1 = arith.constant 0 : i32
    return %c0_i32, %c0_i32_0 : i32, i32
  }
  func.func @transform_12(%arg0: i32) -> (i32, i32) {
    %c0_i32 = arith.constant 0 : i32
    %c0_i32_0 = arith.constant 0 : i32
    %c0_i32_1 = arith.constant 0 : i32
    return %c0_i32, %c0_i32_0 : i32, i32
  }
  func.func @transform_13(%arg0: i32) -> (i32, i32) {
    %c0_i32 = arith.constant 0 : i32
    %c0_i32_0 = arith.constant 0 : i32
    %c0_i32_1 = arith.constant 0 : i32
    return %c0_i32, %c0_i32_0 : i32, i32
  }
  func.func @transform_14(%arg0: i32) -> (i32, i32) {
    %c0_i32 = arith.constant 0 : i32
    %c0_i32_0 = arith.constant 0 : i32
    %c0_i32_1 = arith.constant 0 : i32
    return %c0_i32, %c0_i32_0 : i32, i32
  }
  func.func @transform_15(%arg0: i32) -> (i32, i32) {
    %c0_i32 = arith.constant 0 : i32
    %c0_i32_0 = arith.constant 0 : i32
    %c0_i32_1 = arith.constant 0 : i32
    return %c0_i32, %c0_i32_0 : i32, i32
  }
  func.func @transform_16(%arg0: i32) -> (i32, i32) {
    %c0_i32 = arith.constant 0 : i32
    %c0_i32_0 = arith.constant 0 : i32
    %c0_i32_1 = arith.constant 0 : i32
    return %c0_i32, %c0_i32_0 : i32, i32
  }
  func.func @transform_17(%arg0: i32) -> (i32, i32) {
    %c0_i32 = arith.constant 0 : i32
    %c0_i32_0 = arith.constant 0 : i32
    %c0_i32_1 = arith.constant 0 : i32
    return %c0_i32, %c0_i32_0 : i32, i32
  }
  func.func @transform_18(%arg0: i32) -> (i32, i32) {
    %c0_i32 = arith.constant 0 : i32
    %c0_i32_0 = arith.constant 0 : i32
    %c0_i32_1 = arith.constant 0 : i32
    return %c0_i32, %c0_i32_0 : i32, i32
  }
  func.func @transform_19(%arg0: i32) -> (i32, i32, i32) {
    %c0_i32 = arith.constant 0 : i32
    %c0_i32_0 = arith.constant 0 : i32
    %c0_i32_1 = arith.constant 0 : i32
    return %arg0, %c0_i32, %c0_i32_0 : i32, i32, i32
  }
}

module attributes {stable_mosaic.version = 14 : i64} {
  func.func @kern(%arg0: i32, %arg1: memref<1x1x103xf32, #tpu.memory_space<vmem>>, %arg2: memref<1x1x103xf32, #tpu.memory_space<vmem>>, %arg3: memref<1x1x103xf32, #tpu.memory_space<vmem>>, %arg4: memref<1x103x256xf32, #tpu.memory_space<vmem>>, %arg5: memref<1x416x1xf32, #tpu.memory_space<vmem>>, %arg6: memref<1x416x1xf32, #tpu.memory_space<vmem>>, %arg7: memref<1x416x1xf32, #tpu.memory_space<vmem>>, %arg8: memref<1x416x128xf32, #tpu.memory_space<vmem>>, %arg9: memref<384x256xf32, #tpu.memory_space<vmem>>, %arg10: memref<1x256xf32, #tpu.memory_space<vmem>>, %arg11: memref<1x256xf32, #tpu.memory_space<vmem>>, %arg12: memref<1x256xf32, #tpu.memory_space<vmem>>, %arg13: memref<256x128xf32, #tpu.memory_space<vmem>>, %arg14: memref<1x128xf32, #tpu.memory_space<vmem>>, %arg15: memref<1x128xf32, #tpu.memory_space<vmem>>, %arg16: memref<1x128xf32, #tpu.memory_space<vmem>>, %arg17: memref<1x416x128xf32, #tpu.memory_space<vmem>>) attributes {dimension_semantics = [#tpu.dimension_semantics<arbitrary>], iteration_bounds = array<i64: 8>, scalar_prefetch = 0 : i64, scratch_operands = 0 : i64, tpu.core_type = #tpu.core_type<tc>, window_params = [{transform_indices = @transform_0, window_bounds = array<i64: 1, 1, 103>}, {transform_indices = @transform_1, window_bounds = array<i64: 1, 1, 103>}, {transform_indices = @transform_2, window_bounds = array<i64: 1, 1, 103>}, {transform_indices = @transform_3, window_bounds = array<i64: 1, 103, 256>}, {transform_indices = @transform_4, window_bounds = array<i64: 1, 416, 1>}, {transform_indices = @transform_5, window_bounds = array<i64: 1, 416, 1>}, {transform_indices = @transform_6, window_bounds = array<i64: 1, 416, 1>}, {transform_indices = @transform_7, window_bounds = array<i64: 1, 416, 128>}, {pipeline_mode = #tpu.pipeline_mode<synchronous>, transform_indices = @transform_8, window_bounds = array<i64: 384, 256>}, {pipeline_mode = #tpu.pipeline_mode<synchronous>, transform_indices = @transform_9, window_bounds = array<i64: 1, 256>}, {pipeline_mode = #tpu.pipeline_mode<synchronous>, transform_indices = @transform_10, window_bounds = array<i64: 1, 256>}, {pipeline_mode = #tpu.pipeline_mode<synchronous>, transform_indices = @transform_11, window_bounds = array<i64: 1, 256>}, {pipeline_mode = #tpu.pipeline_mode<synchronous>, transform_indices = @transform_12, window_bounds = array<i64: 256, 128>}, {pipeline_mode = #tpu.pipeline_mode<synchronous>, transform_indices = @transform_13, window_bounds = array<i64: 1, 128>}, {pipeline_mode = #tpu.pipeline_mode<synchronous>, transform_indices = @transform_14, window_bounds = array<i64: 1, 128>}, {pipeline_mode = #tpu.pipeline_mode<synchronous>, transform_indices = @transform_15, window_bounds = array<i64: 1, 128>}, {transform_indices = @transform_16, window_bounds = array<i64: 1, 416, 128>}]} {
    %get3A = arith.constant 0 : index
    %get3A_0 = arith.constant 0 : index
    %get3A_1 = arith.constant 0 : index
    %get3A_2 = vector.load %arg1[%get3A, %get3A_0, %get3A_1] : memref<1x1x103xf32, #tpu.memory_space<vmem>>, vector<1x1x103xf32>
    %reshape3A = vector.shape_cast %get3A_2 : vector<1x1x103xf32> to vector<1x103xf32>
    %get3A_3 = arith.constant 0 : index
    %get3A_4 = arith.constant 0 : index
    %get3A_5 = arith.constant 0 : index
    %get3A_6 = vector.load %arg2[%get3A_3, %get3A_4, %get3A_5] : memref<1x1x103xf32, #tpu.memory_space<vmem>>, vector<1x1x103xf32>
    %reshape3A_7 = vector.shape_cast %get3A_6 : vector<1x1x103xf32> to vector<1x103xf32>
    %get3A_8 = arith.constant 0 : index
    %get3A_9 = arith.constant 0 : index
    %get3A_10 = arith.constant 0 : index
    %get3A_11 = vector.load %arg3[%get3A_8, %get3A_9, %get3A_10] : memref<1x1x103xf32, #tpu.memory_space<vmem>>, vector<1x1x103xf32>
    %reshape3A_12 = vector.shape_cast %get3A_11 : vector<1x1x103xf32> to vector<1x103xf32>
    %get3A_13 = arith.constant 0 : index
    %get3A_14 = arith.constant 0 : index
    %get3A_15 = arith.constant 0 : index
    %get3A_16 = vector.load %arg5[%get3A_13, %get3A_14, %get3A_15] : memref<1x416x1xf32, #tpu.memory_space<vmem>>, vector<1x416x1xf32>
    %reshape3A_17 = vector.shape_cast %get3A_16 : vector<1x416x1xf32> to vector<416x1xf32>
    %get3A_18 = arith.constant 0 : index
    %get3A_19 = arith.constant 0 : index
    %get3A_20 = arith.constant 0 : index
    %get3A_21 = vector.load %arg6[%get3A_18, %get3A_19, %get3A_20] : memref<1x416x1xf32, #tpu.memory_space<vmem>>, vector<1x416x1xf32>
    %reshape3A_22 = vector.shape_cast %get3A_21 : vector<1x416x1xf32> to vector<416x1xf32>
    %get3A_23 = arith.constant 0 : index
    %get3A_24 = arith.constant 0 : index
    %get3A_25 = arith.constant 0 : index
    %get3A_26 = vector.load %arg7[%get3A_23, %get3A_24, %get3A_25] : memref<1x416x1xf32, #tpu.memory_space<vmem>>, vector<1x416x1xf32>
    %reshape3A_27 = vector.shape_cast %get3A_26 : vector<1x416x1xf32> to vector<416x1xf32>
    %get3A_28 = arith.constant 0 : index
    %get3A_29 = arith.constant 0 : index
    %get3A_30 = arith.constant 0 : index
    %get3A_31 = vector.load %arg4[%get3A_28, %get3A_29, %get3A_30] : memref<1x103x256xf32, #tpu.memory_space<vmem>>, vector<1x103x256xf32>
    %reshape3A_32 = vector.shape_cast %get3A_31 : vector<1x103x256xf32> to vector<103x256xf32>
    %get3A_33 = arith.constant 0 : index
    %get3A_34 = arith.constant 0 : index
    %get3A_35 = arith.constant 0 : index
    %get3A_36 = vector.load %arg8[%get3A_33, %get3A_34, %get3A_35] : memref<1x416x128xf32, #tpu.memory_space<vmem>>, vector<1x416x128xf32>
    %reshape3A_37 = vector.shape_cast %get3A_36 : vector<1x416x128xf32> to vector<416x128xf32>
    %iota3A = tpu.iota {dimensions = array<i32: 1>} : vector<416x103xi32>
    %sub3A = vector.broadcast %reshape3A_17 : vector<416x1xf32> to vector<416x103xf32>
    %sub3A_38 = vector.broadcast %reshape3A : vector<1x103xf32> to vector<416x103xf32>
    %sub3A_39 = arith.subf %sub3A, %sub3A_38 : vector<416x103xf32>
    %integer_pow3A = arith.mulf %sub3A_39, %sub3A_39 : vector<416x103xf32>
    %sub3A_40 = vector.broadcast %reshape3A_22 : vector<416x1xf32> to vector<416x103xf32>
    %sub3A_41 = vector.broadcast %reshape3A_7 : vector<1x103xf32> to vector<416x103xf32>
    %sub3A_42 = arith.subf %sub3A_40, %sub3A_41 : vector<416x103xf32>
    %integer_pow3A_43 = arith.mulf %sub3A_42, %sub3A_42 : vector<416x103xf32>
    %add3A = arith.addf %integer_pow3A, %integer_pow3A_43 : vector<416x103xf32>
    %sub3A_44 = vector.broadcast %reshape3A_27 : vector<416x1xf32> to vector<416x103xf32>
    %sub3A_45 = vector.broadcast %reshape3A_12 : vector<1x103xf32> to vector<416x103xf32>
    %sub3A_46 = arith.subf %sub3A_44, %sub3A_45 : vector<416x103xf32>
    %integer_pow3A_47 = arith.mulf %sub3A_46, %sub3A_46 : vector<416x103xf32>
    %add3A_48 = arith.addf %add3A, %integer_pow3A_47 : vector<416x103xf32>
    %reduce_min3A = arith.constant dense<0x7F800000> : vector<416xf32>
    %reduce_min3A_49 = vector.multi_reduction <minimumf>, %add3A_48, %reduce_min3A [1] : vector<416x103xf32> to vector<416xf32>
    %broadcast_in_dim3A = vector.shape_cast %reduce_min3A_49 : vector<416xf32> to vector<416x1xf32>
    %eq3A = vector.broadcast %broadcast_in_dim3A : vector<416x1xf32> to vector<416x103xf32>
    %eq3A_50 = arith.cmpf oeq, %add3A_48, %eq3A : vector<416x103xf32>
    %jit3A = arith.constant 103 : i32
    %broadcast_in_dim3A_51 = vector.broadcast %jit3A : i32 to vector<416x103xi32>
    %select_n3A = arith.select %eq3A_50, %iota3A, %broadcast_in_dim3A_51 : vector<416x103xi1>, vector<416x103xi32>
    %reduce_min3A_52 = arith.constant dense<2147483647> : vector<416xi32>
    %reduce_min3A_53 = vector.multi_reduction <minsi>, %select_n3A, %reduce_min3A_52 [1] : vector<416x103xi32> to vector<416xi32>
    %broadcast_in_dim3A_54 = vector.shape_cast %reduce_min3A_53 : vector<416xi32> to vector<416x1xi32>
    %eq3A_55 = vector.broadcast %broadcast_in_dim3A_54 : vector<416x1xi32> to vector<416x103xi32>
    %eq3A_56 = arith.cmpi eq, %iota3A, %eq3A_55 : vector<416x103xi32>
    %convert_element_type3A = arith.extui %eq3A_56 : vector<416x103xi1> to vector<416x103xi32>
    %convert_element_type3A_57 = arith.sitofp %convert_element_type3A : vector<416x103xi32> to vector<416x103xf32>
    %dot_general3A = arith.constant dense<0.000000e+00> : vector<416x256xf32>
    %dot_general3A_58 = tpu.matmul %convert_element_type3A_57, %reshape3A_32, %dot_general3A {dimension_numbers = #tpu.dot_dimension_numbers<[1], [0], [0], [1], [0, 0, 1, 1], [], []>, transpose_lhs_hint = false} : vector<416x103xf32>, vector<103x256xf32>, vector<416x256xf32> -> vector<416x256xf32>
    %max3A = arith.constant 1.000000e-16 : f32
    %max3A_59 = vector.broadcast %max3A : f32 to vector<416x1xf32>
    %max3A_60 = arith.maximumf %broadcast_in_dim3A, %max3A_59 : vector<416x1xf32>
    %div3A = arith.constant 1.000000e+00 : f32
    %div3A_61 = vector.broadcast %div3A : f32 to vector<416x1xf32>
    %div3A_62 = arith.divf %div3A_61, %max3A_60 : vector<416x1xf32>
    %eq3A_63 = vector.broadcast %broadcast_in_dim3A_54 : vector<416x1xi32> to vector<416x103xi32>
    %eq3A_64 = arith.cmpi eq, %iota3A, %eq3A_63 : vector<416x103xi32>
    %jit3A_65 = arith.constant 3.000000e+38 : f32
    %broadcast_in_dim3A_66 = vector.broadcast %jit3A_65 : f32 to vector<416x103xf32>
    %select_n3A_67 = arith.select %eq3A_64, %broadcast_in_dim3A_66, %add3A_48 : vector<416x103xi1>, vector<416x103xf32>
    %reduce_min3A_68 = arith.constant dense<0x7F800000> : vector<416xf32>
    %reduce_min3A_69 = vector.multi_reduction <minimumf>, %select_n3A_67, %reduce_min3A_68 [1] : vector<416x103xf32> to vector<416xf32>
    %broadcast_in_dim3A_70 = vector.shape_cast %reduce_min3A_69 : vector<416xf32> to vector<416x1xf32>
    %eq3A_71 = vector.broadcast %broadcast_in_dim3A_70 : vector<416x1xf32> to vector<416x103xf32>
    %eq3A_72 = arith.cmpf oeq, %select_n3A_67, %eq3A_71 : vector<416x103xf32>
    %jit3A_73 = arith.constant 103 : i32
    %broadcast_in_dim3A_74 = vector.broadcast %jit3A_73 : i32 to vector<416x103xi32>
    %select_n3A_75 = arith.select %eq3A_72, %iota3A, %broadcast_in_dim3A_74 : vector<416x103xi1>, vector<416x103xi32>
    %reduce_min3A_76 = arith.constant dense<2147483647> : vector<416xi32>
    %reduce_min3A_77 = vector.multi_reduction <minsi>, %select_n3A_75, %reduce_min3A_76 [1] : vector<416x103xi32> to vector<416xi32>
    %broadcast_in_dim3A_78 = vector.shape_cast %reduce_min3A_77 : vector<416xi32> to vector<416x1xi32>
    %eq3A_79 = vector.broadcast %broadcast_in_dim3A_78 : vector<416x1xi32> to vector<416x103xi32>
    %eq3A_80 = arith.cmpi eq, %iota3A, %eq3A_79 : vector<416x103xi32>
    %convert_element_type3A_81 = arith.extui %eq3A_80 : vector<416x103xi1> to vector<416x103xi32>
    %convert_element_type3A_82 = arith.sitofp %convert_element_type3A_81 : vector<416x103xi32> to vector<416x103xf32>
    %dot_general3A_83 = arith.constant dense<0.000000e+00> : vector<416x256xf32>
    %dot_general3A_84 = tpu.matmul %convert_element_type3A_82, %reshape3A_32, %dot_general3A_83 {dimension_numbers = #tpu.dot_dimension_numbers<[1], [0], [0], [1], [0, 0, 1, 1], [], []>, transpose_lhs_hint = false} : vector<416x103xf32>, vector<103x256xf32>, vector<416x256xf32> -> vector<416x256xf32>
    %max3A_85 = arith.constant 1.000000e-16 : f32
    %max3A_86 = vector.broadcast %max3A_85 : f32 to vector<416x1xf32>
    %max3A_87 = arith.maximumf %broadcast_in_dim3A_70, %max3A_86 : vector<416x1xf32>
    %div3A_88 = arith.constant 1.000000e+00 : f32
    %div3A_89 = vector.broadcast %div3A_88 : f32 to vector<416x1xf32>
    %div3A_90 = arith.divf %div3A_89, %max3A_87 : vector<416x1xf32>
    %eq3A_91 = vector.broadcast %broadcast_in_dim3A_78 : vector<416x1xi32> to vector<416x103xi32>
    %eq3A_92 = arith.cmpi eq, %iota3A, %eq3A_91 : vector<416x103xi32>
    %jit3A_93 = arith.constant 3.000000e+38 : f32
    %broadcast_in_dim3A_94 = vector.broadcast %jit3A_93 : f32 to vector<416x103xf32>
    %select_n3A_95 = arith.select %eq3A_92, %broadcast_in_dim3A_94, %select_n3A_67 : vector<416x103xi1>, vector<416x103xf32>
    %reduce_min3A_96 = arith.constant dense<0x7F800000> : vector<416xf32>
    %reduce_min3A_97 = vector.multi_reduction <minimumf>, %select_n3A_95, %reduce_min3A_96 [1] : vector<416x103xf32> to vector<416xf32>
    %broadcast_in_dim3A_98 = vector.shape_cast %reduce_min3A_97 : vector<416xf32> to vector<416x1xf32>
    %eq3A_99 = vector.broadcast %broadcast_in_dim3A_98 : vector<416x1xf32> to vector<416x103xf32>
    %eq3A_100 = arith.cmpf oeq, %select_n3A_95, %eq3A_99 : vector<416x103xf32>
    %jit3A_101 = arith.constant 103 : i32
    %broadcast_in_dim3A_102 = vector.broadcast %jit3A_101 : i32 to vector<416x103xi32>
    %select_n3A_103 = arith.select %eq3A_100, %iota3A, %broadcast_in_dim3A_102 : vector<416x103xi1>, vector<416x103xi32>
    %reduce_min3A_104 = arith.constant dense<2147483647> : vector<416xi32>
    %reduce_min3A_105 = vector.multi_reduction <minsi>, %select_n3A_103, %reduce_min3A_104 [1] : vector<416x103xi32> to vector<416xi32>
    %broadcast_in_dim3A_106 = vector.shape_cast %reduce_min3A_105 : vector<416xi32> to vector<416x1xi32>
    %eq3A_107 = vector.broadcast %broadcast_in_dim3A_106 : vector<416x1xi32> to vector<416x103xi32>
    %eq3A_108 = arith.cmpi eq, %iota3A, %eq3A_107 : vector<416x103xi32>
    %convert_element_type3A_109 = arith.extui %eq3A_108 : vector<416x103xi1> to vector<416x103xi32>
    %convert_element_type3A_110 = arith.sitofp %convert_element_type3A_109 : vector<416x103xi32> to vector<416x103xf32>
    %dot_general3A_111 = arith.constant dense<0.000000e+00> : vector<416x256xf32>
    %dot_general3A_112 = tpu.matmul %convert_element_type3A_110, %reshape3A_32, %dot_general3A_111 {dimension_numbers = #tpu.dot_dimension_numbers<[1], [0], [0], [1], [0, 0, 1, 1], [], []>, transpose_lhs_hint = false} : vector<416x103xf32>, vector<103x256xf32>, vector<416x256xf32> -> vector<416x256xf32>
    %max3A_113 = arith.constant 1.000000e-16 : f32
    %max3A_114 = vector.broadcast %max3A_113 : f32 to vector<416x1xf32>
    %max3A_115 = arith.maximumf %broadcast_in_dim3A_98, %max3A_114 : vector<416x1xf32>
    %div3A_116 = arith.constant 1.000000e+00 : f32
    %div3A_117 = vector.broadcast %div3A_116 : f32 to vector<416x1xf32>
    %div3A_118 = arith.divf %div3A_117, %max3A_115 : vector<416x1xf32>
    %add3A_119 = arith.addf %div3A_62, %div3A_90 : vector<416x1xf32>
    %add3A_120 = arith.addf %add3A_119, %div3A_118 : vector<416x1xf32>
    %div3A_121 = arith.divf %div3A_62, %add3A_120 : vector<416x1xf32>
    %mul3A = vector.broadcast %div3A_121 : vector<416x1xf32> to vector<416x256xf32>
    %mul3A_122 = arith.mulf %dot_general3A_58, %mul3A : vector<416x256xf32>
    %div3A_123 = arith.divf %div3A_90, %add3A_120 : vector<416x1xf32>
    %mul3A_124 = vector.broadcast %div3A_123 : vector<416x1xf32> to vector<416x256xf32>
    %mul3A_125 = arith.mulf %dot_general3A_84, %mul3A_124 : vector<416x256xf32>
    %add3A_126 = arith.addf %mul3A_122, %mul3A_125 : vector<416x256xf32>
    %div3A_127 = arith.divf %div3A_118, %add3A_120 : vector<416x1xf32>
    %mul3A_128 = vector.broadcast %div3A_127 : vector<416x1xf32> to vector<416x256xf32>
    %mul3A_129 = arith.mulf %dot_general3A_112, %mul3A_128 : vector<416x256xf32>
    %add3A_130 = arith.addf %add3A_126, %mul3A_129 : vector<416x256xf32>
    %get3A_131 = arith.constant 0 : index
    %get3A_132 = arith.constant 0 : index
    %get3A_133 = vector.load %arg9[%get3A_131, %get3A_132] : memref<384x256xf32, #tpu.memory_space<vmem>>, vector<384x256xf32>
    %get3A_134 = arith.constant 0 : index
    %get3A_135 = arith.constant 0 : index
    %get3A_136 = vector.load %arg10[%get3A_134, %get3A_135] : memref<1x256xf32, #tpu.memory_space<vmem>>, vector<1x256xf32>
    %get3A_137 = arith.constant 0 : index
    %get3A_138 = arith.constant 0 : index
    %get3A_139 = vector.load %arg11[%get3A_137, %get3A_138] : memref<1x256xf32, #tpu.memory_space<vmem>>, vector<1x256xf32>
    %get3A_140 = arith.constant 0 : index
    %get3A_141 = arith.constant 0 : index
    %get3A_142 = vector.load %arg12[%get3A_140, %get3A_141] : memref<1x256xf32, #tpu.memory_space<vmem>>, vector<1x256xf32>
    %slice3A = vector.extract_strided_slice %get3A_133 {offsets = [0, 0], sizes = [256, 256], strides = [1, 1]} : vector<384x256xf32> to vector<256x256xf32>
    %dot_general3A_143 = arith.constant dense<0.000000e+00> : vector<416x256xf32>
    %dot_general3A_144 = tpu.matmul %add3A_130, %slice3A, %dot_general3A_143 {dimension_numbers = #tpu.dot_dimension_numbers<[1], [0], [0], [1], [0, 0, 1, 1], [], []>, transpose_lhs_hint = false} : vector<416x256xf32>, vector<256x256xf32>, vector<416x256xf32> -> vector<416x256xf32>
    %slice3A_145 = vector.extract_strided_slice %get3A_133 {offsets = [256, 0], sizes = [128, 256], strides = [1, 1]} : vector<384x256xf32> to vector<128x256xf32>
    %dot_general3A_146 = arith.constant dense<0.000000e+00> : vector<416x256xf32>
    %dot_general3A_147 = tpu.matmul %reshape3A_37, %slice3A_145, %dot_general3A_146 {dimension_numbers = #tpu.dot_dimension_numbers<[1], [0], [0], [1], [0, 0, 1, 1], [], []>, transpose_lhs_hint = false} : vector<416x128xf32>, vector<128x256xf32>, vector<416x256xf32> -> vector<416x256xf32>
    %add3A_148 = arith.addf %dot_general3A_144, %dot_general3A_147 : vector<416x256xf32>
    %add3A_149 = vector.broadcast %get3A_136 : vector<1x256xf32> to vector<416x256xf32>
    %add3A_150 = arith.addf %add3A_148, %add3A_149 : vector<416x256xf32>
    %max3A_151 = arith.constant 0.000000e+00 : f32
    %max3A_152 = vector.broadcast %max3A_151 : f32 to vector<416x256xf32>
    %max3A_153 = arith.maximumf %add3A_150, %max3A_152 : vector<416x256xf32>
    %mul3A_154 = arith.constant 0.999994993 : f32
    %mul3A_155 = vector.broadcast %mul3A_154 : f32 to vector<1x256xf32>
    %mul3A_156 = arith.mulf %mul3A_155, %get3A_139 : vector<1x256xf32>
    %mul3A_157 = vector.broadcast %mul3A_156 : vector<1x256xf32> to vector<416x256xf32>
    %mul3A_158 = arith.mulf %max3A_153, %mul3A_157 : vector<416x256xf32>
    %add3A_159 = vector.broadcast %get3A_142 : vector<1x256xf32> to vector<416x256xf32>
    %add3A_160 = arith.addf %mul3A_158, %add3A_159 : vector<416x256xf32>
    %get3A_161 = arith.constant 0 : index
    %get3A_162 = arith.constant 0 : index
    %get3A_163 = vector.load %arg13[%get3A_161, %get3A_162] : memref<256x128xf32, #tpu.memory_space<vmem>>, vector<256x128xf32>
    %get3A_164 = arith.constant 0 : index
    %get3A_165 = arith.constant 0 : index
    %get3A_166 = vector.load %arg14[%get3A_164, %get3A_165] : memref<1x128xf32, #tpu.memory_space<vmem>>, vector<1x128xf32>
    %get3A_167 = arith.constant 0 : index
    %get3A_168 = arith.constant 0 : index
    %get3A_169 = vector.load %arg15[%get3A_167, %get3A_168] : memref<1x128xf32, #tpu.memory_space<vmem>>, vector<1x128xf32>
    %get3A_170 = arith.constant 0 : index
    %get3A_171 = arith.constant 0 : index
    %get3A_172 = vector.load %arg16[%get3A_170, %get3A_171] : memref<1x128xf32, #tpu.memory_space<vmem>>, vector<1x128xf32>
    %dot_general3A_173 = arith.constant dense<0.000000e+00> : vector<416x128xf32>
    %dot_general3A_174 = tpu.matmul %add3A_160, %get3A_163, %dot_general3A_173 {dimension_numbers = #tpu.dot_dimension_numbers<[1], [0], [0], [1], [0, 0, 1, 1], [], []>, transpose_lhs_hint = false} : vector<416x256xf32>, vector<256x128xf32>, vector<416x128xf32> -> vector<416x128xf32>
    %add3A_175 = vector.broadcast %get3A_166 : vector<1x128xf32> to vector<416x128xf32>
    %add3A_176 = arith.addf %dot_general3A_174, %add3A_175 : vector<416x128xf32>
    %max3A_177 = arith.constant 0.000000e+00 : f32
    %max3A_178 = vector.broadcast %max3A_177 : f32 to vector<416x128xf32>
    %max3A_179 = arith.maximumf %add3A_176, %max3A_178 : vector<416x128xf32>
    %mul3A_180 = arith.constant 0.999994993 : f32
    %mul3A_181 = vector.broadcast %mul3A_180 : f32 to vector<1x128xf32>
    %mul3A_182 = arith.mulf %mul3A_181, %get3A_169 : vector<1x128xf32>
    %mul3A_183 = vector.broadcast %mul3A_182 : vector<1x128xf32> to vector<416x128xf32>
    %mul3A_184 = arith.mulf %max3A_179, %mul3A_183 : vector<416x128xf32>
    %add3A_185 = vector.broadcast %get3A_172 : vector<1x128xf32> to vector<416x128xf32>
    %add3A_186 = arith.addf %mul3A_184, %add3A_185 : vector<416x128xf32>
    %reshape3A_187 = vector.shape_cast %add3A_186 : vector<416x128xf32> to vector<1x416x128xf32>
    %swap3A = arith.constant 0 : index
    %swap3A_188 = arith.constant 0 : index
    %swap3A_189 = arith.constant 0 : index
    %swap3A_190 = vector.load %arg17[%swap3A, %swap3A_188, %swap3A_189] : memref<1x416x128xf32, #tpu.memory_space<vmem>>, vector<1x416x128xf32>
    tpu.vector_store %arg17[%swap3A, %swap3A_188, %swap3A_189], %reshape3A_187 {strides = array<i32>} : memref<1x416x128xf32, #tpu.memory_space<vmem>>, vector<1x416x128xf32>,
    return
  }
  func.func @transform_0(%arg0: i32) -> (i32, i32, i32) {
    %c0_i32 = arith.constant 0 : i32
    %c0_i32_0 = arith.constant 0 : i32
    %c0_i32_1 = arith.constant 0 : i32
    return %arg0, %c0_i32, %c0_i32_0 : i32, i32, i32
  }
  func.func @transform_1(%arg0: i32) -> (i32, i32, i32) {
    %c0_i32 = arith.constant 0 : i32
    %c0_i32_0 = arith.constant 0 : i32
    %c0_i32_1 = arith.constant 0 : i32
    return %arg0, %c0_i32, %c0_i32_0 : i32, i32, i32
  }
  func.func @transform_2(%arg0: i32) -> (i32, i32, i32) {
    %c0_i32 = arith.constant 0 : i32
    %c0_i32_0 = arith.constant 0 : i32
    %c0_i32_1 = arith.constant 0 : i32
    return %arg0, %c0_i32, %c0_i32_0 : i32, i32, i32
  }
  func.func @transform_3(%arg0: i32) -> (i32, i32, i32) {
    %c0_i32 = arith.constant 0 : i32
    %c0_i32_0 = arith.constant 0 : i32
    %c0_i32_1 = arith.constant 0 : i32
    return %arg0, %c0_i32, %c0_i32_0 : i32, i32, i32
  }
  func.func @transform_4(%arg0: i32) -> (i32, i32, i32) {
    %c0_i32 = arith.constant 0 : i32
    %c0_i32_0 = arith.constant 0 : i32
    %c0_i32_1 = arith.constant 0 : i32
    return %arg0, %c0_i32, %c0_i32_0 : i32, i32, i32
  }
  func.func @transform_5(%arg0: i32) -> (i32, i32, i32) {
    %c0_i32 = arith.constant 0 : i32
    %c0_i32_0 = arith.constant 0 : i32
    %c0_i32_1 = arith.constant 0 : i32
    return %arg0, %c0_i32, %c0_i32_0 : i32, i32, i32
  }
  func.func @transform_6(%arg0: i32) -> (i32, i32, i32) {
    %c0_i32 = arith.constant 0 : i32
    %c0_i32_0 = arith.constant 0 : i32
    %c0_i32_1 = arith.constant 0 : i32
    return %arg0, %c0_i32, %c0_i32_0 : i32, i32, i32
  }
  func.func @transform_7(%arg0: i32) -> (i32, i32, i32) {
    %c0_i32 = arith.constant 0 : i32
    %c0_i32_0 = arith.constant 0 : i32
    %c0_i32_1 = arith.constant 0 : i32
    return %arg0, %c0_i32, %c0_i32_0 : i32, i32, i32
  }
  func.func @transform_8(%arg0: i32) -> (i32, i32) {
    %c0_i32 = arith.constant 0 : i32
    %c0_i32_0 = arith.constant 0 : i32
    %c0_i32_1 = arith.constant 0 : i32
    return %c0_i32, %c0_i32_0 : i32, i32
  }
  func.func @transform_9(%arg0: i32) -> (i32, i32) {
    %c0_i32 = arith.constant 0 : i32
    %c0_i32_0 = arith.constant 0 : i32
    %c0_i32_1 = arith.constant 0 : i32
    return %c0_i32, %c0_i32_0 : i32, i32
  }
  func.func @transform_10(%arg0: i32) -> (i32, i32) {
    %c0_i32 = arith.constant 0 : i32
    %c0_i32_0 = arith.constant 0 : i32
    %c0_i32_1 = arith.constant 0 : i32
    return %c0_i32, %c0_i32_0 : i32, i32
  }
  func.func @transform_11(%arg0: i32) -> (i32, i32) {
    %c0_i32 = arith.constant 0 : i32
    %c0_i32_0 = arith.constant 0 : i32
    %c0_i32_1 = arith.constant 0 : i32
    return %c0_i32, %c0_i32_0 : i32, i32
  }
  func.func @transform_12(%arg0: i32) -> (i32, i32) {
    %c0_i32 = arith.constant 0 : i32
    %c0_i32_0 = arith.constant 0 : i32
    %c0_i32_1 = arith.constant 0 : i32
    return %c0_i32, %c0_i32_0 : i32, i32
  }
  func.func @transform_13(%arg0: i32) -> (i32, i32) {
    %c0_i32 = arith.constant 0 : i32
    %c0_i32_0 = arith.constant 0 : i32
    %c0_i32_1 = arith.constant 0 : i32
    return %c0_i32, %c0_i32_0 : i32, i32
  }
  func.func @transform_14(%arg0: i32) -> (i32, i32) {
    %c0_i32 = arith.constant 0 : i32
    %c0_i32_0 = arith.constant 0 : i32
    %c0_i32_1 = arith.constant 0 : i32
    return %c0_i32, %c0_i32_0 : i32, i32
  }
  func.func @transform_15(%arg0: i32) -> (i32, i32) {
    %c0_i32 = arith.constant 0 : i32
    %c0_i32_0 = arith.constant 0 : i32
    %c0_i32_1 = arith.constant 0 : i32
    return %c0_i32, %c0_i32_0 : i32, i32
  }
  func.func @transform_16(%arg0: i32) -> (i32, i32, i32) {
    %c0_i32 = arith.constant 0 : i32
    %c0_i32_0 = arith.constant 0 : i32
    %c0_i32_1 = arith.constant 0 : i32
    return %arg0, %c0_i32, %c0_i32_0 : i32, i32, i32
  }
}

module attributes {stable_mosaic.version = 14 : i64} {
  func.func @kern(%arg0: i32, %arg1: memref<1x1x410xf32, #tpu.memory_space<vmem>>, %arg2: memref<1x1x410xf32, #tpu.memory_space<vmem>>, %arg3: memref<1x1x410xf32, #tpu.memory_space<vmem>>, %arg4: memref<1x410x128xf32, #tpu.memory_space<vmem>>, %arg5: memref<1x2048x1xf32, #tpu.memory_space<vmem>>, %arg6: memref<1x2048x1xf32, #tpu.memory_space<vmem>>, %arg7: memref<1x2048x1xf32, #tpu.memory_space<vmem>>, %arg8: memref<1x2048x1xf32, #tpu.memory_space<vmem>>, %arg9: memref<129x128xf32, #tpu.memory_space<vmem>>, %arg10: memref<1x128xf32, #tpu.memory_space<vmem>>, %arg11: memref<1x128xf32, #tpu.memory_space<vmem>>, %arg12: memref<1x128xf32, #tpu.memory_space<vmem>>, %arg13: memref<128x128xf32, #tpu.memory_space<vmem>>, %arg14: memref<1x128xf32, #tpu.memory_space<vmem>>, %arg15: memref<1x128xf32, #tpu.memory_space<vmem>>, %arg16: memref<1x128xf32, #tpu.memory_space<vmem>>, %arg17: memref<128x128xf32, #tpu.memory_space<vmem>>, %arg18: memref<1x128xf32, #tpu.memory_space<vmem>>, %arg19: memref<1x128xf32, #tpu.memory_space<vmem>>, %arg20: memref<1x128xf32, #tpu.memory_space<vmem>>, %arg21: memref<128x128xf32, #tpu.memory_space<vmem>>, %arg22: memref<1x128xf32, #tpu.memory_space<vmem>>, %arg23: memref<128x128xf32, #tpu.memory_space<vmem>>, %arg24: memref<1x128xf32, #tpu.memory_space<vmem>>, %arg25: memref<128x13xf32, #tpu.memory_space<vmem>>, %arg26: memref<1x13xf32, #tpu.memory_space<vmem>>, %arg27: memref<1x2048x13xf32, #tpu.memory_space<vmem>>) attributes {dimension_semantics = [#tpu.dimension_semantics<arbitrary>], iteration_bounds = array<i64: 8>, scalar_prefetch = 0 : i64, scratch_operands = 0 : i64, tpu.core_type = #tpu.core_type<tc>, window_params = [{transform_indices = @transform_0, window_bounds = array<i64: 1, 1, 410>}, {transform_indices = @transform_1, window_bounds = array<i64: 1, 1, 410>}, {transform_indices = @transform_2, window_bounds = array<i64: 1, 1, 410>}, {transform_indices = @transform_3, window_bounds = array<i64: 1, 410, 128>}, {transform_indices = @transform_4, window_bounds = array<i64: 1, 2048, 1>}, {transform_indices = @transform_5, window_bounds = array<i64: 1, 2048, 1>}, {transform_indices = @transform_6, window_bounds = array<i64: 1, 2048, 1>}, {transform_indices = @transform_7, window_bounds = array<i64: 1, 2048, 1>}, {pipeline_mode = #tpu.pipeline_mode<synchronous>, transform_indices = @transform_8, window_bounds = array<i64: 129, 128>}, {pipeline_mode = #tpu.pipeline_mode<synchronous>, transform_indices = @transform_9, window_bounds = array<i64: 1, 128>}, {pipeline_mode = #tpu.pipeline_mode<synchronous>, transform_indices = @transform_10, window_bounds = array<i64: 1, 128>}, {pipeline_mode = #tpu.pipeline_mode<synchronous>, transform_indices = @transform_11, window_bounds = array<i64: 1, 128>}, {pipeline_mode = #tpu.pipeline_mode<synchronous>, transform_indices = @transform_12, window_bounds = array<i64: 128, 128>}, {pipeline_mode = #tpu.pipeline_mode<synchronous>, transform_indices = @transform_13, window_bounds = array<i64: 1, 128>}, {pipeline_mode = #tpu.pipeline_mode<synchronous>, transform_indices = @transform_14, window_bounds = array<i64: 1, 128>}, {pipeline_mode = #tpu.pipeline_mode<synchronous>, transform_indices = @transform_15, window_bounds = array<i64: 1, 128>}, {pipeline_mode = #tpu.pipeline_mode<synchronous>, transform_indices = @transform_16, window_bounds = array<i64: 128, 128>}, {pipeline_mode = #tpu.pipeline_mode<synchronous>, transform_indices = @transform_17, window_bounds = array<i64: 1, 128>}, {pipeline_mode = #tpu.pipeline_mode<synchronous>, transform_indices = @transform_18, window_bounds = array<i64: 1, 128>}, {pipeline_mode = #tpu.pipeline_mode<synchronous>, transform_indices = @transform_19, window_bounds = array<i64: 1, 128>}, {pipeline_mode = #tpu.pipeline_mode<synchronous>, transform_indices = @transform_20, window_bounds = array<i64: 128, 128>}, {pipeline_mode = #tpu.pipeline_mode<synchronous>, transform_indices = @transform_21, window_bounds = array<i64: 1, 128>}, {pipeline_mode = #tpu.pipeline_mode<synchronous>, transform_indices = @transform_22, window_bounds = array<i64: 128, 128>}, {pipeline_mode = #tpu.pipeline_mode<synchronous>, transform_indices = @transform_23, window_bounds = array<i64: 1, 128>}, {pipeline_mode = #tpu.pipeline_mode<synchronous>, transform_indices = @transform_24, window_bounds = array<i64: 128, 13>}, {pipeline_mode = #tpu.pipeline_mode<synchronous>, transform_indices = @transform_25, window_bounds = array<i64: 1, 13>}, {transform_indices = @transform_26, window_bounds = array<i64: 1, 2048, 13>}]} {
    %get3A = arith.constant 0 : index
    %get3A_0 = arith.constant 0 : index
    %get3A_1 = arith.constant 0 : index
    %get3A_2 = vector.load %arg1[%get3A, %get3A_0, %get3A_1] : memref<1x1x410xf32, #tpu.memory_space<vmem>>, vector<1x1x410xf32>
    %reshape3A = vector.shape_cast %get3A_2 : vector<1x1x410xf32> to vector<1x410xf32>
    %get3A_3 = arith.constant 0 : index
    %get3A_4 = arith.constant 0 : index
    %get3A_5 = arith.constant 0 : index
    %get3A_6 = vector.load %arg2[%get3A_3, %get3A_4, %get3A_5] : memref<1x1x410xf32, #tpu.memory_space<vmem>>, vector<1x1x410xf32>
    %reshape3A_7 = vector.shape_cast %get3A_6 : vector<1x1x410xf32> to vector<1x410xf32>
    %get3A_8 = arith.constant 0 : index
    %get3A_9 = arith.constant 0 : index
    %get3A_10 = arith.constant 0 : index
    %get3A_11 = vector.load %arg3[%get3A_8, %get3A_9, %get3A_10] : memref<1x1x410xf32, #tpu.memory_space<vmem>>, vector<1x1x410xf32>
    %reshape3A_12 = vector.shape_cast %get3A_11 : vector<1x1x410xf32> to vector<1x410xf32>
    %get3A_13 = arith.constant 0 : index
    %get3A_14 = arith.constant 0 : index
    %get3A_15 = arith.constant 0 : index
    %get3A_16 = vector.load %arg5[%get3A_13, %get3A_14, %get3A_15] : memref<1x2048x1xf32, #tpu.memory_space<vmem>>, vector<1x2048x1xf32>
    %reshape3A_17 = vector.shape_cast %get3A_16 : vector<1x2048x1xf32> to vector<2048x1xf32>
    %get3A_18 = arith.constant 0 : index
    %get3A_19 = arith.constant 0 : index
    %get3A_20 = arith.constant 0 : index
    %get3A_21 = vector.load %arg6[%get3A_18, %get3A_19, %get3A_20] : memref<1x2048x1xf32, #tpu.memory_space<vmem>>, vector<1x2048x1xf32>
    %reshape3A_22 = vector.shape_cast %get3A_21 : vector<1x2048x1xf32> to vector<2048x1xf32>
    %get3A_23 = arith.constant 0 : index
    %get3A_24 = arith.constant 0 : index
    %get3A_25 = arith.constant 0 : index
    %get3A_26 = vector.load %arg7[%get3A_23, %get3A_24, %get3A_25] : memref<1x2048x1xf32, #tpu.memory_space<vmem>>, vector<1x2048x1xf32>
    %reshape3A_27 = vector.shape_cast %get3A_26 : vector<1x2048x1xf32> to vector<2048x1xf32>
    %get3A_28 = arith.constant 0 : index
    %get3A_29 = arith.constant 0 : index
    %get3A_30 = arith.constant 0 : index
    %get3A_31 = vector.load %arg4[%get3A_28, %get3A_29, %get3A_30] : memref<1x410x128xf32, #tpu.memory_space<vmem>>, vector<1x410x128xf32>
    %reshape3A_32 = vector.shape_cast %get3A_31 : vector<1x410x128xf32> to vector<410x128xf32>
    %get3A_33 = arith.constant 0 : index
    %get3A_34 = arith.constant 0 : index
    %get3A_35 = arith.constant 0 : index
    %get3A_36 = vector.load %arg8[%get3A_33, %get3A_34, %get3A_35] : memref<1x2048x1xf32, #tpu.memory_space<vmem>>, vector<1x2048x1xf32>
    %reshape3A_37 = vector.shape_cast %get3A_36 : vector<1x2048x1xf32> to vector<2048x1xf32>
    %iota3A = tpu.iota {dimensions = array<i32: 1>} : vector<2048x410xi32>
    %sub3A = vector.broadcast %reshape3A_17 : vector<2048x1xf32> to vector<2048x410xf32>
    %sub3A_38 = vector.broadcast %reshape3A : vector<1x410xf32> to vector<2048x410xf32>
    %sub3A_39 = arith.subf %sub3A, %sub3A_38 : vector<2048x410xf32>
    %integer_pow3A = arith.mulf %sub3A_39, %sub3A_39 : vector<2048x410xf32>
    %sub3A_40 = vector.broadcast %reshape3A_22 : vector<2048x1xf32> to vector<2048x410xf32>
    %sub3A_41 = vector.broadcast %reshape3A_7 : vector<1x410xf32> to vector<2048x410xf32>
    %sub3A_42 = arith.subf %sub3A_40, %sub3A_41 : vector<2048x410xf32>
    %integer_pow3A_43 = arith.mulf %sub3A_42, %sub3A_42 : vector<2048x410xf32>
    %add3A = arith.addf %integer_pow3A, %integer_pow3A_43 : vector<2048x410xf32>
    %sub3A_44 = vector.broadcast %reshape3A_27 : vector<2048x1xf32> to vector<2048x410xf32>
    %sub3A_45 = vector.broadcast %reshape3A_12 : vector<1x410xf32> to vector<2048x410xf32>
    %sub3A_46 = arith.subf %sub3A_44, %sub3A_45 : vector<2048x410xf32>
    %integer_pow3A_47 = arith.mulf %sub3A_46, %sub3A_46 : vector<2048x410xf32>
    %add3A_48 = arith.addf %add3A, %integer_pow3A_47 : vector<2048x410xf32>
    %reduce_min3A = arith.constant dense<0x7F800000> : vector<2048xf32>
    %reduce_min3A_49 = vector.multi_reduction <minimumf>, %add3A_48, %reduce_min3A [1] : vector<2048x410xf32> to vector<2048xf32>
    %broadcast_in_dim3A = vector.shape_cast %reduce_min3A_49 : vector<2048xf32> to vector<2048x1xf32>
    %eq3A = vector.broadcast %broadcast_in_dim3A : vector<2048x1xf32> to vector<2048x410xf32>
    %eq3A_50 = arith.cmpf oeq, %add3A_48, %eq3A : vector<2048x410xf32>
    %jit3A = arith.constant 410 : i32
    %broadcast_in_dim3A_51 = vector.broadcast %jit3A : i32 to vector<2048x410xi32>
    %select_n3A = arith.select %eq3A_50, %iota3A, %broadcast_in_dim3A_51 : vector<2048x410xi1>, vector<2048x410xi32>
    %reduce_min3A_52 = arith.constant dense<2147483647> : vector<2048xi32>
    %reduce_min3A_53 = vector.multi_reduction <minsi>, %select_n3A, %reduce_min3A_52 [1] : vector<2048x410xi32> to vector<2048xi32>
    %broadcast_in_dim3A_54 = vector.shape_cast %reduce_min3A_53 : vector<2048xi32> to vector<2048x1xi32>
    %eq3A_55 = vector.broadcast %broadcast_in_dim3A_54 : vector<2048x1xi32> to vector<2048x410xi32>
    %eq3A_56 = arith.cmpi eq, %iota3A, %eq3A_55 : vector<2048x410xi32>
    %convert_element_type3A = arith.extui %eq3A_56 : vector<2048x410xi1> to vector<2048x410xi32>
    %convert_element_type3A_57 = arith.sitofp %convert_element_type3A : vector<2048x410xi32> to vector<2048x410xf32>
    %dot_general3A = arith.constant dense<0.000000e+00> : vector<2048x128xf32>
    %dot_general3A_58 = tpu.matmul %convert_element_type3A_57, %reshape3A_32, %dot_general3A {dimension_numbers = #tpu.dot_dimension_numbers<[1], [0], [0], [1], [0, 0, 1, 1], [], []>, transpose_lhs_hint = false} : vector<2048x410xf32>, vector<410x128xf32>, vector<2048x128xf32> -> vector<2048x128xf32>
    %max3A = arith.constant 1.000000e-16 : f32
    %max3A_59 = vector.broadcast %max3A : f32 to vector<2048x1xf32>
    %max3A_60 = arith.maximumf %broadcast_in_dim3A, %max3A_59 : vector<2048x1xf32>
    %div3A = arith.constant 1.000000e+00 : f32
    %div3A_61 = vector.broadcast %div3A : f32 to vector<2048x1xf32>
    %div3A_62 = arith.divf %div3A_61, %max3A_60 : vector<2048x1xf32>
    %eq3A_63 = vector.broadcast %broadcast_in_dim3A_54 : vector<2048x1xi32> to vector<2048x410xi32>
    %eq3A_64 = arith.cmpi eq, %iota3A, %eq3A_63 : vector<2048x410xi32>
    %jit3A_65 = arith.constant 3.000000e+38 : f32
    %broadcast_in_dim3A_66 = vector.broadcast %jit3A_65 : f32 to vector<2048x410xf32>
    %select_n3A_67 = arith.select %eq3A_64, %broadcast_in_dim3A_66, %add3A_48 : vector<2048x410xi1>, vector<2048x410xf32>
    %reduce_min3A_68 = arith.constant dense<0x7F800000> : vector<2048xf32>
    %reduce_min3A_69 = vector.multi_reduction <minimumf>, %select_n3A_67, %reduce_min3A_68 [1] : vector<2048x410xf32> to vector<2048xf32>
    %broadcast_in_dim3A_70 = vector.shape_cast %reduce_min3A_69 : vector<2048xf32> to vector<2048x1xf32>
    %eq3A_71 = vector.broadcast %broadcast_in_dim3A_70 : vector<2048x1xf32> to vector<2048x410xf32>
    %eq3A_72 = arith.cmpf oeq, %select_n3A_67, %eq3A_71 : vector<2048x410xf32>
    %jit3A_73 = arith.constant 410 : i32
    %broadcast_in_dim3A_74 = vector.broadcast %jit3A_73 : i32 to vector<2048x410xi32>
    %select_n3A_75 = arith.select %eq3A_72, %iota3A, %broadcast_in_dim3A_74 : vector<2048x410xi1>, vector<2048x410xi32>
    %reduce_min3A_76 = arith.constant dense<2147483647> : vector<2048xi32>
    %reduce_min3A_77 = vector.multi_reduction <minsi>, %select_n3A_75, %reduce_min3A_76 [1] : vector<2048x410xi32> to vector<2048xi32>
    %broadcast_in_dim3A_78 = vector.shape_cast %reduce_min3A_77 : vector<2048xi32> to vector<2048x1xi32>
    %eq3A_79 = vector.broadcast %broadcast_in_dim3A_78 : vector<2048x1xi32> to vector<2048x410xi32>
    %eq3A_80 = arith.cmpi eq, %iota3A, %eq3A_79 : vector<2048x410xi32>
    %convert_element_type3A_81 = arith.extui %eq3A_80 : vector<2048x410xi1> to vector<2048x410xi32>
    %convert_element_type3A_82 = arith.sitofp %convert_element_type3A_81 : vector<2048x410xi32> to vector<2048x410xf32>
    %dot_general3A_83 = arith.constant dense<0.000000e+00> : vector<2048x128xf32>
    %dot_general3A_84 = tpu.matmul %convert_element_type3A_82, %reshape3A_32, %dot_general3A_83 {dimension_numbers = #tpu.dot_dimension_numbers<[1], [0], [0], [1], [0, 0, 1, 1], [], []>, transpose_lhs_hint = false} : vector<2048x410xf32>, vector<410x128xf32>, vector<2048x128xf32> -> vector<2048x128xf32>
    %max3A_85 = arith.constant 1.000000e-16 : f32
    %max3A_86 = vector.broadcast %max3A_85 : f32 to vector<2048x1xf32>
    %max3A_87 = arith.maximumf %broadcast_in_dim3A_70, %max3A_86 : vector<2048x1xf32>
    %div3A_88 = arith.constant 1.000000e+00 : f32
    %div3A_89 = vector.broadcast %div3A_88 : f32 to vector<2048x1xf32>
    %div3A_90 = arith.divf %div3A_89, %max3A_87 : vector<2048x1xf32>
    %eq3A_91 = vector.broadcast %broadcast_in_dim3A_78 : vector<2048x1xi32> to vector<2048x410xi32>
    %eq3A_92 = arith.cmpi eq, %iota3A, %eq3A_91 : vector<2048x410xi32>
    %jit3A_93 = arith.constant 3.000000e+38 : f32
    %broadcast_in_dim3A_94 = vector.broadcast %jit3A_93 : f32 to vector<2048x410xf32>
    %select_n3A_95 = arith.select %eq3A_92, %broadcast_in_dim3A_94, %select_n3A_67 : vector<2048x410xi1>, vector<2048x410xf32>
    %reduce_min3A_96 = arith.constant dense<0x7F800000> : vector<2048xf32>
    %reduce_min3A_97 = vector.multi_reduction <minimumf>, %select_n3A_95, %reduce_min3A_96 [1] : vector<2048x410xf32> to vector<2048xf32>
    %broadcast_in_dim3A_98 = vector.shape_cast %reduce_min3A_97 : vector<2048xf32> to vector<2048x1xf32>
    %eq3A_99 = vector.broadcast %broadcast_in_dim3A_98 : vector<2048x1xf32> to vector<2048x410xf32>
    %eq3A_100 = arith.cmpf oeq, %select_n3A_95, %eq3A_99 : vector<2048x410xf32>
    %jit3A_101 = arith.constant 410 : i32
    %broadcast_in_dim3A_102 = vector.broadcast %jit3A_101 : i32 to vector<2048x410xi32>
    %select_n3A_103 = arith.select %eq3A_100, %iota3A, %broadcast_in_dim3A_102 : vector<2048x410xi1>, vector<2048x410xi32>
    %reduce_min3A_104 = arith.constant dense<2147483647> : vector<2048xi32>
    %reduce_min3A_105 = vector.multi_reduction <minsi>, %select_n3A_103, %reduce_min3A_104 [1] : vector<2048x410xi32> to vector<2048xi32>
    %broadcast_in_dim3A_106 = vector.shape_cast %reduce_min3A_105 : vector<2048xi32> to vector<2048x1xi32>
    %eq3A_107 = vector.broadcast %broadcast_in_dim3A_106 : vector<2048x1xi32> to vector<2048x410xi32>
    %eq3A_108 = arith.cmpi eq, %iota3A, %eq3A_107 : vector<2048x410xi32>
    %convert_element_type3A_109 = arith.extui %eq3A_108 : vector<2048x410xi1> to vector<2048x410xi32>
    %convert_element_type3A_110 = arith.sitofp %convert_element_type3A_109 : vector<2048x410xi32> to vector<2048x410xf32>
    %dot_general3A_111 = arith.constant dense<0.000000e+00> : vector<2048x128xf32>
    %dot_general3A_112 = tpu.matmul %convert_element_type3A_110, %reshape3A_32, %dot_general3A_111 {dimension_numbers = #tpu.dot_dimension_numbers<[1], [0], [0], [1], [0, 0, 1, 1], [], []>, transpose_lhs_hint = false} : vector<2048x410xf32>, vector<410x128xf32>, vector<2048x128xf32> -> vector<2048x128xf32>
    %max3A_113 = arith.constant 1.000000e-16 : f32
    %max3A_114 = vector.broadcast %max3A_113 : f32 to vector<2048x1xf32>
    %max3A_115 = arith.maximumf %broadcast_in_dim3A_98, %max3A_114 : vector<2048x1xf32>
    %div3A_116 = arith.constant 1.000000e+00 : f32
    %div3A_117 = vector.broadcast %div3A_116 : f32 to vector<2048x1xf32>
    %div3A_118 = arith.divf %div3A_117, %max3A_115 : vector<2048x1xf32>
    %add3A_119 = arith.addf %div3A_62, %div3A_90 : vector<2048x1xf32>
    %add3A_120 = arith.addf %add3A_119, %div3A_118 : vector<2048x1xf32>
    %div3A_121 = arith.divf %div3A_62, %add3A_120 : vector<2048x1xf32>
    %mul3A = vector.broadcast %div3A_121 : vector<2048x1xf32> to vector<2048x128xf32>
    %mul3A_122 = arith.mulf %dot_general3A_58, %mul3A : vector<2048x128xf32>
    %div3A_123 = arith.divf %div3A_90, %add3A_120 : vector<2048x1xf32>
    %mul3A_124 = vector.broadcast %div3A_123 : vector<2048x1xf32> to vector<2048x128xf32>
    %mul3A_125 = arith.mulf %dot_general3A_84, %mul3A_124 : vector<2048x128xf32>
    %add3A_126 = arith.addf %mul3A_122, %mul3A_125 : vector<2048x128xf32>
    %div3A_127 = arith.divf %div3A_118, %add3A_120 : vector<2048x1xf32>
    %mul3A_128 = vector.broadcast %div3A_127 : vector<2048x1xf32> to vector<2048x128xf32>
    %mul3A_129 = arith.mulf %dot_general3A_112, %mul3A_128 : vector<2048x128xf32>
    %add3A_130 = arith.addf %add3A_126, %mul3A_129 : vector<2048x128xf32>
    %get3A_131 = arith.constant 0 : index
    %get3A_132 = arith.constant 0 : index
    %get3A_133 = vector.load %arg9[%get3A_131, %get3A_132] : memref<129x128xf32, #tpu.memory_space<vmem>>, vector<129x128xf32>
    %get3A_134 = arith.constant 0 : index
    %get3A_135 = arith.constant 0 : index
    %get3A_136 = vector.load %arg10[%get3A_134, %get3A_135] : memref<1x128xf32, #tpu.memory_space<vmem>>, vector<1x128xf32>
    %get3A_137 = arith.constant 0 : index
    %get3A_138 = arith.constant 0 : index
    %get3A_139 = vector.load %arg11[%get3A_137, %get3A_138] : memref<1x128xf32, #tpu.memory_space<vmem>>, vector<1x128xf32>
    %get3A_140 = arith.constant 0 : index
    %get3A_141 = arith.constant 0 : index
    %get3A_142 = vector.load %arg12[%get3A_140, %get3A_141] : memref<1x128xf32, #tpu.memory_space<vmem>>, vector<1x128xf32>
    %slice3A = vector.extract_strided_slice %get3A_133 {offsets = [0, 0], sizes = [128, 128], strides = [1, 1]} : vector<129x128xf32> to vector<128x128xf32>
    %dot_general3A_143 = arith.constant dense<0.000000e+00> : vector<2048x128xf32>
    %dot_general3A_144 = tpu.matmul %add3A_130, %slice3A, %dot_general3A_143 {dimension_numbers = #tpu.dot_dimension_numbers<[1], [0], [0], [1], [0, 0, 1, 1], [], []>, transpose_lhs_hint = false} : vector<2048x128xf32>, vector<128x128xf32>, vector<2048x128xf32> -> vector<2048x128xf32>
    %slice3A_145 = vector.extract_strided_slice %get3A_133 {offsets = [128, 0], sizes = [1, 128], strides = [1, 1]} : vector<129x128xf32> to vector<1x128xf32>
    %dot_general3A_146 = arith.constant dense<0.000000e+00> : vector<2048x128xf32>
    %dot_general3A_147 = tpu.matmul %reshape3A_37, %slice3A_145, %dot_general3A_146 {dimension_numbers = #tpu.dot_dimension_numbers<[1], [0], [0], [1], [0, 0, 1, 1], [], []>, transpose_lhs_hint = false} : vector<2048x1xf32>, vector<1x128xf32>, vector<2048x128xf32> -> vector<2048x128xf32>
    %add3A_148 = arith.addf %dot_general3A_144, %dot_general3A_147 : vector<2048x128xf32>
    %add3A_149 = vector.broadcast %get3A_136 : vector<1x128xf32> to vector<2048x128xf32>
    %add3A_150 = arith.addf %add3A_148, %add3A_149 : vector<2048x128xf32>
    %max3A_151 = arith.constant 0.000000e+00 : f32
    %max3A_152 = vector.broadcast %max3A_151 : f32 to vector<2048x128xf32>
    %max3A_153 = arith.maximumf %add3A_150, %max3A_152 : vector<2048x128xf32>
    %mul3A_154 = arith.constant 0.999994993 : f32
    %mul3A_155 = vector.broadcast %mul3A_154 : f32 to vector<1x128xf32>
    %mul3A_156 = arith.mulf %mul3A_155, %get3A_139 : vector<1x128xf32>
    %mul3A_157 = vector.broadcast %mul3A_156 : vector<1x128xf32> to vector<2048x128xf32>
    %mul3A_158 = arith.mulf %max3A_153, %mul3A_157 : vector<2048x128xf32>
    %add3A_159 = vector.broadcast %get3A_142 : vector<1x128xf32> to vector<2048x128xf32>
    %add3A_160 = arith.addf %mul3A_158, %add3A_159 : vector<2048x128xf32>
    %get3A_161 = arith.constant 0 : index
    %get3A_162 = arith.constant 0 : index
    %get3A_163 = vector.load %arg13[%get3A_161, %get3A_162] : memref<128x128xf32, #tpu.memory_space<vmem>>, vector<128x128xf32>
    %get3A_164 = arith.constant 0 : index
    %get3A_165 = arith.constant 0 : index
    %get3A_166 = vector.load %arg14[%get3A_164, %get3A_165] : memref<1x128xf32, #tpu.memory_space<vmem>>, vector<1x128xf32>
    %get3A_167 = arith.constant 0 : index
    %get3A_168 = arith.constant 0 : index
    %get3A_169 = vector.load %arg15[%get3A_167, %get3A_168] : memref<1x128xf32, #tpu.memory_space<vmem>>, vector<1x128xf32>
    %get3A_170 = arith.constant 0 : index
    %get3A_171 = arith.constant 0 : index
    %get3A_172 = vector.load %arg16[%get3A_170, %get3A_171] : memref<1x128xf32, #tpu.memory_space<vmem>>, vector<1x128xf32>
    %dot_general3A_173 = arith.constant dense<0.000000e+00> : vector<2048x128xf32>
    %dot_general3A_174 = tpu.matmul %add3A_160, %get3A_163, %dot_general3A_173 {dimension_numbers = #tpu.dot_dimension_numbers<[1], [0], [0], [1], [0, 0, 1, 1], [], []>, transpose_lhs_hint = false} : vector<2048x128xf32>, vector<128x128xf32>, vector<2048x128xf32> -> vector<2048x128xf32>
    %add3A_175 = vector.broadcast %get3A_166 : vector<1x128xf32> to vector<2048x128xf32>
    %add3A_176 = arith.addf %dot_general3A_174, %add3A_175 : vector<2048x128xf32>
    %max3A_177 = arith.constant 0.000000e+00 : f32
    %max3A_178 = vector.broadcast %max3A_177 : f32 to vector<2048x128xf32>
    %max3A_179 = arith.maximumf %add3A_176, %max3A_178 : vector<2048x128xf32>
    %mul3A_180 = arith.constant 0.999994993 : f32
    %mul3A_181 = vector.broadcast %mul3A_180 : f32 to vector<1x128xf32>
    %mul3A_182 = arith.mulf %mul3A_181, %get3A_169 : vector<1x128xf32>
    %mul3A_183 = vector.broadcast %mul3A_182 : vector<1x128xf32> to vector<2048x128xf32>
    %mul3A_184 = arith.mulf %max3A_179, %mul3A_183 : vector<2048x128xf32>
    %add3A_185 = vector.broadcast %get3A_172 : vector<1x128xf32> to vector<2048x128xf32>
    %add3A_186 = arith.addf %mul3A_184, %add3A_185 : vector<2048x128xf32>
    %get3A_187 = arith.constant 0 : index
    %get3A_188 = arith.constant 0 : index
    %get3A_189 = vector.load %arg17[%get3A_187, %get3A_188] : memref<128x128xf32, #tpu.memory_space<vmem>>, vector<128x128xf32>
    %get3A_190 = arith.constant 0 : index
    %get3A_191 = arith.constant 0 : index
    %get3A_192 = vector.load %arg18[%get3A_190, %get3A_191] : memref<1x128xf32, #tpu.memory_space<vmem>>, vector<1x128xf32>
    %get3A_193 = arith.constant 0 : index
    %get3A_194 = arith.constant 0 : index
    %get3A_195 = vector.load %arg19[%get3A_193, %get3A_194] : memref<1x128xf32, #tpu.memory_space<vmem>>, vector<1x128xf32>
    %get3A_196 = arith.constant 0 : index
    %get3A_197 = arith.constant 0 : index
    %get3A_198 = vector.load %arg20[%get3A_196, %get3A_197] : memref<1x128xf32, #tpu.memory_space<vmem>>, vector<1x128xf32>
    %dot_general3A_199 = arith.constant dense<0.000000e+00> : vector<2048x128xf32>
    %dot_general3A_200 = tpu.matmul %add3A_186, %get3A_189, %dot_general3A_199 {dimension_numbers = #tpu.dot_dimension_numbers<[1], [0], [0], [1], [0, 0, 1, 1], [], []>, transpose_lhs_hint = false} : vector<2048x128xf32>, vector<128x128xf32>, vector<2048x128xf32> -> vector<2048x128xf32>
    %add3A_201 = vector.broadcast %get3A_192 : vector<1x128xf32> to vector<2048x128xf32>
    %add3A_202 = arith.addf %dot_general3A_200, %add3A_201 : vector<2048x128xf32>
    %max3A_203 = arith.constant 0.000000e+00 : f32
    %max3A_204 = vector.broadcast %max3A_203 : f32 to vector<2048x128xf32>
    %max3A_205 = arith.maximumf %add3A_202, %max3A_204 : vector<2048x128xf32>
    %mul3A_206 = arith.constant 0.999994993 : f32
    %mul3A_207 = vector.broadcast %mul3A_206 : f32 to vector<1x128xf32>
    %mul3A_208 = arith.mulf %mul3A_207, %get3A_195 : vector<1x128xf32>
    %mul3A_209 = vector.broadcast %mul3A_208 : vector<1x128xf32> to vector<2048x128xf32>
    %mul3A_210 = arith.mulf %max3A_205, %mul3A_209 : vector<2048x128xf32>
    %add3A_211 = vector.broadcast %get3A_198 : vector<1x128xf32> to vector<2048x128xf32>
    %add3A_212 = arith.addf %mul3A_210, %add3A_211 : vector<2048x128xf32>
    %get3A_213 = arith.constant 0 : index
    %get3A_214 = arith.constant 0 : index
    %get3A_215 = vector.load %arg21[%get3A_213, %get3A_214] : memref<128x128xf32, #tpu.memory_space<vmem>>, vector<128x128xf32>
    %get3A_216 = arith.constant 0 : index
    %get3A_217 = arith.constant 0 : index
    %get3A_218 = vector.load %arg22[%get3A_216, %get3A_217] : memref<1x128xf32, #tpu.memory_space<vmem>>, vector<1x128xf32>
    %dot_general3A_219 = arith.constant dense<0.000000e+00> : vector<2048x128xf32>
    %dot_general3A_220 = tpu.matmul %add3A_212, %get3A_215, %dot_general3A_219 {dimension_numbers = #tpu.dot_dimension_numbers<[1], [0], [0], [1], [0, 0, 1, 1], [], []>, transpose_lhs_hint = false} : vector<2048x128xf32>, vector<128x128xf32>, vector<2048x128xf32> -> vector<2048x128xf32>
    %add3A_221 = vector.broadcast %get3A_218 : vector<1x128xf32> to vector<2048x128xf32>
    %add3A_222 = arith.addf %dot_general3A_220, %add3A_221 : vector<2048x128xf32>
    %max3A_223 = arith.constant 0.000000e+00 : f32
    %max3A_224 = vector.broadcast %max3A_223 : f32 to vector<2048x128xf32>
    %max3A_225 = arith.maximumf %add3A_222, %max3A_224 : vector<2048x128xf32>
    %get3A_226 = arith.constant 0 : index
    %get3A_227 = arith.constant 0 : index
    %get3A_228 = vector.load %arg23[%get3A_226, %get3A_227] : memref<128x128xf32, #tpu.memory_space<vmem>>, vector<128x128xf32>
    %get3A_229 = arith.constant 0 : index
    %get3A_230 = arith.constant 0 : index
    %get3A_231 = vector.load %arg24[%get3A_229, %get3A_230] : memref<1x128xf32, #tpu.memory_space<vmem>>, vector<1x128xf32>
    %dot_general3A_232 = arith.constant dense<0.000000e+00> : vector<2048x128xf32>
    %dot_general3A_233 = tpu.matmul %max3A_225, %get3A_228, %dot_general3A_232 {dimension_numbers = #tpu.dot_dimension_numbers<[1], [0], [0], [1], [0, 0, 1, 1], [], []>, transpose_lhs_hint = false} : vector<2048x128xf32>, vector<128x128xf32>, vector<2048x128xf32> -> vector<2048x128xf32>
    %add3A_234 = vector.broadcast %get3A_231 : vector<1x128xf32> to vector<2048x128xf32>
    %add3A_235 = arith.addf %dot_general3A_233, %add3A_234 : vector<2048x128xf32>
    %get3A_236 = arith.constant 0 : index
    %get3A_237 = arith.constant 0 : index
    %get3A_238 = vector.load %arg25[%get3A_236, %get3A_237] : memref<128x13xf32, #tpu.memory_space<vmem>>, vector<128x13xf32>
    %get3A_239 = arith.constant 0 : index
    %get3A_240 = arith.constant 0 : index
    %get3A_241 = vector.load %arg26[%get3A_239, %get3A_240] : memref<1x13xf32, #tpu.memory_space<vmem>>, vector<1x13xf32>
    %dot_general3A_242 = arith.constant dense<0.000000e+00> : vector<2048x13xf32>
    %dot_general3A_243 = tpu.matmul %add3A_235, %get3A_238, %dot_general3A_242 {dimension_numbers = #tpu.dot_dimension_numbers<[1], [0], [0], [1], [0, 0, 1, 1], [], []>, transpose_lhs_hint = false} : vector<2048x128xf32>, vector<128x13xf32>, vector<2048x13xf32> -> vector<2048x13xf32>
    %add3A_244 = vector.broadcast %get3A_241 : vector<1x13xf32> to vector<2048x13xf32>
    %add3A_245 = arith.addf %dot_general3A_243, %add3A_244 : vector<2048x13xf32>
    %reshape3A_246 = vector.shape_cast %add3A_245 : vector<2048x13xf32> to vector<1x2048x13xf32>
    %swap3A = arith.constant 0 : index
    %swap3A_247 = arith.constant 0 : index
    %swap3A_248 = arith.constant 0 : index
    %swap3A_249 = vector.load %arg27[%swap3A, %swap3A_247, %swap3A_248] : memref<1x2048x13xf32, #tpu.memory_space<vmem>>, vector<1x2048x13xf32>
    tpu.vector_store %arg27[%swap3A, %swap3A_247, %swap3A_248], %reshape3A_246 {strides = array<i32>} : memref<1x2048x13xf32, #tpu.memory_space<vmem>>, vector<1x2048x13xf32>,
    return
  }
  func.func @transform_0(%arg0: i32) -> (i32, i32, i32) {
    %c0_i32 = arith.constant 0 : i32
    %c0_i32_0 = arith.constant 0 : i32
    %c0_i32_1 = arith.constant 0 : i32
    return %arg0, %c0_i32, %c0_i32_0 : i32, i32, i32
  }
  func.func @transform_1(%arg0: i32) -> (i32, i32, i32) {
    %c0_i32 = arith.constant 0 : i32
    %c0_i32_0 = arith.constant 0 : i32
    %c0_i32_1 = arith.constant 0 : i32
    return %arg0, %c0_i32, %c0_i32_0 : i32, i32, i32
  }
  func.func @transform_2(%arg0: i32) -> (i32, i32, i32) {
    %c0_i32 = arith.constant 0 : i32
    %c0_i32_0 = arith.constant 0 : i32
    %c0_i32_1 = arith.constant 0 : i32
    return %arg0, %c0_i32, %c0_i32_0 : i32, i32, i32
  }
  func.func @transform_3(%arg0: i32) -> (i32, i32, i32) {
    %c0_i32 = arith.constant 0 : i32
    %c0_i32_0 = arith.constant 0 : i32
    %c0_i32_1 = arith.constant 0 : i32
    return %arg0, %c0_i32, %c0_i32_0 : i32, i32, i32
  }
  func.func @transform_4(%arg0: i32) -> (i32, i32, i32) {
    %c0_i32 = arith.constant 0 : i32
    %c0_i32_0 = arith.constant 0 : i32
    %c0_i32_1 = arith.constant 0 : i32
    return %arg0, %c0_i32, %c0_i32_0 : i32, i32, i32
  }
  func.func @transform_5(%arg0: i32) -> (i32, i32, i32) {
    %c0_i32 = arith.constant 0 : i32
    %c0_i32_0 = arith.constant 0 : i32
    %c0_i32_1 = arith.constant 0 : i32
    return %arg0, %c0_i32, %c0_i32_0 : i32, i32, i32
  }
  func.func @transform_6(%arg0: i32) -> (i32, i32, i32) {
    %c0_i32 = arith.constant 0 : i32
    %c0_i32_0 = arith.constant 0 : i32
    %c0_i32_1 = arith.constant 0 : i32
    return %arg0, %c0_i32, %c0_i32_0 : i32, i32, i32
  }
  func.func @transform_7(%arg0: i32) -> (i32, i32, i32) {
    %c0_i32 = arith.constant 0 : i32
    %c0_i32_0 = arith.constant 0 : i32
    %c0_i32_1 = arith.constant 0 : i32
    return %arg0, %c0_i32, %c0_i32_0 : i32, i32, i32
  }
  func.func @transform_8(%arg0: i32) -> (i32, i32) {
    %c0_i32 = arith.constant 0 : i32
    %c0_i32_0 = arith.constant 0 : i32
    %c0_i32_1 = arith.constant 0 : i32
    return %c0_i32, %c0_i32_0 : i32, i32
  }
  func.func @transform_9(%arg0: i32) -> (i32, i32) {
    %c0_i32 = arith.constant 0 : i32
    %c0_i32_0 = arith.constant 0 : i32
    %c0_i32_1 = arith.constant 0 : i32
    return %c0_i32, %c0_i32_0 : i32, i32
  }
  func.func @transform_10(%arg0: i32) -> (i32, i32) {
    %c0_i32 = arith.constant 0 : i32
    %c0_i32_0 = arith.constant 0 : i32
    %c0_i32_1 = arith.constant 0 : i32
    return %c0_i32, %c0_i32_0 : i32, i32
  }
  func.func @transform_11(%arg0: i32) -> (i32, i32) {
    %c0_i32 = arith.constant 0 : i32
    %c0_i32_0 = arith.constant 0 : i32
    %c0_i32_1 = arith.constant 0 : i32
    return %c0_i32, %c0_i32_0 : i32, i32
  }
  func.func @transform_12(%arg0: i32) -> (i32, i32) {
    %c0_i32 = arith.constant 0 : i32
    %c0_i32_0 = arith.constant 0 : i32
    %c0_i32_1 = arith.constant 0 : i32
    return %c0_i32, %c0_i32_0 : i32, i32
  }
  func.func @transform_13(%arg0: i32) -> (i32, i32) {
    %c0_i32 = arith.constant 0 : i32
    %c0_i32_0 = arith.constant 0 : i32
    %c0_i32_1 = arith.constant 0 : i32
    return %c0_i32, %c0_i32_0 : i32, i32
  }
  func.func @transform_14(%arg0: i32) -> (i32, i32) {
    %c0_i32 = arith.constant 0 : i32
    %c0_i32_0 = arith.constant 0 : i32
    %c0_i32_1 = arith.constant 0 : i32
    return %c0_i32, %c0_i32_0 : i32, i32
  }
  func.func @transform_15(%arg0: i32) -> (i32, i32) {
    %c0_i32 = arith.constant 0 : i32
    %c0_i32_0 = arith.constant 0 : i32
    %c0_i32_1 = arith.constant 0 : i32
    return %c0_i32, %c0_i32_0 : i32, i32
  }
  func.func @transform_16(%arg0: i32) -> (i32, i32) {
    %c0_i32 = arith.constant 0 : i32
    %c0_i32_0 = arith.constant 0 : i32
    %c0_i32_1 = arith.constant 0 : i32
    return %c0_i32, %c0_i32_0 : i32, i32
  }
  func.func @transform_17(%arg0: i32) -> (i32, i32) {
    %c0_i32 = arith.constant 0 : i32
    %c0_i32_0 = arith.constant 0 : i32
    %c0_i32_1 = arith.constant 0 : i32
    return %c0_i32, %c0_i32_0 : i32, i32
  }
  func.func @transform_18(%arg0: i32) -> (i32, i32) {
    %c0_i32 = arith.constant 0 : i32
    %c0_i32_0 = arith.constant 0 : i32
    %c0_i32_1 = arith.constant 0 : i32
    return %c0_i32, %c0_i32_0 : i32, i32
  }
  func.func @transform_19(%arg0: i32) -> (i32, i32) {
    %c0_i32 = arith.constant 0 : i32
    %c0_i32_0 = arith.constant 0 : i32
    %c0_i32_1 = arith.constant 0 : i32
    return %c0_i32, %c0_i32_0 : i32, i32
  }
  func.func @transform_20(%arg0: i32) -> (i32, i32) {
    %c0_i32 = arith.constant 0 : i32
    %c0_i32_0 = arith.constant 0 : i32
    %c0_i32_1 = arith.constant 0 : i32
    return %c0_i32, %c0_i32_0 : i32, i32
  }
  func.func @transform_21(%arg0: i32) -> (i32, i32) {
    %c0_i32 = arith.constant 0 : i32
    %c0_i32_0 = arith.constant 0 : i32
    %c0_i32_1 = arith.constant 0 : i32
    return %c0_i32, %c0_i32_0 : i32, i32
  }
  func.func @transform_22(%arg0: i32) -> (i32, i32) {
    %c0_i32 = arith.constant 0 : i32
    %c0_i32_0 = arith.constant 0 : i32
    %c0_i32_1 = arith.constant 0 : i32
    return %c0_i32, %c0_i32_0 : i32, i32
  }
  func.func @transform_23(%arg0: i32) -> (i32, i32) {
    %c0_i32 = arith.constant 0 : i32
    %c0_i32_0 = arith.constant 0 : i32
    %c0_i32_1 = arith.constant 0 : i32
    return %c0_i32, %c0_i32_0 : i32, i32
  }
  func.func @transform_24(%arg0: i32) -> (i32, i32) {
    %c0_i32 = arith.constant 0 : i32
    %c0_i32_0 = arith.constant 0 : i32
    %c0_i32_1 = arith.constant 0 : i32
    return %c0_i32, %c0_i32_0 : i32, i32
  }
  func.func @transform_25(%arg0: i32) -> (i32, i32) {
    %c0_i32 = arith.constant 0 : i32
    %c0_i32_0 = arith.constant 0 : i32
    %c0_i32_1 = arith.constant 0 : i32
    return %c0_i32, %c0_i32_0 : i32, i32
  }
  func.func @transform_26(%arg0: i32) -> (i32, i32, i32) {
    %c0_i32 = arith.constant 0 : i32
    %c0_i32_0 = arith.constant 0 : i32
    %c0_i32_1 = arith.constant 0 : i32
    return %arg0, %c0_i32, %c0_i32_0 : i32, i32, i32
  }
}

</mosaic_0001>

<sc_bundles>
// kernel: kernel.9.cloned.1.call-start
scs
__scs_entry_jumppad:
0x0: {  	(pc) =	sbr.rel $0x88, $3  }
0x1: {  	(tag) =	ssettag $0x0;
	lr =	simm.s32 $0x1  }
0x2: {  	[smem:$0x3F58] =	sst lr;
	_ =	strace $0xD0000000  }
0x3: {  	_ = 	snop  }
0x4: {  	_ = 	snop  }
0x5: {  	_ = 	snop  }
0x6: {  	_ = 	snop  }
0x7: {  	_ = 	snop  }
__scs_overlays_trampoline_lowered:
0x8: {  	[smem:$0x3F67] =	sst s0  }
0x9: {  	[smem:$0x3F68] =	sst s1  }
0xa: {  	[smem:$0x3F69] =	sst s2  }
0xb: {  	[smem:$0x3F6A] =	sst s3  }
0xc: {  	[smem:$0x3F6B] =	sst s4  }
0xd: {  	[smem:$0x3F6C] =	sst s5  }
0xe: {  	[smem:$0x3F6D] =	sst s6  }
0xf: {  	[smem:$0x3F6E] =	sst s7  }
0x10: {  	[smem:$0x3F6F] =	sst s8  }
0x11: {  	[smem:$0x3F70] =	sst s9;
	s0 =	simm.s32 @!p0 $0x0  }
0x12: {  	s1 =	sld [smem:$0x3F56];
	s0 =	simm.s32 @p0 $0x1  }
0x13: {  	[smem:$0x3F71] =	sst s0;
	s0 =	simm.s32 @!p1 $0x0  }
0x14: {  	s2 =	sld [smem:$0x3F55];
	s0 =	simm.s32 @p1 $0x1  }
0x15: {  	[smem:$0x3F72] =	sst s0;
	s0 =	simm.s32 @!p2 $0x0  }
0x16: {  	s3 =	sld [smem:$0x3FDB];
	s0 =	simm.s32 @p2 $0x1  }
0x17: {  	s4 =	simm.s32 $0x1BF5;
	[smem:$0x3F74] =	sst s0  }
0x18: {  	s0 =	sld [smem:$0x3F57];
	_ =	swait.ge [sflag:s4], $0x0  }
0x19: {  	s7 =	sld [smem:$0x3F58]  }
0x1a: {  	s8 =	sadd.s32 $0xFFFFE003, lr  }
0x1b: {  	s9 =	sadd.s32 $0xFFFFFEF7, lr;
	s5 =	simm.s32 $0xFFFFFFFF;
	p2 =	slt.u32 s8, $0xFFFFF086  }
0x1c: {  	p1 =	slt.u32 s9, $0xF7A;
	s5 =	simm.s32 @!p2 $0x0  }
0x1d: {  	s5 =	simm.s32 @p1 $0x1;
	p0 =	seq.s32 s7, s2  }
0x1e: {  	s7 =	smul.u32 @!p0 $0xF7A, s2;
	p2 =	seq.s32 @!p0 s5, $0x0  }
0x1f: {  	s9 =	smul.u32 $0xF7A, s1;
	s8 =	simm.s32 @!p0 $0x1BF5;
	p2 =	por !p2, p0  }
0x20: {  	[sflag:s8] =	ssyncset.s32 @!p0 $0xFFFFF086;
	s6 =	sadd.s32 @!p0 s3, s7;
	s7 =	simm.s32 @!p0 $0x108  }
0x21: {  	s3 =	sadd.s32 s3, s9;
	s6 =	sadd.s32 @!p0 $0x88, s6;
	s7 =	simm.s32 @p2 $0x1082  }
0x22: {  	[simem:s7], [sflag:s8] =	dma.local @!p0 [hbm:s6], $0xF7A  }
0x23: {  	s9 =	sor.u32 $0xD0000000, s2;
	s6 =	simm.s32 $0x108;
	_ =	swait.ge @!p0 [sflag:s8], $0x0  }
0x24: {  	s3 =	sadd.s32 $0x88, s3;
	s6 =	simm.s32 @!p1 $0x1082;
	[sflag:s4] =	ssyncset.s32 $0xFFFFF086  }
0x25: {  	[simem:s6], [sflag:s4] =	dma.local [hbm:s3], $0xF7A  }
0x26: {  	[smem:$0x3F58] =	sst s1;
	(tag) =	ssettag s2;
	_ =	strace s9  }
0x27: {  	s1 =	sld [smem:$0x3F68]  }
0x28: {  	s2 =	sld [smem:$0x3F69]  }
0x29: {  	s4 =	sld [smem:$0x3F6B]  }
0x2a: {  	p0 =	seq.s32 s5, $0x0;
	s5 =	sld [smem:$0x3F6C]  }
0x2b: {  	s6 =	sld [smem:$0x3F6D]  }
0x2c: {  	s7 =	sld [smem:$0x3F6E]  }
0x2d: {  	s3 =	simm.s32 $0x108;
	s8 =	sld [smem:$0x3F6F]  }
0x2e: {  	s3 =	simm.s32 @!p0 $0x1082;
	s9 =	sld [smem:$0x3F70]  }
0x2f: {  	lr =	sadd.s32 s0, s3;
	s0 =	sld [smem:$0x3F67]  }
0x30: {  	s3 =	sld [smem:$0x3F6A]  }
0x31: {  	[smem:$0x3F73] =	sst s10  }
0x32: {  	s10 =	sld [smem:$0x3F71];
	_ =	sdelay $0x3  }
0x33: {  	p0 =	seq.s32 s10, $0x1;
	s10 =	sld [smem:$0x3F73];
	_ =	sdelay $0x3  }
0x34: {  	[smem:$0x3F73] =	sst s10  }
0x35: {  	s10 =	sld [smem:$0x3F72];
	_ =	sdelay $0x3  }
0x36: {  	p1 =	seq.s32 s10, $0x1;
	s10 =	sld [smem:$0x3F73];
	_ =	sdelay $0x3  }
0x37: {  	[smem:$0x3F73] =	sst s10  }
0x38: {  	s10 =	sld [smem:$0x3F74]  }
0x39: {  	_ = 	snop;
	(pc) =	sbr.ind lr, $3  }
0x3a: {  	_ = 	snop  }
0x3b: {  	_ = 	snop  }
0x3c: {  	p2 =	seq.s32 s10, $0x1;
	s10 =	sld [smem:$0x3F73]  }
0x3d: {  	_ =	shalt  }
0x3e: {  	_ =	shalt  }
0x3f: {  	_ =	shalt  }
0x40: {  	_ =	shalt  }
0x41: {  	_ =	shalt  }
0x42: {  	_ =	shalt  }
0x43: {  	_ =	shalt  }
0x44: {  	_ =	shalt  }
0x45: {  	_ =	shalt  }
0x46: {  	_ =	shalt  }
0x47: {  	_ =	shalt  }
0x48: {  	_ =	shalt  }
0x49: {  	_ =	shalt  }
0x4a: {  	_ =	shalt  }
0x4b: {  	_ =	shalt  }
0x4c: {  	_ =	shalt  }
0x4d: {  	_ =	shalt  }
0x4e: {  	_ =	shalt  }
0x4f: {  	_ =	shalt  }
0x50: {  	_ =	shalt  }
0x51: {  	_ =	shalt  }
0x52: {  	_ =	shalt  }
0x53: {  	_ =	shalt  }
0x54: {  	_ =	shalt  }
0x55: {  	_ =	shalt  }
0x56: {  	_ =	shalt  }
0x57: {  	_ =	shalt  }
0x58: {  	_ =	shalt  }
0x59: {  	_ =	shalt  }
0x5a: {  	_ =	shalt  }
0x5b: {  	_ =	shalt  }
0x5c: {  	_ =	shalt  }
0x5d: {  	_ =	shalt  }
0x5e: {  	_ =	shalt  }
0x5f: {  	_ =	shalt  }
0x60: {  	_ =	shalt  }
0x61: {  	_ =	shalt  }
0x62: {  	_ =	shalt  }
0x63: {  	_ =	shalt  }
0x64: {  	_ =	shalt  }
0x65: {  	_ =	shalt  }
0x66: {  	_ =	shalt  }
0x67: {  	_ =	shalt  }
0x68: {  	_ =	shalt  }
0x69: {  	_ =	shalt  }
0x6a: {  	_ =	shalt  }
0x6b: {  	_ =	shalt  }
0x6c: {  	_ =	shalt  }
0x6d: {  	_ =	shalt  }
0x6e: {  	_ =	shalt  }
0x6f: {  	_ =	shalt  }
0x70: {  	_ =	shalt  }
0x71: {  	_ =	shalt  }
0x72: {  	_ =	shalt  }
0x73: {  	_ =	shalt  }
0x74: {  	_ =	shalt  }
0x75: {  	_ =	shalt  }
0x76: {  	_ =	shalt  }
0x77: {  	_ =	shalt  }
0x78: {  	_ =	shalt  }
0x79: {  	_ =	shalt  }
0x7a: {  	_ =	shalt  }
0x7b: {  	_ =	shalt  }
0x7c: {  	_ =	shalt  }
0x7d: {  	_ =	shalt  }
0x7e: {  	_ =	shalt  }
0x7f: {  	_ =	shalt  }
0x80: {  	_ =	shalt  }
0x81: {  	_ =	shalt  }
0x82: {  	_ =	shalt  }
0x83: {  	_ =	shalt  }
0x84: {  	_ =	shalt  }
0x85: {  	_ =	shalt  }
0x86: {  	_ =	shalt  }
0x87: {  	_ =	shalt  }
.Lfunc_end0:
.L_simem_size_0:
called_computation_lowered:
.L_overlay_start_0:
0x88: {  	s2 =	sld [smem:$0x3FD9]  }
0x89: {  	s3 =	sld [smem:$0x3FFE];
	_ =	sdelay $0x1  }
0x8a: {  	s1 =	srdreg.scid  }
0x8b: {  	s0 =	sand.u32 $0x1, s1  }
0x8c: {  	s17 =	sshll.u32 s0, $0xA;
	s2 =	sadd.s32 s3, s2  }
0x8d: {  	s2 =	sadd.s32 s2, s17  }
0x8e: {  	[smem:$0x3F7F] =	sst s2  }
0x8f: {  	_ = 	snop  }
0x90: {  	s2 =	sld [smem:$0x3FD0];
	(tm) =	ssettm $0x1  }
0x91: {  	s18 =	sld [smem:$0x3FFB];
	_ =	sdelay $0x3  }
0x92: {  	_ =	strace s18  }
0x93: {  	s3 =	sld [smem:$0x3FFC];
	_ =	sdelay $0x3  }
0x94: {  	_ =	strace s3  }
0x95: {  	s3 =	sld [smem:$0x3FFD];
	_ =	sdelay $0x3  }
0x96: {  	_ =	strace s3  }
0x97: {  	_ =	strace $0x8FFFFFFF  }
0x98: {  	s19 =	sld [smem:$0x3FDB];
	_ =	sdelay $0x1  }
0x99: {  	s4 =	simm.s32 $_scs_section_size  }
0x9a: {  	s5 =	simm.s32 $_size__tile_overlayer_lowered;
	s6 =	simm.s32 $_tile_overlayer_lowered  }
0x9b: {  	s22 =	simm.s32 $0x1BFF;
	s21 =	sshll.u32 s6, $0x1;
	s3 =	sadd.s32 s4, s19  }
0x9c: {  	s7 =	simm.s32 $0x0;
	s20 =	sshll.u32 s5, $0x1;
	s5 =	sadd.s32 s21, s3  }
0x9d: {  	[timem:s7], [sflag:s22] =	dma.local [hbm:s5], s20  }
0x9e: {  	_ =	swait.ge [sflag:s22], s20  }
0x9f: {  	s4 =	ssub.s32 $0x0, s20;
	[sflag:s22] =	ssyncset.done $0x0  }
0xa0: {  	[sflag:s22] =	ssyncadd.s32 s4;
	_ =	sdelay $0x1  }
0xa1: {  	s23 =	simm.s32 $0x1B8B  }
0xa2: {  	_ =	swait.ge [sflag:s23], $0x1  }
0xa3: {  	[sflag:s23] =	ssyncset.done $0x0  }
0xa4: {  	s25 =	simm.s32 $0x1B8E;
	s24 =	sld [smem:$0x3FFE];
	[sflag:s23] =	ssyncadd.s32 $0xFFFFFFFF  }
0xa5: {  	s26 =	simm.s32 $execute0_lowered;
	[smem:$0x3FD2] =	sst s25  }
0xa6: {  	s5 =	sshll.u32 s26, $0x1;
	_ =	strace $0x80000046;
	[dreg:$0x1] =	wrdreg $0xFFFFFFFF  }
0xa7: {  	s28 =	simm.s32 $_size_execute0_lowered;
	s3 =	sadd.s32 s3, s5;
	[dreg:$0x0] =	wrdreg $0x0  }
0xa8: {  	s5 =	sshll.u32 s28, $0x1;
	[dreg:$0x2] =	wrdreg s3  }
0xa9: {  	[dreg:$0x3] =	wrdreg s5  }
0xaa: {  	[dreg:$0x4] =	wrdreg $0xC0  }
0xab: {  	_ =	task [dreg:s7], $0x5FFFF  }
0xac: {  	[dreg:$0x1] =	wrdreg $0xFFFFFFFF  }
0xad: {  	[dreg:$0x0] =	wrdreg $0x60  }
0xae: {  	[dreg:$0x2] =	wrdreg s24  }
0xaf: {  	[dreg:$0x3] =	wrdreg s2  }
0xb0: {  	[dreg:$0x4] =	wrdreg $0x9  }
0xb1: {  	_ =	task.clear_ibuf [dreg:s7], $0x5FFFF;
	_ =	strace $0x90000046  }
0xb2: {  	s29 =	simm.s32 $0x9;
	_ =	strace $0x80000048  }
0xb3: {  	_ =	swait.ge [sflag:s29], $0x1  }
0xb4: {  	[sflag:s29] =	ssyncadd.s32 $0xFFFFFFFF  }
0xb5: {  	_ =	strace $0x90000048  }
0xb6: {  	_ =	sfence  }
0xb7: {  	s30 =	sld [smem:$0x0];
	_ =	sdelay $0x2  }
0xb8: {  	s31 =	sshll.u32 s1, $0xD;
	s1 =	sshrl.u32 s1, $0x2  }
0xb9: {  	s3 =	sand.u32 $0x4000, s31;
	s1 =	sadd.s32 s1, s30  }
0xba: {  	s0 =	sor.u32 s3, s0;
	s1 =	sshll.u32 s1, $0x11  }
0xbb: {  	s0 =	sor.u32 s1, s0  }
0xbc: {  	s0 =	sadd.s32 $0x8F2B, s0  }
0xbd: {  	[sflag:s0] =	ssyncadd.remote.s32 $0x1  }
0xbe: {  	_ =	sfence.sel $0xFFFF  }
0xbf: {  	[dreg:$0x0] =	wrdreg $0xFFFFFFFF;
	(pc) =	sbr.abs _section_cstart, $3  }
0xc0: {  	[dreg:$0x1] =	wrdreg $0xFFFFFFFF  }
0xc1: {  	_ =	task.clear_ibuf [dreg:s7], $0x2FFFF;
	_ =	strace $0x9FFFFFFF  }
0xc2: {  	(tm) =	ssettm $0x7FFFFFFF  }
0xc3: {  	_ =	shalt  }
tec
execute0_lowered:
.L_overlay_start_1:
0x0: {  	(tag) =	ssettag $0x1  }
0x1: {  	s0 =	srdreg.scid;
	s14 =	stileid.u32  }
0x2: {  	s1 =	sand.u32 $0x1, s0;
	s23 =	sshll.u32 s14, $0x1  }
0x3: {  	s0 =	sor.u32 s1, s23  }
0x4: {  	s3 =	rddreg [dreg:$0x0];
	s5 =	smul.u32 $0x340, s0  }
0x5: {  	s4 =	rddreg [dreg:$0x1];
	s2 =	simm.s32 $0x0;
	s6 =	smul.u32 $0x1A000, s0  }
0x6: {  	[smem:$0x7FF] =	sst s2;
	s7 =	sadd.s32 $0x170A00, s3;
	s0 =	smul.u32 $0xD0000, s0  }
0x7: {  	_ =	strace $0x80000047;
	s4 =	sadd.s32 s4, s5;
	s31 =	sadd.s32 s7, s6  }
0x8: {  	s0 =	sshrl.u32 s0, $0x3;
	[dreg:$0x3] =	wrdreg s4;
	s24 =	sadd.s32 $0xD00, s31  }
0x9: {  	s25 =	sadd.s32 $0x1A00, s31;
	s0 =	sadd.s32 s7, s0;
	[dreg:$0x4] =	wrdreg s24  }
0xa: {  	[dreg:$0x5] =	wrdreg s25;
	s26 =	sadd.s32 $0x2700, s0  }
0xb: {  	s5 =	sadd.s32 $0x3400, s0;
	[dreg:$0x6] =	wrdreg s26  }
0xc: {  	s6 =	sadd.s32 $0x4100, s0;
	[dreg:$0x7] =	wrdreg s5  }
0xd: {  	s7 =	sadd.s32 $0x4E00, s0;
	[dreg:$0x8] =	wrdreg s6  }
0xe: {  	s8 =	sadd.s32 $0x5B00, s0;
	[dreg:$0x9] =	wrdreg s7  }
0xf: {  	s9 =	sadd.s32 $0x6800, s0;
	[dreg:$0xa] =	wrdreg s8  }
0x10: {  	s10 =	sadd.s32 $0x7500, s0;
	[dreg:$0xb] =	wrdreg s9  }
0x11: {  	s11 =	sadd.s32 $0x8200, s0;
	[dreg:$0xc] =	wrdreg s10  }
0x12: {  	s12 =	sadd.s32 $0x8F00, s0;
	[dreg:$0xd] =	wrdreg s11  }
0x13: {  	s13 =	sadd.s32 $0x9C00, s0;
	[dreg:$0xe] =	wrdreg s12  }
0x14: {  	s15 =	sadd.s32 $0xA900, s0;
	[dreg:$0xf] =	wrdreg s13  }
0x15: {  	s16 =	sadd.s32 $0xB600, s0;
	[dreg:$0x10] =	wrdreg s15  }
0x16: {  	s17 =	sadd.s32 $0xC300, s0;
	[dreg:$0x11] =	wrdreg s16  }
0x17: {  	s18 =	sadd.s32 $0xD000, s0;
	[dreg:$0x12] =	wrdreg s17  }
0x18: {  	s19 =	sadd.s32 $0xDD00, s0;
	[dreg:$0x13] =	wrdreg s18  }
0x19: {  	s20 =	sadd.s32 $0xEA00, s0;
	[dreg:$0x14] =	wrdreg s19  }
0x1a: {  	s21 =	sadd.s32 $0xF700, s0;
	[dreg:$0x15] =	wrdreg s20  }
0x1b: {  	s22 =	sadd.s32 $0x10400, s0;
	[dreg:$0x16] =	wrdreg s21  }
0x1c: {  	s23 =	sadd.s32 $0x11100, s0;
	[dreg:$0x17] =	wrdreg s22  }
0x1d: {  	s24 =	sadd.s32 $0x11E00, s0;
	[dreg:$0x18] =	wrdreg s23  }
0x1e: {  	s25 =	sadd.s32 $0x12B00, s0;
	[dreg:$0x19] =	wrdreg s24  }
0x1f: {  	[dreg:$0x1a] =	wrdreg s25;
	s26 =	sadd.s32 $0x13800, s0  }
0x20: {  	s5 =	sadd.s32 $0x14500, s0;
	[dreg:$0x1b] =	wrdreg s26  }
0x21: {  	s6 =	sadd.s32 $0x15200, s0;
	[dreg:$0x1c] =	wrdreg s5  }
0x22: {  	s7 =	sadd.s32 $0x15F00, s0;
	[dreg:$0x1d] =	wrdreg s6  }
0x23: {  	s28 =	simm.s32 $0xD00;
	s8 =	sadd.s32 $0x16C00, s0;
	[dreg:$0x1e] =	wrdreg s7  }
0x24: {  	s29 =	simm.s32 $0xDD0;
	s9 =	sadd.s32 $0x17900, s0;
	[dreg:$0x1f] =	wrdreg s8  }
0x25: {  	s30 =	simm.s32 $0xEA0;
	s10 =	sadd.s32 $0x18600, s0;
	[smem:$0x7ED] =	sst s9  }
0x26: {  	p0 =	por $0x0, $0x0;
	s0 =	sadd.s32 $0x19300, s0;
	[smem:$0x7EE] =	sst s10  }
0x27: {  	s1 =	ssub.s32 $0x2, s1;
	s11 =	simm.s32 $0x1A0;
	[smem:$0x7EF] =	sst s0  }
0x28: {  	s4 =	sadd.s32 $0x130A00, s3;
	s13 =	simm.s32 $0x270;
	[smem:$0x7F0] =	sst s11  }
0x29: {  	s3 =	simm.s32 $0x5;
	s15 =	simm.s32 $0x340;
	[smem:$0x7F1] =	sst s13  }
0x2a: {  	s12 =	sshrl.u32 s1, $0x1;
	s16 =	simm.s32 $0x410;
	[smem:$0x7F2] =	sst s15  }
0x2b: {  	s17 =	simm.s32 $0x4E0;
	s18 =	simm.s32 $0x5B0;
	[smem:$0x7F3] =	sst s16  }
0x2c: {  	s19 =	simm.s32 $0x680;
	s20 =	simm.s32 $0x750;
	[smem:$0x7F4] =	sst s17  }
0x2d: {  	s21 =	simm.s32 $0x820;
	s22 =	simm.s32 $0x8F0;
	[smem:$0x7F5] =	sst s18  }
0x2e: {  	s23 =	simm.s32 $0x9C0;
	s24 =	simm.s32 $0xA90;
	[smem:$0x7F6] =	sst s19  }
0x2f: {  	s25 =	simm.s32 $0xB60;
	s1 =	ssub.s32 s1, s12;
	[smem:$0x7F7] =	sst s20  }
0x30: {  	s10 =	simm.s32 $0xD0;
	s9 =	simm.s32 $0x1A00;
	[smem:$0x7F8] =	sst s21  }
0x31: {  	s7 =	simm.s32 $0x8200;
	s6 =	simm.s32 $0xEA00;
	[smem:$0x7F9] =	sst s22  }
0x32: {  	s5 =	simm.s32 $0x15200;
	s13 =	simm.s32 $0x1;
	[smem:$0x7FA] =	sst s23  }
0x33: {  	s12 =	simm.s32 $0x2;
	s11 =	simm.s32 $0x3;
	[smem:$0x7FB] =	sst s24  }
0x34: {  	s8 =	simm.s32 $0x4;
	[smem:$0x7FC] =	sst s25;
	s1 =	smax.u32 s1, $0x1  }
0x35: {  	s26 =	simm.s32 $0xC30;
	s19 =	simm.s32 $0xF70;
	p1 =	sne.s32 s1, $0x1  }
.Ltmp0:
0x36: {  	s23 =	simm.s32 $0x1040;
	s24 =	simm.s32 $0x1110;
	(pc) =	sbr.rel @!p1 .LBB2_1-.Ltmp0, $4  }
0x37: {  	s25 =	simm.s32 $0x11E0;
	s20 =	simm.s32 $0x1450;
	s21 =	simm.s32 $0x1520  }
0x38: {  	s22 =	simm.s32 $0x15F0;
	s15 =	simm.s32 $0x16C0;
	s16 =	simm.s32 $0x1790  }
0x39: {  	s17 =	simm.s32 $0x1860;
	s18 =	simm.s32 $0x1930;
	s0 =	rddreg [dreg:$0x3]  }
0x3a: {  	[smem:$0x7FD] =	sst s26;
	s26 =	simm.s32 $0x12B0;
	s1 =	sadd.s32 $0xFFFFFFFF, s1  }
0x3b: {  	[tilespmem:s2], [sflag:$0x5] =	stream.linear.gather [hbm4b:s0+s2], $0x1A00, $0x38;
	[tilespmem:$0x1BA00] =	vst v63  }
0x3c: {  	_ =	swait.ge [sflag:s3], $0x1A00  }
0x3d: {  	[sflag:s3] =	ssyncset.done $0x0  }
0x3e: {  	[sflag:s3] =	ssyncadd.s32 $0xFFFFE600  }
0x3f: {  	[tilespmem:s9], [sflag:$0x1] =	stream.indirect.gather [hbm4b:s4+s10], $0x80, s2, s10, $0xb8;
	[tilespmem:$0x1BA00] =	vst v63  }
0x40: {  	s0 =	sld [smem:$0x7F0]  }
0x41: {  	[tilespmem:s7], [sflag:$0x2] =	stream.indirect.gather [hbm4b:s4+s10], $0x80, s10, s10, $0xb8;
	[tilespmem:$0x1BA00] =	vst v63  }
0x42: {  	s14 =	smov.u32 s1;
	s1 =	sld [smem:$0x7F1]  }
0x43: {  	[tilespmem:s6], [sflag:$0x3] =	stream.indirect.gather [hbm4b:s4+s10], $0x80, s0, s10, $0xb8;
	[tilespmem:$0x1BA00] =	vst v63  }
0x44: {  	_ = 	snop  }
0x45: {  	[tilespmem:s5], [sflag:$0x4] =	stream.indirect.gather [hbm4b:s4+s10], $0x80, s1, s10, $0xb8;
	[tilespmem:$0x1BA00] =	vst v63  }
0x46: {  	_ =	swait.ge [sflag:s13], $0x6800  }
0x47: {  	[sflag:s13] =	ssyncset.done $0x0  }
0x48: {  	[sflag:s13] =	ssyncadd.s32 $0xFFFF9800  }
0x49: {  	[hbm4b:s31+s2] =	stream.linear.scatter [tilespmem:s9], [sflag:$0x5], $0x6800, $0x38;
	[tilespmem:$0x1BA00] =	vst v63  }
0x4a: {  	_ =	swait.ge [sflag:s3], $0x6800  }
0x4b: {  	[sflag:s3] =	ssyncset.done $0x0  }
0x4c: {  	[sflag:s3] =	ssyncadd.s32 $0xFFFF9800  }
0x4d: {  	_ =	swait.ge [sflag:s12], $0x6800  }
0x4e: {  	[sflag:s12] =	ssyncset.done $0x0  }
0x4f: {  	s1 =	rddreg [dreg:$0x4];
	[sflag:s12] =	ssyncadd.s32 $0xFFFF9800  }
0x50: {  	[hbm4b:s1+s2] =	stream.linear.scatter [tilespmem:s7], [sflag:$0x5], $0x6800, $0x38;
	[tilespmem:$0x1BA00] =	vst v63  }
0x51: {  	_ =	swait.ge [sflag:s3], $0x6800  }
0x52: {  	[sflag:s3] =	ssyncset.done $0x0  }
0x53: {  	[sflag:s3] =	ssyncadd.s32 $0xFFFF9800  }
0x54: {  	_ =	swait.ge [sflag:s11], $0x6800  }
0x55: {  	[sflag:s11] =	ssyncset.done $0x0  }
0x56: {  	s1 =	rddreg [dreg:$0x5];
	[sflag:s11] =	ssyncadd.s32 $0xFFFF9800  }
0x57: {  	[hbm4b:s1+s2] =	stream.linear.scatter [tilespmem:s6], [sflag:$0x5], $0x6800, $0x38;
	[tilespmem:$0x1BA00] =	vst v63  }
0x58: {  	_ =	swait.ge [sflag:s3], $0x6800  }
0x59: {  	[sflag:s3] =	ssyncset.done $0x0  }
0x5a: {  	[sflag:s3] =	ssyncadd.s32 $0xFFFF9800  }
0x5b: {  	_ =	swait.ge [sflag:s8], $0x6800  }
0x5c: {  	[sflag:s8] =	ssyncset.done $0x0  }
0x5d: {  	s1 =	rddreg [dreg:$0x6];
	[sflag:s8] =	ssyncadd.s32 $0xFFFF9800  }
0x5e: {  	[hbm4b:s1+s2] =	stream.linear.scatter [tilespmem:s5], [sflag:$0x5], $0x6800, $0x38;
	[tilespmem:$0x1BA00] =	vst v63  }
0x5f: {  	_ =	swait.ge [sflag:s3], $0x6800  }
0x60: {  	s0 =	sld [smem:$0x7F2]  }
0x61: {  	[sflag:s3] =	ssyncset.done $0x0  }
0x62: {  	s1 =	sld [smem:$0x7F3];
	[sflag:s3] =	ssyncadd.s32 $0xFFFF9800  }
0x63: {  	[tilespmem:s9], [sflag:$0x1] =	stream.indirect.gather [hbm4b:s4+s10], $0x80, s0, s10, $0xb8;
	[tilespmem:$0x1BA00] =	vst v63  }
0x64: {  	s0 =	sld [smem:$0x7F4]  }
0x65: {  	[tilespmem:s7], [sflag:$0x2] =	stream.indirect.gather [hbm4b:s4+s10], $0x80, s1, s10, $0xb8;
	[tilespmem:$0x1BA00] =	vst v63  }
0x66: {  	s1 =	sld [smem:$0x7F5]  }
0x67: {  	[tilespmem:s6], [sflag:$0x3] =	stream.indirect.gather [hbm4b:s4+s10], $0x80, s0, s10, $0xb8;
	[tilespmem:$0x1BA00] =	vst v63  }
0x68: {  	_ = 	snop  }
0x69: {  	[tilespmem:s5], [sflag:$0x4] =	stream.indirect.gather [hbm4b:s4+s10], $0x80, s1, s10, $0xb8;
	[tilespmem:$0x1BA00] =	vst v63  }
0x6a: {  	_ =	swait.ge [sflag:s13], $0x6800  }
0x6b: {  	[sflag:s13] =	ssyncset.done $0x0  }
0x6c: {  	s1 =	rddreg [dreg:$0x7];
	[sflag:s13] =	ssyncadd.s32 $0xFFFF9800  }
0x6d: {  	[hbm4b:s1+s2] =	stream.linear.scatter [tilespmem:s9], [sflag:$0x5], $0x6800, $0x38;
	[tilespmem:$0x1BA00] =	vst v63  }
0x6e: {  	_ =	swait.ge [sflag:s3], $0x6800  }
0x6f: {  	[sflag:s3] =	ssyncset.done $0x0  }
0x70: {  	[sflag:s3] =	ssyncadd.s32 $0xFFFF9800  }
0x71: {  	_ =	swait.ge [sflag:s12], $0x6800  }
0x72: {  	[sflag:s12] =	ssyncset.done $0x0  }
0x73: {  	s1 =	rddreg [dreg:$0x8];
	[sflag:s12] =	ssyncadd.s32 $0xFFFF9800  }
0x74: {  	[hbm4b:s1+s2] =	stream.linear.scatter [tilespmem:s7], [sflag:$0x5], $0x6800, $0x38;
	[tilespmem:$0x1BA00] =	vst v63  }
0x75: {  	_ =	swait.ge [sflag:s3], $0x6800  }
0x76: {  	[sflag:s3] =	ssyncset.done $0x0  }
0x77: {  	[sflag:s3] =	ssyncadd.s32 $0xFFFF9800  }
0x78: {  	_ =	swait.ge [sflag:s11], $0x6800  }
0x79: {  	[sflag:s11] =	ssyncset.done $0x0  }
0x7a: {  	s1 =	rddreg [dreg:$0x9];
	[sflag:s11] =	ssyncadd.s32 $0xFFFF9800  }
0x7b: {  	[hbm4b:s1+s2] =	stream.linear.scatter [tilespmem:s6], [sflag:$0x5], $0x6800, $0x38;
	[tilespmem:$0x1BA00] =	vst v63  }
0x7c: {  	_ =	swait.ge [sflag:s3], $0x6800  }
0x7d: {  	[sflag:s3] =	ssyncset.done $0x0  }
0x7e: {  	[sflag:s3] =	ssyncadd.s32 $0xFFFF9800  }
0x7f: {  	_ =	swait.ge [sflag:s8], $0x6800  }
0x80: {  	[sflag:s8] =	ssyncset.done $0x0  }
0x81: {  	s1 =	rddreg [dreg:$0xa];
	[sflag:s8] =	ssyncadd.s32 $0xFFFF9800  }
0x82: {  	[hbm4b:s1+s2] =	stream.linear.scatter [tilespmem:s5], [sflag:$0x5], $0x6800, $0x38;
	[tilespmem:$0x1BA00] =	vst v63  }
0x83: {  	_ =	swait.ge [sflag:s3], $0x6800  }
0x84: {  	s0 =	sld [smem:$0x7F6]  }
0x85: {  	[sflag:s3] =	ssyncset.done $0x0  }
0x86: {  	s1 =	sld [smem:$0x7F7];
	[sflag:s3] =	ssyncadd.s32 $0xFFFF9800  }
0x87: {  	[tilespmem:s9], [sflag:$0x1] =	stream.indirect.gather [hbm4b:s4+s10], $0x80, s0, s10, $0xb8;
	[tilespmem:$0x1BA00] =	vst v63  }
0x88: {  	s0 =	sld [smem:$0x7F8]  }
0x89: {  	[tilespmem:s7], [sflag:$0x2] =	stream.indirect.gather [hbm4b:s4+s10], $0x80, s1, s10, $0xb8;
	[tilespmem:$0x1BA00] =	vst v63  }
0x8a: {  	s1 =	sld [smem:$0x7F9]  }
0x8b: {  	[tilespmem:s6], [sflag:$0x3] =	stream.indirect.gather [hbm4b:s4+s10], $0x80, s0, s10, $0xb8;
	[tilespmem:$0x1BA00] =	vst v63  }
0x8c: {  	_ = 	snop  }
0x8d: {  	[tilespmem:s5], [sflag:$0x4] =	stream.indirect.gather [hbm4b:s4+s10], $0x80, s1, s10, $0xb8;
	[tilespmem:$0x1BA00] =	vst v63  }
0x8e: {  	_ =	swait.ge [sflag:s13], $0x6800  }
0x8f: {  	[sflag:s13] =	ssyncset.done $0x0  }
0x90: {  	s1 =	rddreg [dreg:$0xb];
	[sflag:s13] =	ssyncadd.s32 $0xFFFF9800  }
0x91: {  	[hbm4b:s1+s2] =	stream.linear.scatter [tilespmem:s9], [sflag:$0x5], $0x6800, $0x38;
	[tilespmem:$0x1BA00] =	vst v63  }
0x92: {  	_ =	swait.ge [sflag:s3], $0x6800  }
0x93: {  	[sflag:s3] =	ssyncset.done $0x0  }
0x94: {  	[sflag:s3] =	ssyncadd.s32 $0xFFFF9800  }
0x95: {  	_ =	swait.ge [sflag:s12], $0x6800  }
0x96: {  	[sflag:s12] =	ssyncset.done $0x0  }
0x97: {  	s1 =	rddreg [dreg:$0xc];
	[sflag:s12] =	ssyncadd.s32 $0xFFFF9800  }
0x98: {  	[hbm4b:s1+s2] =	stream.linear.scatter [tilespmem:s7], [sflag:$0x5], $0x6800, $0x38;
	[tilespmem:$0x1BA00] =	vst v63  }
0x99: {  	_ =	swait.ge [sflag:s3], $0x6800  }
0x9a: {  	[sflag:s3] =	ssyncset.done $0x0  }
0x9b: {  	[sflag:s3] =	ssyncadd.s32 $0xFFFF9800  }
0x9c: {  	_ =	swait.ge [sflag:s11], $0x6800  }
0x9d: {  	[sflag:s11] =	ssyncset.done $0x0  }
0x9e: {  	s1 =	rddreg [dreg:$0xd];
	[sflag:s11] =	ssyncadd.s32 $0xFFFF9800  }
0x9f: {  	[hbm4b:s1+s2] =	stream.linear.scatter [tilespmem:s6], [sflag:$0x5], $0x6800, $0x38;
	[tilespmem:$0x1BA00] =	vst v63  }
0xa0: {  	_ =	swait.ge [sflag:s3], $0x6800  }
0xa1: {  	[sflag:s3] =	ssyncset.done $0x0  }
0xa2: {  	[sflag:s3] =	ssyncadd.s32 $0xFFFF9800  }
0xa3: {  	_ =	swait.ge [sflag:s8], $0x6800  }
0xa4: {  	[sflag:s8] =	ssyncset.done $0x0  }
0xa5: {  	s1 =	rddreg [dreg:$0xe];
	[sflag:s8] =	ssyncadd.s32 $0xFFFF9800  }
0xa6: {  	[hbm4b:s1+s2] =	stream.linear.scatter [tilespmem:s5], [sflag:$0x5], $0x6800, $0x38;
	[tilespmem:$0x1BA00] =	vst v63  }
0xa7: {  	_ =	swait.ge [sflag:s3], $0x6800  }
0xa8: {  	s0 =	sld [smem:$0x7FA]  }
0xa9: {  	[sflag:s3] =	ssyncset.done $0x0  }
0xaa: {  	s1 =	sld [smem:$0x7FB];
	[sflag:s3] =	ssyncadd.s32 $0xFFFF9800  }
0xab: {  	[tilespmem:s9], [sflag:$0x1] =	stream.indirect.gather [hbm4b:s4+s10], $0x80, s0, s10, $0xb8;
	[tilespmem:$0x1BA00] =	vst v63  }
0xac: {  	s0 =	sld [smem:$0x7FC]  }
0xad: {  	[tilespmem:s7], [sflag:$0x2] =	stream.indirect.gather [hbm4b:s4+s10], $0x80, s1, s10, $0xb8;
	[tilespmem:$0x1BA00] =	vst v63  }
0xae: {  	s1 =	sld [smem:$0x7FD]  }
0xaf: {  	[tilespmem:s6], [sflag:$0x3] =	stream.indirect.gather [hbm4b:s4+s10], $0x80, s0, s10, $0xb8;
	[tilespmem:$0x1BA00] =	vst v63  }
0xb0: {  	_ = 	snop  }
0xb1: {  	[tilespmem:s5], [sflag:$0x4] =	stream.indirect.gather [hbm4b:s4+s10], $0x80, s1, s10, $0xb8;
	[tilespmem:$0x1BA00] =	vst v63  }
0xb2: {  	_ =	swait.ge [sflag:s13], $0x6800  }
0xb3: {  	[sflag:s13] =	ssyncset.done $0x0  }
0xb4: {  	s1 =	rddreg [dreg:$0xf];
	[sflag:s13] =	ssyncadd.s32 $0xFFFF9800  }
0xb5: {  	[hbm4b:s1+s2] =	stream.linear.scatter [tilespmem:s9], [sflag:$0x5], $0x6800, $0x38;
	[tilespmem:$0x1BA00] =	vst v63  }
0xb6: {  	_ =	swait.ge [sflag:s3], $0x6800  }
0xb7: {  	[sflag:s3] =	ssyncset.done $0x0  }
0xb8: {  	[sflag:s3] =	ssyncadd.s32 $0xFFFF9800  }
0xb9: {  	_ =	swait.ge [sflag:s12], $0x6800  }
0xba: {  	[sflag:s12] =	ssyncset.done $0x0  }
0xbb: {  	s1 =	rddreg [dreg:$0x10];
	[sflag:s12] =	ssyncadd.s32 $0xFFFF9800  }
0xbc: {  	[hbm4b:s1+s2] =	stream.linear.scatter [tilespmem:s7], [sflag:$0x5], $0x6800, $0x38;
	[tilespmem:$0x1BA00] =	vst v63  }
0xbd: {  	_ =	swait.ge [sflag:s3], $0x6800  }
0xbe: {  	[sflag:s3] =	ssyncset.done $0x0  }
0xbf: {  	[sflag:s3] =	ssyncadd.s32 $0xFFFF9800  }
0xc0: {  	_ =	swait.ge [sflag:s11], $0x6800  }
0xc1: {  	[sflag:s11] =	ssyncset.done $0x0  }
0xc2: {  	s1 =	rddreg [dreg:$0x11];
	[sflag:s11] =	ssyncadd.s32 $0xFFFF9800  }
0xc3: {  	[hbm4b:s1+s2] =	stream.linear.scatter [tilespmem:s6], [sflag:$0x5], $0x6800, $0x38;
	[tilespmem:$0x1BA00] =	vst v63  }
0xc4: {  	_ =	swait.ge [sflag:s3], $0x6800  }
0xc5: {  	[sflag:s3] =	ssyncset.done $0x0  }
0xc6: {  	[sflag:s3] =	ssyncadd.s32 $0xFFFF9800  }
0xc7: {  	_ =	swait.ge [sflag:s8], $0x6800  }
0xc8: {  	[sflag:s8] =	ssyncset.done $0x0  }
0xc9: {  	s1 =	rddreg [dreg:$0x12];
	[sflag:s8] =	ssyncadd.s32 $0xFFFF9800  }
0xca: {  	[hbm4b:s1+s2] =	stream.linear.scatter [tilespmem:s5], [sflag:$0x5], $0x6800, $0x38;
	[tilespmem:$0x1BA00] =	vst v63  }
0xcb: {  	_ =	swait.ge [sflag:s3], $0x6800  }
0xcc: {  	[sflag:s3] =	ssyncset.done $0x0  }
0xcd: {  	[sflag:s3] =	ssyncadd.s32 $0xFFFF9800  }
0xce: {  	[tilespmem:s9], [sflag:$0x1] =	stream.indirect.gather [hbm4b:s4+s10], $0x80, s28, s10, $0xb8;
	[tilespmem:$0x1BA00] =	vst v63  }
0xcf: {  	_ = 	snop  }
0xd0: {  	[tilespmem:s7], [sflag:$0x2] =	stream.indirect.gather [hbm4b:s4+s10], $0x80, s29, s10, $0xb8;
	[tilespmem:$0x1BA00] =	vst v63  }
0xd1: {  	_ = 	snop  }
0xd2: {  	[tilespmem:s6], [sflag:$0x3] =	stream.indirect.gather [hbm4b:s4+s10], $0x80, s30, s10, $0xb8;
	[tilespmem:$0x1BA00] =	vst v63  }
0xd3: {  	_ = 	snop  }
0xd4: {  	[tilespmem:s5], [sflag:$0x4] =	stream.indirect.gather [hbm4b:s4+s10], $0x80, s19, s10, $0xb8;
	[tilespmem:$0x1BA00] =	vst v63  }
0xd5: {  	_ =	swait.ge [sflag:s13], $0x6800  }
0xd6: {  	[sflag:s13] =	ssyncset.done $0x0  }
0xd7: {  	s1 =	rddreg [dreg:$0x13];
	[sflag:s13] =	ssyncadd.s32 $0xFFFF9800  }
0xd8: {  	[hbm4b:s1+s2] =	stream.linear.scatter [tilespmem:s9], [sflag:$0x5], $0x6800, $0x38;
	[tilespmem:$0x1BA00] =	vst v63  }
0xd9: {  	_ =	swait.ge [sflag:s3], $0x6800  }
0xda: {  	[sflag:s3] =	ssyncset.done $0x0  }
0xdb: {  	[sflag:s3] =	ssyncadd.s32 $0xFFFF9800  }
0xdc: {  	_ =	swait.ge [sflag:s12], $0x6800  }
0xdd: {  	[sflag:s12] =	ssyncset.done $0x0  }
0xde: {  	s1 =	rddreg [dreg:$0x14];
	[sflag:s12] =	ssyncadd.s32 $0xFFFF9800  }
0xdf: {  	[hbm4b:s1+s2] =	stream.linear.scatter [tilespmem:s7], [sflag:$0x5], $0x6800, $0x38;
	[tilespmem:$0x1BA00] =	vst v63  }
0xe0: {  	_ =	swait.ge [sflag:s3], $0x6800  }
0xe1: {  	[sflag:s3] =	ssyncset.done $0x0  }
0xe2: {  	[sflag:s3] =	ssyncadd.s32 $0xFFFF9800  }
0xe3: {  	_ =	swait.ge [sflag:s11], $0x6800  }
0xe4: {  	[sflag:s11] =	ssyncset.done $0x0  }
0xe5: {  	s1 =	rddreg [dreg:$0x15];
	[sflag:s11] =	ssyncadd.s32 $0xFFFF9800  }
0xe6: {  	[hbm4b:s1+s2] =	stream.linear.scatter [tilespmem:s6], [sflag:$0x5], $0x6800, $0x38;
	[tilespmem:$0x1BA00] =	vst v63  }
0xe7: {  	_ =	swait.ge [sflag:s3], $0x6800  }
0xe8: {  	[sflag:s3] =	ssyncset.done $0x0  }
0xe9: {  	[sflag:s3] =	ssyncadd.s32 $0xFFFF9800  }
0xea: {  	_ =	swait.ge [sflag:s8], $0x6800  }
0xeb: {  	[sflag:s8] =	ssyncset.done $0x0  }
0xec: {  	s1 =	rddreg [dreg:$0x16];
	[sflag:s8] =	ssyncadd.s32 $0xFFFF9800  }
0xed: {  	[hbm4b:s1+s2] =	stream.linear.scatter [tilespmem:s5], [sflag:$0x5], $0x6800, $0x38;
	[tilespmem:$0x1BA00] =	vst v63  }
0xee: {  	_ =	swait.ge [sflag:s3], $0x6800  }
0xef: {  	[sflag:s3] =	ssyncset.done $0x0  }
0xf0: {  	[sflag:s3] =	ssyncadd.s32 $0xFFFF9800  }
0xf1: {  	[tilespmem:s9], [sflag:$0x1] =	stream.indirect.gather [hbm4b:s4+s10], $0x80, s23, s10, $0xb8;
	[tilespmem:$0x1BA00] =	vst v63  }
0xf2: {  	_ = 	snop  }
0xf3: {  	[tilespmem:s7], [sflag:$0x2] =	stream.indirect.gather [hbm4b:s4+s10], $0x80, s24, s10, $0xb8;
	[tilespmem:$0x1BA00] =	vst v63  }
0xf4: {  	_ = 	snop  }
0xf5: {  	[tilespmem:s6], [sflag:$0x3] =	stream.indirect.gather [hbm4b:s4+s10], $0x80, s25, s10, $0xb8;
	[tilespmem:$0x1BA00] =	vst v63  }
0xf6: {  	_ = 	snop  }
0xf7: {  	[tilespmem:s5], [sflag:$0x4] =	stream.indirect.gather [hbm4b:s4+s10], $0x80, s26, s10, $0xb8;
	[tilespmem:$0x1BA00] =	vst v63  }
0xf8: {  	_ =	swait.ge [sflag:s13], $0x6800  }
0xf9: {  	[sflag:s13] =	ssyncset.done $0x0  }
0xfa: {  	s1 =	rddreg [dreg:$0x17];
	[sflag:s13] =	ssyncadd.s32 $0xFFFF9800  }
0xfb: {  	[hbm4b:s1+s2] =	stream.linear.scatter [tilespmem:s9], [sflag:$0x5], $0x6800, $0x38;
	[tilespmem:$0x1BA00] =	vst v63  }
0xfc: {  	_ =	swait.ge [sflag:s3], $0x6800  }
0xfd: {  	[sflag:s3] =	ssyncset.done $0x0  }
0xfe: {  	[sflag:s3] =	ssyncadd.s32 $0xFFFF9800  }
0xff: {  	_ =	swait.ge [sflag:s12], $0x6800  }
0x100: {  	[sflag:s12] =	ssyncset.done $0x0  }
0x101: {  	s1 =	rddreg [dreg:$0x18];
	[sflag:s12] =	ssyncadd.s32 $0xFFFF9800  }
0x102: {  	[hbm4b:s1+s2] =	stream.linear.scatter [tilespmem:s7], [sflag:$0x5], $0x6800, $0x38;
	[tilespmem:$0x1BA00] =	vst v63  }
0x103: {  	_ =	swait.ge [sflag:s3], $0x6800  }
0x104: {  	[sflag:s3] =	ssyncset.done $0x0  }
0x105: {  	[sflag:s3] =	ssyncadd.s32 $0xFFFF9800  }
0x106: {  	_ =	swait.ge [sflag:s11], $0x6800  }
0x107: {  	[sflag:s11] =	ssyncset.done $0x0  }
0x108: {  	s1 =	rddreg [dreg:$0x19];
	[sflag:s11] =	ssyncadd.s32 $0xFFFF9800  }
0x109: {  	[hbm4b:s1+s2] =	stream.linear.scatter [tilespmem:s6], [sflag:$0x5], $0x6800, $0x38;
	[tilespmem:$0x1BA00] =	vst v63  }
0x10a: {  	_ =	swait.ge [sflag:s3], $0x6800  }
0x10b: {  	[sflag:s3] =	ssyncset.done $0x0  }
0x10c: {  	[sflag:s3] =	ssyncadd.s32 $0xFFFF9800  }
0x10d: {  	_ =	swait.ge [sflag:s8], $0x6800  }
0x10e: {  	[sflag:s8] =	ssyncset.done $0x0  }
0x10f: {  	s1 =	rddreg [dreg:$0x1a];
	[sflag:s8] =	ssyncadd.s32 $0xFFFF9800  }
0x110: {  	[hbm4b:s1+s2] =	stream.linear.scatter [tilespmem:s5], [sflag:$0x5], $0x6800, $0x38;
	[tilespmem:$0x1BA00] =	vst v63  }
0x111: {  	_ =	swait.ge [sflag:s3], $0x6800  }
0x112: {  	[sflag:s3] =	ssyncset.done $0x0  }
0x113: {  	s1 =	simm.s32 $0x1380;
	[sflag:s3] =	ssyncadd.s32 $0xFFFF9800  }
0x114: {  	[tilespmem:s9], [sflag:$0x1] =	stream.indirect.gather [hbm4b:s4+s10], $0x80, s1, s10, $0xb8;
	[tilespmem:$0x1BA00] =	vst v63  }
0x115: {  	_ = 	snop  }
0x116: {  	[tilespmem:s7], [sflag:$0x2] =	stream.indirect.gather [hbm4b:s4+s10], $0x80, s20, s10, $0xb8;
	[tilespmem:$0x1BA00] =	vst v63  }
0x117: {  	_ = 	snop  }
0x118: {  	[tilespmem:s6], [sflag:$0x3] =	stream.indirect.gather [hbm4b:s4+s10], $0x80, s21, s10, $0xb8;
	[tilespmem:$0x1BA00] =	vst v63  }
0x119: {  	_ = 	snop  }
0x11a: {  	[tilespmem:s5], [sflag:$0x4] =	stream.indirect.gather [hbm4b:s4+s10], $0x80, s22, s10, $0xb8;
	[tilespmem:$0x1BA00] =	vst v63  }
0x11b: {  	_ =	swait.ge [sflag:s13], $0x6800  }
0x11c: {  	[sflag:s13] =	ssyncset.done $0x0  }
0x11d: {  	s1 =	rddreg [dreg:$0x1b];
	[sflag:s13] =	ssyncadd.s32 $0xFFFF9800  }
0x11e: {  	[hbm4b:s1+s2] =	stream.linear.scatter [tilespmem:s9], [sflag:$0x5], $0x6800, $0x38;
	[tilespmem:$0x1BA00] =	vst v63  }
0x11f: {  	_ =	swait.ge [sflag:s3], $0x6800  }
0x120: {  	[sflag:s3] =	ssyncset.done $0x0  }
0x121: {  	[sflag:s3] =	ssyncadd.s32 $0xFFFF9800  }
0x122: {  	_ =	swait.ge [sflag:s12], $0x6800  }
0x123: {  	[sflag:s12] =	ssyncset.done $0x0  }
0x124: {  	s1 =	rddreg [dreg:$0x1c];
	[sflag:s12] =	ssyncadd.s32 $0xFFFF9800  }
0x125: {  	[hbm4b:s1+s2] =	stream.linear.scatter [tilespmem:s7], [sflag:$0x5], $0x6800, $0x38;
	[tilespmem:$0x1BA00] =	vst v63  }
0x126: {  	_ =	swait.ge [sflag:s3], $0x6800  }
0x127: {  	[sflag:s3] =	ssyncset.done $0x0  }
0x128: {  	[sflag:s3] =	ssyncadd.s32 $0xFFFF9800  }
0x129: {  	_ =	swait.ge [sflag:s11], $0x6800  }
0x12a: {  	[sflag:s11] =	ssyncset.done $0x0  }
0x12b: {  	s1 =	rddreg [dreg:$0x1d];
	[sflag:s11] =	ssyncadd.s32 $0xFFFF9800  }
0x12c: {  	[hbm4b:s1+s2] =	stream.linear.scatter [tilespmem:s6], [sflag:$0x5], $0x6800, $0x38;
	[tilespmem:$0x1BA00] =	vst v63  }
0x12d: {  	_ =	swait.ge [sflag:s3], $0x6800  }
0x12e: {  	[sflag:s3] =	ssyncset.done $0x0  }
0x12f: {  	[sflag:s3] =	ssyncadd.s32 $0xFFFF9800  }
0x130: {  	_ =	swait.ge [sflag:s8], $0x6800  }
0x131: {  	[sflag:s8] =	ssyncset.done $0x0  }
0x132: {  	s1 =	rddreg [dreg:$0x1e];
	[sflag:s8] =	ssyncadd.s32 $0xFFFF9800  }
0x133: {  	[hbm4b:s1+s2] =	stream.linear.scatter [tilespmem:s5], [sflag:$0x5], $0x6800, $0x38;
	[tilespmem:$0x1BA00] =	vst v63  }
0x134: {  	_ =	swait.ge [sflag:s3], $0x6800  }
0x135: {  	[sflag:s3] =	ssyncset.done $0x0  }
0x136: {  	[sflag:s3] =	ssyncadd.s32 $0xFFFF9800  }
0x137: {  	[tilespmem:s9], [sflag:$0x1] =	stream.indirect.gather [hbm4b:s4+s10], $0x80, s15, s10, $0xb8;
	[tilespmem:$0x1BA00] =	vst v63  }
0x138: {  	_ = 	snop  }
0x139: {  	[tilespmem:s7], [sflag:$0x2] =	stream.indirect.gather [hbm4b:s4+s10], $0x80, s16, s10, $0xb8;
	[tilespmem:$0x1BA00] =	vst v63  }
0x13a: {  	_ = 	snop  }
0x13b: {  	[tilespmem:s6], [sflag:$0x3] =	stream.indirect.gather [hbm4b:s4+s10], $0x80, s17, s10, $0xb8;
	[tilespmem:$0x1BA00] =	vst v63  }
0x13c: {  	_ = 	snop  }
0x13d: {  	[tilespmem:s5], [sflag:$0x4] =	stream.indirect.gather [hbm4b:s4+s10], $0x80, s18, s10, $0xb8;
	[tilespmem:$0x1BA00] =	vst v63  }
0x13e: {  	_ =	swait.ge [sflag:s13], $0x6800  }
0x13f: {  	[sflag:s13] =	ssyncset.done $0x0  }
0x140: {  	s1 =	rddreg [dreg:$0x1f];
	[sflag:s13] =	ssyncadd.s32 $0xFFFF9800  }
0x141: {  	[hbm4b:s1+s2] =	stream.linear.scatter [tilespmem:s9], [sflag:$0x5], $0x6800, $0x38;
	[tilespmem:$0x1BA00] =	vst v63  }
0x142: {  	_ =	swait.ge [sflag:s3], $0x6800  }
0x143: {  	[sflag:s3] =	ssyncset.done $0x0  }
0x144: {  	[sflag:s3] =	ssyncadd.s32 $0xFFFF9800  }
0x145: {  	_ =	swait.ge [sflag:s12], $0x6800  }
0x146: {  	s1 =	sld [smem:$0x7ED]  }
0x147: {  	[sflag:s12] =	ssyncset.done $0x0  }
0x148: {  	[sflag:s12] =	ssyncadd.s32 $0xFFFF9800  }
0x149: {  	[hbm4b:s1+s2] =	stream.linear.scatter [tilespmem:s7], [sflag:$0x5], $0x6800, $0x38;
	[tilespmem:$0x1BA00] =	vst v63  }
0x14a: {  	_ =	swait.ge [sflag:s3], $0x6800  }
0x14b: {  	[sflag:s3] =	ssyncset.done $0x0  }
0x14c: {  	[sflag:s3] =	ssyncadd.s32 $0xFFFF9800  }
0x14d: {  	_ =	swait.ge [sflag:s11], $0x6800  }
0x14e: {  	s1 =	sld [smem:$0x7EE]  }
0x14f: {  	[sflag:s11] =	ssyncset.done $0x0  }
0x150: {  	[sflag:s11] =	ssyncadd.s32 $0xFFFF9800  }
0x151: {  	[hbm4b:s1+s2] =	stream.linear.scatter [tilespmem:s6], [sflag:$0x5], $0x6800, $0x38;
	[tilespmem:$0x1BA00] =	vst v63  }
0x152: {  	_ =	swait.ge [sflag:s3], $0x6800  }
0x153: {  	[sflag:s3] =	ssyncset.done $0x0  }
0x154: {  	[sflag:s3] =	ssyncadd.s32 $0xFFFF9800  }
0x155: {  	_ =	swait.ge [sflag:s8], $0x6800  }
0x156: {  	p1 =	sne.s32 s14, $0x1;
	s1 =	sld [smem:$0x7EF]  }
.Ltmp1:
0x157: {  	[sflag:s8] =	ssyncset.done $0x0;
	(pc) =	sbr.rel @!p1 .LBB2_3-.Ltmp1, $4  }
0x158: {  	[sflag:s8] =	ssyncadd.s32 $0xFFFF9800  }
0x159: {  	[hbm4b:s1+s2] =	stream.linear.scatter [tilespmem:s5], [sflag:$0x5], $0x6800, $0x38;
	[tilespmem:$0x1BA00] =	vst v63  }
0x15a: {  	p0 =	por $0x1, $0x1;
	_ =	swait.ge [sflag:s3], $0x6800  }
0x15b: {  	s1 =	sadd.s32 $0xFFFFFFFF, s14;
	s0 =	rddreg [dreg:$0x3];
	[sflag:s3] =	ssyncset.done $0x0  }
.LBB2_4:
0x15c: {  	[sflag:s3] =	ssyncadd.s32 $0xFFFF9800  }
0x15d: {  	[tilespmem:s2], [sflag:$0x5] =	stream.linear.gather [hbm4b:s0+s2], $0x1A00, $0x38;
	[tilespmem:$0x1BA00] =	vst v63  }
0x15e: {  	_ =	swait.ge [sflag:s3], $0x1A00  }
0x15f: {  	[sflag:s3] =	ssyncset.done $0x0  }
0x160: {  	[sflag:s3] =	ssyncadd.s32 $0xFFFFE600  }
0x161: {  	[tilespmem:s9], [sflag:$0x1] =	stream.indirect.gather [hbm4b:s4+s10], $0x80, s2, s10, $0xb8;
	[tilespmem:$0x1BA00] =	vst v63  }
0x162: {  	s0 =	sld [smem:$0x7F0]  }
0x163: {  	[tilespmem:s7], [sflag:$0x2] =	stream.indirect.gather [hbm4b:s4+s10], $0x80, s10, s10, $0xb8;
	[tilespmem:$0x1BA00] =	vst v63  }
0x164: {  	s14 =	sld [smem:$0x7F1]  }
0x165: {  	[tilespmem:s6], [sflag:$0x3] =	stream.indirect.gather [hbm4b:s4+s10], $0x80, s0, s10, $0xb8;
	[tilespmem:$0x1BA00] =	vst v63  }
0x166: {  	_ = 	snop  }
0x167: {  	[tilespmem:s5], [sflag:$0x4] =	stream.indirect.gather [hbm4b:s4+s10], $0x80, s14, s10, $0xb8;
	[tilespmem:$0x1BA00] =	vst v63  }
0x168: {  	_ =	swait.ge [sflag:s13], $0x6800  }
0x169: {  	[sflag:s13] =	ssyncset.done $0x0  }
0x16a: {  	[sflag:s13] =	ssyncadd.s32 $0xFFFF9800  }
0x16b: {  	[hbm4b:s31+s2] =	stream.linear.scatter [tilespmem:s9], [sflag:$0x5], $0x6800, $0x38;
	[tilespmem:$0x1BA00] =	vst v63  }
0x16c: {  	_ =	swait.ge [sflag:s3], $0x6800  }
0x16d: {  	[sflag:s3] =	ssyncset.done $0x0  }
0x16e: {  	[sflag:s3] =	ssyncadd.s32 $0xFFFF9800  }
0x16f: {  	_ =	swait.ge [sflag:s12], $0x6800  }
0x170: {  	[sflag:s12] =	ssyncset.done $0x0  }
0x171: {  	s14 =	rddreg [dreg:$0x4];
	[sflag:s12] =	ssyncadd.s32 $0xFFFF9800  }
0x172: {  	[hbm4b:s14+s2] =	stream.linear.scatter [tilespmem:s7], [sflag:$0x5], $0x6800, $0x38;
	[tilespmem:$0x1BA00] =	vst v63  }
0x173: {  	_ =	swait.ge [sflag:s3], $0x6800  }
0x174: {  	[sflag:s3] =	ssyncset.done $0x0  }
0x175: {  	[sflag:s3] =	ssyncadd.s32 $0xFFFF9800  }
0x176: {  	_ =	swait.ge [sflag:s11], $0x6800  }
0x177: {  	[sflag:s11] =	ssyncset.done $0x0  }
0x178: {  	s14 =	rddreg [dreg:$0x5];
	[sflag:s11] =	ssyncadd.s32 $0xFFFF9800  }
0x179: {  	[hbm4b:s14+s2] =	stream.linear.scatter [tilespmem:s6], [sflag:$0x5], $0x6800, $0x38;
	[tilespmem:$0x1BA00] =	vst v63  }
0x17a: {  	_ =	swait.ge [sflag:s3], $0x6800  }
0x17b: {  	[sflag:s3] =	ssyncset.done $0x0  }
0x17c: {  	[sflag:s3] =	ssyncadd.s32 $0xFFFF9800  }
0x17d: {  	_ =	swait.ge [sflag:s8], $0x6800  }
0x17e: {  	[sflag:s8] =	ssyncset.done $0x0  }
0x17f: {  	s14 =	rddreg [dreg:$0x6];
	[sflag:s8] =	ssyncadd.s32 $0xFFFF9800  }
0x180: {  	[hbm4b:s14+s2] =	stream.linear.scatter [tilespmem:s5], [sflag:$0x5], $0x6800, $0x38;
	[tilespmem:$0x1BA00] =	vst v63  }
0x181: {  	_ =	swait.ge [sflag:s3], $0x6800  }
0x182: {  	s0 =	sld [smem:$0x7F2]  }
0x183: {  	[sflag:s3] =	ssyncset.done $0x0  }
0x184: {  	s14 =	sld [smem:$0x7F3];
	[sflag:s3] =	ssyncadd.s32 $0xFFFF9800  }
0x185: {  	[tilespmem:s9], [sflag:$0x1] =	stream.indirect.gather [hbm4b:s4+s10], $0x80, s0, s10, $0xb8;
	[tilespmem:$0x1BA00] =	vst v63  }
0x186: {  	s0 =	sld [smem:$0x7F4]  }
0x187: {  	[tilespmem:s7], [sflag:$0x2] =	stream.indirect.gather [hbm4b:s4+s10], $0x80, s14, s10, $0xb8;
	[tilespmem:$0x1BA00] =	vst v63  }
0x188: {  	s14 =	sld [smem:$0x7F5]  }
0x189: {  	[tilespmem:s6], [sflag:$0x3] =	stream.indirect.gather [hbm4b:s4+s10], $0x80, s0, s10, $0xb8;
	[tilespmem:$0x1BA00] =	vst v63  }
0x18a: {  	_ = 	snop  }
0x18b: {  	[tilespmem:s5], [sflag:$0x4] =	stream.indirect.gather [hbm4b:s4+s10], $0x80, s14, s10, $0xb8;
	[tilespmem:$0x1BA00] =	vst v63  }
0x18c: {  	_ =	swait.ge [sflag:s13], $0x6800  }
0x18d: {  	[sflag:s13] =	ssyncset.done $0x0  }
0x18e: {  	s14 =	rddreg [dreg:$0x7];
	[sflag:s13] =	ssyncadd.s32 $0xFFFF9800  }
0x18f: {  	[hbm4b:s14+s2] =	stream.linear.scatter [tilespmem:s9], [sflag:$0x5], $0x6800, $0x38;
	[tilespmem:$0x1BA00] =	vst v63  }
0x190: {  	_ =	swait.ge [sflag:s3], $0x6800  }
0x191: {  	[sflag:s3] =	ssyncset.done $0x0  }
0x192: {  	[sflag:s3] =	ssyncadd.s32 $0xFFFF9800  }
0x193: {  	_ =	swait.ge [sflag:s12], $0x6800  }
0x194: {  	[sflag:s12] =	ssyncset.done $0x0  }
0x195: {  	s14 =	rddreg [dreg:$0x8];
	[sflag:s12] =	ssyncadd.s32 $0xFFFF9800  }
0x196: {  	[hbm4b:s14+s2] =	stream.linear.scatter [tilespmem:s7], [sflag:$0x5], $0x6800, $0x38;
	[tilespmem:$0x1BA00] =	vst v63  }
0x197: {  	_ =	swait.ge [sflag:s3], $0x6800  }
0x198: {  	[sflag:s3] =	ssyncset.done $0x0  }
0x199: {  	[sflag:s3] =	ssyncadd.s32 $0xFFFF9800  }
0x19a: {  	_ =	swait.ge [sflag:s11], $0x6800  }
0x19b: {  	[sflag:s11] =	ssyncset.done $0x0  }
0x19c: {  	s14 =	rddreg [dreg:$0x9];
	[sflag:s11] =	ssyncadd.s32 $0xFFFF9800  }
0x19d: {  	[hbm4b:s14+s2] =	stream.linear.scatter [tilespmem:s6], [sflag:$0x5], $0x6800, $0x38;
	[tilespmem:$0x1BA00] =	vst v63  }
0x19e: {  	_ =	swait.ge [sflag:s3], $0x6800  }
0x19f: {  	[sflag:s3] =	ssyncset.done $0x0  }
0x1a0: {  	[sflag:s3] =	ssyncadd.s32 $0xFFFF9800  }
0x1a1: {  	_ =	swait.ge [sflag:s8], $0x6800  }
0x1a2: {  	[sflag:s8] =	ssyncset.done $0x0  }
0x1a3: {  	s14 =	rddreg [dreg:$0xa];
	[sflag:s8] =	ssyncadd.s32 $0xFFFF9800  }
0x1a4: {  	[hbm4b:s14+s2] =	stream.linear.scatter [tilespmem:s5], [sflag:$0x5], $0x6800, $0x38;
	[tilespmem:$0x1BA00] =	vst v63  }
0x1a5: {  	_ =	swait.ge [sflag:s3], $0x6800  }
0x1a6: {  	s0 =	sld [smem:$0x7F6]  }
0x1a7: {  	[sflag:s3] =	ssyncset.done $0x0  }
0x1a8: {  	s14 =	sld [smem:$0x7F7];
	[sflag:s3] =	ssyncadd.s32 $0xFFFF9800  }
0x1a9: {  	[tilespmem:s9], [sflag:$0x1] =	stream.indirect.gather [hbm4b:s4+s10], $0x80, s0, s10, $0xb8;
	[tilespmem:$0x1BA00] =	vst v63  }
0x1aa: {  	s0 =	sld [smem:$0x7F8]  }
0x1ab: {  	[tilespmem:s7], [sflag:$0x2] =	stream.indirect.gather [hbm4b:s4+s10], $0x80, s14, s10, $0xb8;
	[tilespmem:$0x1BA00] =	vst v63  }
0x1ac: {  	s14 =	sld [smem:$0x7F9]  }
0x1ad: {  	[tilespmem:s6], [sflag:$0x3] =	stream.indirect.gather [hbm4b:s4+s10], $0x80, s0, s10, $0xb8;
	[tilespmem:$0x1BA00] =	vst v63  }
0x1ae: {  	_ = 	snop  }
0x1af: {  	[tilespmem:s5], [sflag:$0x4] =	stream.indirect.gather [hbm4b:s4+s10], $0x80, s14, s10, $0xb8;
	[tilespmem:$0x1BA00] =	vst v63  }
0x1b0: {  	_ =	swait.ge [sflag:s13], $0x6800  }
0x1b1: {  	[sflag:s13] =	ssyncset.done $0x0  }
0x1b2: {  	s14 =	rddreg [dreg:$0xb];
	[sflag:s13] =	ssyncadd.s32 $0xFFFF9800  }
0x1b3: {  	[hbm4b:s14+s2] =	stream.linear.scatter [tilespmem:s9], [sflag:$0x5], $0x6800, $0x38;
	[tilespmem:$0x1BA00] =	vst v63  }
0x1b4: {  	_ =	swait.ge [sflag:s3], $0x6800  }
0x1b5: {  	[sflag:s3] =	ssyncset.done $0x0  }
0x1b6: {  	[sflag:s3] =	ssyncadd.s32 $0xFFFF9800  }
0x1b7: {  	_ =	swait.ge [sflag:s12], $0x6800  }
0x1b8: {  	[sflag:s12] =	ssyncset.done $0x0  }
0x1b9: {  	s14 =	rddreg [dreg:$0xc];
	[sflag:s12] =	ssyncadd.s32 $0xFFFF9800  }
0x1ba: {  	[hbm4b:s14+s2] =	stream.linear.scatter [tilespmem:s7], [sflag:$0x5], $0x6800, $0x38;
	[tilespmem:$0x1BA00] =	vst v63  }
0x1bb: {  	_ =	swait.ge [sflag:s3], $0x6800  }
0x1bc: {  	[sflag:s3] =	ssyncset.done $0x0  }
0x1bd: {  	[sflag:s3] =	ssyncadd.s32 $0xFFFF9800  }
0x1be: {  	_ =	swait.ge [sflag:s11], $0x6800  }
0x1bf: {  	[sflag:s11] =	ssyncset.done $0x0  }
0x1c0: {  	s14 =	rddreg [dreg:$0xd];
	[sflag:s11] =	ssyncadd.s32 $0xFFFF9800  }
0x1c1: {  	[hbm4b:s14+s2] =	stream.linear.scatter [tilespmem:s6], [sflag:$0x5], $0x6800, $0x38;
	[tilespmem:$0x1BA00] =	vst v63  }
0x1c2: {  	_ =	swait.ge [sflag:s3], $0x6800  }
0x1c3: {  	[sflag:s3] =	ssyncset.done $0x0  }
0x1c4: {  	[sflag:s3] =	ssyncadd.s32 $0xFFFF9800  }
0x1c5: {  	_ =	swait.ge [sflag:s8], $0x6800  }
0x1c6: {  	[sflag:s8] =	ssyncset.done $0x0  }
0x1c7: {  	s14 =	rddreg [dreg:$0xe];
	[sflag:s8] =	ssyncadd.s32 $0xFFFF9800  }
0x1c8: {  	[hbm4b:s14+s2] =	stream.linear.scatter [tilespmem:s5], [sflag:$0x5], $0x6800, $0x38;
	[tilespmem:$0x1BA00] =	vst v63  }
0x1c9: {  	_ =	swait.ge [sflag:s3], $0x6800  }
0x1ca: {  	s0 =	sld [smem:$0x7FA]  }
0x1cb: {  	[sflag:s3] =	ssyncset.done $0x0  }
0x1cc: {  	s14 =	sld [smem:$0x7FB];
	[sflag:s3] =	ssyncadd.s32 $0xFFFF9800  }
0x1cd: {  	[tilespmem:s9], [sflag:$0x1] =	stream.indirect.gather [hbm4b:s4+s10], $0x80, s0, s10, $0xb8;
	[tilespmem:$0x1BA00] =	vst v63  }
0x1ce: {  	s0 =	sld [smem:$0x7FC]  }
0x1cf: {  	[tilespmem:s7], [sflag:$0x2] =	stream.indirect.gather [hbm4b:s4+s10], $0x80, s14, s10, $0xb8;
	[tilespmem:$0x1BA00] =	vst v63  }
0x1d0: {  	s14 =	sld [smem:$0x7FD]  }
0x1d1: {  	[tilespmem:s6], [sflag:$0x3] =	stream.indirect.gather [hbm4b:s4+s10], $0x80, s0, s10, $0xb8;
	[tilespmem:$0x1BA00] =	vst v63  }
0x1d2: {  	_ = 	snop  }
0x1d3: {  	[tilespmem:s5], [sflag:$0x4] =	stream.indirect.gather [hbm4b:s4+s10], $0x80, s14, s10, $0xb8;
	[tilespmem:$0x1BA00] =	vst v63  }
0x1d4: {  	_ =	swait.ge [sflag:s13], $0x6800  }
0x1d5: {  	[sflag:s13] =	ssyncset.done $0x0  }
0x1d6: {  	s14 =	rddreg [dreg:$0xf];
	[sflag:s13] =	ssyncadd.s32 $0xFFFF9800  }
0x1d7: {  	[hbm4b:s14+s2] =	stream.linear.scatter [tilespmem:s9], [sflag:$0x5], $0x6800, $0x38;
	[tilespmem:$0x1BA00] =	vst v63  }
0x1d8: {  	_ =	swait.ge [sflag:s3], $0x6800  }
0x1d9: {  	[sflag:s3] =	ssyncset.done $0x0  }
0x1da: {  	[sflag:s3] =	ssyncadd.s32 $0xFFFF9800  }
0x1db: {  	_ =	swait.ge [sflag:s12], $0x6800  }
0x1dc: {  	[sflag:s12] =	ssyncset.done $0x0  }
0x1dd: {  	s14 =	rddreg [dreg:$0x10];
	[sflag:s12] =	ssyncadd.s32 $0xFFFF9800  }
0x1de: {  	[hbm4b:s14+s2] =	stream.linear.scatter [tilespmem:s7], [sflag:$0x5], $0x6800, $0x38;
	[tilespmem:$0x1BA00] =	vst v63  }
0x1df: {  	_ =	swait.ge [sflag:s3], $0x6800  }
0x1e0: {  	[sflag:s3] =	ssyncset.done $0x0  }
0x1e1: {  	[sflag:s3] =	ssyncadd.s32 $0xFFFF9800  }
0x1e2: {  	_ =	swait.ge [sflag:s11], $0x6800  }
0x1e3: {  	[sflag:s11] =	ssyncset.done $0x0  }
0x1e4: {  	s14 =	rddreg [dreg:$0x11];
	[sflag:s11] =	ssyncadd.s32 $0xFFFF9800  }
0x1e5: {  	[hbm4b:s14+s2] =	stream.linear.scatter [tilespmem:s6], [sflag:$0x5], $0x6800, $0x38;
	[tilespmem:$0x1BA00] =	vst v63  }
0x1e6: {  	_ =	swait.ge [sflag:s3], $0x6800  }
0x1e7: {  	[sflag:s3] =	ssyncset.done $0x0  }
0x1e8: {  	[sflag:s3] =	ssyncadd.s32 $0xFFFF9800  }
0x1e9: {  	_ =	swait.ge [sflag:s8], $0x6800  }
0x1ea: {  	[sflag:s8] =	ssyncset.done $0x0  }
0x1eb: {  	s14 =	rddreg [dreg:$0x12];
	[sflag:s8] =	ssyncadd.s32 $0xFFFF9800  }
0x1ec: {  	[hbm4b:s14+s2] =	stream.linear.scatter [tilespmem:s5], [sflag:$0x5], $0x6800, $0x38;
	[tilespmem:$0x1BA00] =	vst v63  }
0x1ed: {  	_ =	swait.ge [sflag:s3], $0x6800  }
0x1ee: {  	[sflag:s3] =	ssyncset.done $0x0  }
0x1ef: {  	[sflag:s3] =	ssyncadd.s32 $0xFFFF9800  }
0x1f0: {  	[tilespmem:s9], [sflag:$0x1] =	stream.indirect.gather [hbm4b:s4+s10], $0x80, s28, s10, $0xb8;
	[tilespmem:$0x1BA00] =	vst v63  }
0x1f1: {  	_ = 	snop  }
0x1f2: {  	[tilespmem:s7], [sflag:$0x2] =	stream.indirect.gather [hbm4b:s4+s10], $0x80, s29, s10, $0xb8;
	[tilespmem:$0x1BA00] =	vst v63  }
0x1f3: {  	_ = 	snop  }
0x1f4: {  	[tilespmem:s6], [sflag:$0x3] =	stream.indirect.gather [hbm4b:s4+s10], $0x80, s30, s10, $0xb8;
	[tilespmem:$0x1BA00] =	vst v63  }
0x1f5: {  	_ = 	snop  }
0x1f6: {  	[tilespmem:s5], [sflag:$0x4] =	stream.indirect.gather [hbm4b:s4+s10], $0x80, s19, s10, $0xb8;
	[tilespmem:$0x1BA00] =	vst v63  }
0x1f7: {  	_ =	swait.ge [sflag:s13], $0x6800  }
0x1f8: {  	[sflag:s13] =	ssyncset.done $0x0  }
0x1f9: {  	s14 =	rddreg [dreg:$0x13];
	[sflag:s13] =	ssyncadd.s32 $0xFFFF9800  }
0x1fa: {  	[hbm4b:s14+s2] =	stream.linear.scatter [tilespmem:s9], [sflag:$0x5], $0x6800, $0x38;
	[tilespmem:$0x1BA00] =	vst v63  }
0x1fb: {  	_ =	swait.ge [sflag:s3], $0x6800  }
0x1fc: {  	[sflag:s3] =	ssyncset.done $0x0  }
0x1fd: {  	[sflag:s3] =	ssyncadd.s32 $0xFFFF9800  }
0x1fe: {  	_ =	swait.ge [sflag:s12], $0x6800  }
0x1ff: {  	[sflag:s12] =	ssyncset.done $0x0  }
0x200: {  	s14 =	rddreg [dreg:$0x14];
	[sflag:s12] =	ssyncadd.s32 $0xFFFF9800  }
0x201: {  	[hbm4b:s14+s2] =	stream.linear.scatter [tilespmem:s7], [sflag:$0x5], $0x6800, $0x38;
	[tilespmem:$0x1BA00] =	vst v63  }
0x202: {  	_ =	swait.ge [sflag:s3], $0x6800  }
0x203: {  	[sflag:s3] =	ssyncset.done $0x0  }
0x204: {  	[sflag:s3] =	ssyncadd.s32 $0xFFFF9800  }
0x205: {  	_ =	swait.ge [sflag:s11], $0x6800  }
0x206: {  	[sflag:s11] =	ssyncset.done $0x0  }
0x207: {  	s14 =	rddreg [dreg:$0x15];
	[sflag:s11] =	ssyncadd.s32 $0xFFFF9800  }
0x208: {  	[hbm4b:s14+s2] =	stream.linear.scatter [tilespmem:s6], [sflag:$0x5], $0x6800, $0x38;
	[tilespmem:$0x1BA00] =	vst v63  }
0x209: {  	_ =	swait.ge [sflag:s3], $0x6800  }
0x20a: {  	[sflag:s3] =	ssyncset.done $0x0  }
0x20b: {  	[sflag:s3] =	ssyncadd.s32 $0xFFFF9800  }
0x20c: {  	_ =	swait.ge [sflag:s8], $0x6800  }
0x20d: {  	[sflag:s8] =	ssyncset.done $0x0  }
0x20e: {  	s14 =	rddreg [dreg:$0x16];
	[sflag:s8] =	ssyncadd.s32 $0xFFFF9800  }
0x20f: {  	[hbm4b:s14+s2] =	stream.linear.scatter [tilespmem:s5], [sflag:$0x5], $0x6800, $0x38;
	[tilespmem:$0x1BA00] =	vst v63  }
0x210: {  	_ =	swait.ge [sflag:s3], $0x6800  }
0x211: {  	[sflag:s3] =	ssyncset.done $0x0  }
0x212: {  	[sflag:s3] =	ssyncadd.s32 $0xFFFF9800  }
0x213: {  	[tilespmem:s9], [sflag:$0x1] =	stream.indirect.gather [hbm4b:s4+s10], $0x80, s23, s10, $0xb8;
	[tilespmem:$0x1BA00] =	vst v63  }
0x214: {  	_ = 	snop  }
0x215: {  	[tilespmem:s7], [sflag:$0x2] =	stream.indirect.gather [hbm4b:s4+s10], $0x80, s24, s10, $0xb8;
	[tilespmem:$0x1BA00] =	vst v63  }
0x216: {  	_ = 	snop  }
0x217: {  	[tilespmem:s6], [sflag:$0x3] =	stream.indirect.gather [hbm4b:s4+s10], $0x80, s25, s10, $0xb8;
	[tilespmem:$0x1BA00] =	vst v63  }
0x218: {  	_ = 	snop  }
0x219: {  	[tilespmem:s5], [sflag:$0x4] =	stream.indirect.gather [hbm4b:s4+s10], $0x80, s26, s10, $0xb8;
	[tilespmem:$0x1BA00] =	vst v63  }
0x21a: {  	_ =	swait.ge [sflag:s13], $0x6800  }
0x21b: {  	[sflag:s13] =	ssyncset.done $0x0  }
0x21c: {  	s14 =	rddreg [dreg:$0x17];
	[sflag:s13] =	ssyncadd.s32 $0xFFFF9800  }
0x21d: {  	[hbm4b:s14+s2] =	stream.linear.scatter [tilespmem:s9], [sflag:$0x5], $0x6800, $0x38;
	[tilespmem:$0x1BA00] =	vst v63  }
0x21e: {  	_ =	swait.ge [sflag:s3], $0x6800  }
0x21f: {  	[sflag:s3] =	ssyncset.done $0x0  }
0x220: {  	[sflag:s3] =	ssyncadd.s32 $0xFFFF9800  }
0x221: {  	_ =	swait.ge [sflag:s12], $0x6800  }
0x222: {  	[sflag:s12] =	ssyncset.done $0x0  }
0x223: {  	s14 =	rddreg [dreg:$0x18];
	[sflag:s12] =	ssyncadd.s32 $0xFFFF9800  }
0x224: {  	[hbm4b:s14+s2] =	stream.linear.scatter [tilespmem:s7], [sflag:$0x5], $0x6800, $0x38;
	[tilespmem:$0x1BA00] =	vst v63  }
0x225: {  	_ =	swait.ge [sflag:s3], $0x6800  }
0x226: {  	[sflag:s3] =	ssyncset.done $0x0  }
0x227: {  	[sflag:s3] =	ssyncadd.s32 $0xFFFF9800  }
0x228: {  	_ =	swait.ge [sflag:s11], $0x6800  }
0x229: {  	[sflag:s11] =	ssyncset.done $0x0  }
0x22a: {  	s14 =	rddreg [dreg:$0x19];
	[sflag:s11] =	ssyncadd.s32 $0xFFFF9800  }
0x22b: {  	[hbm4b:s14+s2] =	stream.linear.scatter [tilespmem:s6], [sflag:$0x5], $0x6800, $0x38;
	[tilespmem:$0x1BA00] =	vst v63  }
0x22c: {  	_ =	swait.ge [sflag:s3], $0x6800  }
0x22d: {  	[sflag:s3] =	ssyncset.done $0x0  }
0x22e: {  	[sflag:s3] =	ssyncadd.s32 $0xFFFF9800  }
0x22f: {  	_ =	swait.ge [sflag:s8], $0x6800  }
0x230: {  	[sflag:s8] =	ssyncset.done $0x0  }
0x231: {  	s14 =	rddreg [dreg:$0x1a];
	[sflag:s8] =	ssyncadd.s32 $0xFFFF9800  }
0x232: {  	[hbm4b:s14+s2] =	stream.linear.scatter [tilespmem:s5], [sflag:$0x5], $0x6800, $0x38;
	[tilespmem:$0x1BA00] =	vst v63  }
0x233: {  	_ =	swait.ge [sflag:s3], $0x6800  }
0x234: {  	[sflag:s3] =	ssyncset.done $0x0  }
0x235: {  	s14 =	simm.s32 $0x1380;
	[sflag:s3] =	ssyncadd.s32 $0xFFFF9800  }
0x236: {  	[tilespmem:s9], [sflag:$0x1] =	stream.indirect.gather [hbm4b:s4+s10], $0x80, s14, s10, $0xb8;
	[tilespmem:$0x1BA00] =	vst v63  }
0x237: {  	_ = 	snop  }
0x238: {  	[tilespmem:s7], [sflag:$0x2] =	stream.indirect.gather [hbm4b:s4+s10], $0x80, s20, s10, $0xb8;
	[tilespmem:$0x1BA00] =	vst v63  }
0x239: {  	_ = 	snop  }
0x23a: {  	[tilespmem:s6], [sflag:$0x3] =	stream.indirect.gather [hbm4b:s4+s10], $0x80, s21, s10, $0xb8;
	[tilespmem:$0x1BA00] =	vst v63  }
0x23b: {  	_ = 	snop  }
0x23c: {  	[tilespmem:s5], [sflag:$0x4] =	stream.indirect.gather [hbm4b:s4+s10], $0x80, s22, s10, $0xb8;
	[tilespmem:$0x1BA00] =	vst v63  }
0x23d: {  	_ =	swait.ge [sflag:s13], $0x6800  }
0x23e: {  	[sflag:s13] =	ssyncset.done $0x0  }
0x23f: {  	s14 =	rddreg [dreg:$0x1b];
	[sflag:s13] =	ssyncadd.s32 $0xFFFF9800  }
0x240: {  	[hbm4b:s14+s2] =	stream.linear.scatter [tilespmem:s9], [sflag:$0x5], $0x6800, $0x38;
	[tilespmem:$0x1BA00] =	vst v63  }
0x241: {  	_ =	swait.ge [sflag:s3], $0x6800  }
0x242: {  	[sflag:s3] =	ssyncset.done $0x0  }
0x243: {  	[sflag:s3] =	ssyncadd.s32 $0xFFFF9800  }
0x244: {  	_ =	swait.ge [sflag:s12], $0x6800  }
0x245: {  	[sflag:s12] =	ssyncset.done $0x0  }
0x246: {  	s14 =	rddreg [dreg:$0x1c];
	[sflag:s12] =	ssyncadd.s32 $0xFFFF9800  }
0x247: {  	[hbm4b:s14+s2] =	stream.linear.scatter [tilespmem:s7], [sflag:$0x5], $0x6800, $0x38;
	[tilespmem:$0x1BA00] =	vst v63  }
0x248: {  	_ =	swait.ge [sflag:s3], $0x6800  }
0x249: {  	[sflag:s3] =	ssyncset.done $0x0  }
0x24a: {  	[sflag:s3] =	ssyncadd.s32 $0xFFFF9800  }
0x24b: {  	_ =	swait.ge [sflag:s11], $0x6800  }
0x24c: {  	[sflag:s11] =	ssyncset.done $0x0  }
0x24d: {  	s14 =	rddreg [dreg:$0x1d];
	[sflag:s11] =	ssyncadd.s32 $0xFFFF9800  }
0x24e: {  	[hbm4b:s14+s2] =	stream.linear.scatter [tilespmem:s6], [sflag:$0x5], $0x6800, $0x38;
	[tilespmem:$0x1BA00] =	vst v63  }
0x24f: {  	_ =	swait.ge [sflag:s3], $0x6800  }
0x250: {  	[sflag:s3] =	ssyncset.done $0x0  }
0x251: {  	[sflag:s3] =	ssyncadd.s32 $0xFFFF9800  }
0x252: {  	_ =	swait.ge [sflag:s8], $0x6800  }
0x253: {  	[sflag:s8] =	ssyncset.done $0x0  }
0x254: {  	s14 =	rddreg [dreg:$0x1e];
	[sflag:s8] =	ssyncadd.s32 $0xFFFF9800  }
0x255: {  	[hbm4b:s14+s2] =	stream.linear.scatter [tilespmem:s5], [sflag:$0x5], $0x6800, $0x38;
	[tilespmem:$0x1BA00] =	vst v63  }
0x256: {  	_ =	swait.ge [sflag:s3], $0x6800  }
0x257: {  	[sflag:s3] =	ssyncset.done $0x0  }
0x258: {  	[sflag:s3] =	ssyncadd.s32 $0xFFFF9800  }
0x259: {  	[tilespmem:s9], [sflag:$0x1] =	stream.indirect.gather [hbm4b:s4+s10], $0x80, s15, s10, $0xb8;
	[tilespmem:$0x1BA00] =	vst v63  }
0x25a: {  	_ = 	snop  }
0x25b: {  	[tilespmem:s7], [sflag:$0x2] =	stream.indirect.gather [hbm4b:s4+s10], $0x80, s16, s10, $0xb8;
	[tilespmem:$0x1BA00] =	vst v63  }
0x25c: {  	_ = 	snop  }
0x25d: {  	[tilespmem:s6], [sflag:$0x3] =	stream.indirect.gather [hbm4b:s4+s10], $0x80, s17, s10, $0xb8;
	[tilespmem:$0x1BA00] =	vst v63  }
0x25e: {  	_ = 	snop  }
0x25f: {  	[tilespmem:s5], [sflag:$0x4] =	stream.indirect.gather [hbm4b:s4+s10], $0x80, s18, s10, $0xb8;
	[tilespmem:$0x1BA00] =	vst v63  }
0x260: {  	_ =	swait.ge [sflag:s13], $0x6800  }
0x261: {  	[sflag:s13] =	ssyncset.done $0x0  }
0x262: {  	s14 =	rddreg [dreg:$0x1f];
	[sflag:s13] =	ssyncadd.s32 $0xFFFF9800  }
0x263: {  	[hbm4b:s14+s2] =	stream.linear.scatter [tilespmem:s9], [sflag:$0x5], $0x6800, $0x38;
	[tilespmem:$0x1BA00] =	vst v63  }
0x264: {  	_ =	swait.ge [sflag:s3], $0x6800  }
0x265: {  	[sflag:s3] =	ssyncset.done $0x0  }
0x266: {  	[sflag:s3] =	ssyncadd.s32 $0xFFFF9800  }
0x267: {  	_ =	swait.ge [sflag:s12], $0x6800  }
0x268: {  	s14 =	sld [smem:$0x7ED]  }
0x269: {  	[sflag:s12] =	ssyncset.done $0x0  }
0x26a: {  	[sflag:s12] =	ssyncadd.s32 $0xFFFF9800  }
0x26b: {  	[hbm4b:s14+s2] =	stream.linear.scatter [tilespmem:s7], [sflag:$0x5], $0x6800, $0x38;
	[tilespmem:$0x1BA00] =	vst v63  }
0x26c: {  	_ =	swait.ge [sflag:s3], $0x6800  }
0x26d: {  	[sflag:s3] =	ssyncset.done $0x0  }
0x26e: {  	[sflag:s3] =	ssyncadd.s32 $0xFFFF9800  }
0x26f: {  	_ =	swait.ge [sflag:s11], $0x6800  }
0x270: {  	s14 =	sld [smem:$0x7EE]  }
0x271: {  	[sflag:s11] =	ssyncset.done $0x0  }
0x272: {  	[sflag:s11] =	ssyncadd.s32 $0xFFFF9800  }
0x273: {  	[hbm4b:s14+s2] =	stream.linear.scatter [tilespmem:s6], [sflag:$0x5], $0x6800, $0x38;
	[tilespmem:$0x1BA00] =	vst v63  }
0x274: {  	_ =	swait.ge [sflag:s3], $0x6800  }
0x275: {  	[sflag:s3] =	ssyncset.done $0x0  }
0x276: {  	[sflag:s3] =	ssyncadd.s32 $0xFFFF9800  }
0x277: {  	_ =	swait.ge [sflag:s8], $0x6800  }
0x278: {  	p1 =	sne.s32 s1, $0x1;
	s14 =	sld [smem:$0x7EF]  }
.Ltmp2:
0x279: {  	[sflag:s8] =	ssyncset.done $0x0;
	(pc) =	sbr.rel @p1 .LBB2_4-.Ltmp2, $4  }
0x27a: {  	[sflag:s8] =	ssyncadd.s32 $0xFFFF9800  }
0x27b: {  	[hbm4b:s14+s2] =	stream.linear.scatter [tilespmem:s5], [sflag:$0x5], $0x6800, $0x38;
	[tilespmem:$0x1BA00] =	vst v63  }
0x27c: {  	_ =	swait.ge [sflag:s3], $0x6800  }
0x27d: {  	s1 =	sadd.s32 $0xFFFFFFFF, s1;
	s0 =	rddreg [dreg:$0x3];
	[sflag:s3] =	ssyncset.done $0x0  }
0x27e: {  	s18 =	simm.s32 $0xF70  }
0x27f: {  	s30 =	simm.s32 $0xEA0;
	s29 =	simm.s32 $0xDD0;
	s28 =	simm.s32 $0xD00  }
0x280: {  	s26 =	simm.s32 $0x12B0;
	s25 =	simm.s32 $0x11E0;
	s24 =	simm.s32 $0x1110  }
0x281: {  	s23 =	simm.s32 $0x1040;
	s22 =	simm.s32 $0x15F0;
	s21 =	simm.s32 $0x1520  }
0x282: {  	s20 =	simm.s32 $0x1450;
	s19 =	simm.s32 $0x1380;
	s17 =	simm.s32 $0x1860  }
0x283: {  	s16 =	simm.s32 $0x1790;
	s15 =	simm.s32 $0x16C0;
	s14 =	stileid.u32  }
.LBB2_6:
0x284: {  	[sflag:s3] =	ssyncadd.s32 @p0 $0xFFFF9800  }
0x285: {  	[tilespmem:s2], [sflag:$0x5] =	stream.linear.gather [hbm4b:s0+s2], $0x1A00, $0x38;
	[tilespmem:$0x1BA00] =	vst v63  }
0x286: {  	_ =	swait.ge [sflag:s3], $0x1A00  }
0x287: {  	[sflag:s3] =	ssyncset.done $0x0  }
0x288: {  	[sflag:s3] =	ssyncadd.s32 $0xFFFFE600  }
0x289: {  	[tilespmem:s9], [sflag:$0x1] =	stream.indirect.gather [hbm4b:s4+s10], $0x80, s2, s10, $0xb8;
	[tilespmem:$0x1BA00] =	vst v63  }
0x28a: {  	s0 =	sld [smem:$0x7F0]  }
0x28b: {  	[tilespmem:s7], [sflag:$0x2] =	stream.indirect.gather [hbm4b:s4+s10], $0x80, s10, s10, $0xb8;
	[tilespmem:$0x1BA00] =	vst v63  }
0x28c: {  	s1 =	sld [smem:$0x7F1]  }
0x28d: {  	[tilespmem:s6], [sflag:$0x3] =	stream.indirect.gather [hbm4b:s4+s10], $0x80, s0, s10, $0xb8;
	[tilespmem:$0x1BA00] =	vst v63  }
0x28e: {  	_ = 	snop  }
0x28f: {  	[tilespmem:s5], [sflag:$0x4] =	stream.indirect.gather [hbm4b:s4+s10], $0x80, s1, s10, $0xb8;
	[tilespmem:$0x1BA00] =	vst v63  }
0x290: {  	_ =	swait.ge [sflag:s13], $0x6800  }
0x291: {  	[sflag:s13] =	ssyncset.done $0x0  }
0x292: {  	[sflag:s13] =	ssyncadd.s32 $0xFFFF9800  }
0x293: {  	[hbm4b:s31+s2] =	stream.linear.scatter [tilespmem:s9], [sflag:$0x5], $0x6800, $0x38;
	[tilespmem:$0x1BA00] =	vst v63  }
0x294: {  	_ =	swait.ge [sflag:s3], $0x6800  }
0x295: {  	[sflag:s3] =	ssyncset.done $0x0  }
0x296: {  	[sflag:s3] =	ssyncadd.s32 $0xFFFF9800  }
0x297: {  	_ =	swait.ge [sflag:s12], $0x6800  }
0x298: {  	[sflag:s12] =	ssyncset.done $0x0  }
0x299: {  	s31 =	rddreg [dreg:$0x4];
	[sflag:s12] =	ssyncadd.s32 $0xFFFF9800  }
0x29a: {  	[hbm4b:s31+s2] =	stream.linear.scatter [tilespmem:s7], [sflag:$0x5], $0x6800, $0x38;
	[tilespmem:$0x1BA00] =	vst v63  }
0x29b: {  	_ =	swait.ge [sflag:s3], $0x6800  }
0x29c: {  	[sflag:s3] =	ssyncset.done $0x0  }
0x29d: {  	[sflag:s3] =	ssyncadd.s32 $0xFFFF9800  }
0x29e: {  	_ =	swait.ge [sflag:s11], $0x6800  }
0x29f: {  	[sflag:s11] =	ssyncset.done $0x0  }
0x2a0: {  	s1 =	rddreg [dreg:$0x5];
	[sflag:s11] =	ssyncadd.s32 $0xFFFF9800  }
0x2a1: {  	[hbm4b:s1+s2] =	stream.linear.scatter [tilespmem:s6], [sflag:$0x5], $0x6800, $0x38;
	[tilespmem:$0x1BA00] =	vst v63  }
0x2a2: {  	_ =	swait.ge [sflag:s3], $0x6800  }
0x2a3: {  	[sflag:s3] =	ssyncset.done $0x0  }
0x2a4: {  	[sflag:s3] =	ssyncadd.s32 $0xFFFF9800  }
0x2a5: {  	_ =	swait.ge [sflag:s8], $0x6800  }
0x2a6: {  	[sflag:s8] =	ssyncset.done $0x0  }
0x2a7: {  	s31 =	rddreg [dreg:$0x6];
	[sflag:s8] =	ssyncadd.s32 $0xFFFF9800  }
0x2a8: {  	[hbm4b:s31+s2] =	stream.linear.scatter [tilespmem:s5], [sflag:$0x5], $0x6800, $0x38;
	[tilespmem:$0x1BA00] =	vst v63  }
0x2a9: {  	_ =	swait.ge [sflag:s3], $0x6800  }
0x2aa: {  	s1 =	sld [smem:$0x7F2]  }
0x2ab: {  	[sflag:s3] =	ssyncset.done $0x0  }
0x2ac: {  	s31 =	sld [smem:$0x7F3];
	[sflag:s3] =	ssyncadd.s32 $0xFFFF9800  }
0x2ad: {  	[tilespmem:s9], [sflag:$0x1] =	stream.indirect.gather [hbm4b:s4+s10], $0x80, s1, s10, $0xb8;
	[tilespmem:$0x1BA00] =	vst v63  }
0x2ae: {  	s0 =	sld [smem:$0x7F4]  }
0x2af: {  	[tilespmem:s7], [sflag:$0x2] =	stream.indirect.gather [hbm4b:s4+s10], $0x80, s31, s10, $0xb8;
	[tilespmem:$0x1BA00] =	vst v63  }
0x2b0: {  	s31 =	sld [smem:$0x7F5]  }
0x2b1: {  	[tilespmem:s6], [sflag:$0x3] =	stream.indirect.gather [hbm4b:s4+s10], $0x80, s0, s10, $0xb8;
	[tilespmem:$0x1BA00] =	vst v63  }
0x2b2: {  	_ = 	snop  }
0x2b3: {  	[tilespmem:s5], [sflag:$0x4] =	stream.indirect.gather [hbm4b:s4+s10], $0x80, s31, s10, $0xb8;
	[tilespmem:$0x1BA00] =	vst v63  }
0x2b4: {  	_ =	swait.ge [sflag:s13], $0x6800  }
0x2b5: {  	[sflag:s13] =	ssyncset.done $0x0  }
0x2b6: {  	s1 =	rddreg [dreg:$0x7];
	[sflag:s13] =	ssyncadd.s32 $0xFFFF9800  }
0x2b7: {  	[hbm4b:s1+s2] =	stream.linear.scatter [tilespmem:s9], [sflag:$0x5], $0x6800, $0x38;
	[tilespmem:$0x1BA00] =	vst v63  }
0x2b8: {  	_ =	swait.ge [sflag:s3], $0x6800  }
0x2b9: {  	[sflag:s3] =	ssyncset.done $0x0  }
0x2ba: {  	[sflag:s3] =	ssyncadd.s32 $0xFFFF9800  }
0x2bb: {  	_ =	swait.ge [sflag:s12], $0x6800  }
0x2bc: {  	[sflag:s12] =	ssyncset.done $0x0  }
0x2bd: {  	s31 =	rddreg [dreg:$0x8];
	[sflag:s12] =	ssyncadd.s32 $0xFFFF9800  }
0x2be: {  	[hbm4b:s31+s2] =	stream.linear.scatter [tilespmem:s7], [sflag:$0x5], $0x6800, $0x38;
	[tilespmem:$0x1BA00] =	vst v63  }
0x2bf: {  	_ =	swait.ge [sflag:s3], $0x6800  }
0x2c0: {  	[sflag:s3] =	ssyncset.done $0x0  }
0x2c1: {  	[sflag:s3] =	ssyncadd.s32 $0xFFFF9800  }
0x2c2: {  	_ =	swait.ge [sflag:s11], $0x6800  }
0x2c3: {  	[sflag:s11] =	ssyncset.done $0x0  }
0x2c4: {  	s1 =	rddreg [dreg:$0x9];
	[sflag:s11] =	ssyncadd.s32 $0xFFFF9800  }
0x2c5: {  	[hbm4b:s1+s2] =	stream.linear.scatter [tilespmem:s6], [sflag:$0x5], $0x6800, $0x38;
	[tilespmem:$0x1BA00] =	vst v63  }
0x2c6: {  	_ =	swait.ge [sflag:s3], $0x6800  }
0x2c7: {  	[sflag:s3] =	ssyncset.done $0x0  }
0x2c8: {  	[sflag:s3] =	ssyncadd.s32 $0xFFFF9800  }
0x2c9: {  	_ =	swait.ge [sflag:s8], $0x6800  }
0x2ca: {  	[sflag:s8] =	ssyncset.done $0x0  }
0x2cb: {  	s31 =	rddreg [dreg:$0xa];
	[sflag:s8] =	ssyncadd.s32 $0xFFFF9800  }
0x2cc: {  	[hbm4b:s31+s2] =	stream.linear.scatter [tilespmem:s5], [sflag:$0x5], $0x6800, $0x38;
	[tilespmem:$0x1BA00] =	vst v63  }
0x2cd: {  	_ =	swait.ge [sflag:s3], $0x6800  }
0x2ce: {  	s1 =	sld [smem:$0x7F6]  }
0x2cf: {  	[sflag:s3] =	ssyncset.done $0x0  }
0x2d0: {  	s31 =	sld [smem:$0x7F7];
	[sflag:s3] =	ssyncadd.s32 $0xFFFF9800  }
0x2d1: {  	[tilespmem:s9], [sflag:$0x1] =	stream.indirect.gather [hbm4b:s4+s10], $0x80, s1, s10, $0xb8;
	[tilespmem:$0x1BA00] =	vst v63  }
0x2d2: {  	s0 =	sld [smem:$0x7F8]  }
0x2d3: {  	[tilespmem:s7], [sflag:$0x2] =	stream.indirect.gather [hbm4b:s4+s10], $0x80, s31, s10, $0xb8;
	[tilespmem:$0x1BA00] =	vst v63  }
0x2d4: {  	s31 =	sld [smem:$0x7F9]  }
0x2d5: {  	[tilespmem:s6], [sflag:$0x3] =	stream.indirect.gather [hbm4b:s4+s10], $0x80, s0, s10, $0xb8;
	[tilespmem:$0x1BA00] =	vst v63  }
0x2d6: {  	_ = 	snop  }
0x2d7: {  	[tilespmem:s5], [sflag:$0x4] =	stream.indirect.gather [hbm4b:s4+s10], $0x80, s31, s10, $0xb8;
	[tilespmem:$0x1BA00] =	vst v63  }
0x2d8: {  	_ =	swait.ge [sflag:s13], $0x6800  }
0x2d9: {  	[sflag:s13] =	ssyncset.done $0x0  }
0x2da: {  	s1 =	rddreg [dreg:$0xb];
	[sflag:s13] =	ssyncadd.s32 $0xFFFF9800  }
0x2db: {  	[hbm4b:s1+s2] =	stream.linear.scatter [tilespmem:s9], [sflag:$0x5], $0x6800, $0x38;
	[tilespmem:$0x1BA00] =	vst v63  }
0x2dc: {  	_ =	swait.ge [sflag:s3], $0x6800  }
0x2dd: {  	[sflag:s3] =	ssyncset.done $0x0  }
0x2de: {  	[sflag:s3] =	ssyncadd.s32 $0xFFFF9800  }
0x2df: {  	_ =	swait.ge [sflag:s12], $0x6800  }
0x2e0: {  	[sflag:s12] =	ssyncset.done $0x0  }
0x2e1: {  	s31 =	rddreg [dreg:$0xc];
	[sflag:s12] =	ssyncadd.s32 $0xFFFF9800  }
0x2e2: {  	[hbm4b:s31+s2] =	stream.linear.scatter [tilespmem:s7], [sflag:$0x5], $0x6800, $0x38;
	[tilespmem:$0x1BA00] =	vst v63  }
0x2e3: {  	_ =	swait.ge [sflag:s3], $0x6800  }
0x2e4: {  	[sflag:s3] =	ssyncset.done $0x0  }
0x2e5: {  	[sflag:s3] =	ssyncadd.s32 $0xFFFF9800  }
0x2e6: {  	_ =	swait.ge [sflag:s11], $0x6800  }
0x2e7: {  	[sflag:s11] =	ssyncset.done $0x0  }
0x2e8: {  	s1 =	rddreg [dreg:$0xd];
	[sflag:s11] =	ssyncadd.s32 $0xFFFF9800  }
0x2e9: {  	[hbm4b:s1+s2] =	stream.linear.scatter [tilespmem:s6], [sflag:$0x5], $0x6800, $0x38;
	[tilespmem:$0x1BA00] =	vst v63  }
0x2ea: {  	_ =	swait.ge [sflag:s3], $0x6800  }
0x2eb: {  	[sflag:s3] =	ssyncset.done $0x0  }
0x2ec: {  	[sflag:s3] =	ssyncadd.s32 $0xFFFF9800  }
0x2ed: {  	_ =	swait.ge [sflag:s8], $0x6800  }
0x2ee: {  	[sflag:s8] =	ssyncset.done $0x0  }
0x2ef: {  	s31 =	rddreg [dreg:$0xe];
	[sflag:s8] =	ssyncadd.s32 $0xFFFF9800  }
0x2f0: {  	[hbm4b:s31+s2] =	stream.linear.scatter [tilespmem:s5], [sflag:$0x5], $0x6800, $0x38;
	[tilespmem:$0x1BA00] =	vst v63  }
0x2f1: {  	_ =	swait.ge [sflag:s3], $0x6800  }
0x2f2: {  	s1 =	sld [smem:$0x7FA]  }
0x2f3: {  	[sflag:s3] =	ssyncset.done $0x0  }
0x2f4: {  	s31 =	sld [smem:$0x7FB];
	[sflag:s3] =	ssyncadd.s32 $0xFFFF9800  }
0x2f5: {  	[tilespmem:s9], [sflag:$0x1] =	stream.indirect.gather [hbm4b:s4+s10], $0x80, s1, s10, $0xb8;
	[tilespmem:$0x1BA00] =	vst v63  }
0x2f6: {  	s0 =	sld [smem:$0x7FC]  }
0x2f7: {  	[tilespmem:s7], [sflag:$0x2] =	stream.indirect.gather [hbm4b:s4+s10], $0x80, s31, s10, $0xb8;
	[tilespmem:$0x1BA00] =	vst v63  }
0x2f8: {  	s31 =	sld [smem:$0x7FD]  }
0x2f9: {  	[tilespmem:s6], [sflag:$0x3] =	stream.indirect.gather [hbm4b:s4+s10], $0x80, s0, s10, $0xb8;
	[tilespmem:$0x1BA00] =	vst v63  }
0x2fa: {  	_ = 	snop  }
0x2fb: {  	[tilespmem:s5], [sflag:$0x4] =	stream.indirect.gather [hbm4b:s4+s10], $0x80, s31, s10, $0xb8;
	[tilespmem:$0x1BA00] =	vst v63  }
0x2fc: {  	_ =	swait.ge [sflag:s13], $0x6800  }
0x2fd: {  	[sflag:s13] =	ssyncset.done $0x0  }
0x2fe: {  	s1 =	rddreg [dreg:$0xf];
	[sflag:s13] =	ssyncadd.s32 $0xFFFF9800  }
0x2ff: {  	[hbm4b:s1+s2] =	stream.linear.scatter [tilespmem:s9], [sflag:$0x5], $0x6800, $0x38;
	[tilespmem:$0x1BA00] =	vst v63  }
0x300: {  	_ =	swait.ge [sflag:s3], $0x6800  }
0x301: {  	[sflag:s3] =	ssyncset.done $0x0  }
0x302: {  	[sflag:s3] =	ssyncadd.s32 $0xFFFF9800  }
0x303: {  	_ =	swait.ge [sflag:s12], $0x6800  }
0x304: {  	[sflag:s12] =	ssyncset.done $0x0  }
0x305: {  	s31 =	rddreg [dreg:$0x10];
	[sflag:s12] =	ssyncadd.s32 $0xFFFF9800  }
0x306: {  	[hbm4b:s31+s2] =	stream.linear.scatter [tilespmem:s7], [sflag:$0x5], $0x6800, $0x38;
	[tilespmem:$0x1BA00] =	vst v63  }
0x307: {  	_ =	swait.ge [sflag:s3], $0x6800  }
0x308: {  	[sflag:s3] =	ssyncset.done $0x0  }
0x309: {  	[sflag:s3] =	ssyncadd.s32 $0xFFFF9800  }
0x30a: {  	_ =	swait.ge [sflag:s11], $0x6800  }
0x30b: {  	[sflag:s11] =	ssyncset.done $0x0  }
0x30c: {  	s1 =	rddreg [dreg:$0x11];
	[sflag:s11] =	ssyncadd.s32 $0xFFFF9800  }
0x30d: {  	[hbm4b:s1+s2] =	stream.linear.scatter [tilespmem:s6], [sflag:$0x5], $0x6800, $0x38;
	[tilespmem:$0x1BA00] =	vst v63  }
0x30e: {  	_ =	swait.ge [sflag:s3], $0x6800  }
0x30f: {  	[sflag:s3] =	ssyncset.done $0x0  }
0x310: {  	[sflag:s3] =	ssyncadd.s32 $0xFFFF9800  }
0x311: {  	_ =	swait.ge [sflag:s8], $0x6800  }
0x312: {  	[sflag:s8] =	ssyncset.done $0x0  }
0x313: {  	s31 =	rddreg [dreg:$0x12];
	[sflag:s8] =	ssyncadd.s32 $0xFFFF9800  }
0x314: {  	[hbm4b:s31+s2] =	stream.linear.scatter [tilespmem:s5], [sflag:$0x5], $0x6800, $0x38;
	[tilespmem:$0x1BA00] =	vst v63  }
0x315: {  	_ =	swait.ge [sflag:s3], $0x6800  }
0x316: {  	[sflag:s3] =	ssyncset.done $0x0  }
0x317: {  	[sflag:s3] =	ssyncadd.s32 $0xFFFF9800  }
0x318: {  	[tilespmem:s9], [sflag:$0x1] =	stream.indirect.gather [hbm4b:s4+s10], $0x80, s28, s10, $0xb8;
	[tilespmem:$0x1BA00] =	vst v63  }
0x319: {  	_ = 	snop  }
0x31a: {  	[tilespmem:s7], [sflag:$0x2] =	stream.indirect.gather [hbm4b:s4+s10], $0x80, s29, s10, $0xb8;
	[tilespmem:$0x1BA00] =	vst v63  }
0x31b: {  	_ = 	snop  }
0x31c: {  	[tilespmem:s6], [sflag:$0x3] =	stream.indirect.gather [hbm4b:s4+s10], $0x80, s30, s10, $0xb8;
	[tilespmem:$0x1BA00] =	vst v63  }
0x31d: {  	_ = 	snop  }
0x31e: {  	[tilespmem:s5], [sflag:$0x4] =	stream.indirect.gather [hbm4b:s4+s10], $0x80, s18, s10, $0xb8;
	[tilespmem:$0x1BA00] =	vst v63  }
0x31f: {  	_ =	swait.ge [sflag:s13], $0x6800  }
0x320: {  	[sflag:s13] =	ssyncset.done $0x0  }
0x321: {  	s1 =	rddreg [dreg:$0x13];
	[sflag:s13] =	ssyncadd.s32 $0xFFFF9800  }
0x322: {  	[hbm4b:s1+s2] =	stream.linear.scatter [tilespmem:s9], [sflag:$0x5], $0x6800, $0x38;
	[tilespmem:$0x1BA00] =	vst v63  }
0x323: {  	_ =	swait.ge [sflag:s3], $0x6800  }
0x324: {  	[sflag:s3] =	ssyncset.done $0x0  }
0x325: {  	[sflag:s3] =	ssyncadd.s32 $0xFFFF9800  }
0x326: {  	_ =	swait.ge [sflag:s12], $0x6800  }
0x327: {  	[sflag:s12] =	ssyncset.done $0x0  }
0x328: {  	s18 =	rddreg [dreg:$0x14];
	[sflag:s12] =	ssyncadd.s32 $0xFFFF9800  }
0x329: {  	[hbm4b:s18+s2] =	stream.linear.scatter [tilespmem:s7], [sflag:$0x5], $0x6800, $0x38;
	[tilespmem:$0x1BA00] =	vst v63  }
0x32a: {  	_ =	swait.ge [sflag:s3], $0x6800  }
0x32b: {  	[sflag:s3] =	ssyncset.done $0x0  }
0x32c: {  	[sflag:s3] =	ssyncadd.s32 $0xFFFF9800  }
0x32d: {  	_ =	swait.ge [sflag:s11], $0x6800  }
0x32e: {  	[sflag:s11] =	ssyncset.done $0x0  }
0x32f: {  	s28 =	rddreg [dreg:$0x15];
	[sflag:s11] =	ssyncadd.s32 $0xFFFF9800  }
0x330: {  	[hbm4b:s28+s2] =	stream.linear.scatter [tilespmem:s6], [sflag:$0x5], $0x6800, $0x38;
	[tilespmem:$0x1BA00] =	vst v63  }
0x331: {  	_ =	swait.ge [sflag:s3], $0x6800  }
0x332: {  	[sflag:s3] =	ssyncset.done $0x0  }
0x333: {  	[sflag:s3] =	ssyncadd.s32 $0xFFFF9800  }
0x334: {  	_ =	swait.ge [sflag:s8], $0x6800  }
0x335: {  	[sflag:s8] =	ssyncset.done $0x0  }
0x336: {  	s29 =	rddreg [dreg:$0x16];
	[sflag:s8] =	ssyncadd.s32 $0xFFFF9800  }
0x337: {  	[hbm4b:s29+s2] =	stream.linear.scatter [tilespmem:s5], [sflag:$0x5], $0x6800, $0x38;
	[tilespmem:$0x1BA00] =	vst v63  }
0x338: {  	_ =	swait.ge [sflag:s3], $0x6800  }
0x339: {  	[sflag:s3] =	ssyncset.done $0x0  }
0x33a: {  	[sflag:s3] =	ssyncadd.s32 $0xFFFF9800  }
0x33b: {  	[tilespmem:s9], [sflag:$0x1] =	stream.indirect.gather [hbm4b:s4+s10], $0x80, s23, s10, $0xb8;
	[tilespmem:$0x1BA00] =	vst v63  }
0x33c: {  	_ = 	snop  }
0x33d: {  	[tilespmem:s7], [sflag:$0x2] =	stream.indirect.gather [hbm4b:s4+s10], $0x80, s24, s10, $0xb8;
	[tilespmem:$0x1BA00] =	vst v63  }
0x33e: {  	_ = 	snop  }
0x33f: {  	[tilespmem:s6], [sflag:$0x3] =	stream.indirect.gather [hbm4b:s4+s10], $0x80, s25, s10, $0xb8;
	[tilespmem:$0x1BA00] =	vst v63  }
0x340: {  	_ = 	snop  }
0x341: {  	[tilespmem:s5], [sflag:$0x4] =	stream.indirect.gather [hbm4b:s4+s10], $0x80, s26, s10, $0xb8;
	[tilespmem:$0x1BA00] =	vst v63  }
0x342: {  	_ =	swait.ge [sflag:s13], $0x6800  }
0x343: {  	[sflag:s13] =	ssyncset.done $0x0  }
0x344: {  	s30 =	rddreg [dreg:$0x17];
	[sflag:s13] =	ssyncadd.s32 $0xFFFF9800  }
0x345: {  	[hbm4b:s30+s2] =	stream.linear.scatter [tilespmem:s9], [sflag:$0x5], $0x6800, $0x38;
	[tilespmem:$0x1BA00] =	vst v63  }
0x346: {  	_ =	swait.ge [sflag:s3], $0x6800  }
0x347: {  	[sflag:s3] =	ssyncset.done $0x0  }
0x348: {  	[sflag:s3] =	ssyncadd.s32 $0xFFFF9800  }
0x349: {  	_ =	swait.ge [sflag:s12], $0x6800  }
0x34a: {  	[sflag:s12] =	ssyncset.done $0x0  }
0x34b: {  	s31 =	rddreg [dreg:$0x18];
	[sflag:s12] =	ssyncadd.s32 $0xFFFF9800  }
0x34c: {  	[hbm4b:s31+s2] =	stream.linear.scatter [tilespmem:s7], [sflag:$0x5], $0x6800, $0x38;
	[tilespmem:$0x1BA00] =	vst v63  }
0x34d: {  	_ =	swait.ge [sflag:s3], $0x6800  }
0x34e: {  	[sflag:s3] =	ssyncset.done $0x0  }
0x34f: {  	[sflag:s3] =	ssyncadd.s32 $0xFFFF9800  }
0x350: {  	_ =	swait.ge [sflag:s11], $0x6800  }
0x351: {  	[sflag:s11] =	ssyncset.done $0x0  }
0x352: {  	s1 =	rddreg [dreg:$0x19];
	[sflag:s11] =	ssyncadd.s32 $0xFFFF9800  }
0x353: {  	[hbm4b:s1+s2] =	stream.linear.scatter [tilespmem:s6], [sflag:$0x5], $0x6800, $0x38;
	[tilespmem:$0x1BA00] =	vst v63  }
0x354: {  	_ =	swait.ge [sflag:s3], $0x6800  }
0x355: {  	[sflag:s3] =	ssyncset.done $0x0  }
0x356: {  	[sflag:s3] =	ssyncadd.s32 $0xFFFF9800  }
0x357: {  	_ =	swait.ge [sflag:s8], $0x6800  }
0x358: {  	[sflag:s8] =	ssyncset.done $0x0  }
0x359: {  	s18 =	rddreg [dreg:$0x1a];
	[sflag:s8] =	ssyncadd.s32 $0xFFFF9800  }
0x35a: {  	[hbm4b:s18+s2] =	stream.linear.scatter [tilespmem:s5], [sflag:$0x5], $0x6800, $0x38;
	[tilespmem:$0x1BA00] =	vst v63  }
0x35b: {  	_ =	swait.ge [sflag:s3], $0x6800  }
0x35c: {  	[sflag:s3] =	ssyncset.done $0x0  }
0x35d: {  	[sflag:s3] =	ssyncadd.s32 $0xFFFF9800  }
0x35e: {  	[tilespmem:s9], [sflag:$0x1] =	stream.indirect.gather [hbm4b:s4+s10], $0x80, s19, s10, $0xb8;
	[tilespmem:$0x1BA00] =	vst v63  }
0x35f: {  	_ = 	snop  }
0x360: {  	[tilespmem:s7], [sflag:$0x2] =	stream.indirect.gather [hbm4b:s4+s10], $0x80, s20, s10, $0xb8;
	[tilespmem:$0x1BA00] =	vst v63  }
0x361: {  	_ = 	snop  }
0x362: {  	[tilespmem:s6], [sflag:$0x3] =	stream.indirect.gather [hbm4b:s4+s10], $0x80, s21, s10, $0xb8;
	[tilespmem:$0x1BA00] =	vst v63  }
0x363: {  	_ = 	snop  }
0x364: {  	[tilespmem:s5], [sflag:$0x4] =	stream.indirect.gather [hbm4b:s4+s10], $0x80, s22, s10, $0xb8;
	[tilespmem:$0x1BA00] =	vst v63  }
0x365: {  	_ =	swait.ge [sflag:s13], $0x6800  }
0x366: {  	[sflag:s13] =	ssyncset.done $0x0  }
0x367: {  	s22 =	rddreg [dreg:$0x1b];
	[sflag:s13] =	ssyncadd.s32 $0xFFFF9800  }
0x368: {  	[hbm4b:s22+s2] =	stream.linear.scatter [tilespmem:s9], [sflag:$0x5], $0x6800, $0x38;
	[tilespmem:$0x1BA00] =	vst v63  }
0x369: {  	_ =	swait.ge [sflag:s3], $0x6800  }
0x36a: {  	[sflag:s3] =	ssyncset.done $0x0  }
0x36b: {  	[sflag:s3] =	ssyncadd.s32 $0xFFFF9800  }
0x36c: {  	_ =	swait.ge [sflag:s12], $0x6800  }
0x36d: {  	[sflag:s12] =	ssyncset.done $0x0  }
0x36e: {  	s23 =	rddreg [dreg:$0x1c];
	[sflag:s12] =	ssyncadd.s32 $0xFFFF9800  }
0x36f: {  	[hbm4b:s23+s2] =	stream.linear.scatter [tilespmem:s7], [sflag:$0x5], $0x6800, $0x38;
	[tilespmem:$0x1BA00] =	vst v63  }
0x370: {  	_ =	swait.ge [sflag:s3], $0x6800  }
0x371: {  	[sflag:s3] =	ssyncset.done $0x0  }
0x372: {  	[sflag:s3] =	ssyncadd.s32 $0xFFFF9800  }
0x373: {  	_ =	swait.ge [sflag:s11], $0x6800  }
0x374: {  	[sflag:s11] =	ssyncset.done $0x0  }
0x375: {  	s24 =	rddreg [dreg:$0x1d];
	[sflag:s11] =	ssyncadd.s32 $0xFFFF9800  }
0x376: {  	[hbm4b:s24+s2] =	stream.linear.scatter [tilespmem:s6], [sflag:$0x5], $0x6800, $0x38;
	[tilespmem:$0x1BA00] =	vst v63  }
0x377: {  	_ =	swait.ge [sflag:s3], $0x6800  }
0x378: {  	[sflag:s3] =	ssyncset.done $0x0  }
0x379: {  	[sflag:s3] =	ssyncadd.s32 $0xFFFF9800  }
0x37a: {  	_ =	swait.ge [sflag:s8], $0x6800  }
0x37b: {  	[sflag:s8] =	ssyncset.done $0x0  }
0x37c: {  	s25 =	rddreg [dreg:$0x1e];
	[sflag:s8] =	ssyncadd.s32 $0xFFFF9800  }
0x37d: {  	[hbm4b:s25+s2] =	stream.linear.scatter [tilespmem:s5], [sflag:$0x5], $0x6800, $0x38;
	[tilespmem:$0x1BA00] =	vst v63  }
0x37e: {  	_ =	swait.ge [sflag:s3], $0x6800  }
0x37f: {  	[sflag:s3] =	ssyncset.done $0x0  }
0x380: {  	[sflag:s3] =	ssyncadd.s32 $0xFFFF9800  }
0x381: {  	[tilespmem:s9], [sflag:$0x1] =	stream.indirect.gather [hbm4b:s4+s10], $0x80, s15, s10, $0xb8;
	[tilespmem:$0x1BA00] =	vst v63  }
0x382: {  	_ = 	snop  }
0x383: {  	[tilespmem:s7], [sflag:$0x2] =	stream.indirect.gather [hbm4b:s4+s10], $0x80, s16, s10, $0xb8;
	[tilespmem:$0x1BA00] =	vst v63  }
0x384: {  	_ = 	snop  }
0x385: {  	[tilespmem:s6], [sflag:$0x3] =	stream.indirect.gather [hbm4b:s4+s10], $0x80, s17, s10, $0xb8;
	[tilespmem:$0x1BA00] =	vst v63  }
0x386: {  	s26 =	simm.s32 $0x1930  }
0x387: {  	[tilespmem:s5], [sflag:$0x4] =	stream.indirect.gather [hbm4b:s4+s10], $0x80, s26, s10, $0xb8;
	[tilespmem:$0x1BA00] =	vst v63  }
0x388: {  	_ =	swait.ge [sflag:s13], $0x6800  }
0x389: {  	[sflag:s13] =	ssyncset.done $0x0  }
0x38a: {  	s28 =	rddreg [dreg:$0x1f];
	[sflag:s13] =	ssyncadd.s32 $0xFFFF9800  }
0x38b: {  	[hbm4b:s28+s2] =	stream.linear.scatter [tilespmem:s9], [sflag:$0x5], $0x6800, $0x38;
	[tilespmem:$0x1BA00] =	vst v63  }
0x38c: {  	_ =	swait.ge [sflag:s3], $0x6800  }
0x38d: {  	[sflag:s3] =	ssyncset.done $0x0  }
0x38e: {  	[sflag:s3] =	ssyncadd.s32 $0xFFFF9800  }
0x38f: {  	_ =	swait.ge [sflag:s12], $0x6800  }
0x390: {  	s29 =	sld [smem:$0x7ED]  }
0x391: {  	[sflag:s12] =	ssyncset.done $0x0  }
0x392: {  	[sflag:s12] =	ssyncadd.s32 $0xFFFF9800  }
0x393: {  	[hbm4b:s29+s2] =	stream.linear.scatter [tilespmem:s7], [sflag:$0x5], $0x6800, $0x38;
	[tilespmem:$0x1BA00] =	vst v63  }
0x394: {  	_ =	swait.ge [sflag:s3], $0x6800  }
0x395: {  	[sflag:s3] =	ssyncset.done $0x0  }
0x396: {  	[sflag:s3] =	ssyncadd.s32 $0xFFFF9800  }
0x397: {  	_ =	swait.ge [sflag:s11], $0x6800  }
0x398: {  	s30 =	sld [smem:$0x7EE]  }
0x399: {  	[sflag:s11] =	ssyncset.done $0x0  }
0x39a: {  	[sflag:s11] =	ssyncadd.s32 $0xFFFF9800  }
0x39b: {  	[hbm4b:s30+s2] =	stream.linear.scatter [tilespmem:s6], [sflag:$0x5], $0x6800, $0x38;
	[tilespmem:$0x1BA00] =	vst v63  }
0x39c: {  	_ =	swait.ge [sflag:s3], $0x6800  }
0x39d: {  	[sflag:s3] =	ssyncset.done $0x0  }
0x39e: {  	[sflag:s3] =	ssyncadd.s32 $0xFFFF9800  }
0x39f: {  	_ =	swait.ge [sflag:s8], $0x6800  }
0x3a0: {  	s31 =	sld [smem:$0x7EF]  }
0x3a1: {  	[sflag:s8] =	ssyncset.done $0x0  }
0x3a2: {  	[sflag:s8] =	ssyncadd.s32 $0xFFFF9800  }
0x3a3: {  	[hbm4b:s31+s2] =	stream.linear.scatter [tilespmem:s5], [sflag:$0x5], $0x6800, $0x38;
	[tilespmem:$0x1BA00] =	vst v63  }
0x3a4: {  	_ =	swait.ge [sflag:s3], $0x6800  }
0x3a5: {  	[sflag:s3] =	ssyncset.done $0x0  }
0x3a6: {  	[sflag:s3] =	ssyncadd.s32 $0xFFFF9800  }
0x3a7: {  	_ =	sfence.sel $0x180000  }
0x3a8: {  	[bflag:$0x0] =	sbarrier.arrive $0xFFFF  }
0x3a9: {  	_ =	strace $0x90000047  }
0x3aa: {  	[bflag:$0x2] =	sbarrier.arrive $0xFFFF  }
0x3ab: {  	p0 =	sne.s32 s14, $0x0;
	s0 =	rddreg [dreg:$0x2]  }
0x3ac: {  	s0 =	sadd.s32 @!p0 $0x100000, s0  }
0x3ad: {  	[sflag:s0] =	ssyncadd.tile.s32 @!p0 $0x1;
	_ =	shalt  }
.LBB2_1:
0x3ae: {  	s18 =	simm.s32 $0xF70  }
.Ltmp3:
0x3af: {  	s30 =	simm.s32 $0xEA0;
	s29 =	simm.s32 $0xDD0;
	(pc) =	sbr.rel .LBB2_6-.Ltmp3, $4  }
0x3b0: {  	s28 =	simm.s32 $0xD00;
	s26 =	simm.s32 $0x12B0;
	s25 =	simm.s32 $0x11E0  }
0x3b1: {  	s24 =	simm.s32 $0x1110;
	s23 =	simm.s32 $0x1040;
	s22 =	simm.s32 $0x15F0  }
0x3b2: {  	s21 =	simm.s32 $0x1520;
	s20 =	simm.s32 $0x1450;
	s19 =	simm.s32 $0x1380  }
0x3b3: {  	s17 =	simm.s32 $0x1860;
	s16 =	simm.s32 $0x1790;
	s15 =	simm.s32 $0x16C0  }
.LBB2_3:
0x3b4: {  	s18 =	simm.s32 $0xF70;
	s30 =	simm.s32 $0xEA0  }
.Ltmp4:
0x3b5: {  	s29 =	simm.s32 $0xDD0;
	s28 =	simm.s32 $0xD00;
	(pc) =	sbr.rel .LBB2_6-.Ltmp4, $4  }
0x3b6: {  	s26 =	simm.s32 $0x12B0;
	s25 =	simm.s32 $0x11E0;
	s24 =	simm.s32 $0x1110  }
0x3b7: {  	s23 =	simm.s32 $0x1040;
	s22 =	simm.s32 $0x15F0;
	s21 =	simm.s32 $0x1520  }
0x3b8: {  	s20 =	simm.s32 $0x1450;
	s19 =	simm.s32 $0x1380;
	s17 =	simm.s32 $0x1860  }
0x3b9: {  	s16 =	simm.s32 $0x1790;
	s15 =	simm.s32 $0x16C0;
	s14 =	stileid.u32  }
.Lfunc_end2:
_tile_overlayer_lowered:
.L_overlay_start_2:
0x3ba: {  	(tag) =	ssettag $0x2  }
0x3bb: {  	s0 =	rddreg [dreg:$0x0];
	s2 =	stileid.u32  }
0x3bc: {  	s1 =	rddreg [dreg:$0x1];
	p0 =	sne.s32 s2, $0x0  }
0x3bd: {  	s3 =	rddreg [dreg:$0x2];
	[bflag:$0x3] =	sbarrier.arrive $0xFFFF;
	s2 =	simm.s32 @!p0 $0x1C05  }
0x3be: {  	[timem:s3], [sflag:s2] =	dma.local @!p0 [hbm:s0], s1  }
0x3bf: {  	s0 =	simm.s32 @!p0 $0x5  }
0x3c0: {  	_ =	swait.ge @!p0 [sflag:s0], s1  }
0x3c1: {  	s1 =	ssub.s32 @!p0 $0x0, s1;
	[sflag:s0] =	ssyncset.done @!p0 $0x0  }
0x3c2: {  	[sflag:s0] =	ssyncadd.s32 @!p0 s1  }
0x3c3: {  	[bflag:$0x3] =	sbarrier.arrive $0xFFFF  }
0x3c4: {  	_ =	shalt  }

</sc_bundles>
